<compile_context>
chip_gen: v7x
topology: tpu7x:2x2x1
jax: 0.10.2.dev20260603
libtpu: 0.0.44.dev20260713+nightly
codegen_flags: <defaults>
</compile_context>

<pallas_src>
import functools

import jax
import jax.numpy as jnp
from jax import lax
from jax.experimental import pallas as pl
from jax.experimental.pallas import tpu as pltpu
from jax.experimental.pallas import tpu_sc as plsc

_NC = 2
_NS = 16
_NW = _NC * _NS
_LANES = 16
_HIMASK = -65536
_NBUF = 3



def _pack_rows(y, d):
    u = lax.bitcast_convert_type(y, jnp.int32)
    r = u + 0x7FFF + jnp.bitwise_and(jnp.right_shift(u, 16), 1)
    lo = jnp.bitwise_and(jnp.right_shift(r[:, : d // 2], 16), 0xFFFF)
    hi = jnp.bitwise_and(r[:, d // 2:], _HIMASK)
    return jnp.bitwise_or(lo, hi)


def _mlp_body(x1_ref, x2_ref, w_ref, b_ref, o_ref):
    d = w_ref.shape[1]
    y1 = jnp.dot(x1_ref[...], w_ref[...], preferred_element_type=jnp.float32)
    y2 = jnp.dot(x2_ref[...], w_ref[...], preferred_element_type=jnp.float32)
    y1 = jnp.maximum(y1 + b_ref[...], 0.0)
    y2 = jnp.maximum(y2 + b_ref[...], 0.0)
    o_ref[:, : d // 2] = _pack_rows(y1, d)
    o_ref[:, d // 2:] = _pack_rows(y2, d)


def _mlp_packed(feat, W, b, block_rows=1000):
    n, d_in = feat.shape
    d_hid = W.shape[1]
    half = n // 2
    assert half % block_rows == 0
    grid = half // block_rows
    return pl.pallas_call(
        _mlp_body,
        grid=(grid,),
        in_specs=[
            pl.BlockSpec((block_rows, d_in), lambda i: (i, 0)),
            pl.BlockSpec((block_rows, d_in),
                         lambda i, g=grid: (i + g, 0)),
            pl.BlockSpec((d_in, d_hid), lambda i: (0, 0)),
            pl.BlockSpec((1, d_hid), lambda i: (0, 0)),
        ],
        out_specs=pl.BlockSpec((block_rows, d_hid), lambda i: (i, 0)),
        out_shape=jax.ShapeDtypeStruct((half, d_hid), jnp.int32),
    )(feat, feat, W, b.reshape(1, d_hid))



@functools.partial(jax.jit,
                   static_argnames=("s", "d", "n_batch", "n_nodes",
                                    "chunk_rows", "n_chunks"))
def _sc_pool(h_packed, idx_flat, s, d, n_batch, n_nodes, chunk_rows,
             n_chunks):
    half_nodes = n_nodes // 2
    half_rows = chunk_rows // 2
    iph = half_rows * s
    rpw = chunk_rows * n_chunks
    dw = d // 2
    ngroups = dw // _LANES
    last_start = n_batch - chunk_rows
    stage_floor = n_batch - rpw

    assert n_chunks % _NBUF == 0 and n_chunks >= 2 * _NBUF
    assert iph <= 128 and chunk_rows % 8 == 0
    assert last_start % 8 == 0 and stage_floor % 8 == 0

    @functools.partial(
        pl.kernel,
        out_type=jax.ShapeDtypeStruct((n_batch, d), jnp.float32),
        mesh=plsc.VectorSubcoreMesh(
            core_axis_name="c", subcore_axis_name="s",
            num_cores=_NC, num_subcores=_NS),
        compiler_params=pltpu.CompilerParams(use_tc_tiling_on_sc=False, needs_layout_passes=False),
        scratch_types=[
            pltpu.VMEM((rpw * s,), jnp.int32),
            pltpu.VMEM((_NBUF, 2 * iph, dw), jnp.int32),
            pltpu.VMEM((_NBUF, chunk_rows, d), jnp.float32),
        ] + [pltpu.SemaphoreType.DMA] * (2 * _NBUF),
    )
    def _sc(h_hbm, idx_hbm, out_hbm, idx_v, gbufs, obufs, *sems):
        gsems = sems[:_NBUF]
        osems = sems[_NBUF:]
        wid = lax.axis_index("s") * _NC + lax.axis_index("c")
        row_base = wid * rpw
        stage_base = jnp.minimum(row_base, stage_floor)
        stage_off = pl.multiple_of(stage_base * s, 8)
        pltpu.sync_copy(idx_hbm.at[pl.ds(stage_off, rpw * s)], idx_v)

        def xform_body(t, carry0):
            slt = pl.ds(t * _LANES, _LANES)
            v = idx_v[slt]
            wrap = jnp.where(v >= half_nodes, n_nodes - 1, 0)
            idx_v[slt] = 2 * v - wrap
            return carry0

        lax.fori_loop(0, (rpw * s) // _LANES, xform_body, 0)

        def chunk_start(ch):
            start = jnp.minimum(row_base + ch * chunk_rows, last_start)
            return pl.multiple_of(start, 8)

        def out_slice(ch):
            return out_hbm.at[pl.ds(chunk_start(ch), chunk_rows)]

        def idx_slice(ch, half):
            off = (chunk_start(ch) - stage_base) * s + half * iph
            return idx_v.at[pl.ds(pl.multiple_of(off, 8), iph)]

        def start_gather(ch, buf):
            pltpu.async_copy(h_hbm.at[idx_slice(ch, 0)],
                             gbufs.at[buf].at[pl.ds(0, iph)], gsems[buf])
            pltpu.async_copy(h_hbm.at[idx_slice(ch, 1)],
                             gbufs.at[buf].at[pl.ds(iph, iph)], gsems[buf])

        def wait_gather(ch, buf):
            pltpu.make_async_copy(h_hbm.at[idx_slice(ch, 0)],
                                  gbufs.at[buf].at[pl.ds(0, iph)],
                                  gsems[buf]).wait()
            pltpu.make_async_copy(h_hbm.at[idx_slice(ch, 1)],
                                  gbufs.at[buf].at[pl.ds(iph, iph)],
                                  gsems[buf]).wait()

        for p in range(_NBUF - 1):
            start_gather(p, p)

        def ring_body(i, carry):
            for p in range(_NBUF):
                ch = _NBUF * i + p

                @pl.when(ch + _NBUF - 1 < n_chunks)
                def _():
                    start_gather(ch + _NBUF - 1, (p + _NBUF - 1) % _NBUF)

                wait_gather(ch, p)

                @pl.when(ch >= _NBUF)
                def _():
                    pltpu.make_async_copy(
                        obufs.at[p], out_slice(ch - _NBUF), osems[p]).wait()

                gbuf = gbufs.at[p]
                obuf = obufs.at[p]

                def row_body(c2, carry2):
                    b0 = c2 * 2 * s
                    b1 = b0 + s
                    for g in range(ngroups):
                        sl = pl.ds(g * _LANES, _LANES)
                        w0a = gbuf[b0, sl]
                        w0b = gbuf[b1, sl]
                        hia, hib = w0a, w0b
                        loa = jnp.left_shift(w0a, 16)
                        lob = jnp.left_shift(w0b, 16)
                        for j in range(1, s):
                            wa = gbuf[b0 + j, sl]
                            wb = gbuf[b1 + j, sl]
                            hia = jnp.maximum(hia, wa)
                            hib = jnp.maximum(hib, wb)
                            loa = jnp.maximum(loa, jnp.left_shift(wa, 16))
                            lob = jnp.maximum(lob, jnp.left_shift(wb, 16))
                        obuf[2 * c2, pl.ds(g * _LANES, _LANES)] = (
                            plsc.bitcast(loa, jnp.float32))
                        obuf[2 * c2 + 1, pl.ds(g * _LANES, _LANES)] = (
                            plsc.bitcast(lob, jnp.float32))
                        obuf[2 * c2, pl.ds(dw + g * _LANES, _LANES)] = (
                            plsc.bitcast(jnp.bitwise_and(hia, _HIMASK),
                                         jnp.float32))
                        obuf[2 * c2 + 1, pl.ds(dw + g * _LANES, _LANES)] = (
                            plsc.bitcast(jnp.bitwise_and(hib, _HIMASK),
                                         jnp.float32))
                    return carry2

                lax.fori_loop(0, chunk_rows // 2, row_body, 0)

                pltpu.async_copy(obufs.at[p], out_slice(ch), osems[p])
            return carry

        lax.fori_loop(0, n_chunks // _NBUF, ring_body, 0)

        for p in range(_NBUF):
            pltpu.make_async_copy(
                obufs.at[p], out_slice(n_chunks - _NBUF + p), osems[p]).wait()

    return _sc(h_packed, idx_flat)


def kernel(neigh_idx, feat_table, W, b):
    n_batch, s = neigh_idx.shape
    n_nodes, d_in = feat_table.shape
    d_hid = W.shape[1]

    h2 = _mlp_packed(feat_table, W, b)
    h_packed = h2.reshape(n_nodes, d_hid // 2)

    chunk_rows = 24
    per_chunk = _NW * chunk_rows
    n_chunks = -(-n_batch // per_chunk)
    n_chunks += (-n_chunks) % _NBUF

    idx_flat = neigh_idx.astype(jnp.int32).reshape(-1)
    return _sc_pool(h_packed, idx_flat, s, d_hid, n_batch, n_nodes,
                    chunk_rows, n_chunks)

# --- scband reference (transcript-rebuilt; emitter-appended) ---
"""Pipeline reference for scband-pool-aggregator-33698313404802 (READ-ONLY COPY).

The authoritative reference and input builder live on the scoring server;
editing this copy changes nothing except your own understanding.
"""

import jax, jax.numpy as jnp
import numpy as np

N_NODES = 50000
N_BATCH = 50000
NUM_SAMPLE = 10
D_IN = 128
D_HID = 128

def setup_inputs(seed: int = 0) -> dict:
    key = jax.random.key(seed)
    k1, k2, k3 = jax.random.split(key, 3)
    # sampled neighbor ids per batch node (replaces python-set sampling in the torch code)
    neigh_idx = jax.random.randint(k1, (N_BATCH, NUM_SAMPLE), 0, N_NODES, dtype=jnp.int64)
    # features(...) lookup table
    feat_table = jax.random.normal(k2, (N_NODES, D_IN), dtype=jnp.float32)
    # MLP params: Linear(input_dim, hidden_dim) + ReLU
    W = jax.random.normal(k3, (D_IN, D_HID), dtype=jnp.float32) * (1.0 / np.sqrt(D_IN))
    b = jnp.zeros((D_HID,), dtype=jnp.float32)
    return {"neigh_idx": neigh_idx, "feat_table": feat_table, "W": W, "b": b}


def reference(neigh_idx, feat_table, W, b):
    # Original: embed_matrix = mlp(features(unique_nodes)); pool_fn(mask, embed_matrix)
    # Applying the per-node MLP to the full table then gathering is the same math
    # as applying it to the unique gathered nodes (MLP is row-wise).
    h = jnp.maximum(feat_table @ W + b, 0.0)            # [n_nodes, d_hid]  (nn.Linear + ReLU)
    gathered = jnp.take(h, neigh_idx, axis=0)           # [N, num_sample, d_hid]  (gather)
    to_feats = jnp.max(gathered, axis=1)                # max-pool over sampled neighbors
    return to_feats

if __name__ == "__main__":
    import jax
    _d = setup_inputs()
    print(jax.jit(kernel)(*tuple(_d.values())))

</pallas_src>

<mosaic_0001>
#map = affine_map<(d0, d1) -> (0, 0)>
#map1 = affine_map<(d0, d1) -> (0)>
module attributes {stable_mosaic.version = 14 : i64} {
  func.func @_sc(%arg0: i32, %arg1: i32, %arg2: memref<50000x64xi32, #tpu.memory_space<hbm>>, %arg3: memref<500000xi32, #tpu.memory_space<hbm>>, %arg4: memref<50000x128xf32, #tpu.memory_space<hbm>>, %arg5: memref<15840xi32, #tpu.memory_space<vmem>>, %arg6: memref<3x240x64xi32, #tpu.memory_space<vmem>>, %arg7: memref<3x24x128xf32, #tpu.memory_space<vmem>>, %arg8: memref<!tpu.dma_semaphore, #tpu.memory_space<semaphore_mem>>, %arg9: memref<!tpu.dma_semaphore, #tpu.memory_space<semaphore_mem>>, %arg10: memref<!tpu.dma_semaphore, #tpu.memory_space<semaphore_mem>>, %arg11: memref<!tpu.dma_semaphore, #tpu.memory_space<semaphore_mem>>, %arg12: memref<!tpu.dma_semaphore, #tpu.memory_space<semaphore_mem>>, %arg13: memref<!tpu.dma_semaphore, #tpu.memory_space<semaphore_mem>>) attributes {dimension_semantics = [#tpu.dimension_semantics<core_parallel>, #tpu.dimension_semantics<subcore_parallel>], iteration_bounds = array<i64: 2, 16>, scalar_prefetch = 0 : i64, scratch_operands = 9 : i64, tpu.core_type = #tpu.core_type<sc_vector_subcore>, window_params = [{transform_indices = #map}, {transform_indices = #map1}, {transform_indices = #map}]} {
    %mul3A = arith.constant 2 : i32
    %mul3A_0 = arith.muli %arg1, %mul3A : i32
    %add3A = arith.addi %mul3A_0, %arg0 : i32
    %mul3A_1 = arith.constant 1584 : i32
    %mul3A_2 = arith.muli %add3A, %mul3A_1 : i32
    %min3A = arith.constant 48416 : i32
    %min3A_3 = arith.minsi %mul3A_2, %min3A : i32
    %mul3A_4 = arith.constant 10 : i32
    %mul3A_5 = arith.muli %min3A_3, %mul3A_4 : i32
    %multiple_of3A = tpu.assume_multiple %mul3A_5, 8 : i32
    "tpu.region"() ({
      %run_scoped3A = tpu.sem_alloc : memref<!tpu.dma_semaphore, #tpu.memory_space<semaphore_mem>>
      %dma_start3A_160 = tpu.memref_slice %arg3[%multiple_of3A] : memref<500000xi32, #tpu.memory_space<hbm>> -> memref<15840xi32, #tpu.memory_space<hbm>>
      %dma_start3A_161 = tpu.memref_slice %arg3[%multiple_of3A] : memref<500000xi32, #tpu.memory_space<hbm>> -> memref<15840xi32, #tpu.memory_space<hbm>>
      tpu.enqueue_dma source(%dma_start3A_161 : memref<15840xi32, #tpu.memory_space<hbm>>) target(%arg5 : memref<15840xi32, #tpu.memory_space<vmem>>) target_semaphore(%run_scoped3A : memref<!tpu.dma_semaphore, #tpu.memory_space<semaphore_mem>>)
      %dma_wait3A_162 = tpu.memref_slice %arg3[%multiple_of3A] : memref<500000xi32, #tpu.memory_space<hbm>> -> memref<15840xi32, #tpu.memory_space<hbm>>
      %dma_wait3A_163 = tpu.memref_slice %arg3[%multiple_of3A] : memref<500000xi32, #tpu.memory_space<hbm>> -> memref<15840xi32, #tpu.memory_space<hbm>>
      tpu.wait_dma2 semaphore(%run_scoped3A : memref<!tpu.dma_semaphore, #tpu.memory_space<semaphore_mem>>) src(%dma_wait3A_163 : memref<15840xi32, #tpu.memory_space<hbm>>) dst(%arg5 : memref<15840xi32, #tpu.memory_space<vmem>>)
      tpu.yield
    }) : () -> ()
    %scan3A = arith.constant 0 : i32
    %scan3A_6 = arith.constant 0 : i32
    %scan3A_7 = arith.constant 990 : i32
    %scan3A_8 = arith.addi %scan3A_6, %scan3A_7 : i32
    %scan3A_9 = arith.constant 1 : i32
    scf.for %scan3A_160 = %scan3A_6 to %scan3A_8 step %scan3A_9  : i32 {
      %mul3A_161 = arith.constant 16 : i32
      %mul3A_162 = arith.muli %scan3A_160, %mul3A_161 : i32
      %get3A = arith.index_cast %mul3A_162 : i32 to index
      %get3A_163 = tpu.vector_load %arg5[%get3A] {strides = array<i32>} : memref<15840xi32, #tpu.memory_space<vmem>>, vector<16xi32>,
      %ge3A = arith.constant 25000 : i32
      %ge3A_164 = vector.broadcast %ge3A : i32 to vector<16xi32>
      %ge3A_165 = arith.cmpi sge, %get3A_163, %ge3A_164 : vector<16xi32>
      %jit3A = arith.constant 49999 : i32
      %jit3A_166 = arith.constant 0 : i32
      %broadcast_in_dim3A = vector.broadcast %jit3A : i32 to vector<16xi32>
      %broadcast_in_dim3A_167 = vector.broadcast %jit3A_166 : i32 to vector<16xi32>
      %select_n3A = arith.select %ge3A_165, %broadcast_in_dim3A, %broadcast_in_dim3A_167 : vector<16xi1>, vector<16xi32>
      %mul3A_168 = arith.constant 2 : i32
      %mul3A_169 = vector.broadcast %mul3A_168 : i32 to vector<16xi32>
      %mul3A_170 = arith.muli %mul3A_169, %get3A_163 : vector<16xi32>
      %sub3A_171 = arith.subi %mul3A_170, %select_n3A : vector<16xi32>
      %swap3A = arith.index_cast %mul3A_162 : i32 to index
      %swap3A_172 = tpu.vector_load %arg5[%swap3A] {strides = array<i32>} : memref<15840xi32, #tpu.memory_space<vmem>>, vector<16xi32>,
      tpu.vector_store %arg5[%swap3A], %sub3A_171 {strides = array<i32>} : memref<15840xi32, #tpu.memory_space<vmem>>, vector<16xi32>,
    }
    %scan3A_10 = arith.constant 990 : i32
    %add3A_11 = arith.constant 0 : i32
    %add3A_12 = arith.addi %mul3A_2, %add3A_11 : i32
    %min3A_13 = arith.constant 49976 : i32
    %min3A_14 = arith.minsi %add3A_12, %min3A_13 : i32
    %multiple_of3A_15 = tpu.assume_multiple %min3A_14, 8 : i32
    %sub3A = arith.subi %multiple_of3A_15, %min3A_3 : i32
    %mul3A_16 = arith.constant 10 : i32
    %mul3A_17 = arith.muli %sub3A, %mul3A_16 : i32
    %add3A_18 = arith.constant 0 : i32
    %add3A_19 = arith.addi %mul3A_17, %add3A_18 : i32
    %multiple_of3A_20 = tpu.assume_multiple %add3A_19, 8 : i32
    %dma_start3A = arith.constant 0 : i32
    %dma_start3A_21 = arith.constant 0 : i32
    %dma_start3A_22 = arith.constant 0 : i32
    %dma_start3A_23 = tpu.memref_slice %arg6[%dma_start3A, %dma_start3A_21, %dma_start3A_22] : memref<3x240x64xi32, #tpu.memory_space<vmem>> -> memref<1x240x64xi32, #tpu.memory_space<vmem>>
    %dma_start3A_24 = tpu.memref_squeeze %dma_start3A_23 : memref<1x240x64xi32, #tpu.memory_space<vmem>> -> memref<240x64xi32, #tpu.memory_space<vmem>>
    %dma_start3A_25 = arith.constant 0 : i32
    %dma_start3A_26 = arith.constant 0 : i32
    %dma_start3A_27 = tpu.memref_slice %dma_start3A_24[%dma_start3A_25, %dma_start3A_26] : memref<240x64xi32, #tpu.memory_space<vmem>> -> memref<120x64xi32, #tpu.memory_space<vmem>>
    %dma_start3A_28 = tpu.memref_slice %arg5[%multiple_of3A_20] : memref<15840xi32, #tpu.memory_space<vmem>> -> memref<120xi32, #tpu.memory_space<vmem>>
    %dma_start3A_29 = arith.constant 0 : i32
    %dma_start3A_30 = arith.constant 0 : i32
    %dma_start3A_31 = tpu.memref_slice %arg2[%dma_start3A_29, %dma_start3A_30] : memref<50000x64xi32, #tpu.memory_space<hbm>> -> memref<50000x64xi32, #tpu.memory_space<hbm>>
    tpu.enqueue_indirect_dma source(%dma_start3A_31 : memref<50000x64xi32, #tpu.memory_space<hbm>>) target(%dma_start3A_27 : memref<120x64xi32, #tpu.memory_space<vmem>>) offsets(%dma_start3A_28 : memref<120xi32, #tpu.memory_space<vmem>>) semaphore(%arg8 : memref<!tpu.dma_semaphore, #tpu.memory_space<semaphore_mem>>)
    %add3A_32 = arith.constant 0 : i32
    %add3A_33 = arith.addi %mul3A_2, %add3A_32 : i32
    %min3A_34 = arith.constant 49976 : i32
    %min3A_35 = arith.minsi %add3A_33, %min3A_34 : i32
    %multiple_of3A_36 = tpu.assume_multiple %min3A_35, 8 : i32
    %sub3A_37 = arith.subi %multiple_of3A_36, %min3A_3 : i32
    %mul3A_38 = arith.constant 10 : i32
    %mul3A_39 = arith.muli %sub3A_37, %mul3A_38 : i32
    %add3A_40 = arith.constant 120 : i32
    %add3A_41 = arith.addi %mul3A_39, %add3A_40 : i32
    %multiple_of3A_42 = tpu.assume_multiple %add3A_41, 8 : i32
    %dma_start3A_43 = arith.constant 0 : i32
    %dma_start3A_44 = arith.constant 0 : i32
    %dma_start3A_45 = arith.constant 0 : i32
    %dma_start3A_46 = tpu.memref_slice %arg6[%dma_start3A_43, %dma_start3A_44, %dma_start3A_45] : memref<3x240x64xi32, #tpu.memory_space<vmem>> -> memref<1x240x64xi32, #tpu.memory_space<vmem>>
    %dma_start3A_47 = tpu.memref_squeeze %dma_start3A_46 : memref<1x240x64xi32, #tpu.memory_space<vmem>> -> memref<240x64xi32, #tpu.memory_space<vmem>>
    %dma_start3A_48 = arith.constant 120 : i32
    %dma_start3A_49 = arith.constant 0 : i32
    %dma_start3A_50 = tpu.memref_slice %dma_start3A_47[%dma_start3A_48, %dma_start3A_49] : memref<240x64xi32, #tpu.memory_space<vmem>> -> memref<120x64xi32, #tpu.memory_space<vmem>>
    %dma_start3A_51 = tpu.memref_slice %arg5[%multiple_of3A_42] : memref<15840xi32, #tpu.memory_space<vmem>> -> memref<120xi32, #tpu.memory_space<vmem>>
    %dma_start3A_52 = arith.constant 0 : i32
    %dma_start3A_53 = arith.constant 0 : i32
    %dma_start3A_54 = tpu.memref_slice %arg2[%dma_start3A_52, %dma_start3A_53] : memref<50000x64xi32, #tpu.memory_space<hbm>> -> memref<50000x64xi32, #tpu.memory_space<hbm>>
    tpu.enqueue_indirect_dma source(%dma_start3A_54 : memref<50000x64xi32, #tpu.memory_space<hbm>>) target(%dma_start3A_50 : memref<120x64xi32, #tpu.memory_space<vmem>>) offsets(%dma_start3A_51 : memref<120xi32, #tpu.memory_space<vmem>>) semaphore(%arg8 : memref<!tpu.dma_semaphore, #tpu.memory_space<semaphore_mem>>)
    %add3A_55 = arith.constant 24 : i32
    %add3A_56 = arith.addi %mul3A_2, %add3A_55 : i32
    %min3A_57 = arith.constant 49976 : i32
    %min3A_58 = arith.minsi %add3A_56, %min3A_57 : i32
    %multiple_of3A_59 = tpu.assume_multiple %min3A_58, 8 : i32
    %sub3A_60 = arith.subi %multiple_of3A_59, %min3A_3 : i32
    %mul3A_61 = arith.constant 10 : i32
    %mul3A_62 = arith.muli %sub3A_60, %mul3A_61 : i32
    %add3A_63 = arith.constant 0 : i32
    %add3A_64 = arith.addi %mul3A_62, %add3A_63 : i32
    %multiple_of3A_65 = tpu.assume_multiple %add3A_64, 8 : i32
    %dma_start3A_66 = arith.constant 1 : i32
    %dma_start3A_67 = arith.constant 0 : i32
    %dma_start3A_68 = arith.constant 0 : i32
    %dma_start3A_69 = tpu.memref_slice %arg6[%dma_start3A_66, %dma_start3A_67, %dma_start3A_68] : memref<3x240x64xi32, #tpu.memory_space<vmem>> -> memref<1x240x64xi32, #tpu.memory_space<vmem>>
    %dma_start3A_70 = tpu.memref_squeeze %dma_start3A_69 : memref<1x240x64xi32, #tpu.memory_space<vmem>> -> memref<240x64xi32, #tpu.memory_space<vmem>>
    %dma_start3A_71 = arith.constant 0 : i32
    %dma_start3A_72 = arith.constant 0 : i32
    %dma_start3A_73 = tpu.memref_slice %dma_start3A_70[%dma_start3A_71, %dma_start3A_72] : memref<240x64xi32, #tpu.memory_space<vmem>> -> memref<120x64xi32, #tpu.memory_space<vmem>>
    %dma_start3A_74 = tpu.memref_slice %arg5[%multiple_of3A_65] : memref<15840xi32, #tpu.memory_space<vmem>> -> memref<120xi32, #tpu.memory_space<vmem>>
    %dma_start3A_75 = arith.constant 0 : i32
    %dma_start3A_76 = arith.constant 0 : i32
    %dma_start3A_77 = tpu.memref_slice %arg2[%dma_start3A_75, %dma_start3A_76] : memref<50000x64xi32, #tpu.memory_space<hbm>> -> memref<50000x64xi32, #tpu.memory_space<hbm>>
    tpu.enqueue_indirect_dma source(%dma_start3A_77 : memref<50000x64xi32, #tpu.memory_space<hbm>>) target(%dma_start3A_73 : memref<120x64xi32, #tpu.memory_space<vmem>>) offsets(%dma_start3A_74 : memref<120xi32, #tpu.memory_space<vmem>>) semaphore(%arg9 : memref<!tpu.dma_semaphore, #tpu.memory_space<semaphore_mem>>)
    %add3A_78 = arith.constant 24 : i32
    %add3A_79 = arith.addi %mul3A_2, %add3A_78 : i32
    %min3A_80 = arith.constant 49976 : i32
    %min3A_81 = arith.minsi %add3A_79, %min3A_80 : i32
    %multiple_of3A_82 = tpu.assume_multiple %min3A_81, 8 : i32
    %sub3A_83 = arith.subi %multiple_of3A_82, %min3A_3 : i32
    %mul3A_84 = arith.constant 10 : i32
    %mul3A_85 = arith.muli %sub3A_83, %mul3A_84 : i32
    %add3A_86 = arith.constant 120 : i32
    %add3A_87 = arith.addi %mul3A_85, %add3A_86 : i32
    %multiple_of3A_88 = tpu.assume_multiple %add3A_87, 8 : i32
    %dma_start3A_89 = arith.constant 1 : i32
    %dma_start3A_90 = arith.constant 0 : i32
    %dma_start3A_91 = arith.constant 0 : i32
    %dma_start3A_92 = tpu.memref_slice %arg6[%dma_start3A_89, %dma_start3A_90, %dma_start3A_91] : memref<3x240x64xi32, #tpu.memory_space<vmem>> -> memref<1x240x64xi32, #tpu.memory_space<vmem>>
    %dma_start3A_93 = tpu.memref_squeeze %dma_start3A_92 : memref<1x240x64xi32, #tpu.memory_space<vmem>> -> memref<240x64xi32, #tpu.memory_space<vmem>>
    %dma_start3A_94 = arith.constant 120 : i32
    %dma_start3A_95 = arith.constant 0 : i32
    %dma_start3A_96 = tpu.memref_slice %dma_start3A_93[%dma_start3A_94, %dma_start3A_95] : memref<240x64xi32, #tpu.memory_space<vmem>> -> memref<120x64xi32, #tpu.memory_space<vmem>>
    %dma_start3A_97 = tpu.memref_slice %arg5[%multiple_of3A_88] : memref<15840xi32, #tpu.memory_space<vmem>> -> memref<120xi32, #tpu.memory_space<vmem>>
    %dma_start3A_98 = arith.constant 0 : i32
    %dma_start3A_99 = arith.constant 0 : i32
    %dma_start3A_100 = tpu.memref_slice %arg2[%dma_start3A_98, %dma_start3A_99] : memref<50000x64xi32, #tpu.memory_space<hbm>> -> memref<50000x64xi32, #tpu.memory_space<hbm>>
    tpu.enqueue_indirect_dma source(%dma_start3A_100 : memref<50000x64xi32, #tpu.memory_space<hbm>>) target(%dma_start3A_96 : memref<120x64xi32, #tpu.memory_space<vmem>>) offsets(%dma_start3A_97 : memref<120xi32, #tpu.memory_space<vmem>>) semaphore(%arg9 : memref<!tpu.dma_semaphore, #tpu.memory_space<semaphore_mem>>)
    %scan3A_101 = arith.constant 0 : i32
    %scan3A_102 = arith.constant 0 : i32
    %scan3A_103 = arith.constant 22 : i32
    %scan3A_104 = arith.addi %scan3A_102, %scan3A_103 : i32
    %scan3A_105 = arith.constant 1 : i32
    scf.for %scan3A_160 = %scan3A_102 to %scan3A_104 step %scan3A_105  : i32 {
      %mul3A_161 = arith.constant 3 : i32
      %mul3A_162 = arith.muli %mul3A_161, %scan3A_160 : i32
      %add3A_163 = arith.constant 0 : i32
      %add3A_164 = arith.addi %mul3A_162, %add3A_163 : i32
      %add3A_165 = arith.constant 3 : i32
      %add3A_166 = arith.addi %add3A_164, %add3A_165 : i32
      %sub3A_167 = arith.constant 1 : i32
      %sub3A_168 = arith.subi %add3A_166, %sub3A_167 : i32
      %lt3A = arith.constant 66 : i32
      %lt3A_169 = arith.cmpi slt, %sub3A_168, %lt3A : i32
      %convert_element_type3A = arith.extui %lt3A_169 : i1 to i32
      %cond3A = arith.constant 0 : i32
      %cond3A_170 = arith.cmpi ne, %convert_element_type3A, %cond3A : i32
      scf.if %cond3A_170 {
        %add3A_436 = arith.constant 3 : i32
        %add3A_437 = arith.addi %add3A_164, %add3A_436 : i32
        %sub3A_438 = arith.constant 1 : i32
        %sub3A_439 = arith.subi %add3A_437, %sub3A_438 : i32
        %mul3A_440 = arith.constant 24 : i32
        %mul3A_441 = arith.muli %sub3A_439, %mul3A_440 : i32
        %add3A_442 = arith.addi %mul3A_2, %mul3A_441 : i32
        %min3A_443 = arith.constant 49976 : i32
        %min3A_444 = arith.minsi %add3A_442, %min3A_443 : i32
        %multiple_of3A_445 = tpu.assume_multiple %min3A_444, 8 : i32
        %sub3A_446 = arith.subi %multiple_of3A_445, %min3A_3 : i32
        %mul3A_447 = arith.constant 10 : i32
        %mul3A_448 = arith.muli %sub3A_446, %mul3A_447 : i32
        %add3A_449 = arith.constant 0 : i32
        %add3A_450 = arith.addi %mul3A_448, %add3A_449 : i32
        %multiple_of3A_451 = tpu.assume_multiple %add3A_450, 8 : i32
        %dma_start3A_452 = arith.constant 2 : i32
        %dma_start3A_453 = arith.constant 0 : i32
        %dma_start3A_454 = arith.constant 0 : i32
        %dma_start3A_455 = tpu.memref_slice %arg6[%dma_start3A_452, %dma_start3A_453, %dma_start3A_454] : memref<3x240x64xi32, #tpu.memory_space<vmem>> -> memref<1x240x64xi32, #tpu.memory_space<vmem>>
        %dma_start3A_456 = tpu.memref_squeeze %dma_start3A_455 : memref<1x240x64xi32, #tpu.memory_space<vmem>> -> memref<240x64xi32, #tpu.memory_space<vmem>>
        %dma_start3A_457 = arith.constant 0 : i32
        %dma_start3A_458 = arith.constant 0 : i32
        %dma_start3A_459 = tpu.memref_slice %dma_start3A_456[%dma_start3A_457, %dma_start3A_458] : memref<240x64xi32, #tpu.memory_space<vmem>> -> memref<120x64xi32, #tpu.memory_space<vmem>>
        %dma_start3A_460 = tpu.memref_slice %arg5[%multiple_of3A_451] : memref<15840xi32, #tpu.memory_space<vmem>> -> memref<120xi32, #tpu.memory_space<vmem>>
        %dma_start3A_461 = arith.constant 0 : i32
        %dma_start3A_462 = arith.constant 0 : i32
        %dma_start3A_463 = tpu.memref_slice %arg2[%dma_start3A_461, %dma_start3A_462] : memref<50000x64xi32, #tpu.memory_space<hbm>> -> memref<50000x64xi32, #tpu.memory_space<hbm>>
        tpu.enqueue_indirect_dma source(%dma_start3A_463 : memref<50000x64xi32, #tpu.memory_space<hbm>>) target(%dma_start3A_459 : memref<120x64xi32, #tpu.memory_space<vmem>>) offsets(%dma_start3A_460 : memref<120xi32, #tpu.memory_space<vmem>>) semaphore(%arg10 : memref<!tpu.dma_semaphore, #tpu.memory_space<semaphore_mem>>)
        %mul3A_464 = arith.constant 24 : i32
        %mul3A_465 = arith.muli %sub3A_439, %mul3A_464 : i32
        %add3A_466 = arith.addi %mul3A_2, %mul3A_465 : i32
        %min3A_467 = arith.constant 49976 : i32
        %min3A_468 = arith.minsi %add3A_466, %min3A_467 : i32
        %multiple_of3A_469 = tpu.assume_multiple %min3A_468, 8 : i32
        %sub3A_470 = arith.subi %multiple_of3A_469, %min3A_3 : i32
        %mul3A_471 = arith.constant 10 : i32
        %mul3A_472 = arith.muli %sub3A_470, %mul3A_471 : i32
        %add3A_473 = arith.constant 120 : i32
        %add3A_474 = arith.addi %mul3A_472, %add3A_473 : i32
        %multiple_of3A_475 = tpu.assume_multiple %add3A_474, 8 : i32
        %dma_start3A_476 = arith.constant 2 : i32
        %dma_start3A_477 = arith.constant 0 : i32
        %dma_start3A_478 = arith.constant 0 : i32
        %dma_start3A_479 = tpu.memref_slice %arg6[%dma_start3A_476, %dma_start3A_477, %dma_start3A_478] : memref<3x240x64xi32, #tpu.memory_space<vmem>> -> memref<1x240x64xi32, #tpu.memory_space<vmem>>
        %dma_start3A_480 = tpu.memref_squeeze %dma_start3A_479 : memref<1x240x64xi32, #tpu.memory_space<vmem>> -> memref<240x64xi32, #tpu.memory_space<vmem>>
        %dma_start3A_481 = arith.constant 120 : i32
        %dma_start3A_482 = arith.constant 0 : i32
        %dma_start3A_483 = tpu.memref_slice %dma_start3A_480[%dma_start3A_481, %dma_start3A_482] : memref<240x64xi32, #tpu.memory_space<vmem>> -> memref<120x64xi32, #tpu.memory_space<vmem>>
        %dma_start3A_484 = tpu.memref_slice %arg5[%multiple_of3A_475] : memref<15840xi32, #tpu.memory_space<vmem>> -> memref<120xi32, #tpu.memory_space<vmem>>
        %dma_start3A_485 = arith.constant 0 : i32
        %dma_start3A_486 = arith.constant 0 : i32
        %dma_start3A_487 = tpu.memref_slice %arg2[%dma_start3A_485, %dma_start3A_486] : memref<50000x64xi32, #tpu.memory_space<hbm>> -> memref<50000x64xi32, #tpu.memory_space<hbm>>
        tpu.enqueue_indirect_dma source(%dma_start3A_487 : memref<50000x64xi32, #tpu.memory_space<hbm>>) target(%dma_start3A_483 : memref<120x64xi32, #tpu.memory_space<vmem>>) offsets(%dma_start3A_484 : memref<120xi32, #tpu.memory_space<vmem>>) semaphore(%arg10 : memref<!tpu.dma_semaphore, #tpu.memory_space<semaphore_mem>>)
      } else {
      }
      %mul3A_171 = arith.constant 24 : i32
      %mul3A_172 = arith.muli %add3A_164, %mul3A_171 : i32
      %add3A_173 = arith.addi %mul3A_2, %mul3A_172 : i32
      %min3A_174 = arith.constant 49976 : i32
      %min3A_175 = arith.minsi %add3A_173, %min3A_174 : i32
      %multiple_of3A_176 = tpu.assume_multiple %min3A_175, 8 : i32
      %sub3A_177 = arith.subi %multiple_of3A_176, %min3A_3 : i32
      %mul3A_178 = arith.constant 10 : i32
      %mul3A_179 = arith.muli %sub3A_177, %mul3A_178 : i32
      %add3A_180 = arith.constant 0 : i32
      %add3A_181 = arith.addi %mul3A_179, %add3A_180 : i32
      %multiple_of3A_182 = tpu.assume_multiple %add3A_181, 8 : i32
      %dma_wait3A_183 = arith.constant 0 : i32
      %dma_wait3A_184 = arith.constant 0 : i32
      %dma_wait3A_185 = arith.constant 0 : i32
      %dma_wait3A_186 = tpu.memref_slice %arg6[%dma_wait3A_183, %dma_wait3A_184, %dma_wait3A_185] : memref<3x240x64xi32, #tpu.memory_space<vmem>> -> memref<1x240x64xi32, #tpu.memory_space<vmem>>
      %dma_wait3A_187 = tpu.memref_squeeze %dma_wait3A_186 : memref<1x240x64xi32, #tpu.memory_space<vmem>> -> memref<240x64xi32, #tpu.memory_space<vmem>>
      %dma_wait3A_188 = arith.constant 0 : i32
      %dma_wait3A_189 = arith.constant 0 : i32
      %dma_wait3A_190 = tpu.memref_slice %dma_wait3A_187[%dma_wait3A_188, %dma_wait3A_189] : memref<240x64xi32, #tpu.memory_space<vmem>> -> memref<120x64xi32, #tpu.memory_space<vmem>>
      %dma_wait3A_191 = tpu.memref_slice %arg5[%multiple_of3A_182] : memref<15840xi32, #tpu.memory_space<vmem>> -> memref<120xi32, #tpu.memory_space<vmem>>
      %dma_wait3A_192 = arith.constant 0 : i32
      %dma_wait3A_193 = arith.constant 0 : i32
      %dma_wait3A_194 = tpu.memref_slice %arg2[%dma_wait3A_192, %dma_wait3A_193] : memref<50000x64xi32, #tpu.memory_space<hbm>> -> memref<50000x64xi32, #tpu.memory_space<hbm>>
      tpu.wait_indirect_dma semaphore(%arg8 : memref<!tpu.dma_semaphore, #tpu.memory_space<semaphore_mem>>) src(%dma_wait3A_194 : memref<50000x64xi32, #tpu.memory_space<hbm>>) dst(%dma_wait3A_190 : memref<120x64xi32, #tpu.memory_space<vmem>>)
      %mul3A_195 = arith.constant 24 : i32
      %mul3A_196 = arith.muli %add3A_164, %mul3A_195 : i32
      %add3A_197 = arith.addi %mul3A_2, %mul3A_196 : i32
      %min3A_198 = arith.constant 49976 : i32
      %min3A_199 = arith.minsi %add3A_197, %min3A_198 : i32
      %multiple_of3A_200 = tpu.assume_multiple %min3A_199, 8 : i32
      %sub3A_201 = arith.subi %multiple_of3A_200, %min3A_3 : i32
      %mul3A_202 = arith.constant 10 : i32
      %mul3A_203 = arith.muli %sub3A_201, %mul3A_202 : i32
      %add3A_204 = arith.constant 120 : i32
      %add3A_205 = arith.addi %mul3A_203, %add3A_204 : i32
      %multiple_of3A_206 = tpu.assume_multiple %add3A_205, 8 : i32
      %dma_wait3A_207 = arith.constant 0 : i32
      %dma_wait3A_208 = arith.constant 0 : i32
      %dma_wait3A_209 = arith.constant 0 : i32
      %dma_wait3A_210 = tpu.memref_slice %arg6[%dma_wait3A_207, %dma_wait3A_208, %dma_wait3A_209] : memref<3x240x64xi32, #tpu.memory_space<vmem>> -> memref<1x240x64xi32, #tpu.memory_space<vmem>>
      %dma_wait3A_211 = tpu.memref_squeeze %dma_wait3A_210 : memref<1x240x64xi32, #tpu.memory_space<vmem>> -> memref<240x64xi32, #tpu.memory_space<vmem>>
      %dma_wait3A_212 = arith.constant 120 : i32
      %dma_wait3A_213 = arith.constant 0 : i32
      %dma_wait3A_214 = tpu.memref_slice %dma_wait3A_211[%dma_wait3A_212, %dma_wait3A_213] : memref<240x64xi32, #tpu.memory_space<vmem>> -> memref<120x64xi32, #tpu.memory_space<vmem>>
      %dma_wait3A_215 = tpu.memref_slice %arg5[%multiple_of3A_206] : memref<15840xi32, #tpu.memory_space<vmem>> -> memref<120xi32, #tpu.memory_space<vmem>>
      %dma_wait3A_216 = arith.constant 0 : i32
      %dma_wait3A_217 = arith.constant 0 : i32
      %dma_wait3A_218 = tpu.memref_slice %arg2[%dma_wait3A_216, %dma_wait3A_217] : memref<50000x64xi32, #tpu.memory_space<hbm>> -> memref<50000x64xi32, #tpu.memory_space<hbm>>
      tpu.wait_indirect_dma semaphore(%arg8 : memref<!tpu.dma_semaphore, #tpu.memory_space<semaphore_mem>>) src(%dma_wait3A_218 : memref<50000x64xi32, #tpu.memory_space<hbm>>) dst(%dma_wait3A_214 : memref<120x64xi32, #tpu.memory_space<vmem>>)
      %ge3A = arith.constant 3 : i32
      %ge3A_219 = arith.cmpi sge, %add3A_164, %ge3A : i32
      %convert_element_type3A_220 = arith.extui %ge3A_219 : i1 to i32
      %cond3A_221 = arith.constant 0 : i32
      %cond3A_222 = arith.cmpi ne, %convert_element_type3A_220, %cond3A_221 : i32
      scf.if %cond3A_222 {
        %sub3A_436 = arith.constant 3 : i32
        %sub3A_437 = arith.subi %add3A_164, %sub3A_436 : i32
        %mul3A_438 = arith.constant 24 : i32
        %mul3A_439 = arith.muli %sub3A_437, %mul3A_438 : i32
        %add3A_440 = arith.addi %mul3A_2, %mul3A_439 : i32
        %min3A_441 = arith.constant 49976 : i32
        %min3A_442 = arith.minsi %add3A_440, %min3A_441 : i32
        %multiple_of3A_443 = tpu.assume_multiple %min3A_442, 8 : i32
        %dma_wait3A_444 = arith.constant 0 : i32
        %dma_wait3A_445 = arith.constant 0 : i32
        %dma_wait3A_446 = arith.constant 0 : i32
        %dma_wait3A_447 = tpu.memref_slice %arg7[%dma_wait3A_444, %dma_wait3A_445, %dma_wait3A_446] : memref<3x24x128xf32, #tpu.memory_space<vmem>> -> memref<1x24x128xf32, #tpu.memory_space<vmem>>
        %dma_wait3A_448 = tpu.memref_squeeze %dma_wait3A_447 : memref<1x24x128xf32, #tpu.memory_space<vmem>> -> memref<24x128xf32, #tpu.memory_space<vmem>>
        %dma_wait3A_449 = arith.constant 0 : i32
        %dma_wait3A_450 = tpu.memref_slice %arg4[%multiple_of3A_443, %dma_wait3A_449] : memref<50000x128xf32, #tpu.memory_space<hbm>> -> memref<24x128xf32, #tpu.memory_space<hbm>>
        %dma_wait3A_451 = arith.constant 0 : i32
        %dma_wait3A_452 = tpu.memref_slice %arg4[%multiple_of3A_443, %dma_wait3A_451] : memref<50000x128xf32, #tpu.memory_space<hbm>> -> memref<24x128xf32, #tpu.memory_space<hbm>>
        %dma_wait3A_453 = arith.constant 0 : i32
        %dma_wait3A_454 = arith.constant 0 : i32
        %dma_wait3A_455 = tpu.memref_slice %arg7[%dma_wait3A_444, %dma_wait3A_453, %dma_wait3A_454] : memref<3x24x128xf32, #tpu.memory_space<vmem>> -> memref<1x24x128xf32, #tpu.memory_space<vmem>>
        %dma_wait3A_456 = tpu.memref_squeeze %dma_wait3A_455 : memref<1x24x128xf32, #tpu.memory_space<vmem>> -> memref<24x128xf32, #tpu.memory_space<vmem>>
        tpu.wait_dma2 semaphore(%arg11 : memref<!tpu.dma_semaphore, #tpu.memory_space<semaphore_mem>>) src(%dma_wait3A_456 : memref<24x128xf32, #tpu.memory_space<vmem>>) dst(%dma_wait3A_452 : memref<24x128xf32, #tpu.memory_space<hbm>>)
      } else {
      }
      %scan3A_223 = arith.constant 0 : i32
      %scan3A_224 = arith.constant 0 : i32
      %scan3A_225 = arith.constant 0 : i32
      %scan3A_226 = arith.constant 0 : i32
      %scan3A_227 = arith.constant 12 : i32
      %scan3A_228 = arith.addi %scan3A_226, %scan3A_227 : i32
      %scan3A_229 = arith.constant 1 : i32
      scf.for %scan3A_436 = %scan3A_226 to %scan3A_228 step %scan3A_229  : i32 {
        %mul3A_437 = arith.constant 2 : i32
        %mul3A_438 = arith.muli %scan3A_436, %mul3A_437 : i32
        %mul3A_439 = arith.constant 10 : i32
        %mul3A_440 = arith.muli %mul3A_438, %mul3A_439 : i32
        %add3A_441 = arith.constant 10 : i32
        %add3A_442 = arith.addi %mul3A_440, %add3A_441 : i32
        %get3A = arith.constant 0 : i32
        %get3A_443 = arith.constant 0 : i32
        %get3A_444 = tpu.memref_slice %arg6[%scan3A_224, %get3A, %get3A_443] : memref<3x240x64xi32, #tpu.memory_space<vmem>> -> memref<1x240x64xi32, #tpu.memory_space<vmem>>
        %get3A_445 = tpu.memref_squeeze %get3A_444 : memref<1x240x64xi32, #tpu.memory_space<vmem>> -> memref<240x64xi32, #tpu.memory_space<vmem>>
        %get3A_446 = arith.index_cast %mul3A_440 : i32 to index
        %get3A_447 = arith.constant 0 : index
        %get3A_448 = tpu.vector_load %get3A_445[%get3A_446, %get3A_447] {strides = array<i32>} : memref<240x64xi32, #tpu.memory_space<vmem>>, vector<16xi32>,
        %get3A_449 = arith.constant 0 : i32
        %get3A_450 = arith.constant 0 : i32
        %get3A_451 = tpu.memref_slice %arg6[%scan3A_224, %get3A_449, %get3A_450] : memref<3x240x64xi32, #tpu.memory_space<vmem>> -> memref<1x240x64xi32, #tpu.memory_space<vmem>>
        %get3A_452 = tpu.memref_squeeze %get3A_451 : memref<1x240x64xi32, #tpu.memory_space<vmem>> -> memref<240x64xi32, #tpu.memory_space<vmem>>
        %get3A_453 = arith.index_cast %add3A_442 : i32 to index
        %get3A_454 = arith.constant 0 : index
        %get3A_455 = tpu.vector_load %get3A_452[%get3A_453, %get3A_454] {strides = array<i32>} : memref<240x64xi32, #tpu.memory_space<vmem>>, vector<16xi32>,
        %shift_left3A = arith.constant 16 : i32
        %shift_left3A_456 = vector.broadcast %shift_left3A : i32 to vector<16xi32>
        %shift_left3A_457 = arith.shli %get3A_448, %shift_left3A_456 : vector<16xi32>
        %shift_left3A_458 = arith.constant 16 : i32
        %shift_left3A_459 = vector.broadcast %shift_left3A_458 : i32 to vector<16xi32>
        %shift_left3A_460 = arith.shli %get3A_455, %shift_left3A_459 : vector<16xi32>
        %add3A_461 = arith.constant 1 : i32
        %add3A_462 = arith.addi %mul3A_440, %add3A_461 : i32
        %get3A_463 = arith.constant 0 : i32
        %get3A_464 = arith.constant 0 : i32
        %get3A_465 = tpu.memref_slice %arg6[%scan3A_224, %get3A_463, %get3A_464] : memref<3x240x64xi32, #tpu.memory_space<vmem>> -> memref<1x240x64xi32, #tpu.memory_space<vmem>>
        %get3A_466 = tpu.memref_squeeze %get3A_465 : memref<1x240x64xi32, #tpu.memory_space<vmem>> -> memref<240x64xi32, #tpu.memory_space<vmem>>
        %get3A_467 = arith.index_cast %add3A_462 : i32 to index
        %get3A_468 = arith.constant 0 : index
        %get3A_469 = tpu.vector_load %get3A_466[%get3A_467, %get3A_468] {strides = array<i32>} : memref<240x64xi32, #tpu.memory_space<vmem>>, vector<16xi32>,
        %add3A_470 = arith.constant 1 : i32
        %add3A_471 = arith.addi %add3A_442, %add3A_470 : i32
        %get3A_472 = arith.constant 0 : i32
        %get3A_473 = arith.constant 0 : i32
        %get3A_474 = tpu.memref_slice %arg6[%scan3A_224, %get3A_472, %get3A_473] : memref<3x240x64xi32, #tpu.memory_space<vmem>> -> memref<1x240x64xi32, #tpu.memory_space<vmem>>
        %get3A_475 = tpu.memref_squeeze %get3A_474 : memref<1x240x64xi32, #tpu.memory_space<vmem>> -> memref<240x64xi32, #tpu.memory_space<vmem>>
        %get3A_476 = arith.index_cast %add3A_471 : i32 to index
        %get3A_477 = arith.constant 0 : index
        %get3A_478 = tpu.vector_load %get3A_475[%get3A_476, %get3A_477] {strides = array<i32>} : memref<240x64xi32, #tpu.memory_space<vmem>>, vector<16xi32>,
        %max3A = arith.maxsi %get3A_448, %get3A_469 : vector<16xi32>
        %max3A_479 = arith.maxsi %get3A_455, %get3A_478 : vector<16xi32>
        %shift_left3A_480 = arith.constant 16 : i32
        %shift_left3A_481 = vector.broadcast %shift_left3A_480 : i32 to vector<16xi32>
        %shift_left3A_482 = arith.shli %get3A_469, %shift_left3A_481 : vector<16xi32>
        %max3A_483 = arith.maxsi %shift_left3A_457, %shift_left3A_482 : vector<16xi32>
        %shift_left3A_484 = arith.constant 16 : i32
        %shift_left3A_485 = vector.broadcast %shift_left3A_484 : i32 to vector<16xi32>
        %shift_left3A_486 = arith.shli %get3A_478, %shift_left3A_485 : vector<16xi32>
        %max3A_487 = arith.maxsi %shift_left3A_460, %shift_left3A_486 : vector<16xi32>
        %add3A_488 = arith.constant 2 : i32
        %add3A_489 = arith.addi %mul3A_440, %add3A_488 : i32
        %get3A_490 = arith.constant 0 : i32
        %get3A_491 = arith.constant 0 : i32
        %get3A_492 = tpu.memref_slice %arg6[%scan3A_224, %get3A_490, %get3A_491] : memref<3x240x64xi32, #tpu.memory_space<vmem>> -> memref<1x240x64xi32, #tpu.memory_space<vmem>>
        %get3A_493 = tpu.memref_squeeze %get3A_492 : memref<1x240x64xi32, #tpu.memory_space<vmem>> -> memref<240x64xi32, #tpu.memory_space<vmem>>
        %get3A_494 = arith.index_cast %add3A_489 : i32 to index
        %get3A_495 = arith.constant 0 : index
        %get3A_496 = tpu.vector_load %get3A_493[%get3A_494, %get3A_495] {strides = array<i32>} : memref<240x64xi32, #tpu.memory_space<vmem>>, vector<16xi32>,
        %add3A_497 = arith.constant 2 : i32
        %add3A_498 = arith.addi %add3A_442, %add3A_497 : i32
        %get3A_499 = arith.constant 0 : i32
        %get3A_500 = arith.constant 0 : i32
        %get3A_501 = tpu.memref_slice %arg6[%scan3A_224, %get3A_499, %get3A_500] : memref<3x240x64xi32, #tpu.memory_space<vmem>> -> memref<1x240x64xi32, #tpu.memory_space<vmem>>
        %get3A_502 = tpu.memref_squeeze %get3A_501 : memref<1x240x64xi32, #tpu.memory_space<vmem>> -> memref<240x64xi32, #tpu.memory_space<vmem>>
        %get3A_503 = arith.index_cast %add3A_498 : i32 to index
        %get3A_504 = arith.constant 0 : index
        %get3A_505 = tpu.vector_load %get3A_502[%get3A_503, %get3A_504] {strides = array<i32>} : memref<240x64xi32, #tpu.memory_space<vmem>>, vector<16xi32>,
        %max3A_506 = arith.maxsi %max3A, %get3A_496 : vector<16xi32>
        %max3A_507 = arith.maxsi %max3A_479, %get3A_505 : vector<16xi32>
        %shift_left3A_508 = arith.constant 16 : i32
        %shift_left3A_509 = vector.broadcast %shift_left3A_508 : i32 to vector<16xi32>
        %shift_left3A_510 = arith.shli %get3A_496, %shift_left3A_509 : vector<16xi32>
        %max3A_511 = arith.maxsi %max3A_483, %shift_left3A_510 : vector<16xi32>
        %shift_left3A_512 = arith.constant 16 : i32
        %shift_left3A_513 = vector.broadcast %shift_left3A_512 : i32 to vector<16xi32>
        %shift_left3A_514 = arith.shli %get3A_505, %shift_left3A_513 : vector<16xi32>
        %max3A_515 = arith.maxsi %max3A_487, %shift_left3A_514 : vector<16xi32>
        %add3A_516 = arith.constant 3 : i32
        %add3A_517 = arith.addi %mul3A_440, %add3A_516 : i32
        %get3A_518 = arith.constant 0 : i32
        %get3A_519 = arith.constant 0 : i32
        %get3A_520 = tpu.memref_slice %arg6[%scan3A_224, %get3A_518, %get3A_519] : memref<3x240x64xi32, #tpu.memory_space<vmem>> -> memref<1x240x64xi32, #tpu.memory_space<vmem>>
        %get3A_521 = tpu.memref_squeeze %get3A_520 : memref<1x240x64xi32, #tpu.memory_space<vmem>> -> memref<240x64xi32, #tpu.memory_space<vmem>>
        %get3A_522 = arith.index_cast %add3A_517 : i32 to index
        %get3A_523 = arith.constant 0 : index
        %get3A_524 = tpu.vector_load %get3A_521[%get3A_522, %get3A_523] {strides = array<i32>} : memref<240x64xi32, #tpu.memory_space<vmem>>, vector<16xi32>,
        %add3A_525 = arith.constant 3 : i32
        %add3A_526 = arith.addi %add3A_442, %add3A_525 : i32
        %get3A_527 = arith.constant 0 : i32
        %get3A_528 = arith.constant 0 : i32
        %get3A_529 = tpu.memref_slice %arg6[%scan3A_224, %get3A_527, %get3A_528] : memref<3x240x64xi32, #tpu.memory_space<vmem>> -> memref<1x240x64xi32, #tpu.memory_space<vmem>>
        %get3A_530 = tpu.memref_squeeze %get3A_529 : memref<1x240x64xi32, #tpu.memory_space<vmem>> -> memref<240x64xi32, #tpu.memory_space<vmem>>
        %get3A_531 = arith.index_cast %add3A_526 : i32 to index
        %get3A_532 = arith.constant 0 : index
        %get3A_533 = tpu.vector_load %get3A_530[%get3A_531, %get3A_532] {strides = array<i32>} : memref<240x64xi32, #tpu.memory_space<vmem>>, vector<16xi32>,
        %max3A_534 = arith.maxsi %max3A_506, %get3A_524 : vector<16xi32>
        %max3A_535 = arith.maxsi %max3A_507, %get3A_533 : vector<16xi32>
        %shift_left3A_536 = arith.constant 16 : i32
        %shift_left3A_537 = vector.broadcast %shift_left3A_536 : i32 to vector<16xi32>
        %shift_left3A_538 = arith.shli %get3A_524, %shift_left3A_537 : vector<16xi32>
        %max3A_539 = arith.maxsi %max3A_511, %shift_left3A_538 : vector<16xi32>
        %shift_left3A_540 = arith.constant 16 : i32
        %shift_left3A_541 = vector.broadcast %shift_left3A_540 : i32 to vector<16xi32>
        %shift_left3A_542 = arith.shli %get3A_533, %shift_left3A_541 : vector<16xi32>
        %max3A_543 = arith.maxsi %max3A_515, %shift_left3A_542 : vector<16xi32>
        %add3A_544 = arith.constant 4 : i32
        %add3A_545 = arith.addi %mul3A_440, %add3A_544 : i32
        %get3A_546 = arith.constant 0 : i32
        %get3A_547 = arith.constant 0 : i32
        %get3A_548 = tpu.memref_slice %arg6[%scan3A_224, %get3A_546, %get3A_547] : memref<3x240x64xi32, #tpu.memory_space<vmem>> -> memref<1x240x64xi32, #tpu.memory_space<vmem>>
        %get3A_549 = tpu.memref_squeeze %get3A_548 : memref<1x240x64xi32, #tpu.memory_space<vmem>> -> memref<240x64xi32, #tpu.memory_space<vmem>>
        %get3A_550 = arith.index_cast %add3A_545 : i32 to index
        %get3A_551 = arith.constant 0 : index
        %get3A_552 = tpu.vector_load %get3A_549[%get3A_550, %get3A_551] {strides = array<i32>} : memref<240x64xi32, #tpu.memory_space<vmem>>, vector<16xi32>,
        %add3A_553 = arith.constant 4 : i32
        %add3A_554 = arith.addi %add3A_442, %add3A_553 : i32
        %get3A_555 = arith.constant 0 : i32
        %get3A_556 = arith.constant 0 : i32
        %get3A_557 = tpu.memref_slice %arg6[%scan3A_224, %get3A_555, %get3A_556] : memref<3x240x64xi32, #tpu.memory_space<vmem>> -> memref<1x240x64xi32, #tpu.memory_space<vmem>>
        %get3A_558 = tpu.memref_squeeze %get3A_557 : memref<1x240x64xi32, #tpu.memory_space<vmem>> -> memref<240x64xi32, #tpu.memory_space<vmem>>
        %get3A_559 = arith.index_cast %add3A_554 : i32 to index
        %get3A_560 = arith.constant 0 : index
        %get3A_561 = tpu.vector_load %get3A_558[%get3A_559, %get3A_560] {strides = array<i32>} : memref<240x64xi32, #tpu.memory_space<vmem>>, vector<16xi32>,
        %max3A_562 = arith.maxsi %max3A_534, %get3A_552 : vector<16xi32>
        %max3A_563 = arith.maxsi %max3A_535, %get3A_561 : vector<16xi32>
        %shift_left3A_564 = arith.constant 16 : i32
        %shift_left3A_565 = vector.broadcast %shift_left3A_564 : i32 to vector<16xi32>
        %shift_left3A_566 = arith.shli %get3A_552, %shift_left3A_565 : vector<16xi32>
        %max3A_567 = arith.maxsi %max3A_539, %shift_left3A_566 : vector<16xi32>
        %shift_left3A_568 = arith.constant 16 : i32
        %shift_left3A_569 = vector.broadcast %shift_left3A_568 : i32 to vector<16xi32>
        %shift_left3A_570 = arith.shli %get3A_561, %shift_left3A_569 : vector<16xi32>
        %max3A_571 = arith.maxsi %max3A_543, %shift_left3A_570 : vector<16xi32>
        %add3A_572 = arith.constant 5 : i32
        %add3A_573 = arith.addi %mul3A_440, %add3A_572 : i32
        %get3A_574 = arith.constant 0 : i32
        %get3A_575 = arith.constant 0 : i32
        %get3A_576 = tpu.memref_slice %arg6[%scan3A_224, %get3A_574, %get3A_575] : memref<3x240x64xi32, #tpu.memory_space<vmem>> -> memref<1x240x64xi32, #tpu.memory_space<vmem>>
        %get3A_577 = tpu.memref_squeeze %get3A_576 : memref<1x240x64xi32, #tpu.memory_space<vmem>> -> memref<240x64xi32, #tpu.memory_space<vmem>>
        %get3A_578 = arith.index_cast %add3A_573 : i32 to index
        %get3A_579 = arith.constant 0 : index
        %get3A_580 = tpu.vector_load %get3A_577[%get3A_578, %get3A_579] {strides = array<i32>} : memref<240x64xi32, #tpu.memory_space<vmem>>, vector<16xi32>,
        %add3A_581 = arith.constant 5 : i32
        %add3A_582 = arith.addi %add3A_442, %add3A_581 : i32
        %get3A_583 = arith.constant 0 : i32
        %get3A_584 = arith.constant 0 : i32
        %get3A_585 = tpu.memref_slice %arg6[%scan3A_224, %get3A_583, %get3A_584] : memref<3x240x64xi32, #tpu.memory_space<vmem>> -> memref<1x240x64xi32, #tpu.memory_space<vmem>>
        %get3A_586 = tpu.memref_squeeze %get3A_585 : memref<1x240x64xi32, #tpu.memory_space<vmem>> -> memref<240x64xi32, #tpu.memory_space<vmem>>
        %get3A_587 = arith.index_cast %add3A_582 : i32 to index
        %get3A_588 = arith.constant 0 : index
        %get3A_589 = tpu.vector_load %get3A_586[%get3A_587, %get3A_588] {strides = array<i32>} : memref<240x64xi32, #tpu.memory_space<vmem>>, vector<16xi32>,
        %max3A_590 = arith.maxsi %max3A_562, %get3A_580 : vector<16xi32>
        %max3A_591 = arith.maxsi %max3A_563, %get3A_589 : vector<16xi32>
        %shift_left3A_592 = arith.constant 16 : i32
        %shift_left3A_593 = vector.broadcast %shift_left3A_592 : i32 to vector<16xi32>
        %shift_left3A_594 = arith.shli %get3A_580, %shift_left3A_593 : vector<16xi32>
        %max3A_595 = arith.maxsi %max3A_567, %shift_left3A_594 : vector<16xi32>
        %shift_left3A_596 = arith.constant 16 : i32
        %shift_left3A_597 = vector.broadcast %shift_left3A_596 : i32 to vector<16xi32>
        %shift_left3A_598 = arith.shli %get3A_589, %shift_left3A_597 : vector<16xi32>
        %max3A_599 = arith.maxsi %max3A_571, %shift_left3A_598 : vector<16xi32>
        %add3A_600 = arith.constant 6 : i32
        %add3A_601 = arith.addi %mul3A_440, %add3A_600 : i32
        %get3A_602 = arith.constant 0 : i32
        %get3A_603 = arith.constant 0 : i32
        %get3A_604 = tpu.memref_slice %arg6[%scan3A_224, %get3A_602, %get3A_603] : memref<3x240x64xi32, #tpu.memory_space<vmem>> -> memref<1x240x64xi32, #tpu.memory_space<vmem>>
        %get3A_605 = tpu.memref_squeeze %get3A_604 : memref<1x240x64xi32, #tpu.memory_space<vmem>> -> memref<240x64xi32, #tpu.memory_space<vmem>>
        %get3A_606 = arith.index_cast %add3A_601 : i32 to index
        %get3A_607 = arith.constant 0 : index
        %get3A_608 = tpu.vector_load %get3A_605[%get3A_606, %get3A_607] {strides = array<i32>} : memref<240x64xi32, #tpu.memory_space<vmem>>, vector<16xi32>,
        %add3A_609 = arith.constant 6 : i32
        %add3A_610 = arith.addi %add3A_442, %add3A_609 : i32
        %get3A_611 = arith.constant 0 : i32
        %get3A_612 = arith.constant 0 : i32
        %get3A_613 = tpu.memref_slice %arg6[%scan3A_224, %get3A_611, %get3A_612] : memref<3x240x64xi32, #tpu.memory_space<vmem>> -> memref<1x240x64xi32, #tpu.memory_space<vmem>>
        %get3A_614 = tpu.memref_squeeze %get3A_613 : memref<1x240x64xi32, #tpu.memory_space<vmem>> -> memref<240x64xi32, #tpu.memory_space<vmem>>
        %get3A_615 = arith.index_cast %add3A_610 : i32 to index
        %get3A_616 = arith.constant 0 : index
        %get3A_617 = tpu.vector_load %get3A_614[%get3A_615, %get3A_616] {strides = array<i32>} : memref<240x64xi32, #tpu.memory_space<vmem>>, vector<16xi32>,
        %max3A_618 = arith.maxsi %max3A_590, %get3A_608 : vector<16xi32>
        %max3A_619 = arith.maxsi %max3A_591, %get3A_617 : vector<16xi32>
        %shift_left3A_620 = arith.constant 16 : i32
        %shift_left3A_621 = vector.broadcast %shift_left3A_620 : i32 to vector<16xi32>
        %shift_left3A_622 = arith.shli %get3A_608, %shift_left3A_621 : vector<16xi32>
        %max3A_623 = arith.maxsi %max3A_595, %shift_left3A_622 : vector<16xi32>
        %shift_left3A_624 = arith.constant 16 : i32
        %shift_left3A_625 = vector.broadcast %shift_left3A_624 : i32 to vector<16xi32>
        %shift_left3A_626 = arith.shli %get3A_617, %shift_left3A_625 : vector<16xi32>
        %max3A_627 = arith.maxsi %max3A_599, %shift_left3A_626 : vector<16xi32>
        %add3A_628 = arith.constant 7 : i32
        %add3A_629 = arith.addi %mul3A_440, %add3A_628 : i32
        %get3A_630 = arith.constant 0 : i32
        %get3A_631 = arith.constant 0 : i32
        %get3A_632 = tpu.memref_slice %arg6[%scan3A_224, %get3A_630, %get3A_631] : memref<3x240x64xi32, #tpu.memory_space<vmem>> -> memref<1x240x64xi32, #tpu.memory_space<vmem>>
        %get3A_633 = tpu.memref_squeeze %get3A_632 : memref<1x240x64xi32, #tpu.memory_space<vmem>> -> memref<240x64xi32, #tpu.memory_space<vmem>>
        %get3A_634 = arith.index_cast %add3A_629 : i32 to index
        %get3A_635 = arith.constant 0 : index
        %get3A_636 = tpu.vector_load %get3A_633[%get3A_634, %get3A_635] {strides = array<i32>} : memref<240x64xi32, #tpu.memory_space<vmem>>, vector<16xi32>,
        %add3A_637 = arith.constant 7 : i32
        %add3A_638 = arith.addi %add3A_442, %add3A_637 : i32
        %get3A_639 = arith.constant 0 : i32
        %get3A_640 = arith.constant 0 : i32
        %get3A_641 = tpu.memref_slice %arg6[%scan3A_224, %get3A_639, %get3A_640] : memref<3x240x64xi32, #tpu.memory_space<vmem>> -> memref<1x240x64xi32, #tpu.memory_space<vmem>>
        %get3A_642 = tpu.memref_squeeze %get3A_641 : memref<1x240x64xi32, #tpu.memory_space<vmem>> -> memref<240x64xi32, #tpu.memory_space<vmem>>
        %get3A_643 = arith.index_cast %add3A_638 : i32 to index
        %get3A_644 = arith.constant 0 : index
        %get3A_645 = tpu.vector_load %get3A_642[%get3A_643, %get3A_644] {strides = array<i32>} : memref<240x64xi32, #tpu.memory_space<vmem>>, vector<16xi32>,
        %max3A_646 = arith.maxsi %max3A_618, %get3A_636 : vector<16xi32>
        %max3A_647 = arith.maxsi %max3A_619, %get3A_645 : vector<16xi32>
        %shift_left3A_648 = arith.constant 16 : i32
        %shift_left3A_649 = vector.broadcast %shift_left3A_648 : i32 to vector<16xi32>
        %shift_left3A_650 = arith.shli %get3A_636, %shift_left3A_649 : vector<16xi32>
        %max3A_651 = arith.maxsi %max3A_623, %shift_left3A_650 : vector<16xi32>
        %shift_left3A_652 = arith.constant 16 : i32
        %shift_left3A_653 = vector.broadcast %shift_left3A_652 : i32 to vector<16xi32>
        %shift_left3A_654 = arith.shli %get3A_645, %shift_left3A_653 : vector<16xi32>
        %max3A_655 = arith.maxsi %max3A_627, %shift_left3A_654 : vector<16xi32>
        %add3A_656 = arith.constant 8 : i32
        %add3A_657 = arith.addi %mul3A_440, %add3A_656 : i32
        %get3A_658 = arith.constant 0 : i32
        %get3A_659 = arith.constant 0 : i32
        %get3A_660 = tpu.memref_slice %arg6[%scan3A_224, %get3A_658, %get3A_659] : memref<3x240x64xi32, #tpu.memory_space<vmem>> -> memref<1x240x64xi32, #tpu.memory_space<vmem>>
        %get3A_661 = tpu.memref_squeeze %get3A_660 : memref<1x240x64xi32, #tpu.memory_space<vmem>> -> memref<240x64xi32, #tpu.memory_space<vmem>>
        %get3A_662 = arith.index_cast %add3A_657 : i32 to index
        %get3A_663 = arith.constant 0 : index
        %get3A_664 = tpu.vector_load %get3A_661[%get3A_662, %get3A_663] {strides = array<i32>} : memref<240x64xi32, #tpu.memory_space<vmem>>, vector<16xi32>,
        %add3A_665 = arith.constant 8 : i32
        %add3A_666 = arith.addi %add3A_442, %add3A_665 : i32
        %get3A_667 = arith.constant 0 : i32
        %get3A_668 = arith.constant 0 : i32
        %get3A_669 = tpu.memref_slice %arg6[%scan3A_224, %get3A_667, %get3A_668] : memref<3x240x64xi32, #tpu.memory_space<vmem>> -> memref<1x240x64xi32, #tpu.memory_space<vmem>>
        %get3A_670 = tpu.memref_squeeze %get3A_669 : memref<1x240x64xi32, #tpu.memory_space<vmem>> -> memref<240x64xi32, #tpu.memory_space<vmem>>
        %get3A_671 = arith.index_cast %add3A_666 : i32 to index
        %get3A_672 = arith.constant 0 : index
        %get3A_673 = tpu.vector_load %get3A_670[%get3A_671, %get3A_672] {strides = array<i32>} : memref<240x64xi32, #tpu.memory_space<vmem>>, vector<16xi32>,
        %max3A_674 = arith.maxsi %max3A_646, %get3A_664 : vector<16xi32>
        %max3A_675 = arith.maxsi %max3A_647, %get3A_673 : vector<16xi32>
        %shift_left3A_676 = arith.constant 16 : i32
        %shift_left3A_677 = vector.broadcast %shift_left3A_676 : i32 to vector<16xi32>
        %shift_left3A_678 = arith.shli %get3A_664, %shift_left3A_677 : vector<16xi32>
        %max3A_679 = arith.maxsi %max3A_651, %shift_left3A_678 : vector<16xi32>
        %shift_left3A_680 = arith.constant 16 : i32
        %shift_left3A_681 = vector.broadcast %shift_left3A_680 : i32 to vector<16xi32>
        %shift_left3A_682 = arith.shli %get3A_673, %shift_left3A_681 : vector<16xi32>
        %max3A_683 = arith.maxsi %max3A_655, %shift_left3A_682 : vector<16xi32>
        %add3A_684 = arith.constant 9 : i32
        %add3A_685 = arith.addi %mul3A_440, %add3A_684 : i32
        %get3A_686 = arith.constant 0 : i32
        %get3A_687 = arith.constant 0 : i32
        %get3A_688 = tpu.memref_slice %arg6[%scan3A_224, %get3A_686, %get3A_687] : memref<3x240x64xi32, #tpu.memory_space<vmem>> -> memref<1x240x64xi32, #tpu.memory_space<vmem>>
        %get3A_689 = tpu.memref_squeeze %get3A_688 : memref<1x240x64xi32, #tpu.memory_space<vmem>> -> memref<240x64xi32, #tpu.memory_space<vmem>>
        %get3A_690 = arith.index_cast %add3A_685 : i32 to index
        %get3A_691 = arith.constant 0 : index
        %get3A_692 = tpu.vector_load %get3A_689[%get3A_690, %get3A_691] {strides = array<i32>} : memref<240x64xi32, #tpu.memory_space<vmem>>, vector<16xi32>,
        %add3A_693 = arith.constant 9 : i32
        %add3A_694 = arith.addi %add3A_442, %add3A_693 : i32
        %get3A_695 = arith.constant 0 : i32
        %get3A_696 = arith.constant 0 : i32
        %get3A_697 = tpu.memref_slice %arg6[%scan3A_224, %get3A_695, %get3A_696] : memref<3x240x64xi32, #tpu.memory_space<vmem>> -> memref<1x240x64xi32, #tpu.memory_space<vmem>>
        %get3A_698 = tpu.memref_squeeze %get3A_697 : memref<1x240x64xi32, #tpu.memory_space<vmem>> -> memref<240x64xi32, #tpu.memory_space<vmem>>
        %get3A_699 = arith.index_cast %add3A_694 : i32 to index
        %get3A_700 = arith.constant 0 : index
        %get3A_701 = tpu.vector_load %get3A_698[%get3A_699, %get3A_700] {strides = array<i32>} : memref<240x64xi32, #tpu.memory_space<vmem>>, vector<16xi32>,
        %max3A_702 = arith.maxsi %max3A_674, %get3A_692 : vector<16xi32>
        %max3A_703 = arith.maxsi %max3A_675, %get3A_701 : vector<16xi32>
        %shift_left3A_704 = arith.constant 16 : i32
        %shift_left3A_705 = vector.broadcast %shift_left3A_704 : i32 to vector<16xi32>
        %shift_left3A_706 = arith.shli %get3A_692, %shift_left3A_705 : vector<16xi32>
        %max3A_707 = arith.maxsi %max3A_679, %shift_left3A_706 : vector<16xi32>
        %shift_left3A_708 = arith.constant 16 : i32
        %shift_left3A_709 = vector.broadcast %shift_left3A_708 : i32 to vector<16xi32>
        %shift_left3A_710 = arith.shli %get3A_701, %shift_left3A_709 : vector<16xi32>
        %max3A_711 = arith.maxsi %max3A_683, %shift_left3A_710 : vector<16xi32>
        %bitcast3A = vector.bitcast %max3A_707 : vector<16xi32> to vector<16xf32>
        %mul3A_712 = arith.constant 2 : i32
        %mul3A_713 = arith.muli %mul3A_712, %scan3A_436 : i32
        %swap3A = arith.constant 0 : i32
        %swap3A_714 = arith.constant 0 : i32
        %swap3A_715 = tpu.memref_slice %arg7[%scan3A_225, %swap3A, %swap3A_714] : memref<3x24x128xf32, #tpu.memory_space<vmem>> -> memref<1x24x128xf32, #tpu.memory_space<vmem>>
        %swap3A_716 = tpu.memref_squeeze %swap3A_715 : memref<1x24x128xf32, #tpu.memory_space<vmem>> -> memref<24x128xf32, #tpu.memory_space<vmem>>
        %swap3A_717 = arith.index_cast %mul3A_713 : i32 to index
        %swap3A_718 = arith.constant 0 : index
        %swap3A_719 = tpu.vector_load %swap3A_716[%swap3A_717, %swap3A_718] {strides = array<i32>} : memref<24x128xf32, #tpu.memory_space<vmem>>, vector<16xf32>,
        tpu.vector_store %swap3A_716[%swap3A_717, %swap3A_718], %bitcast3A {strides = array<i32>} : memref<24x128xf32, #tpu.memory_space<vmem>>, vector<16xf32>,
        %bitcast3A_720 = vector.bitcast %max3A_711 : vector<16xi32> to vector<16xf32>
        %mul3A_721 = arith.constant 2 : i32
        %mul3A_722 = arith.muli %mul3A_721, %scan3A_436 : i32
        %add3A_723 = arith.constant 1 : i32
        %add3A_724 = arith.addi %mul3A_722, %add3A_723 : i32
        %swap3A_725 = arith.constant 0 : i32
        %swap3A_726 = arith.constant 0 : i32
        %swap3A_727 = tpu.memref_slice %arg7[%scan3A_225, %swap3A_725, %swap3A_726] : memref<3x24x128xf32, #tpu.memory_space<vmem>> -> memref<1x24x128xf32, #tpu.memory_space<vmem>>
        %swap3A_728 = tpu.memref_squeeze %swap3A_727 : memref<1x24x128xf32, #tpu.memory_space<vmem>> -> memref<24x128xf32, #tpu.memory_space<vmem>>
        %swap3A_729 = arith.index_cast %add3A_724 : i32 to index
        %swap3A_730 = arith.constant 0 : index
        %swap3A_731 = tpu.vector_load %swap3A_728[%swap3A_729, %swap3A_730] {strides = array<i32>} : memref<24x128xf32, #tpu.memory_space<vmem>>, vector<16xf32>,
        tpu.vector_store %swap3A_728[%swap3A_729, %swap3A_730], %bitcast3A_720 {strides = array<i32>} : memref<24x128xf32, #tpu.memory_space<vmem>>, vector<16xf32>,
        %and3A = arith.constant -65536 : i32
        %and3A_732 = vector.broadcast %and3A : i32 to vector<16xi32>
        %and3A_733 = arith.andi %max3A_702, %and3A_732 : vector<16xi32>
        %bitcast3A_734 = vector.bitcast %and3A_733 : vector<16xi32> to vector<16xf32>
        %mul3A_735 = arith.constant 2 : i32
        %mul3A_736 = arith.muli %mul3A_735, %scan3A_436 : i32
        %swap3A_737 = arith.constant 0 : i32
        %swap3A_738 = arith.constant 0 : i32
        %swap3A_739 = tpu.memref_slice %arg7[%scan3A_225, %swap3A_737, %swap3A_738] : memref<3x24x128xf32, #tpu.memory_space<vmem>> -> memref<1x24x128xf32, #tpu.memory_space<vmem>>
        %swap3A_740 = tpu.memref_squeeze %swap3A_739 : memref<1x24x128xf32, #tpu.memory_space<vmem>> -> memref<24x128xf32, #tpu.memory_space<vmem>>
        %swap3A_741 = arith.index_cast %mul3A_736 : i32 to index
        %swap3A_742 = arith.constant 64 : index
        %swap3A_743 = tpu.vector_load %swap3A_740[%swap3A_741, %swap3A_742] {strides = array<i32>} : memref<24x128xf32, #tpu.memory_space<vmem>>, vector<16xf32>,
        tpu.vector_store %swap3A_740[%swap3A_741, %swap3A_742], %bitcast3A_734 {strides = array<i32>} : memref<24x128xf32, #tpu.memory_space<vmem>>, vector<16xf32>,
        %and3A_744 = arith.constant -65536 : i32
        %and3A_745 = vector.broadcast %and3A_744 : i32 to vector<16xi32>
        %and3A_746 = arith.andi %max3A_703, %and3A_745 : vector<16xi32>
        %bitcast3A_747 = vector.bitcast %and3A_746 : vector<16xi32> to vector<16xf32>
        %mul3A_748 = arith.constant 2 : i32
        %mul3A_749 = arith.muli %mul3A_748, %scan3A_436 : i32
        %add3A_750 = arith.constant 1 : i32
        %add3A_751 = arith.addi %mul3A_749, %add3A_750 : i32
        %swap3A_752 = arith.constant 0 : i32
        %swap3A_753 = arith.constant 0 : i32
        %swap3A_754 = tpu.memref_slice %arg7[%scan3A_225, %swap3A_752, %swap3A_753] : memref<3x24x128xf32, #tpu.memory_space<vmem>> -> memref<1x24x128xf32, #tpu.memory_space<vmem>>
        %swap3A_755 = tpu.memref_squeeze %swap3A_754 : memref<1x24x128xf32, #tpu.memory_space<vmem>> -> memref<24x128xf32, #tpu.memory_space<vmem>>
        %swap3A_756 = arith.index_cast %add3A_751 : i32 to index
        %swap3A_757 = arith.constant 64 : index
        %swap3A_758 = tpu.vector_load %swap3A_755[%swap3A_756, %swap3A_757] {strides = array<i32>} : memref<24x128xf32, #tpu.memory_space<vmem>>, vector<16xf32>,
        tpu.vector_store %swap3A_755[%swap3A_756, %swap3A_757], %bitcast3A_747 {strides = array<i32>} : memref<24x128xf32, #tpu.memory_space<vmem>>, vector<16xf32>,
        %get3A_759 = arith.constant 0 : i32
        %get3A_760 = arith.constant 0 : i32
        %get3A_761 = tpu.memref_slice %arg6[%scan3A_224, %get3A_759, %get3A_760] : memref<3x240x64xi32, #tpu.memory_space<vmem>> -> memref<1x240x64xi32, #tpu.memory_space<vmem>>
        %get3A_762 = tpu.memref_squeeze %get3A_761 : memref<1x240x64xi32, #tpu.memory_space<vmem>> -> memref<240x64xi32, #tpu.memory_space<vmem>>
        %get3A_763 = arith.index_cast %mul3A_440 : i32 to index
        %get3A_764 = arith.constant 16 : index
        %get3A_765 = tpu.vector_load %get3A_762[%get3A_763, %get3A_764] {strides = array<i32>} : memref<240x64xi32, #tpu.memory_space<vmem>>, vector<16xi32>,
        %get3A_766 = arith.constant 0 : i32
        %get3A_767 = arith.constant 0 : i32
        %get3A_768 = tpu.memref_slice %arg6[%scan3A_224, %get3A_766, %get3A_767] : memref<3x240x64xi32, #tpu.memory_space<vmem>> -> memref<1x240x64xi32, #tpu.memory_space<vmem>>
        %get3A_769 = tpu.memref_squeeze %get3A_768 : memref<1x240x64xi32, #tpu.memory_space<vmem>> -> memref<240x64xi32, #tpu.memory_space<vmem>>
        %get3A_770 = arith.index_cast %add3A_442 : i32 to index
        %get3A_771 = arith.constant 16 : index
        %get3A_772 = tpu.vector_load %get3A_769[%get3A_770, %get3A_771] {strides = array<i32>} : memref<240x64xi32, #tpu.memory_space<vmem>>, vector<16xi32>,
        %shift_left3A_773 = arith.constant 16 : i32
        %shift_left3A_774 = vector.broadcast %shift_left3A_773 : i32 to vector<16xi32>
        %shift_left3A_775 = arith.shli %get3A_765, %shift_left3A_774 : vector<16xi32>
        %shift_left3A_776 = arith.constant 16 : i32
        %shift_left3A_777 = vector.broadcast %shift_left3A_776 : i32 to vector<16xi32>
        %shift_left3A_778 = arith.shli %get3A_772, %shift_left3A_777 : vector<16xi32>
        %add3A_779 = arith.constant 1 : i32
        %add3A_780 = arith.addi %mul3A_440, %add3A_779 : i32
        %get3A_781 = arith.constant 0 : i32
        %get3A_782 = arith.constant 0 : i32
        %get3A_783 = tpu.memref_slice %arg6[%scan3A_224, %get3A_781, %get3A_782] : memref<3x240x64xi32, #tpu.memory_space<vmem>> -> memref<1x240x64xi32, #tpu.memory_space<vmem>>
        %get3A_784 = tpu.memref_squeeze %get3A_783 : memref<1x240x64xi32, #tpu.memory_space<vmem>> -> memref<240x64xi32, #tpu.memory_space<vmem>>
        %get3A_785 = arith.index_cast %add3A_780 : i32 to index
        %get3A_786 = arith.constant 16 : index
        %get3A_787 = tpu.vector_load %get3A_784[%get3A_785, %get3A_786] {strides = array<i32>} : memref<240x64xi32, #tpu.memory_space<vmem>>, vector<16xi32>,
        %add3A_788 = arith.constant 1 : i32
        %add3A_789 = arith.addi %add3A_442, %add3A_788 : i32
        %get3A_790 = arith.constant 0 : i32
        %get3A_791 = arith.constant 0 : i32
        %get3A_792 = tpu.memref_slice %arg6[%scan3A_224, %get3A_790, %get3A_791] : memref<3x240x64xi32, #tpu.memory_space<vmem>> -> memref<1x240x64xi32, #tpu.memory_space<vmem>>
        %get3A_793 = tpu.memref_squeeze %get3A_792 : memref<1x240x64xi32, #tpu.memory_space<vmem>> -> memref<240x64xi32, #tpu.memory_space<vmem>>
        %get3A_794 = arith.index_cast %add3A_789 : i32 to index
        %get3A_795 = arith.constant 16 : index
        %get3A_796 = tpu.vector_load %get3A_793[%get3A_794, %get3A_795] {strides = array<i32>} : memref<240x64xi32, #tpu.memory_space<vmem>>, vector<16xi32>,
        %max3A_797 = arith.maxsi %get3A_765, %get3A_787 : vector<16xi32>
        %max3A_798 = arith.maxsi %get3A_772, %get3A_796 : vector<16xi32>
        %shift_left3A_799 = arith.constant 16 : i32
        %shift_left3A_800 = vector.broadcast %shift_left3A_799 : i32 to vector<16xi32>
        %shift_left3A_801 = arith.shli %get3A_787, %shift_left3A_800 : vector<16xi32>
        %max3A_802 = arith.maxsi %shift_left3A_775, %shift_left3A_801 : vector<16xi32>
        %shift_left3A_803 = arith.constant 16 : i32
        %shift_left3A_804 = vector.broadcast %shift_left3A_803 : i32 to vector<16xi32>
        %shift_left3A_805 = arith.shli %get3A_796, %shift_left3A_804 : vector<16xi32>
        %max3A_806 = arith.maxsi %shift_left3A_778, %shift_left3A_805 : vector<16xi32>
        %add3A_807 = arith.constant 2 : i32
        %add3A_808 = arith.addi %mul3A_440, %add3A_807 : i32
        %get3A_809 = arith.constant 0 : i32
        %get3A_810 = arith.constant 0 : i32
        %get3A_811 = tpu.memref_slice %arg6[%scan3A_224, %get3A_809, %get3A_810] : memref<3x240x64xi32, #tpu.memory_space<vmem>> -> memref<1x240x64xi32, #tpu.memory_space<vmem>>
        %get3A_812 = tpu.memref_squeeze %get3A_811 : memref<1x240x64xi32, #tpu.memory_space<vmem>> -> memref<240x64xi32, #tpu.memory_space<vmem>>
        %get3A_813 = arith.index_cast %add3A_808 : i32 to index
        %get3A_814 = arith.constant 16 : index
        %get3A_815 = tpu.vector_load %get3A_812[%get3A_813, %get3A_814] {strides = array<i32>} : memref<240x64xi32, #tpu.memory_space<vmem>>, vector<16xi32>,
        %add3A_816 = arith.constant 2 : i32
        %add3A_817 = arith.addi %add3A_442, %add3A_816 : i32
        %get3A_818 = arith.constant 0 : i32
        %get3A_819 = arith.constant 0 : i32
        %get3A_820 = tpu.memref_slice %arg6[%scan3A_224, %get3A_818, %get3A_819] : memref<3x240x64xi32, #tpu.memory_space<vmem>> -> memref<1x240x64xi32, #tpu.memory_space<vmem>>
        %get3A_821 = tpu.memref_squeeze %get3A_820 : memref<1x240x64xi32, #tpu.memory_space<vmem>> -> memref<240x64xi32, #tpu.memory_space<vmem>>
        %get3A_822 = arith.index_cast %add3A_817 : i32 to index
        %get3A_823 = arith.constant 16 : index
        %get3A_824 = tpu.vector_load %get3A_821[%get3A_822, %get3A_823] {strides = array<i32>} : memref<240x64xi32, #tpu.memory_space<vmem>>, vector<16xi32>,
        %max3A_825 = arith.maxsi %max3A_797, %get3A_815 : vector<16xi32>
        %max3A_826 = arith.maxsi %max3A_798, %get3A_824 : vector<16xi32>
        %shift_left3A_827 = arith.constant 16 : i32
        %shift_left3A_828 = vector.broadcast %shift_left3A_827 : i32 to vector<16xi32>
        %shift_left3A_829 = arith.shli %get3A_815, %shift_left3A_828 : vector<16xi32>
        %max3A_830 = arith.maxsi %max3A_802, %shift_left3A_829 : vector<16xi32>
        %shift_left3A_831 = arith.constant 16 : i32
        %shift_left3A_832 = vector.broadcast %shift_left3A_831 : i32 to vector<16xi32>
        %shift_left3A_833 = arith.shli %get3A_824, %shift_left3A_832 : vector<16xi32>
        %max3A_834 = arith.maxsi %max3A_806, %shift_left3A_833 : vector<16xi32>
        %add3A_835 = arith.constant 3 : i32
        %add3A_836 = arith.addi %mul3A_440, %add3A_835 : i32
        %get3A_837 = arith.constant 0 : i32
        %get3A_838 = arith.constant 0 : i32
        %get3A_839 = tpu.memref_slice %arg6[%scan3A_224, %get3A_837, %get3A_838] : memref<3x240x64xi32, #tpu.memory_space<vmem>> -> memref<1x240x64xi32, #tpu.memory_space<vmem>>
        %get3A_840 = tpu.memref_squeeze %get3A_839 : memref<1x240x64xi32, #tpu.memory_space<vmem>> -> memref<240x64xi32, #tpu.memory_space<vmem>>
        %get3A_841 = arith.index_cast %add3A_836 : i32 to index
        %get3A_842 = arith.constant 16 : index
        %get3A_843 = tpu.vector_load %get3A_840[%get3A_841, %get3A_842] {strides = array<i32>} : memref<240x64xi32, #tpu.memory_space<vmem>>, vector<16xi32>,
        %add3A_844 = arith.constant 3 : i32
        %add3A_845 = arith.addi %add3A_442, %add3A_844 : i32
        %get3A_846 = arith.constant 0 : i32
        %get3A_847 = arith.constant 0 : i32
        %get3A_848 = tpu.memref_slice %arg6[%scan3A_224, %get3A_846, %get3A_847] : memref<3x240x64xi32, #tpu.memory_space<vmem>> -> memref<1x240x64xi32, #tpu.memory_space<vmem>>
        %get3A_849 = tpu.memref_squeeze %get3A_848 : memref<1x240x64xi32, #tpu.memory_space<vmem>> -> memref<240x64xi32, #tpu.memory_space<vmem>>
        %get3A_850 = arith.index_cast %add3A_845 : i32 to index
        %get3A_851 = arith.constant 16 : index
        %get3A_852 = tpu.vector_load %get3A_849[%get3A_850, %get3A_851] {strides = array<i32>} : memref<240x64xi32, #tpu.memory_space<vmem>>, vector<16xi32>,
        %max3A_853 = arith.maxsi %max3A_825, %get3A_843 : vector<16xi32>
        %max3A_854 = arith.maxsi %max3A_826, %get3A_852 : vector<16xi32>
        %shift_left3A_855 = arith.constant 16 : i32
        %shift_left3A_856 = vector.broadcast %shift_left3A_855 : i32 to vector<16xi32>
        %shift_left3A_857 = arith.shli %get3A_843, %shift_left3A_856 : vector<16xi32>
        %max3A_858 = arith.maxsi %max3A_830, %shift_left3A_857 : vector<16xi32>
        %shift_left3A_859 = arith.constant 16 : i32
        %shift_left3A_860 = vector.broadcast %shift_left3A_859 : i32 to vector<16xi32>
        %shift_left3A_861 = arith.shli %get3A_852, %shift_left3A_860 : vector<16xi32>
        %max3A_862 = arith.maxsi %max3A_834, %shift_left3A_861 : vector<16xi32>
        %add3A_863 = arith.constant 4 : i32
        %add3A_864 = arith.addi %mul3A_440, %add3A_863 : i32
        %get3A_865 = arith.constant 0 : i32
        %get3A_866 = arith.constant 0 : i32
        %get3A_867 = tpu.memref_slice %arg6[%scan3A_224, %get3A_865, %get3A_866] : memref<3x240x64xi32, #tpu.memory_space<vmem>> -> memref<1x240x64xi32, #tpu.memory_space<vmem>>
        %get3A_868 = tpu.memref_squeeze %get3A_867 : memref<1x240x64xi32, #tpu.memory_space<vmem>> -> memref<240x64xi32, #tpu.memory_space<vmem>>
        %get3A_869 = arith.index_cast %add3A_864 : i32 to index
        %get3A_870 = arith.constant 16 : index
        %get3A_871 = tpu.vector_load %get3A_868[%get3A_869, %get3A_870] {strides = array<i32>} : memref<240x64xi32, #tpu.memory_space<vmem>>, vector<16xi32>,
        %add3A_872 = arith.constant 4 : i32
        %add3A_873 = arith.addi %add3A_442, %add3A_872 : i32
        %get3A_874 = arith.constant 0 : i32
        %get3A_875 = arith.constant 0 : i32
        %get3A_876 = tpu.memref_slice %arg6[%scan3A_224, %get3A_874, %get3A_875] : memref<3x240x64xi32, #tpu.memory_space<vmem>> -> memref<1x240x64xi32, #tpu.memory_space<vmem>>
        %get3A_877 = tpu.memref_squeeze %get3A_876 : memref<1x240x64xi32, #tpu.memory_space<vmem>> -> memref<240x64xi32, #tpu.memory_space<vmem>>
        %get3A_878 = arith.index_cast %add3A_873 : i32 to index
        %get3A_879 = arith.constant 16 : index
        %get3A_880 = tpu.vector_load %get3A_877[%get3A_878, %get3A_879] {strides = array<i32>} : memref<240x64xi32, #tpu.memory_space<vmem>>, vector<16xi32>,
        %max3A_881 = arith.maxsi %max3A_853, %get3A_871 : vector<16xi32>
        %max3A_882 = arith.maxsi %max3A_854, %get3A_880 : vector<16xi32>
        %shift_left3A_883 = arith.constant 16 : i32
        %shift_left3A_884 = vector.broadcast %shift_left3A_883 : i32 to vector<16xi32>
        %shift_left3A_885 = arith.shli %get3A_871, %shift_left3A_884 : vector<16xi32>
        %max3A_886 = arith.maxsi %max3A_858, %shift_left3A_885 : vector<16xi32>
        %shift_left3A_887 = arith.constant 16 : i32
        %shift_left3A_888 = vector.broadcast %shift_left3A_887 : i32 to vector<16xi32>
        %shift_left3A_889 = arith.shli %get3A_880, %shift_left3A_888 : vector<16xi32>
        %max3A_890 = arith.maxsi %max3A_862, %shift_left3A_889 : vector<16xi32>
        %add3A_891 = arith.constant 5 : i32
        %add3A_892 = arith.addi %mul3A_440, %add3A_891 : i32
        %get3A_893 = arith.constant 0 : i32
        %get3A_894 = arith.constant 0 : i32
        %get3A_895 = tpu.memref_slice %arg6[%scan3A_224, %get3A_893, %get3A_894] : memref<3x240x64xi32, #tpu.memory_space<vmem>> -> memref<1x240x64xi32, #tpu.memory_space<vmem>>
        %get3A_896 = tpu.memref_squeeze %get3A_895 : memref<1x240x64xi32, #tpu.memory_space<vmem>> -> memref<240x64xi32, #tpu.memory_space<vmem>>
        %get3A_897 = arith.index_cast %add3A_892 : i32 to index
        %get3A_898 = arith.constant 16 : index
        %get3A_899 = tpu.vector_load %get3A_896[%get3A_897, %get3A_898] {strides = array<i32>} : memref<240x64xi32, #tpu.memory_space<vmem>>, vector<16xi32>,
        %add3A_900 = arith.constant 5 : i32
        %add3A_901 = arith.addi %add3A_442, %add3A_900 : i32
        %get3A_902 = arith.constant 0 : i32
        %get3A_903 = arith.constant 0 : i32
        %get3A_904 = tpu.memref_slice %arg6[%scan3A_224, %get3A_902, %get3A_903] : memref<3x240x64xi32, #tpu.memory_space<vmem>> -> memref<1x240x64xi32, #tpu.memory_space<vmem>>
        %get3A_905 = tpu.memref_squeeze %get3A_904 : memref<1x240x64xi32, #tpu.memory_space<vmem>> -> memref<240x64xi32, #tpu.memory_space<vmem>>
        %get3A_906 = arith.index_cast %add3A_901 : i32 to index
        %get3A_907 = arith.constant 16 : index
        %get3A_908 = tpu.vector_load %get3A_905[%get3A_906, %get3A_907] {strides = array<i32>} : memref<240x64xi32, #tpu.memory_space<vmem>>, vector<16xi32>,
        %max3A_909 = arith.maxsi %max3A_881, %get3A_899 : vector<16xi32>
        %max3A_910 = arith.maxsi %max3A_882, %get3A_908 : vector<16xi32>
        %shift_left3A_911 = arith.constant 16 : i32
        %shift_left3A_912 = vector.broadcast %shift_left3A_911 : i32 to vector<16xi32>
        %shift_left3A_913 = arith.shli %get3A_899, %shift_left3A_912 : vector<16xi32>
        %max3A_914 = arith.maxsi %max3A_886, %shift_left3A_913 : vector<16xi32>
        %shift_left3A_915 = arith.constant 16 : i32
        %shift_left3A_916 = vector.broadcast %shift_left3A_915 : i32 to vector<16xi32>
        %shift_left3A_917 = arith.shli %get3A_908, %shift_left3A_916 : vector<16xi32>
        %max3A_918 = arith.maxsi %max3A_890, %shift_left3A_917 : vector<16xi32>
        %add3A_919 = arith.constant 6 : i32
        %add3A_920 = arith.addi %mul3A_440, %add3A_919 : i32
        %get3A_921 = arith.constant 0 : i32
        %get3A_922 = arith.constant 0 : i32
        %get3A_923 = tpu.memref_slice %arg6[%scan3A_224, %get3A_921, %get3A_922] : memref<3x240x64xi32, #tpu.memory_space<vmem>> -> memref<1x240x64xi32, #tpu.memory_space<vmem>>
        %get3A_924 = tpu.memref_squeeze %get3A_923 : memref<1x240x64xi32, #tpu.memory_space<vmem>> -> memref<240x64xi32, #tpu.memory_space<vmem>>
        %get3A_925 = arith.index_cast %add3A_920 : i32 to index
        %get3A_926 = arith.constant 16 : index
        %get3A_927 = tpu.vector_load %get3A_924[%get3A_925, %get3A_926] {strides = array<i32>} : memref<240x64xi32, #tpu.memory_space<vmem>>, vector<16xi32>,
        %add3A_928 = arith.constant 6 : i32
        %add3A_929 = arith.addi %add3A_442, %add3A_928 : i32
        %get3A_930 = arith.constant 0 : i32
        %get3A_931 = arith.constant 0 : i32
        %get3A_932 = tpu.memref_slice %arg6[%scan3A_224, %get3A_930, %get3A_931] : memref<3x240x64xi32, #tpu.memory_space<vmem>> -> memref<1x240x64xi32, #tpu.memory_space<vmem>>
        %get3A_933 = tpu.memref_squeeze %get3A_932 : memref<1x240x64xi32, #tpu.memory_space<vmem>> -> memref<240x64xi32, #tpu.memory_space<vmem>>
        %get3A_934 = arith.index_cast %add3A_929 : i32 to index
        %get3A_935 = arith.constant 16 : index
        %get3A_936 = tpu.vector_load %get3A_933[%get3A_934, %get3A_935] {strides = array<i32>} : memref<240x64xi32, #tpu.memory_space<vmem>>, vector<16xi32>,
        %max3A_937 = arith.maxsi %max3A_909, %get3A_927 : vector<16xi32>
        %max3A_938 = arith.maxsi %max3A_910, %get3A_936 : vector<16xi32>
        %shift_left3A_939 = arith.constant 16 : i32
        %shift_left3A_940 = vector.broadcast %shift_left3A_939 : i32 to vector<16xi32>
        %shift_left3A_941 = arith.shli %get3A_927, %shift_left3A_940 : vector<16xi32>
        %max3A_942 = arith.maxsi %max3A_914, %shift_left3A_941 : vector<16xi32>
        %shift_left3A_943 = arith.constant 16 : i32
        %shift_left3A_944 = vector.broadcast %shift_left3A_943 : i32 to vector<16xi32>
        %shift_left3A_945 = arith.shli %get3A_936, %shift_left3A_944 : vector<16xi32>
        %max3A_946 = arith.maxsi %max3A_918, %shift_left3A_945 : vector<16xi32>
        %add3A_947 = arith.constant 7 : i32
        %add3A_948 = arith.addi %mul3A_440, %add3A_947 : i32
        %get3A_949 = arith.constant 0 : i32
        %get3A_950 = arith.constant 0 : i32
        %get3A_951 = tpu.memref_slice %arg6[%scan3A_224, %get3A_949, %get3A_950] : memref<3x240x64xi32, #tpu.memory_space<vmem>> -> memref<1x240x64xi32, #tpu.memory_space<vmem>>
        %get3A_952 = tpu.memref_squeeze %get3A_951 : memref<1x240x64xi32, #tpu.memory_space<vmem>> -> memref<240x64xi32, #tpu.memory_space<vmem>>
        %get3A_953 = arith.index_cast %add3A_948 : i32 to index
        %get3A_954 = arith.constant 16 : index
        %get3A_955 = tpu.vector_load %get3A_952[%get3A_953, %get3A_954] {strides = array<i32>} : memref<240x64xi32, #tpu.memory_space<vmem>>, vector<16xi32>,
        %add3A_956 = arith.constant 7 : i32
        %add3A_957 = arith.addi %add3A_442, %add3A_956 : i32
        %get3A_958 = arith.constant 0 : i32
        %get3A_959 = arith.constant 0 : i32
        %get3A_960 = tpu.memref_slice %arg6[%scan3A_224, %get3A_958, %get3A_959] : memref<3x240x64xi32, #tpu.memory_space<vmem>> -> memref<1x240x64xi32, #tpu.memory_space<vmem>>
        %get3A_961 = tpu.memref_squeeze %get3A_960 : memref<1x240x64xi32, #tpu.memory_space<vmem>> -> memref<240x64xi32, #tpu.memory_space<vmem>>
        %get3A_962 = arith.index_cast %add3A_957 : i32 to index
        %get3A_963 = arith.constant 16 : index
        %get3A_964 = tpu.vector_load %get3A_961[%get3A_962, %get3A_963] {strides = array<i32>} : memref<240x64xi32, #tpu.memory_space<vmem>>, vector<16xi32>,
        %max3A_965 = arith.maxsi %max3A_937, %get3A_955 : vector<16xi32>
        %max3A_966 = arith.maxsi %max3A_938, %get3A_964 : vector<16xi32>
        %shift_left3A_967 = arith.constant 16 : i32
        %shift_left3A_968 = vector.broadcast %shift_left3A_967 : i32 to vector<16xi32>
        %shift_left3A_969 = arith.shli %get3A_955, %shift_left3A_968 : vector<16xi32>
        %max3A_970 = arith.maxsi %max3A_942, %shift_left3A_969 : vector<16xi32>
        %shift_left3A_971 = arith.constant 16 : i32
        %shift_left3A_972 = vector.broadcast %shift_left3A_971 : i32 to vector<16xi32>
        %shift_left3A_973 = arith.shli %get3A_964, %shift_left3A_972 : vector<16xi32>
        %max3A_974 = arith.maxsi %max3A_946, %shift_left3A_973 : vector<16xi32>
        %add3A_975 = arith.constant 8 : i32
        %add3A_976 = arith.addi %mul3A_440, %add3A_975 : i32
        %get3A_977 = arith.constant 0 : i32
        %get3A_978 = arith.constant 0 : i32
        %get3A_979 = tpu.memref_slice %arg6[%scan3A_224, %get3A_977, %get3A_978] : memref<3x240x64xi32, #tpu.memory_space<vmem>> -> memref<1x240x64xi32, #tpu.memory_space<vmem>>
        %get3A_980 = tpu.memref_squeeze %get3A_979 : memref<1x240x64xi32, #tpu.memory_space<vmem>> -> memref<240x64xi32, #tpu.memory_space<vmem>>
        %get3A_981 = arith.index_cast %add3A_976 : i32 to index
        %get3A_982 = arith.constant 16 : index
        %get3A_983 = tpu.vector_load %get3A_980[%get3A_981, %get3A_982] {strides = array<i32>} : memref<240x64xi32, #tpu.memory_space<vmem>>, vector<16xi32>,
        %add3A_984 = arith.constant 8 : i32
        %add3A_985 = arith.addi %add3A_442, %add3A_984 : i32
        %get3A_986 = arith.constant 0 : i32
        %get3A_987 = arith.constant 0 : i32
        %get3A_988 = tpu.memref_slice %arg6[%scan3A_224, %get3A_986, %get3A_987] : memref<3x240x64xi32, #tpu.memory_space<vmem>> -> memref<1x240x64xi32, #tpu.memory_space<vmem>>
        %get3A_989 = tpu.memref_squeeze %get3A_988 : memref<1x240x64xi32, #tpu.memory_space<vmem>> -> memref<240x64xi32, #tpu.memory_space<vmem>>
        %get3A_990 = arith.index_cast %add3A_985 : i32 to index
        %get3A_991 = arith.constant 16 : index
        %get3A_992 = tpu.vector_load %get3A_989[%get3A_990, %get3A_991] {strides = array<i32>} : memref<240x64xi32, #tpu.memory_space<vmem>>, vector<16xi32>,
        %max3A_993 = arith.maxsi %max3A_965, %get3A_983 : vector<16xi32>
        %max3A_994 = arith.maxsi %max3A_966, %get3A_992 : vector<16xi32>
        %shift_left3A_995 = arith.constant 16 : i32
        %shift_left3A_996 = vector.broadcast %shift_left3A_995 : i32 to vector<16xi32>
        %shift_left3A_997 = arith.shli %get3A_983, %shift_left3A_996 : vector<16xi32>
        %max3A_998 = arith.maxsi %max3A_970, %shift_left3A_997 : vector<16xi32>
        %shift_left3A_999 = arith.constant 16 : i32
        %shift_left3A_1000 = vector.broadcast %shift_left3A_999 : i32 to vector<16xi32>
        %shift_left3A_1001 = arith.shli %get3A_992, %shift_left3A_1000 : vector<16xi32>
        %max3A_1002 = arith.maxsi %max3A_974, %shift_left3A_1001 : vector<16xi32>
        %add3A_1003 = arith.constant 9 : i32
        %add3A_1004 = arith.addi %mul3A_440, %add3A_1003 : i32
        %get3A_1005 = arith.constant 0 : i32
        %get3A_1006 = arith.constant 0 : i32
        %get3A_1007 = tpu.memref_slice %arg6[%scan3A_224, %get3A_1005, %get3A_1006] : memref<3x240x64xi32, #tpu.memory_space<vmem>> -> memref<1x240x64xi32, #tpu.memory_space<vmem>>
        %get3A_1008 = tpu.memref_squeeze %get3A_1007 : memref<1x240x64xi32, #tpu.memory_space<vmem>> -> memref<240x64xi32, #tpu.memory_space<vmem>>
        %get3A_1009 = arith.index_cast %add3A_1004 : i32 to index
        %get3A_1010 = arith.constant 16 : index
        %get3A_1011 = tpu.vector_load %get3A_1008[%get3A_1009, %get3A_1010] {strides = array<i32>} : memref<240x64xi32, #tpu.memory_space<vmem>>, vector<16xi32>,
        %add3A_1012 = arith.constant 9 : i32
        %add3A_1013 = arith.addi %add3A_442, %add3A_1012 : i32
        %get3A_1014 = arith.constant 0 : i32
        %get3A_1015 = arith.constant 0 : i32
        %get3A_1016 = tpu.memref_slice %arg6[%scan3A_224, %get3A_1014, %get3A_1015] : memref<3x240x64xi32, #tpu.memory_space<vmem>> -> memref<1x240x64xi32, #tpu.memory_space<vmem>>
        %get3A_1017 = tpu.memref_squeeze %get3A_1016 : memref<1x240x64xi32, #tpu.memory_space<vmem>> -> memref<240x64xi32, #tpu.memory_space<vmem>>
        %get3A_1018 = arith.index_cast %add3A_1013 : i32 to index
        %get3A_1019 = arith.constant 16 : index
        %get3A_1020 = tpu.vector_load %get3A_1017[%get3A_1018, %get3A_1019] {strides = array<i32>} : memref<240x64xi32, #tpu.memory_space<vmem>>, vector<16xi32>,
        %max3A_1021 = arith.maxsi %max3A_993, %get3A_1011 : vector<16xi32>
        %max3A_1022 = arith.maxsi %max3A_994, %get3A_1020 : vector<16xi32>
        %shift_left3A_1023 = arith.constant 16 : i32
        %shift_left3A_1024 = vector.broadcast %shift_left3A_1023 : i32 to vector<16xi32>
        %shift_left3A_1025 = arith.shli %get3A_1011, %shift_left3A_1024 : vector<16xi32>
        %max3A_1026 = arith.maxsi %max3A_998, %shift_left3A_1025 : vector<16xi32>
        %shift_left3A_1027 = arith.constant 16 : i32
        %shift_left3A_1028 = vector.broadcast %shift_left3A_1027 : i32 to vector<16xi32>
        %shift_left3A_1029 = arith.shli %get3A_1020, %shift_left3A_1028 : vector<16xi32>
        %max3A_1030 = arith.maxsi %max3A_1002, %shift_left3A_1029 : vector<16xi32>
        %bitcast3A_1031 = vector.bitcast %max3A_1026 : vector<16xi32> to vector<16xf32>
        %mul3A_1032 = arith.constant 2 : i32
        %mul3A_1033 = arith.muli %mul3A_1032, %scan3A_436 : i32
        %swap3A_1034 = arith.constant 0 : i32
        %swap3A_1035 = arith.constant 0 : i32
        %swap3A_1036 = tpu.memref_slice %arg7[%scan3A_225, %swap3A_1034, %swap3A_1035] : memref<3x24x128xf32, #tpu.memory_space<vmem>> -> memref<1x24x128xf32, #tpu.memory_space<vmem>>
        %swap3A_1037 = tpu.memref_squeeze %swap3A_1036 : memref<1x24x128xf32, #tpu.memory_space<vmem>> -> memref<24x128xf32, #tpu.memory_space<vmem>>
        %swap3A_1038 = arith.index_cast %mul3A_1033 : i32 to index
        %swap3A_1039 = arith.constant 16 : index
        %swap3A_1040 = tpu.vector_load %swap3A_1037[%swap3A_1038, %swap3A_1039] {strides = array<i32>} : memref<24x128xf32, #tpu.memory_space<vmem>>, vector<16xf32>,
        tpu.vector_store %swap3A_1037[%swap3A_1038, %swap3A_1039], %bitcast3A_1031 {strides = array<i32>} : memref<24x128xf32, #tpu.memory_space<vmem>>, vector<16xf32>,
        %bitcast3A_1041 = vector.bitcast %max3A_1030 : vector<16xi32> to vector<16xf32>
        %mul3A_1042 = arith.constant 2 : i32
        %mul3A_1043 = arith.muli %mul3A_1042, %scan3A_436 : i32
        %add3A_1044 = arith.constant 1 : i32
        %add3A_1045 = arith.addi %mul3A_1043, %add3A_1044 : i32
        %swap3A_1046 = arith.constant 0 : i32
        %swap3A_1047 = arith.constant 0 : i32
        %swap3A_1048 = tpu.memref_slice %arg7[%scan3A_225, %swap3A_1046, %swap3A_1047] : memref<3x24x128xf32, #tpu.memory_space<vmem>> -> memref<1x24x128xf32, #tpu.memory_space<vmem>>
        %swap3A_1049 = tpu.memref_squeeze %swap3A_1048 : memref<1x24x128xf32, #tpu.memory_space<vmem>> -> memref<24x128xf32, #tpu.memory_space<vmem>>
        %swap3A_1050 = arith.index_cast %add3A_1045 : i32 to index
        %swap3A_1051 = arith.constant 16 : index
        %swap3A_1052 = tpu.vector_load %swap3A_1049[%swap3A_1050, %swap3A_1051] {strides = array<i32>} : memref<24x128xf32, #tpu.memory_space<vmem>>, vector<16xf32>,
        tpu.vector_store %swap3A_1049[%swap3A_1050, %swap3A_1051], %bitcast3A_1041 {strides = array<i32>} : memref<24x128xf32, #tpu.memory_space<vmem>>, vector<16xf32>,
        %and3A_1053 = arith.constant -65536 : i32
        %and3A_1054 = vector.broadcast %and3A_1053 : i32 to vector<16xi32>
        %and3A_1055 = arith.andi %max3A_1021, %and3A_1054 : vector<16xi32>
        %bitcast3A_1056 = vector.bitcast %and3A_1055 : vector<16xi32> to vector<16xf32>
        %mul3A_1057 = arith.constant 2 : i32
        %mul3A_1058 = arith.muli %mul3A_1057, %scan3A_436 : i32
        %swap3A_1059 = arith.constant 0 : i32
        %swap3A_1060 = arith.constant 0 : i32
        %swap3A_1061 = tpu.memref_slice %arg7[%scan3A_225, %swap3A_1059, %swap3A_1060] : memref<3x24x128xf32, #tpu.memory_space<vmem>> -> memref<1x24x128xf32, #tpu.memory_space<vmem>>
        %swap3A_1062 = tpu.memref_squeeze %swap3A_1061 : memref<1x24x128xf32, #tpu.memory_space<vmem>> -> memref<24x128xf32, #tpu.memory_space<vmem>>
        %swap3A_1063 = arith.index_cast %mul3A_1058 : i32 to index
        %swap3A_1064 = arith.constant 80 : index
        %swap3A_1065 = tpu.vector_load %swap3A_1062[%swap3A_1063, %swap3A_1064] {strides = array<i32>} : memref<24x128xf32, #tpu.memory_space<vmem>>, vector<16xf32>,
        tpu.vector_store %swap3A_1062[%swap3A_1063, %swap3A_1064], %bitcast3A_1056 {strides = array<i32>} : memref<24x128xf32, #tpu.memory_space<vmem>>, vector<16xf32>,
        %and3A_1066 = arith.constant -65536 : i32
        %and3A_1067 = vector.broadcast %and3A_1066 : i32 to vector<16xi32>
        %and3A_1068 = arith.andi %max3A_1022, %and3A_1067 : vector<16xi32>
        %bitcast3A_1069 = vector.bitcast %and3A_1068 : vector<16xi32> to vector<16xf32>
        %mul3A_1070 = arith.constant 2 : i32
        %mul3A_1071 = arith.muli %mul3A_1070, %scan3A_436 : i32
        %add3A_1072 = arith.constant 1 : i32
        %add3A_1073 = arith.addi %mul3A_1071, %add3A_1072 : i32
        %swap3A_1074 = arith.constant 0 : i32
        %swap3A_1075 = arith.constant 0 : i32
        %swap3A_1076 = tpu.memref_slice %arg7[%scan3A_225, %swap3A_1074, %swap3A_1075] : memref<3x24x128xf32, #tpu.memory_space<vmem>> -> memref<1x24x128xf32, #tpu.memory_space<vmem>>
        %swap3A_1077 = tpu.memref_squeeze %swap3A_1076 : memref<1x24x128xf32, #tpu.memory_space<vmem>> -> memref<24x128xf32, #tpu.memory_space<vmem>>
        %swap3A_1078 = arith.index_cast %add3A_1073 : i32 to index
        %swap3A_1079 = arith.constant 80 : index
        %swap3A_1080 = tpu.vector_load %swap3A_1077[%swap3A_1078, %swap3A_1079] {strides = array<i32>} : memref<24x128xf32, #tpu.memory_space<vmem>>, vector<16xf32>,
        tpu.vector_store %swap3A_1077[%swap3A_1078, %swap3A_1079], %bitcast3A_1069 {strides = array<i32>} : memref<24x128xf32, #tpu.memory_space<vmem>>, vector<16xf32>,
        %get3A_1081 = arith.constant 0 : i32
        %get3A_1082 = arith.constant 0 : i32
        %get3A_1083 = tpu.memref_slice %arg6[%scan3A_224, %get3A_1081, %get3A_1082] : memref<3x240x64xi32, #tpu.memory_space<vmem>> -> memref<1x240x64xi32, #tpu.memory_space<vmem>>
        %get3A_1084 = tpu.memref_squeeze %get3A_1083 : memref<1x240x64xi32, #tpu.memory_space<vmem>> -> memref<240x64xi32, #tpu.memory_space<vmem>>
        %get3A_1085 = arith.index_cast %mul3A_440 : i32 to index
        %get3A_1086 = arith.constant 32 : index
        %get3A_1087 = tpu.vector_load %get3A_1084[%get3A_1085, %get3A_1086] {strides = array<i32>} : memref<240x64xi32, #tpu.memory_space<vmem>>, vector<16xi32>,
        %get3A_1088 = arith.constant 0 : i32
        %get3A_1089 = arith.constant 0 : i32
        %get3A_1090 = tpu.memref_slice %arg6[%scan3A_224, %get3A_1088, %get3A_1089] : memref<3x240x64xi32, #tpu.memory_space<vmem>> -> memref<1x240x64xi32, #tpu.memory_space<vmem>>
        %get3A_1091 = tpu.memref_squeeze %get3A_1090 : memref<1x240x64xi32, #tpu.memory_space<vmem>> -> memref<240x64xi32, #tpu.memory_space<vmem>>
        %get3A_1092 = arith.index_cast %add3A_442 : i32 to index
        %get3A_1093 = arith.constant 32 : index
        %get3A_1094 = tpu.vector_load %get3A_1091[%get3A_1092, %get3A_1093] {strides = array<i32>} : memref<240x64xi32, #tpu.memory_space<vmem>>, vector<16xi32>,
        %shift_left3A_1095 = arith.constant 16 : i32
        %shift_left3A_1096 = vector.broadcast %shift_left3A_1095 : i32 to vector<16xi32>
        %shift_left3A_1097 = arith.shli %get3A_1087, %shift_left3A_1096 : vector<16xi32>
        %shift_left3A_1098 = arith.constant 16 : i32
        %shift_left3A_1099 = vector.broadcast %shift_left3A_1098 : i32 to vector<16xi32>
        %shift_left3A_1100 = arith.shli %get3A_1094, %shift_left3A_1099 : vector<16xi32>
        %add3A_1101 = arith.constant 1 : i32
        %add3A_1102 = arith.addi %mul3A_440, %add3A_1101 : i32
        %get3A_1103 = arith.constant 0 : i32
        %get3A_1104 = arith.constant 0 : i32
        %get3A_1105 = tpu.memref_slice %arg6[%scan3A_224, %get3A_1103, %get3A_1104] : memref<3x240x64xi32, #tpu.memory_space<vmem>> -> memref<1x240x64xi32, #tpu.memory_space<vmem>>
        %get3A_1106 = tpu.memref_squeeze %get3A_1105 : memref<1x240x64xi32, #tpu.memory_space<vmem>> -> memref<240x64xi32, #tpu.memory_space<vmem>>
        %get3A_1107 = arith.index_cast %add3A_1102 : i32 to index
        %get3A_1108 = arith.constant 32 : index
        %get3A_1109 = tpu.vector_load %get3A_1106[%get3A_1107, %get3A_1108] {strides = array<i32>} : memref<240x64xi32, #tpu.memory_space<vmem>>, vector<16xi32>,
        %add3A_1110 = arith.constant 1 : i32
        %add3A_1111 = arith.addi %add3A_442, %add3A_1110 : i32
        %get3A_1112 = arith.constant 0 : i32
        %get3A_1113 = arith.constant 0 : i32
        %get3A_1114 = tpu.memref_slice %arg6[%scan3A_224, %get3A_1112, %get3A_1113] : memref<3x240x64xi32, #tpu.memory_space<vmem>> -> memref<1x240x64xi32, #tpu.memory_space<vmem>>
        %get3A_1115 = tpu.memref_squeeze %get3A_1114 : memref<1x240x64xi32, #tpu.memory_space<vmem>> -> memref<240x64xi32, #tpu.memory_space<vmem>>
        %get3A_1116 = arith.index_cast %add3A_1111 : i32 to index
        %get3A_1117 = arith.constant 32 : index
        %get3A_1118 = tpu.vector_load %get3A_1115[%get3A_1116, %get3A_1117] {strides = array<i32>} : memref<240x64xi32, #tpu.memory_space<vmem>>, vector<16xi32>,
        %max3A_1119 = arith.maxsi %get3A_1087, %get3A_1109 : vector<16xi32>
        %max3A_1120 = arith.maxsi %get3A_1094, %get3A_1118 : vector<16xi32>
        %shift_left3A_1121 = arith.constant 16 : i32
        %shift_left3A_1122 = vector.broadcast %shift_left3A_1121 : i32 to vector<16xi32>
        %shift_left3A_1123 = arith.shli %get3A_1109, %shift_left3A_1122 : vector<16xi32>
        %max3A_1124 = arith.maxsi %shift_left3A_1097, %shift_left3A_1123 : vector<16xi32>
        %shift_left3A_1125 = arith.constant 16 : i32
        %shift_left3A_1126 = vector.broadcast %shift_left3A_1125 : i32 to vector<16xi32>
        %shift_left3A_1127 = arith.shli %get3A_1118, %shift_left3A_1126 : vector<16xi32>
        %max3A_1128 = arith.maxsi %shift_left3A_1100, %shift_left3A_1127 : vector<16xi32>
        %add3A_1129 = arith.constant 2 : i32
        %add3A_1130 = arith.addi %mul3A_440, %add3A_1129 : i32
        %get3A_1131 = arith.constant 0 : i32
        %get3A_1132 = arith.constant 0 : i32
        %get3A_1133 = tpu.memref_slice %arg6[%scan3A_224, %get3A_1131, %get3A_1132] : memref<3x240x64xi32, #tpu.memory_space<vmem>> -> memref<1x240x64xi32, #tpu.memory_space<vmem>>
        %get3A_1134 = tpu.memref_squeeze %get3A_1133 : memref<1x240x64xi32, #tpu.memory_space<vmem>> -> memref<240x64xi32, #tpu.memory_space<vmem>>
        %get3A_1135 = arith.index_cast %add3A_1130 : i32 to index
        %get3A_1136 = arith.constant 32 : index
        %get3A_1137 = tpu.vector_load %get3A_1134[%get3A_1135, %get3A_1136] {strides = array<i32>} : memref<240x64xi32, #tpu.memory_space<vmem>>, vector<16xi32>,
        %add3A_1138 = arith.constant 2 : i32
        %add3A_1139 = arith.addi %add3A_442, %add3A_1138 : i32
        %get3A_1140 = arith.constant 0 : i32
        %get3A_1141 = arith.constant 0 : i32
        %get3A_1142 = tpu.memref_slice %arg6[%scan3A_224, %get3A_1140, %get3A_1141] : memref<3x240x64xi32, #tpu.memory_space<vmem>> -> memref<1x240x64xi32, #tpu.memory_space<vmem>>
        %get3A_1143 = tpu.memref_squeeze %get3A_1142 : memref<1x240x64xi32, #tpu.memory_space<vmem>> -> memref<240x64xi32, #tpu.memory_space<vmem>>
        %get3A_1144 = arith.index_cast %add3A_1139 : i32 to index
        %get3A_1145 = arith.constant 32 : index
        %get3A_1146 = tpu.vector_load %get3A_1143[%get3A_1144, %get3A_1145] {strides = array<i32>} : memref<240x64xi32, #tpu.memory_space<vmem>>, vector<16xi32>,
        %max3A_1147 = arith.maxsi %max3A_1119, %get3A_1137 : vector<16xi32>
        %max3A_1148 = arith.maxsi %max3A_1120, %get3A_1146 : vector<16xi32>
        %shift_left3A_1149 = arith.constant 16 : i32
        %shift_left3A_1150 = vector.broadcast %shift_left3A_1149 : i32 to vector<16xi32>
        %shift_left3A_1151 = arith.shli %get3A_1137, %shift_left3A_1150 : vector<16xi32>
        %max3A_1152 = arith.maxsi %max3A_1124, %shift_left3A_1151 : vector<16xi32>
        %shift_left3A_1153 = arith.constant 16 : i32
        %shift_left3A_1154 = vector.broadcast %shift_left3A_1153 : i32 to vector<16xi32>
        %shift_left3A_1155 = arith.shli %get3A_1146, %shift_left3A_1154 : vector<16xi32>
        %max3A_1156 = arith.maxsi %max3A_1128, %shift_left3A_1155 : vector<16xi32>
        %add3A_1157 = arith.constant 3 : i32
        %add3A_1158 = arith.addi %mul3A_440, %add3A_1157 : i32
        %get3A_1159 = arith.constant 0 : i32
        %get3A_1160 = arith.constant 0 : i32
        %get3A_1161 = tpu.memref_slice %arg6[%scan3A_224, %get3A_1159, %get3A_1160] : memref<3x240x64xi32, #tpu.memory_space<vmem>> -> memref<1x240x64xi32, #tpu.memory_space<vmem>>
        %get3A_1162 = tpu.memref_squeeze %get3A_1161 : memref<1x240x64xi32, #tpu.memory_space<vmem>> -> memref<240x64xi32, #tpu.memory_space<vmem>>
        %get3A_1163 = arith.index_cast %add3A_1158 : i32 to index
        %get3A_1164 = arith.constant 32 : index
        %get3A_1165 = tpu.vector_load %get3A_1162[%get3A_1163, %get3A_1164] {strides = array<i32>} : memref<240x64xi32, #tpu.memory_space<vmem>>, vector<16xi32>,
        %add3A_1166 = arith.constant 3 : i32
        %add3A_1167 = arith.addi %add3A_442, %add3A_1166 : i32
        %get3A_1168 = arith.constant 0 : i32
        %get3A_1169 = arith.constant 0 : i32
        %get3A_1170 = tpu.memref_slice %arg6[%scan3A_224, %get3A_1168, %get3A_1169] : memref<3x240x64xi32, #tpu.memory_space<vmem>> -> memref<1x240x64xi32, #tpu.memory_space<vmem>>
        %get3A_1171 = tpu.memref_squeeze %get3A_1170 : memref<1x240x64xi32, #tpu.memory_space<vmem>> -> memref<240x64xi32, #tpu.memory_space<vmem>>
        %get3A_1172 = arith.index_cast %add3A_1167 : i32 to index
        %get3A_1173 = arith.constant 32 : index
        %get3A_1174 = tpu.vector_load %get3A_1171[%get3A_1172, %get3A_1173] {strides = array<i32>} : memref<240x64xi32, #tpu.memory_space<vmem>>, vector<16xi32>,
        %max3A_1175 = arith.maxsi %max3A_1147, %get3A_1165 : vector<16xi32>
        %max3A_1176 = arith.maxsi %max3A_1148, %get3A_1174 : vector<16xi32>
        %shift_left3A_1177 = arith.constant 16 : i32
        %shift_left3A_1178 = vector.broadcast %shift_left3A_1177 : i32 to vector<16xi32>
        %shift_left3A_1179 = arith.shli %get3A_1165, %shift_left3A_1178 : vector<16xi32>
        %max3A_1180 = arith.maxsi %max3A_1152, %shift_left3A_1179 : vector<16xi32>
        %shift_left3A_1181 = arith.constant 16 : i32
        %shift_left3A_1182 = vector.broadcast %shift_left3A_1181 : i32 to vector<16xi32>
        %shift_left3A_1183 = arith.shli %get3A_1174, %shift_left3A_1182 : vector<16xi32>
        %max3A_1184 = arith.maxsi %max3A_1156, %shift_left3A_1183 : vector<16xi32>
        %add3A_1185 = arith.constant 4 : i32
        %add3A_1186 = arith.addi %mul3A_440, %add3A_1185 : i32
        %get3A_1187 = arith.constant 0 : i32
        %get3A_1188 = arith.constant 0 : i32
        %get3A_1189 = tpu.memref_slice %arg6[%scan3A_224, %get3A_1187, %get3A_1188] : memref<3x240x64xi32, #tpu.memory_space<vmem>> -> memref<1x240x64xi32, #tpu.memory_space<vmem>>
        %get3A_1190 = tpu.memref_squeeze %get3A_1189 : memref<1x240x64xi32, #tpu.memory_space<vmem>> -> memref<240x64xi32, #tpu.memory_space<vmem>>
        %get3A_1191 = arith.index_cast %add3A_1186 : i32 to index
        %get3A_1192 = arith.constant 32 : index
        %get3A_1193 = tpu.vector_load %get3A_1190[%get3A_1191, %get3A_1192] {strides = array<i32>} : memref<240x64xi32, #tpu.memory_space<vmem>>, vector<16xi32>,
        %add3A_1194 = arith.constant 4 : i32
        %add3A_1195 = arith.addi %add3A_442, %add3A_1194 : i32
        %get3A_1196 = arith.constant 0 : i32
        %get3A_1197 = arith.constant 0 : i32
        %get3A_1198 = tpu.memref_slice %arg6[%scan3A_224, %get3A_1196, %get3A_1197] : memref<3x240x64xi32, #tpu.memory_space<vmem>> -> memref<1x240x64xi32, #tpu.memory_space<vmem>>
        %get3A_1199 = tpu.memref_squeeze %get3A_1198 : memref<1x240x64xi32, #tpu.memory_space<vmem>> -> memref<240x64xi32, #tpu.memory_space<vmem>>
        %get3A_1200 = arith.index_cast %add3A_1195 : i32 to index
        %get3A_1201 = arith.constant 32 : index
        %get3A_1202 = tpu.vector_load %get3A_1199[%get3A_1200, %get3A_1201] {strides = array<i32>} : memref<240x64xi32, #tpu.memory_space<vmem>>, vector<16xi32>,
        %max3A_1203 = arith.maxsi %max3A_1175, %get3A_1193 : vector<16xi32>
        %max3A_1204 = arith.maxsi %max3A_1176, %get3A_1202 : vector<16xi32>
        %shift_left3A_1205 = arith.constant 16 : i32
        %shift_left3A_1206 = vector.broadcast %shift_left3A_1205 : i32 to vector<16xi32>
        %shift_left3A_1207 = arith.shli %get3A_1193, %shift_left3A_1206 : vector<16xi32>
        %max3A_1208 = arith.maxsi %max3A_1180, %shift_left3A_1207 : vector<16xi32>
        %shift_left3A_1209 = arith.constant 16 : i32
        %shift_left3A_1210 = vector.broadcast %shift_left3A_1209 : i32 to vector<16xi32>
        %shift_left3A_1211 = arith.shli %get3A_1202, %shift_left3A_1210 : vector<16xi32>
        %max3A_1212 = arith.maxsi %max3A_1184, %shift_left3A_1211 : vector<16xi32>
        %add3A_1213 = arith.constant 5 : i32
        %add3A_1214 = arith.addi %mul3A_440, %add3A_1213 : i32
        %get3A_1215 = arith.constant 0 : i32
        %get3A_1216 = arith.constant 0 : i32
        %get3A_1217 = tpu.memref_slice %arg6[%scan3A_224, %get3A_1215, %get3A_1216] : memref<3x240x64xi32, #tpu.memory_space<vmem>> -> memref<1x240x64xi32, #tpu.memory_space<vmem>>
        %get3A_1218 = tpu.memref_squeeze %get3A_1217 : memref<1x240x64xi32, #tpu.memory_space<vmem>> -> memref<240x64xi32, #tpu.memory_space<vmem>>
        %get3A_1219 = arith.index_cast %add3A_1214 : i32 to index
        %get3A_1220 = arith.constant 32 : index
        %get3A_1221 = tpu.vector_load %get3A_1218[%get3A_1219, %get3A_1220] {strides = array<i32>} : memref<240x64xi32, #tpu.memory_space<vmem>>, vector<16xi32>,
        %add3A_1222 = arith.constant 5 : i32
        %add3A_1223 = arith.addi %add3A_442, %add3A_1222 : i32
        %get3A_1224 = arith.constant 0 : i32
        %get3A_1225 = arith.constant 0 : i32
        %get3A_1226 = tpu.memref_slice %arg6[%scan3A_224, %get3A_1224, %get3A_1225] : memref<3x240x64xi32, #tpu.memory_space<vmem>> -> memref<1x240x64xi32, #tpu.memory_space<vmem>>
        %get3A_1227 = tpu.memref_squeeze %get3A_1226 : memref<1x240x64xi32, #tpu.memory_space<vmem>> -> memref<240x64xi32, #tpu.memory_space<vmem>>
        %get3A_1228 = arith.index_cast %add3A_1223 : i32 to index
        %get3A_1229 = arith.constant 32 : index
        %get3A_1230 = tpu.vector_load %get3A_1227[%get3A_1228, %get3A_1229] {strides = array<i32>} : memref<240x64xi32, #tpu.memory_space<vmem>>, vector<16xi32>,
        %max3A_1231 = arith.maxsi %max3A_1203, %get3A_1221 : vector<16xi32>
        %max3A_1232 = arith.maxsi %max3A_1204, %get3A_1230 : vector<16xi32>
        %shift_left3A_1233 = arith.constant 16 : i32
        %shift_left3A_1234 = vector.broadcast %shift_left3A_1233 : i32 to vector<16xi32>
        %shift_left3A_1235 = arith.shli %get3A_1221, %shift_left3A_1234 : vector<16xi32>
        %max3A_1236 = arith.maxsi %max3A_1208, %shift_left3A_1235 : vector<16xi32>
        %shift_left3A_1237 = arith.constant 16 : i32
        %shift_left3A_1238 = vector.broadcast %shift_left3A_1237 : i32 to vector<16xi32>
        %shift_left3A_1239 = arith.shli %get3A_1230, %shift_left3A_1238 : vector<16xi32>
        %max3A_1240 = arith.maxsi %max3A_1212, %shift_left3A_1239 : vector<16xi32>
        %add3A_1241 = arith.constant 6 : i32
        %add3A_1242 = arith.addi %mul3A_440, %add3A_1241 : i32
        %get3A_1243 = arith.constant 0 : i32
        %get3A_1244 = arith.constant 0 : i32
        %get3A_1245 = tpu.memref_slice %arg6[%scan3A_224, %get3A_1243, %get3A_1244] : memref<3x240x64xi32, #tpu.memory_space<vmem>> -> memref<1x240x64xi32, #tpu.memory_space<vmem>>
        %get3A_1246 = tpu.memref_squeeze %get3A_1245 : memref<1x240x64xi32, #tpu.memory_space<vmem>> -> memref<240x64xi32, #tpu.memory_space<vmem>>
        %get3A_1247 = arith.index_cast %add3A_1242 : i32 to index
        %get3A_1248 = arith.constant 32 : index
        %get3A_1249 = tpu.vector_load %get3A_1246[%get3A_1247, %get3A_1248] {strides = array<i32>} : memref<240x64xi32, #tpu.memory_space<vmem>>, vector<16xi32>,
        %add3A_1250 = arith.constant 6 : i32
        %add3A_1251 = arith.addi %add3A_442, %add3A_1250 : i32
        %get3A_1252 = arith.constant 0 : i32
        %get3A_1253 = arith.constant 0 : i32
        %get3A_1254 = tpu.memref_slice %arg6[%scan3A_224, %get3A_1252, %get3A_1253] : memref<3x240x64xi32, #tpu.memory_space<vmem>> -> memref<1x240x64xi32, #tpu.memory_space<vmem>>
        %get3A_1255 = tpu.memref_squeeze %get3A_1254 : memref<1x240x64xi32, #tpu.memory_space<vmem>> -> memref<240x64xi32, #tpu.memory_space<vmem>>
        %get3A_1256 = arith.index_cast %add3A_1251 : i32 to index
        %get3A_1257 = arith.constant 32 : index
        %get3A_1258 = tpu.vector_load %get3A_1255[%get3A_1256, %get3A_1257] {strides = array<i32>} : memref<240x64xi32, #tpu.memory_space<vmem>>, vector<16xi32>,
        %max3A_1259 = arith.maxsi %max3A_1231, %get3A_1249 : vector<16xi32>
        %max3A_1260 = arith.maxsi %max3A_1232, %get3A_1258 : vector<16xi32>
        %shift_left3A_1261 = arith.constant 16 : i32
        %shift_left3A_1262 = vector.broadcast %shift_left3A_1261 : i32 to vector<16xi32>
        %shift_left3A_1263 = arith.shli %get3A_1249, %shift_left3A_1262 : vector<16xi32>
        %max3A_1264 = arith.maxsi %max3A_1236, %shift_left3A_1263 : vector<16xi32>
        %shift_left3A_1265 = arith.constant 16 : i32
        %shift_left3A_1266 = vector.broadcast %shift_left3A_1265 : i32 to vector<16xi32>
        %shift_left3A_1267 = arith.shli %get3A_1258, %shift_left3A_1266 : vector<16xi32>
        %max3A_1268 = arith.maxsi %max3A_1240, %shift_left3A_1267 : vector<16xi32>
        %add3A_1269 = arith.constant 7 : i32
        %add3A_1270 = arith.addi %mul3A_440, %add3A_1269 : i32
        %get3A_1271 = arith.constant 0 : i32
        %get3A_1272 = arith.constant 0 : i32
        %get3A_1273 = tpu.memref_slice %arg6[%scan3A_224, %get3A_1271, %get3A_1272] : memref<3x240x64xi32, #tpu.memory_space<vmem>> -> memref<1x240x64xi32, #tpu.memory_space<vmem>>
        %get3A_1274 = tpu.memref_squeeze %get3A_1273 : memref<1x240x64xi32, #tpu.memory_space<vmem>> -> memref<240x64xi32, #tpu.memory_space<vmem>>
        %get3A_1275 = arith.index_cast %add3A_1270 : i32 to index
        %get3A_1276 = arith.constant 32 : index
        %get3A_1277 = tpu.vector_load %get3A_1274[%get3A_1275, %get3A_1276] {strides = array<i32>} : memref<240x64xi32, #tpu.memory_space<vmem>>, vector<16xi32>,
        %add3A_1278 = arith.constant 7 : i32
        %add3A_1279 = arith.addi %add3A_442, %add3A_1278 : i32
        %get3A_1280 = arith.constant 0 : i32
        %get3A_1281 = arith.constant 0 : i32
        %get3A_1282 = tpu.memref_slice %arg6[%scan3A_224, %get3A_1280, %get3A_1281] : memref<3x240x64xi32, #tpu.memory_space<vmem>> -> memref<1x240x64xi32, #tpu.memory_space<vmem>>
        %get3A_1283 = tpu.memref_squeeze %get3A_1282 : memref<1x240x64xi32, #tpu.memory_space<vmem>> -> memref<240x64xi32, #tpu.memory_space<vmem>>
        %get3A_1284 = arith.index_cast %add3A_1279 : i32 to index
        %get3A_1285 = arith.constant 32 : index
        %get3A_1286 = tpu.vector_load %get3A_1283[%get3A_1284, %get3A_1285] {strides = array<i32>} : memref<240x64xi32, #tpu.memory_space<vmem>>, vector<16xi32>,
        %max3A_1287 = arith.maxsi %max3A_1259, %get3A_1277 : vector<16xi32>
        %max3A_1288 = arith.maxsi %max3A_1260, %get3A_1286 : vector<16xi32>
        %shift_left3A_1289 = arith.constant 16 : i32
        %shift_left3A_1290 = vector.broadcast %shift_left3A_1289 : i32 to vector<16xi32>
        %shift_left3A_1291 = arith.shli %get3A_1277, %shift_left3A_1290 : vector<16xi32>
        %max3A_1292 = arith.maxsi %max3A_1264, %shift_left3A_1291 : vector<16xi32>
        %shift_left3A_1293 = arith.constant 16 : i32
        %shift_left3A_1294 = vector.broadcast %shift_left3A_1293 : i32 to vector<16xi32>
        %shift_left3A_1295 = arith.shli %get3A_1286, %shift_left3A_1294 : vector<16xi32>
        %max3A_1296 = arith.maxsi %max3A_1268, %shift_left3A_1295 : vector<16xi32>
        %add3A_1297 = arith.constant 8 : i32
        %add3A_1298 = arith.addi %mul3A_440, %add3A_1297 : i32
        %get3A_1299 = arith.constant 0 : i32
        %get3A_1300 = arith.constant 0 : i32
        %get3A_1301 = tpu.memref_slice %arg6[%scan3A_224, %get3A_1299, %get3A_1300] : memref<3x240x64xi32, #tpu.memory_space<vmem>> -> memref<1x240x64xi32, #tpu.memory_space<vmem>>
        %get3A_1302 = tpu.memref_squeeze %get3A_1301 : memref<1x240x64xi32, #tpu.memory_space<vmem>> -> memref<240x64xi32, #tpu.memory_space<vmem>>
        %get3A_1303 = arith.index_cast %add3A_1298 : i32 to index
        %get3A_1304 = arith.constant 32 : index
        %get3A_1305 = tpu.vector_load %get3A_1302[%get3A_1303, %get3A_1304] {strides = array<i32>} : memref<240x64xi32, #tpu.memory_space<vmem>>, vector<16xi32>,
        %add3A_1306 = arith.constant 8 : i32
        %add3A_1307 = arith.addi %add3A_442, %add3A_1306 : i32
        %get3A_1308 = arith.constant 0 : i32
        %get3A_1309 = arith.constant 0 : i32
        %get3A_1310 = tpu.memref_slice %arg6[%scan3A_224, %get3A_1308, %get3A_1309] : memref<3x240x64xi32, #tpu.memory_space<vmem>> -> memref<1x240x64xi32, #tpu.memory_space<vmem>>
        %get3A_1311 = tpu.memref_squeeze %get3A_1310 : memref<1x240x64xi32, #tpu.memory_space<vmem>> -> memref<240x64xi32, #tpu.memory_space<vmem>>
        %get3A_1312 = arith.index_cast %add3A_1307 : i32 to index
        %get3A_1313 = arith.constant 32 : index
        %get3A_1314 = tpu.vector_load %get3A_1311[%get3A_1312, %get3A_1313] {strides = array<i32>} : memref<240x64xi32, #tpu.memory_space<vmem>>, vector<16xi32>,
        %max3A_1315 = arith.maxsi %max3A_1287, %get3A_1305 : vector<16xi32>
        %max3A_1316 = arith.maxsi %max3A_1288, %get3A_1314 : vector<16xi32>
        %shift_left3A_1317 = arith.constant 16 : i32
        %shift_left3A_1318 = vector.broadcast %shift_left3A_1317 : i32 to vector<16xi32>
        %shift_left3A_1319 = arith.shli %get3A_1305, %shift_left3A_1318 : vector<16xi32>
        %max3A_1320 = arith.maxsi %max3A_1292, %shift_left3A_1319 : vector<16xi32>
        %shift_left3A_1321 = arith.constant 16 : i32
        %shift_left3A_1322 = vector.broadcast %shift_left3A_1321 : i32 to vector<16xi32>
        %shift_left3A_1323 = arith.shli %get3A_1314, %shift_left3A_1322 : vector<16xi32>
        %max3A_1324 = arith.maxsi %max3A_1296, %shift_left3A_1323 : vector<16xi32>
        %add3A_1325 = arith.constant 9 : i32
        %add3A_1326 = arith.addi %mul3A_440, %add3A_1325 : i32
        %get3A_1327 = arith.constant 0 : i32
        %get3A_1328 = arith.constant 0 : i32
        %get3A_1329 = tpu.memref_slice %arg6[%scan3A_224, %get3A_1327, %get3A_1328] : memref<3x240x64xi32, #tpu.memory_space<vmem>> -> memref<1x240x64xi32, #tpu.memory_space<vmem>>
        %get3A_1330 = tpu.memref_squeeze %get3A_1329 : memref<1x240x64xi32, #tpu.memory_space<vmem>> -> memref<240x64xi32, #tpu.memory_space<vmem>>
        %get3A_1331 = arith.index_cast %add3A_1326 : i32 to index
        %get3A_1332 = arith.constant 32 : index
        %get3A_1333 = tpu.vector_load %get3A_1330[%get3A_1331, %get3A_1332] {strides = array<i32>} : memref<240x64xi32, #tpu.memory_space<vmem>>, vector<16xi32>,
        %add3A_1334 = arith.constant 9 : i32
        %add3A_1335 = arith.addi %add3A_442, %add3A_1334 : i32
        %get3A_1336 = arith.constant 0 : i32
        %get3A_1337 = arith.constant 0 : i32
        %get3A_1338 = tpu.memref_slice %arg6[%scan3A_224, %get3A_1336, %get3A_1337] : memref<3x240x64xi32, #tpu.memory_space<vmem>> -> memref<1x240x64xi32, #tpu.memory_space<vmem>>
        %get3A_1339 = tpu.memref_squeeze %get3A_1338 : memref<1x240x64xi32, #tpu.memory_space<vmem>> -> memref<240x64xi32, #tpu.memory_space<vmem>>
        %get3A_1340 = arith.index_cast %add3A_1335 : i32 to index
        %get3A_1341 = arith.constant 32 : index
        %get3A_1342 = tpu.vector_load %get3A_1339[%get3A_1340, %get3A_1341] {strides = array<i32>} : memref<240x64xi32, #tpu.memory_space<vmem>>, vector<16xi32>,
        %max3A_1343 = arith.maxsi %max3A_1315, %get3A_1333 : vector<16xi32>
        %max3A_1344 = arith.maxsi %max3A_1316, %get3A_1342 : vector<16xi32>
        %shift_left3A_1345 = arith.constant 16 : i32
        %shift_left3A_1346 = vector.broadcast %shift_left3A_1345 : i32 to vector<16xi32>
        %shift_left3A_1347 = arith.shli %get3A_1333, %shift_left3A_1346 : vector<16xi32>
        %max3A_1348 = arith.maxsi %max3A_1320, %shift_left3A_1347 : vector<16xi32>
        %shift_left3A_1349 = arith.constant 16 : i32
        %shift_left3A_1350 = vector.broadcast %shift_left3A_1349 : i32 to vector<16xi32>
        %shift_left3A_1351 = arith.shli %get3A_1342, %shift_left3A_1350 : vector<16xi32>
        %max3A_1352 = arith.maxsi %max3A_1324, %shift_left3A_1351 : vector<16xi32>
        %bitcast3A_1353 = vector.bitcast %max3A_1348 : vector<16xi32> to vector<16xf32>
        %mul3A_1354 = arith.constant 2 : i32
        %mul3A_1355 = arith.muli %mul3A_1354, %scan3A_436 : i32
        %swap3A_1356 = arith.constant 0 : i32
        %swap3A_1357 = arith.constant 0 : i32
        %swap3A_1358 = tpu.memref_slice %arg7[%scan3A_225, %swap3A_1356, %swap3A_1357] : memref<3x24x128xf32, #tpu.memory_space<vmem>> -> memref<1x24x128xf32, #tpu.memory_space<vmem>>
        %swap3A_1359 = tpu.memref_squeeze %swap3A_1358 : memref<1x24x128xf32, #tpu.memory_space<vmem>> -> memref<24x128xf32, #tpu.memory_space<vmem>>
        %swap3A_1360 = arith.index_cast %mul3A_1355 : i32 to index
        %swap3A_1361 = arith.constant 32 : index
        %swap3A_1362 = tpu.vector_load %swap3A_1359[%swap3A_1360, %swap3A_1361] {strides = array<i32>} : memref<24x128xf32, #tpu.memory_space<vmem>>, vector<16xf32>,
        tpu.vector_store %swap3A_1359[%swap3A_1360, %swap3A_1361], %bitcast3A_1353 {strides = array<i32>} : memref<24x128xf32, #tpu.memory_space<vmem>>, vector<16xf32>,
        %bitcast3A_1363 = vector.bitcast %max3A_1352 : vector<16xi32> to vector<16xf32>
        %mul3A_1364 = arith.constant 2 : i32
        %mul3A_1365 = arith.muli %mul3A_1364, %scan3A_436 : i32
        %add3A_1366 = arith.constant 1 : i32
        %add3A_1367 = arith.addi %mul3A_1365, %add3A_1366 : i32
        %swap3A_1368 = arith.constant 0 : i32
        %swap3A_1369 = arith.constant 0 : i32
        %swap3A_1370 = tpu.memref_slice %arg7[%scan3A_225, %swap3A_1368, %swap3A_1369] : memref<3x24x128xf32, #tpu.memory_space<vmem>> -> memref<1x24x128xf32, #tpu.memory_space<vmem>>
        %swap3A_1371 = tpu.memref_squeeze %swap3A_1370 : memref<1x24x128xf32, #tpu.memory_space<vmem>> -> memref<24x128xf32, #tpu.memory_space<vmem>>
        %swap3A_1372 = arith.index_cast %add3A_1367 : i32 to index
        %swap3A_1373 = arith.constant 32 : index
        %swap3A_1374 = tpu.vector_load %swap3A_1371[%swap3A_1372, %swap3A_1373] {strides = array<i32>} : memref<24x128xf32, #tpu.memory_space<vmem>>, vector<16xf32>,
        tpu.vector_store %swap3A_1371[%swap3A_1372, %swap3A_1373], %bitcast3A_1363 {strides = array<i32>} : memref<24x128xf32, #tpu.memory_space<vmem>>, vector<16xf32>,
        %and3A_1375 = arith.constant -65536 : i32
        %and3A_1376 = vector.broadcast %and3A_1375 : i32 to vector<16xi32>
        %and3A_1377 = arith.andi %max3A_1343, %and3A_1376 : vector<16xi32>
        %bitcast3A_1378 = vector.bitcast %and3A_1377 : vector<16xi32> to vector<16xf32>
        %mul3A_1379 = arith.constant 2 : i32
        %mul3A_1380 = arith.muli %mul3A_1379, %scan3A_436 : i32
        %swap3A_1381 = arith.constant 0 : i32
        %swap3A_1382 = arith.constant 0 : i32
        %swap3A_1383 = tpu.memref_slice %arg7[%scan3A_225, %swap3A_1381, %swap3A_1382] : memref<3x24x128xf32, #tpu.memory_space<vmem>> -> memref<1x24x128xf32, #tpu.memory_space<vmem>>
        %swap3A_1384 = tpu.memref_squeeze %swap3A_1383 : memref<1x24x128xf32, #tpu.memory_space<vmem>> -> memref<24x128xf32, #tpu.memory_space<vmem>>
        %swap3A_1385 = arith.index_cast %mul3A_1380 : i32 to index
        %swap3A_1386 = arith.constant 96 : index
        %swap3A_1387 = tpu.vector_load %swap3A_1384[%swap3A_1385, %swap3A_1386] {strides = array<i32>} : memref<24x128xf32, #tpu.memory_space<vmem>>, vector<16xf32>,
        tpu.vector_store %swap3A_1384[%swap3A_1385, %swap3A_1386], %bitcast3A_1378 {strides = array<i32>} : memref<24x128xf32, #tpu.memory_space<vmem>>, vector<16xf32>,
        %and3A_1388 = arith.constant -65536 : i32
        %and3A_1389 = vector.broadcast %and3A_1388 : i32 to vector<16xi32>
        %and3A_1390 = arith.andi %max3A_1344, %and3A_1389 : vector<16xi32>
        %bitcast3A_1391 = vector.bitcast %and3A_1390 : vector<16xi32> to vector<16xf32>
        %mul3A_1392 = arith.constant 2 : i32
        %mul3A_1393 = arith.muli %mul3A_1392, %scan3A_436 : i32
        %add3A_1394 = arith.constant 1 : i32
        %add3A_1395 = arith.addi %mul3A_1393, %add3A_1394 : i32
        %swap3A_1396 = arith.constant 0 : i32
        %swap3A_1397 = arith.constant 0 : i32
        %swap3A_1398 = tpu.memref_slice %arg7[%scan3A_225, %swap3A_1396, %swap3A_1397] : memref<3x24x128xf32, #tpu.memory_space<vmem>> -> memref<1x24x128xf32, #tpu.memory_space<vmem>>
        %swap3A_1399 = tpu.memref_squeeze %swap3A_1398 : memref<1x24x128xf32, #tpu.memory_space<vmem>> -> memref<24x128xf32, #tpu.memory_space<vmem>>
        %swap3A_1400 = arith.index_cast %add3A_1395 : i32 to index
        %swap3A_1401 = arith.constant 96 : index
        %swap3A_1402 = tpu.vector_load %swap3A_1399[%swap3A_1400, %swap3A_1401] {strides = array<i32>} : memref<24x128xf32, #tpu.memory_space<vmem>>, vector<16xf32>,
        tpu.vector_store %swap3A_1399[%swap3A_1400, %swap3A_1401], %bitcast3A_1391 {strides = array<i32>} : memref<24x128xf32, #tpu.memory_space<vmem>>, vector<16xf32>,
        %get3A_1403 = arith.constant 0 : i32
        %get3A_1404 = arith.constant 0 : i32
        %get3A_1405 = tpu.memref_slice %arg6[%scan3A_224, %get3A_1403, %get3A_1404] : memref<3x240x64xi32, #tpu.memory_space<vmem>> -> memref<1x240x64xi32, #tpu.memory_space<vmem>>
        %get3A_1406 = tpu.memref_squeeze %get3A_1405 : memref<1x240x64xi32, #tpu.memory_space<vmem>> -> memref<240x64xi32, #tpu.memory_space<vmem>>
        %get3A_1407 = arith.index_cast %mul3A_440 : i32 to index
        %get3A_1408 = arith.constant 48 : index
        %get3A_1409 = tpu.vector_load %get3A_1406[%get3A_1407, %get3A_1408] {strides = array<i32>} : memref<240x64xi32, #tpu.memory_space<vmem>>, vector<16xi32>,
        %get3A_1410 = arith.constant 0 : i32
        %get3A_1411 = arith.constant 0 : i32
        %get3A_1412 = tpu.memref_slice %arg6[%scan3A_224, %get3A_1410, %get3A_1411] : memref<3x240x64xi32, #tpu.memory_space<vmem>> -> memref<1x240x64xi32, #tpu.memory_space<vmem>>
        %get3A_1413 = tpu.memref_squeeze %get3A_1412 : memref<1x240x64xi32, #tpu.memory_space<vmem>> -> memref<240x64xi32, #tpu.memory_space<vmem>>
        %get3A_1414 = arith.index_cast %add3A_442 : i32 to index
        %get3A_1415 = arith.constant 48 : index
        %get3A_1416 = tpu.vector_load %get3A_1413[%get3A_1414, %get3A_1415] {strides = array<i32>} : memref<240x64xi32, #tpu.memory_space<vmem>>, vector<16xi32>,
        %shift_left3A_1417 = arith.constant 16 : i32
        %shift_left3A_1418 = vector.broadcast %shift_left3A_1417 : i32 to vector<16xi32>
        %shift_left3A_1419 = arith.shli %get3A_1409, %shift_left3A_1418 : vector<16xi32>
        %shift_left3A_1420 = arith.constant 16 : i32
        %shift_left3A_1421 = vector.broadcast %shift_left3A_1420 : i32 to vector<16xi32>
        %shift_left3A_1422 = arith.shli %get3A_1416, %shift_left3A_1421 : vector<16xi32>
        %add3A_1423 = arith.constant 1 : i32
        %add3A_1424 = arith.addi %mul3A_440, %add3A_1423 : i32
        %get3A_1425 = arith.constant 0 : i32
        %get3A_1426 = arith.constant 0 : i32
        %get3A_1427 = tpu.memref_slice %arg6[%scan3A_224, %get3A_1425, %get3A_1426] : memref<3x240x64xi32, #tpu.memory_space<vmem>> -> memref<1x240x64xi32, #tpu.memory_space<vmem>>
        %get3A_1428 = tpu.memref_squeeze %get3A_1427 : memref<1x240x64xi32, #tpu.memory_space<vmem>> -> memref<240x64xi32, #tpu.memory_space<vmem>>
        %get3A_1429 = arith.index_cast %add3A_1424 : i32 to index
        %get3A_1430 = arith.constant 48 : index
        %get3A_1431 = tpu.vector_load %get3A_1428[%get3A_1429, %get3A_1430] {strides = array<i32>} : memref<240x64xi32, #tpu.memory_space<vmem>>, vector<16xi32>,
        %add3A_1432 = arith.constant 1 : i32
        %add3A_1433 = arith.addi %add3A_442, %add3A_1432 : i32
        %get3A_1434 = arith.constant 0 : i32
        %get3A_1435 = arith.constant 0 : i32
        %get3A_1436 = tpu.memref_slice %arg6[%scan3A_224, %get3A_1434, %get3A_1435] : memref<3x240x64xi32, #tpu.memory_space<vmem>> -> memref<1x240x64xi32, #tpu.memory_space<vmem>>
        %get3A_1437 = tpu.memref_squeeze %get3A_1436 : memref<1x240x64xi32, #tpu.memory_space<vmem>> -> memref<240x64xi32, #tpu.memory_space<vmem>>
        %get3A_1438 = arith.index_cast %add3A_1433 : i32 to index
        %get3A_1439 = arith.constant 48 : index
        %get3A_1440 = tpu.vector_load %get3A_1437[%get3A_1438, %get3A_1439] {strides = array<i32>} : memref<240x64xi32, #tpu.memory_space<vmem>>, vector<16xi32>,
        %max3A_1441 = arith.maxsi %get3A_1409, %get3A_1431 : vector<16xi32>
        %max3A_1442 = arith.maxsi %get3A_1416, %get3A_1440 : vector<16xi32>
        %shift_left3A_1443 = arith.constant 16 : i32
        %shift_left3A_1444 = vector.broadcast %shift_left3A_1443 : i32 to vector<16xi32>
        %shift_left3A_1445 = arith.shli %get3A_1431, %shift_left3A_1444 : vector<16xi32>
        %max3A_1446 = arith.maxsi %shift_left3A_1419, %shift_left3A_1445 : vector<16xi32>
        %shift_left3A_1447 = arith.constant 16 : i32
        %shift_left3A_1448 = vector.broadcast %shift_left3A_1447 : i32 to vector<16xi32>
        %shift_left3A_1449 = arith.shli %get3A_1440, %shift_left3A_1448 : vector<16xi32>
        %max3A_1450 = arith.maxsi %shift_left3A_1422, %shift_left3A_1449 : vector<16xi32>
        %add3A_1451 = arith.constant 2 : i32
        %add3A_1452 = arith.addi %mul3A_440, %add3A_1451 : i32
        %get3A_1453 = arith.constant 0 : i32
        %get3A_1454 = arith.constant 0 : i32
        %get3A_1455 = tpu.memref_slice %arg6[%scan3A_224, %get3A_1453, %get3A_1454] : memref<3x240x64xi32, #tpu.memory_space<vmem>> -> memref<1x240x64xi32, #tpu.memory_space<vmem>>
        %get3A_1456 = tpu.memref_squeeze %get3A_1455 : memref<1x240x64xi32, #tpu.memory_space<vmem>> -> memref<240x64xi32, #tpu.memory_space<vmem>>
        %get3A_1457 = arith.index_cast %add3A_1452 : i32 to index
        %get3A_1458 = arith.constant 48 : index
        %get3A_1459 = tpu.vector_load %get3A_1456[%get3A_1457, %get3A_1458] {strides = array<i32>} : memref<240x64xi32, #tpu.memory_space<vmem>>, vector<16xi32>,
        %add3A_1460 = arith.constant 2 : i32
        %add3A_1461 = arith.addi %add3A_442, %add3A_1460 : i32
        %get3A_1462 = arith.constant 0 : i32
        %get3A_1463 = arith.constant 0 : i32
        %get3A_1464 = tpu.memref_slice %arg6[%scan3A_224, %get3A_1462, %get3A_1463] : memref<3x240x64xi32, #tpu.memory_space<vmem>> -> memref<1x240x64xi32, #tpu.memory_space<vmem>>
        %get3A_1465 = tpu.memref_squeeze %get3A_1464 : memref<1x240x64xi32, #tpu.memory_space<vmem>> -> memref<240x64xi32, #tpu.memory_space<vmem>>
        %get3A_1466 = arith.index_cast %add3A_1461 : i32 to index
        %get3A_1467 = arith.constant 48 : index
        %get3A_1468 = tpu.vector_load %get3A_1465[%get3A_1466, %get3A_1467] {strides = array<i32>} : memref<240x64xi32, #tpu.memory_space<vmem>>, vector<16xi32>,
        %max3A_1469 = arith.maxsi %max3A_1441, %get3A_1459 : vector<16xi32>
        %max3A_1470 = arith.maxsi %max3A_1442, %get3A_1468 : vector<16xi32>
        %shift_left3A_1471 = arith.constant 16 : i32
        %shift_left3A_1472 = vector.broadcast %shift_left3A_1471 : i32 to vector<16xi32>
        %shift_left3A_1473 = arith.shli %get3A_1459, %shift_left3A_1472 : vector<16xi32>
        %max3A_1474 = arith.maxsi %max3A_1446, %shift_left3A_1473 : vector<16xi32>
        %shift_left3A_1475 = arith.constant 16 : i32
        %shift_left3A_1476 = vector.broadcast %shift_left3A_1475 : i32 to vector<16xi32>
        %shift_left3A_1477 = arith.shli %get3A_1468, %shift_left3A_1476 : vector<16xi32>
        %max3A_1478 = arith.maxsi %max3A_1450, %shift_left3A_1477 : vector<16xi32>
        %add3A_1479 = arith.constant 3 : i32
        %add3A_1480 = arith.addi %mul3A_440, %add3A_1479 : i32
        %get3A_1481 = arith.constant 0 : i32
        %get3A_1482 = arith.constant 0 : i32
        %get3A_1483 = tpu.memref_slice %arg6[%scan3A_224, %get3A_1481, %get3A_1482] : memref<3x240x64xi32, #tpu.memory_space<vmem>> -> memref<1x240x64xi32, #tpu.memory_space<vmem>>
        %get3A_1484 = tpu.memref_squeeze %get3A_1483 : memref<1x240x64xi32, #tpu.memory_space<vmem>> -> memref<240x64xi32, #tpu.memory_space<vmem>>
        %get3A_1485 = arith.index_cast %add3A_1480 : i32 to index
        %get3A_1486 = arith.constant 48 : index
        %get3A_1487 = tpu.vector_load %get3A_1484[%get3A_1485, %get3A_1486] {strides = array<i32>} : memref<240x64xi32, #tpu.memory_space<vmem>>, vector<16xi32>,
        %add3A_1488 = arith.constant 3 : i32
        %add3A_1489 = arith.addi %add3A_442, %add3A_1488 : i32
        %get3A_1490 = arith.constant 0 : i32
        %get3A_1491 = arith.constant 0 : i32
        %get3A_1492 = tpu.memref_slice %arg6[%scan3A_224, %get3A_1490, %get3A_1491] : memref<3x240x64xi32, #tpu.memory_space<vmem>> -> memref<1x240x64xi32, #tpu.memory_space<vmem>>
        %get3A_1493 = tpu.memref_squeeze %get3A_1492 : memref<1x240x64xi32, #tpu.memory_space<vmem>> -> memref<240x64xi32, #tpu.memory_space<vmem>>
        %get3A_1494 = arith.index_cast %add3A_1489 : i32 to index
        %get3A_1495 = arith.constant 48 : index
        %get3A_1496 = tpu.vector_load %get3A_1493[%get3A_1494, %get3A_1495] {strides = array<i32>} : memref<240x64xi32, #tpu.memory_space<vmem>>, vector<16xi32>,
        %max3A_1497 = arith.maxsi %max3A_1469, %get3A_1487 : vector<16xi32>
        %max3A_1498 = arith.maxsi %max3A_1470, %get3A_1496 : vector<16xi32>
        %shift_left3A_1499 = arith.constant 16 : i32
        %shift_left3A_1500 = vector.broadcast %shift_left3A_1499 : i32 to vector<16xi32>
        %shift_left3A_1501 = arith.shli %get3A_1487, %shift_left3A_1500 : vector<16xi32>
        %max3A_1502 = arith.maxsi %max3A_1474, %shift_left3A_1501 : vector<16xi32>
        %shift_left3A_1503 = arith.constant 16 : i32
        %shift_left3A_1504 = vector.broadcast %shift_left3A_1503 : i32 to vector<16xi32>
        %shift_left3A_1505 = arith.shli %get3A_1496, %shift_left3A_1504 : vector<16xi32>
        %max3A_1506 = arith.maxsi %max3A_1478, %shift_left3A_1505 : vector<16xi32>
        %add3A_1507 = arith.constant 4 : i32
        %add3A_1508 = arith.addi %mul3A_440, %add3A_1507 : i32
        %get3A_1509 = arith.constant 0 : i32
        %get3A_1510 = arith.constant 0 : i32
        %get3A_1511 = tpu.memref_slice %arg6[%scan3A_224, %get3A_1509, %get3A_1510] : memref<3x240x64xi32, #tpu.memory_space<vmem>> -> memref<1x240x64xi32, #tpu.memory_space<vmem>>
        %get3A_1512 = tpu.memref_squeeze %get3A_1511 : memref<1x240x64xi32, #tpu.memory_space<vmem>> -> memref<240x64xi32, #tpu.memory_space<vmem>>
        %get3A_1513 = arith.index_cast %add3A_1508 : i32 to index
        %get3A_1514 = arith.constant 48 : index
        %get3A_1515 = tpu.vector_load %get3A_1512[%get3A_1513, %get3A_1514] {strides = array<i32>} : memref<240x64xi32, #tpu.memory_space<vmem>>, vector<16xi32>,
        %add3A_1516 = arith.constant 4 : i32
        %add3A_1517 = arith.addi %add3A_442, %add3A_1516 : i32
        %get3A_1518 = arith.constant 0 : i32
        %get3A_1519 = arith.constant 0 : i32
        %get3A_1520 = tpu.memref_slice %arg6[%scan3A_224, %get3A_1518, %get3A_1519] : memref<3x240x64xi32, #tpu.memory_space<vmem>> -> memref<1x240x64xi32, #tpu.memory_space<vmem>>
        %get3A_1521 = tpu.memref_squeeze %get3A_1520 : memref<1x240x64xi32, #tpu.memory_space<vmem>> -> memref<240x64xi32, #tpu.memory_space<vmem>>
        %get3A_1522 = arith.index_cast %add3A_1517 : i32 to index
        %get3A_1523 = arith.constant 48 : index
        %get3A_1524 = tpu.vector_load %get3A_1521[%get3A_1522, %get3A_1523] {strides = array<i32>} : memref<240x64xi32, #tpu.memory_space<vmem>>, vector<16xi32>,
        %max3A_1525 = arith.maxsi %max3A_1497, %get3A_1515 : vector<16xi32>
        %max3A_1526 = arith.maxsi %max3A_1498, %get3A_1524 : vector<16xi32>
        %shift_left3A_1527 = arith.constant 16 : i32
        %shift_left3A_1528 = vector.broadcast %shift_left3A_1527 : i32 to vector<16xi32>
        %shift_left3A_1529 = arith.shli %get3A_1515, %shift_left3A_1528 : vector<16xi32>
        %max3A_1530 = arith.maxsi %max3A_1502, %shift_left3A_1529 : vector<16xi32>
        %shift_left3A_1531 = arith.constant 16 : i32
        %shift_left3A_1532 = vector.broadcast %shift_left3A_1531 : i32 to vector<16xi32>
        %shift_left3A_1533 = arith.shli %get3A_1524, %shift_left3A_1532 : vector<16xi32>
        %max3A_1534 = arith.maxsi %max3A_1506, %shift_left3A_1533 : vector<16xi32>
        %add3A_1535 = arith.constant 5 : i32
        %add3A_1536 = arith.addi %mul3A_440, %add3A_1535 : i32
        %get3A_1537 = arith.constant 0 : i32
        %get3A_1538 = arith.constant 0 : i32
        %get3A_1539 = tpu.memref_slice %arg6[%scan3A_224, %get3A_1537, %get3A_1538] : memref<3x240x64xi32, #tpu.memory_space<vmem>> -> memref<1x240x64xi32, #tpu.memory_space<vmem>>
        %get3A_1540 = tpu.memref_squeeze %get3A_1539 : memref<1x240x64xi32, #tpu.memory_space<vmem>> -> memref<240x64xi32, #tpu.memory_space<vmem>>
        %get3A_1541 = arith.index_cast %add3A_1536 : i32 to index
        %get3A_1542 = arith.constant 48 : index
        %get3A_1543 = tpu.vector_load %get3A_1540[%get3A_1541, %get3A_1542] {strides = array<i32>} : memref<240x64xi32, #tpu.memory_space<vmem>>, vector<16xi32>,
        %add3A_1544 = arith.constant 5 : i32
        %add3A_1545 = arith.addi %add3A_442, %add3A_1544 : i32
        %get3A_1546 = arith.constant 0 : i32
        %get3A_1547 = arith.constant 0 : i32
        %get3A_1548 = tpu.memref_slice %arg6[%scan3A_224, %get3A_1546, %get3A_1547] : memref<3x240x64xi32, #tpu.memory_space<vmem>> -> memref<1x240x64xi32, #tpu.memory_space<vmem>>
        %get3A_1549 = tpu.memref_squeeze %get3A_1548 : memref<1x240x64xi32, #tpu.memory_space<vmem>> -> memref<240x64xi32, #tpu.memory_space<vmem>>
        %get3A_1550 = arith.index_cast %add3A_1545 : i32 to index
        %get3A_1551 = arith.constant 48 : index
        %get3A_1552 = tpu.vector_load %get3A_1549[%get3A_1550, %get3A_1551] {strides = array<i32>} : memref<240x64xi32, #tpu.memory_space<vmem>>, vector<16xi32>,
        %max3A_1553 = arith.maxsi %max3A_1525, %get3A_1543 : vector<16xi32>
        %max3A_1554 = arith.maxsi %max3A_1526, %get3A_1552 : vector<16xi32>
        %shift_left3A_1555 = arith.constant 16 : i32
        %shift_left3A_1556 = vector.broadcast %shift_left3A_1555 : i32 to vector<16xi32>
        %shift_left3A_1557 = arith.shli %get3A_1543, %shift_left3A_1556 : vector<16xi32>
        %max3A_1558 = arith.maxsi %max3A_1530, %shift_left3A_1557 : vector<16xi32>
        %shift_left3A_1559 = arith.constant 16 : i32
        %shift_left3A_1560 = vector.broadcast %shift_left3A_1559 : i32 to vector<16xi32>
        %shift_left3A_1561 = arith.shli %get3A_1552, %shift_left3A_1560 : vector<16xi32>
        %max3A_1562 = arith.maxsi %max3A_1534, %shift_left3A_1561 : vector<16xi32>
        %add3A_1563 = arith.constant 6 : i32
        %add3A_1564 = arith.addi %mul3A_440, %add3A_1563 : i32
        %get3A_1565 = arith.constant 0 : i32
        %get3A_1566 = arith.constant 0 : i32
        %get3A_1567 = tpu.memref_slice %arg6[%scan3A_224, %get3A_1565, %get3A_1566] : memref<3x240x64xi32, #tpu.memory_space<vmem>> -> memref<1x240x64xi32, #tpu.memory_space<vmem>>
        %get3A_1568 = tpu.memref_squeeze %get3A_1567 : memref<1x240x64xi32, #tpu.memory_space<vmem>> -> memref<240x64xi32, #tpu.memory_space<vmem>>
        %get3A_1569 = arith.index_cast %add3A_1564 : i32 to index
        %get3A_1570 = arith.constant 48 : index
        %get3A_1571 = tpu.vector_load %get3A_1568[%get3A_1569, %get3A_1570] {strides = array<i32>} : memref<240x64xi32, #tpu.memory_space<vmem>>, vector<16xi32>,
        %add3A_1572 = arith.constant 6 : i32
        %add3A_1573 = arith.addi %add3A_442, %add3A_1572 : i32
        %get3A_1574 = arith.constant 0 : i32
        %get3A_1575 = arith.constant 0 : i32
        %get3A_1576 = tpu.memref_slice %arg6[%scan3A_224, %get3A_1574, %get3A_1575] : memref<3x240x64xi32, #tpu.memory_space<vmem>> -> memref<1x240x64xi32, #tpu.memory_space<vmem>>
        %get3A_1577 = tpu.memref_squeeze %get3A_1576 : memref<1x240x64xi32, #tpu.memory_space<vmem>> -> memref<240x64xi32, #tpu.memory_space<vmem>>
        %get3A_1578 = arith.index_cast %add3A_1573 : i32 to index
        %get3A_1579 = arith.constant 48 : index
        %get3A_1580 = tpu.vector_load %get3A_1577[%get3A_1578, %get3A_1579] {strides = array<i32>} : memref<240x64xi32, #tpu.memory_space<vmem>>, vector<16xi32>,
        %max3A_1581 = arith.maxsi %max3A_1553, %get3A_1571 : vector<16xi32>
        %max3A_1582 = arith.maxsi %max3A_1554, %get3A_1580 : vector<16xi32>
        %shift_left3A_1583 = arith.constant 16 : i32
        %shift_left3A_1584 = vector.broadcast %shift_left3A_1583 : i32 to vector<16xi32>
        %shift_left3A_1585 = arith.shli %get3A_1571, %shift_left3A_1584 : vector<16xi32>
        %max3A_1586 = arith.maxsi %max3A_1558, %shift_left3A_1585 : vector<16xi32>
        %shift_left3A_1587 = arith.constant 16 : i32
        %shift_left3A_1588 = vector.broadcast %shift_left3A_1587 : i32 to vector<16xi32>
        %shift_left3A_1589 = arith.shli %get3A_1580, %shift_left3A_1588 : vector<16xi32>
        %max3A_1590 = arith.maxsi %max3A_1562, %shift_left3A_1589 : vector<16xi32>
        %add3A_1591 = arith.constant 7 : i32
        %add3A_1592 = arith.addi %mul3A_440, %add3A_1591 : i32
        %get3A_1593 = arith.constant 0 : i32
        %get3A_1594 = arith.constant 0 : i32
        %get3A_1595 = tpu.memref_slice %arg6[%scan3A_224, %get3A_1593, %get3A_1594] : memref<3x240x64xi32, #tpu.memory_space<vmem>> -> memref<1x240x64xi32, #tpu.memory_space<vmem>>
        %get3A_1596 = tpu.memref_squeeze %get3A_1595 : memref<1x240x64xi32, #tpu.memory_space<vmem>> -> memref<240x64xi32, #tpu.memory_space<vmem>>
        %get3A_1597 = arith.index_cast %add3A_1592 : i32 to index
        %get3A_1598 = arith.constant 48 : index
        %get3A_1599 = tpu.vector_load %get3A_1596[%get3A_1597, %get3A_1598] {strides = array<i32>} : memref<240x64xi32, #tpu.memory_space<vmem>>, vector<16xi32>,
        %add3A_1600 = arith.constant 7 : i32
        %add3A_1601 = arith.addi %add3A_442, %add3A_1600 : i32
        %get3A_1602 = arith.constant 0 : i32
        %get3A_1603 = arith.constant 0 : i32
        %get3A_1604 = tpu.memref_slice %arg6[%scan3A_224, %get3A_1602, %get3A_1603] : memref<3x240x64xi32, #tpu.memory_space<vmem>> -> memref<1x240x64xi32, #tpu.memory_space<vmem>>
        %get3A_1605 = tpu.memref_squeeze %get3A_1604 : memref<1x240x64xi32, #tpu.memory_space<vmem>> -> memref<240x64xi32, #tpu.memory_space<vmem>>
        %get3A_1606 = arith.index_cast %add3A_1601 : i32 to index
        %get3A_1607 = arith.constant 48 : index
        %get3A_1608 = tpu.vector_load %get3A_1605[%get3A_1606, %get3A_1607] {strides = array<i32>} : memref<240x64xi32, #tpu.memory_space<vmem>>, vector<16xi32>,
        %max3A_1609 = arith.maxsi %max3A_1581, %get3A_1599 : vector<16xi32>
        %max3A_1610 = arith.maxsi %max3A_1582, %get3A_1608 : vector<16xi32>
        %shift_left3A_1611 = arith.constant 16 : i32
        %shift_left3A_1612 = vector.broadcast %shift_left3A_1611 : i32 to vector<16xi32>
        %shift_left3A_1613 = arith.shli %get3A_1599, %shift_left3A_1612 : vector<16xi32>
        %max3A_1614 = arith.maxsi %max3A_1586, %shift_left3A_1613 : vector<16xi32>
        %shift_left3A_1615 = arith.constant 16 : i32
        %shift_left3A_1616 = vector.broadcast %shift_left3A_1615 : i32 to vector<16xi32>
        %shift_left3A_1617 = arith.shli %get3A_1608, %shift_left3A_1616 : vector<16xi32>
        %max3A_1618 = arith.maxsi %max3A_1590, %shift_left3A_1617 : vector<16xi32>
        %add3A_1619 = arith.constant 8 : i32
        %add3A_1620 = arith.addi %mul3A_440, %add3A_1619 : i32
        %get3A_1621 = arith.constant 0 : i32
        %get3A_1622 = arith.constant 0 : i32
        %get3A_1623 = tpu.memref_slice %arg6[%scan3A_224, %get3A_1621, %get3A_1622] : memref<3x240x64xi32, #tpu.memory_space<vmem>> -> memref<1x240x64xi32, #tpu.memory_space<vmem>>
        %get3A_1624 = tpu.memref_squeeze %get3A_1623 : memref<1x240x64xi32, #tpu.memory_space<vmem>> -> memref<240x64xi32, #tpu.memory_space<vmem>>
        %get3A_1625 = arith.index_cast %add3A_1620 : i32 to index
        %get3A_1626 = arith.constant 48 : index
        %get3A_1627 = tpu.vector_load %get3A_1624[%get3A_1625, %get3A_1626] {strides = array<i32>} : memref<240x64xi32, #tpu.memory_space<vmem>>, vector<16xi32>,
        %add3A_1628 = arith.constant 8 : i32
        %add3A_1629 = arith.addi %add3A_442, %add3A_1628 : i32
        %get3A_1630 = arith.constant 0 : i32
        %get3A_1631 = arith.constant 0 : i32
        %get3A_1632 = tpu.memref_slice %arg6[%scan3A_224, %get3A_1630, %get3A_1631] : memref<3x240x64xi32, #tpu.memory_space<vmem>> -> memref<1x240x64xi32, #tpu.memory_space<vmem>>
        %get3A_1633 = tpu.memref_squeeze %get3A_1632 : memref<1x240x64xi32, #tpu.memory_space<vmem>> -> memref<240x64xi32, #tpu.memory_space<vmem>>
        %get3A_1634 = arith.index_cast %add3A_1629 : i32 to index
        %get3A_1635 = arith.constant 48 : index
        %get3A_1636 = tpu.vector_load %get3A_1633[%get3A_1634, %get3A_1635] {strides = array<i32>} : memref<240x64xi32, #tpu.memory_space<vmem>>, vector<16xi32>,
        %max3A_1637 = arith.maxsi %max3A_1609, %get3A_1627 : vector<16xi32>
        %max3A_1638 = arith.maxsi %max3A_1610, %get3A_1636 : vector<16xi32>
        %shift_left3A_1639 = arith.constant 16 : i32
        %shift_left3A_1640 = vector.broadcast %shift_left3A_1639 : i32 to vector<16xi32>
        %shift_left3A_1641 = arith.shli %get3A_1627, %shift_left3A_1640 : vector<16xi32>
        %max3A_1642 = arith.maxsi %max3A_1614, %shift_left3A_1641 : vector<16xi32>
        %shift_left3A_1643 = arith.constant 16 : i32
        %shift_left3A_1644 = vector.broadcast %shift_left3A_1643 : i32 to vector<16xi32>
        %shift_left3A_1645 = arith.shli %get3A_1636, %shift_left3A_1644 : vector<16xi32>
        %max3A_1646 = arith.maxsi %max3A_1618, %shift_left3A_1645 : vector<16xi32>
        %add3A_1647 = arith.constant 9 : i32
        %add3A_1648 = arith.addi %mul3A_440, %add3A_1647 : i32
        %get3A_1649 = arith.constant 0 : i32
        %get3A_1650 = arith.constant 0 : i32
        %get3A_1651 = tpu.memref_slice %arg6[%scan3A_224, %get3A_1649, %get3A_1650] : memref<3x240x64xi32, #tpu.memory_space<vmem>> -> memref<1x240x64xi32, #tpu.memory_space<vmem>>
        %get3A_1652 = tpu.memref_squeeze %get3A_1651 : memref<1x240x64xi32, #tpu.memory_space<vmem>> -> memref<240x64xi32, #tpu.memory_space<vmem>>
        %get3A_1653 = arith.index_cast %add3A_1648 : i32 to index
        %get3A_1654 = arith.constant 48 : index
        %get3A_1655 = tpu.vector_load %get3A_1652[%get3A_1653, %get3A_1654] {strides = array<i32>} : memref<240x64xi32, #tpu.memory_space<vmem>>, vector<16xi32>,
        %add3A_1656 = arith.constant 9 : i32
        %add3A_1657 = arith.addi %add3A_442, %add3A_1656 : i32
        %get3A_1658 = arith.constant 0 : i32
        %get3A_1659 = arith.constant 0 : i32
        %get3A_1660 = tpu.memref_slice %arg6[%scan3A_224, %get3A_1658, %get3A_1659] : memref<3x240x64xi32, #tpu.memory_space<vmem>> -> memref<1x240x64xi32, #tpu.memory_space<vmem>>
        %get3A_1661 = tpu.memref_squeeze %get3A_1660 : memref<1x240x64xi32, #tpu.memory_space<vmem>> -> memref<240x64xi32, #tpu.memory_space<vmem>>
        %get3A_1662 = arith.index_cast %add3A_1657 : i32 to index
        %get3A_1663 = arith.constant 48 : index
        %get3A_1664 = tpu.vector_load %get3A_1661[%get3A_1662, %get3A_1663] {strides = array<i32>} : memref<240x64xi32, #tpu.memory_space<vmem>>, vector<16xi32>,
        %max3A_1665 = arith.maxsi %max3A_1637, %get3A_1655 : vector<16xi32>
        %max3A_1666 = arith.maxsi %max3A_1638, %get3A_1664 : vector<16xi32>
        %shift_left3A_1667 = arith.constant 16 : i32
        %shift_left3A_1668 = vector.broadcast %shift_left3A_1667 : i32 to vector<16xi32>
        %shift_left3A_1669 = arith.shli %get3A_1655, %shift_left3A_1668 : vector<16xi32>
        %max3A_1670 = arith.maxsi %max3A_1642, %shift_left3A_1669 : vector<16xi32>
        %shift_left3A_1671 = arith.constant 16 : i32
        %shift_left3A_1672 = vector.broadcast %shift_left3A_1671 : i32 to vector<16xi32>
        %shift_left3A_1673 = arith.shli %get3A_1664, %shift_left3A_1672 : vector<16xi32>
        %max3A_1674 = arith.maxsi %max3A_1646, %shift_left3A_1673 : vector<16xi32>
        %bitcast3A_1675 = vector.bitcast %max3A_1670 : vector<16xi32> to vector<16xf32>
        %mul3A_1676 = arith.constant 2 : i32
        %mul3A_1677 = arith.muli %mul3A_1676, %scan3A_436 : i32
        %swap3A_1678 = arith.constant 0 : i32
        %swap3A_1679 = arith.constant 0 : i32
        %swap3A_1680 = tpu.memref_slice %arg7[%scan3A_225, %swap3A_1678, %swap3A_1679] : memref<3x24x128xf32, #tpu.memory_space<vmem>> -> memref<1x24x128xf32, #tpu.memory_space<vmem>>
        %swap3A_1681 = tpu.memref_squeeze %swap3A_1680 : memref<1x24x128xf32, #tpu.memory_space<vmem>> -> memref<24x128xf32, #tpu.memory_space<vmem>>
        %swap3A_1682 = arith.index_cast %mul3A_1677 : i32 to index
        %swap3A_1683 = arith.constant 48 : index
        %swap3A_1684 = tpu.vector_load %swap3A_1681[%swap3A_1682, %swap3A_1683] {strides = array<i32>} : memref<24x128xf32, #tpu.memory_space<vmem>>, vector<16xf32>,
        tpu.vector_store %swap3A_1681[%swap3A_1682, %swap3A_1683], %bitcast3A_1675 {strides = array<i32>} : memref<24x128xf32, #tpu.memory_space<vmem>>, vector<16xf32>,
        %bitcast3A_1685 = vector.bitcast %max3A_1674 : vector<16xi32> to vector<16xf32>
        %mul3A_1686 = arith.constant 2 : i32
        %mul3A_1687 = arith.muli %mul3A_1686, %scan3A_436 : i32
        %add3A_1688 = arith.constant 1 : i32
        %add3A_1689 = arith.addi %mul3A_1687, %add3A_1688 : i32
        %swap3A_1690 = arith.constant 0 : i32
        %swap3A_1691 = arith.constant 0 : i32
        %swap3A_1692 = tpu.memref_slice %arg7[%scan3A_225, %swap3A_1690, %swap3A_1691] : memref<3x24x128xf32, #tpu.memory_space<vmem>> -> memref<1x24x128xf32, #tpu.memory_space<vmem>>
        %swap3A_1693 = tpu.memref_squeeze %swap3A_1692 : memref<1x24x128xf32, #tpu.memory_space<vmem>> -> memref<24x128xf32, #tpu.memory_space<vmem>>
        %swap3A_1694 = arith.index_cast %add3A_1689 : i32 to index
        %swap3A_1695 = arith.constant 48 : index
        %swap3A_1696 = tpu.vector_load %swap3A_1693[%swap3A_1694, %swap3A_1695] {strides = array<i32>} : memref<24x128xf32, #tpu.memory_space<vmem>>, vector<16xf32>,
        tpu.vector_store %swap3A_1693[%swap3A_1694, %swap3A_1695], %bitcast3A_1685 {strides = array<i32>} : memref<24x128xf32, #tpu.memory_space<vmem>>, vector<16xf32>,
        %and3A_1697 = arith.constant -65536 : i32
        %and3A_1698 = vector.broadcast %and3A_1697 : i32 to vector<16xi32>
        %and3A_1699 = arith.andi %max3A_1665, %and3A_1698 : vector<16xi32>
        %bitcast3A_1700 = vector.bitcast %and3A_1699 : vector<16xi32> to vector<16xf32>
        %mul3A_1701 = arith.constant 2 : i32
        %mul3A_1702 = arith.muli %mul3A_1701, %scan3A_436 : i32
        %swap3A_1703 = arith.constant 0 : i32
        %swap3A_1704 = arith.constant 0 : i32
        %swap3A_1705 = tpu.memref_slice %arg7[%scan3A_225, %swap3A_1703, %swap3A_1704] : memref<3x24x128xf32, #tpu.memory_space<vmem>> -> memref<1x24x128xf32, #tpu.memory_space<vmem>>
        %swap3A_1706 = tpu.memref_squeeze %swap3A_1705 : memref<1x24x128xf32, #tpu.memory_space<vmem>> -> memref<24x128xf32, #tpu.memory_space<vmem>>
        %swap3A_1707 = arith.index_cast %mul3A_1702 : i32 to index
        %swap3A_1708 = arith.constant 112 : index
        %swap3A_1709 = tpu.vector_load %swap3A_1706[%swap3A_1707, %swap3A_1708] {strides = array<i32>} : memref<24x128xf32, #tpu.memory_space<vmem>>, vector<16xf32>,
        tpu.vector_store %swap3A_1706[%swap3A_1707, %swap3A_1708], %bitcast3A_1700 {strides = array<i32>} : memref<24x128xf32, #tpu.memory_space<vmem>>, vector<16xf32>,
        %and3A_1710 = arith.constant -65536 : i32
        %and3A_1711 = vector.broadcast %and3A_1710 : i32 to vector<16xi32>
        %and3A_1712 = arith.andi %max3A_1666, %and3A_1711 : vector<16xi32>
        %bitcast3A_1713 = vector.bitcast %and3A_1712 : vector<16xi32> to vector<16xf32>
        %mul3A_1714 = arith.constant 2 : i32
        %mul3A_1715 = arith.muli %mul3A_1714, %scan3A_436 : i32
        %add3A_1716 = arith.constant 1 : i32
        %add3A_1717 = arith.addi %mul3A_1715, %add3A_1716 : i32
        %swap3A_1718 = arith.constant 0 : i32
        %swap3A_1719 = arith.constant 0 : i32
        %swap3A_1720 = tpu.memref_slice %arg7[%scan3A_225, %swap3A_1718, %swap3A_1719] : memref<3x24x128xf32, #tpu.memory_space<vmem>> -> memref<1x24x128xf32, #tpu.memory_space<vmem>>
        %swap3A_1721 = tpu.memref_squeeze %swap3A_1720 : memref<1x24x128xf32, #tpu.memory_space<vmem>> -> memref<24x128xf32, #tpu.memory_space<vmem>>
        %swap3A_1722 = arith.index_cast %add3A_1717 : i32 to index
        %swap3A_1723 = arith.constant 112 : index
        %swap3A_1724 = tpu.vector_load %swap3A_1721[%swap3A_1722, %swap3A_1723] {strides = array<i32>} : memref<24x128xf32, #tpu.memory_space<vmem>>, vector<16xf32>,
        tpu.vector_store %swap3A_1721[%swap3A_1722, %swap3A_1723], %bitcast3A_1713 {strides = array<i32>} : memref<24x128xf32, #tpu.memory_space<vmem>>, vector<16xf32>,
      }
      %scan3A_230 = arith.constant 12 : i32
      %mul3A_231 = arith.constant 24 : i32
      %mul3A_232 = arith.muli %add3A_164, %mul3A_231 : i32
      %add3A_233 = arith.addi %mul3A_2, %mul3A_232 : i32
      %min3A_234 = arith.constant 49976 : i32
      %min3A_235 = arith.minsi %add3A_233, %min3A_234 : i32
      %multiple_of3A_236 = tpu.assume_multiple %min3A_235, 8 : i32
      %dma_start3A_237 = arith.constant 0 : i32
      %dma_start3A_238 = arith.constant 0 : i32
      %dma_start3A_239 = arith.constant 0 : i32
      %dma_start3A_240 = tpu.memref_slice %arg7[%dma_start3A_237, %dma_start3A_238, %dma_start3A_239] : memref<3x24x128xf32, #tpu.memory_space<vmem>> -> memref<1x24x128xf32, #tpu.memory_space<vmem>>
      %dma_start3A_241 = tpu.memref_squeeze %dma_start3A_240 : memref<1x24x128xf32, #tpu.memory_space<vmem>> -> memref<24x128xf32, #tpu.memory_space<vmem>>
      %dma_start3A_242 = arith.constant 0 : i32
      %dma_start3A_243 = tpu.memref_slice %arg4[%multiple_of3A_236, %dma_start3A_242] : memref<50000x128xf32, #tpu.memory_space<hbm>> -> memref<24x128xf32, #tpu.memory_space<hbm>>
      %dma_start3A_244 = arith.constant 0 : i32
      %dma_start3A_245 = tpu.memref_slice %arg4[%multiple_of3A_236, %dma_start3A_244] : memref<50000x128xf32, #tpu.memory_space<hbm>> -> memref<24x128xf32, #tpu.memory_space<hbm>>
      %dma_start3A_246 = arith.constant 0 : i32
      %dma_start3A_247 = arith.constant 0 : i32
      %dma_start3A_248 = tpu.memref_slice %arg7[%dma_start3A_237, %dma_start3A_246, %dma_start3A_247] : memref<3x24x128xf32, #tpu.memory_space<vmem>> -> memref<1x24x128xf32, #tpu.memory_space<vmem>>
      %dma_start3A_249 = tpu.memref_squeeze %dma_start3A_248 : memref<1x24x128xf32, #tpu.memory_space<vmem>> -> memref<24x128xf32, #tpu.memory_space<vmem>>
      tpu.enqueue_dma source(%dma_start3A_249 : memref<24x128xf32, #tpu.memory_space<vmem>>) target(%dma_start3A_245 : memref<24x128xf32, #tpu.memory_space<hbm>>) target_semaphore(%arg11 : memref<!tpu.dma_semaphore, #tpu.memory_space<semaphore_mem>>)
      %mul3A_250 = arith.constant 3 : i32
      %mul3A_251 = arith.muli %mul3A_250, %scan3A_160 : i32
      %add3A_252 = arith.constant 1 : i32
      %add3A_253 = arith.addi %mul3A_251, %add3A_252 : i32
      %add3A_254 = arith.constant 3 : i32
      %add3A_255 = arith.addi %add3A_253, %add3A_254 : i32
      %sub3A_256 = arith.constant 1 : i32
      %sub3A_257 = arith.subi %add3A_255, %sub3A_256 : i32
      %lt3A_258 = arith.constant 66 : i32
      %lt3A_259 = arith.cmpi slt, %sub3A_257, %lt3A_258 : i32
      %convert_element_type3A_260 = arith.extui %lt3A_259 : i1 to i32
      %cond3A_261 = arith.constant 0 : i32
      %cond3A_262 = arith.cmpi ne, %convert_element_type3A_260, %cond3A_261 : i32
      scf.if %cond3A_262 {
        %add3A_436 = arith.constant 3 : i32
        %add3A_437 = arith.addi %add3A_253, %add3A_436 : i32
        %sub3A_438 = arith.constant 1 : i32
        %sub3A_439 = arith.subi %add3A_437, %sub3A_438 : i32
        %mul3A_440 = arith.constant 24 : i32
        %mul3A_441 = arith.muli %sub3A_439, %mul3A_440 : i32
        %add3A_442 = arith.addi %mul3A_2, %mul3A_441 : i32
        %min3A_443 = arith.constant 49976 : i32
        %min3A_444 = arith.minsi %add3A_442, %min3A_443 : i32
        %multiple_of3A_445 = tpu.assume_multiple %min3A_444, 8 : i32
        %sub3A_446 = arith.subi %multiple_of3A_445, %min3A_3 : i32
        %mul3A_447 = arith.constant 10 : i32
        %mul3A_448 = arith.muli %sub3A_446, %mul3A_447 : i32
        %add3A_449 = arith.constant 0 : i32
        %add3A_450 = arith.addi %mul3A_448, %add3A_449 : i32
        %multiple_of3A_451 = tpu.assume_multiple %add3A_450, 8 : i32
        %dma_start3A_452 = arith.constant 0 : i32
        %dma_start3A_453 = arith.constant 0 : i32
        %dma_start3A_454 = arith.constant 0 : i32
        %dma_start3A_455 = tpu.memref_slice %arg6[%dma_start3A_452, %dma_start3A_453, %dma_start3A_454] : memref<3x240x64xi32, #tpu.memory_space<vmem>> -> memref<1x240x64xi32, #tpu.memory_space<vmem>>
        %dma_start3A_456 = tpu.memref_squeeze %dma_start3A_455 : memref<1x240x64xi32, #tpu.memory_space<vmem>> -> memref<240x64xi32, #tpu.memory_space<vmem>>
        %dma_start3A_457 = arith.constant 0 : i32
        %dma_start3A_458 = arith.constant 0 : i32
        %dma_start3A_459 = tpu.memref_slice %dma_start3A_456[%dma_start3A_457, %dma_start3A_458] : memref<240x64xi32, #tpu.memory_space<vmem>> -> memref<120x64xi32, #tpu.memory_space<vmem>>
        %dma_start3A_460 = tpu.memref_slice %arg5[%multiple_of3A_451] : memref<15840xi32, #tpu.memory_space<vmem>> -> memref<120xi32, #tpu.memory_space<vmem>>
        %dma_start3A_461 = arith.constant 0 : i32
        %dma_start3A_462 = arith.constant 0 : i32
        %dma_start3A_463 = tpu.memref_slice %arg2[%dma_start3A_461, %dma_start3A_462] : memref<50000x64xi32, #tpu.memory_space<hbm>> -> memref<50000x64xi32, #tpu.memory_space<hbm>>
        tpu.enqueue_indirect_dma source(%dma_start3A_463 : memref<50000x64xi32, #tpu.memory_space<hbm>>) target(%dma_start3A_459 : memref<120x64xi32, #tpu.memory_space<vmem>>) offsets(%dma_start3A_460 : memref<120xi32, #tpu.memory_space<vmem>>) semaphore(%arg8 : memref<!tpu.dma_semaphore, #tpu.memory_space<semaphore_mem>>)
        %mul3A_464 = arith.constant 24 : i32
        %mul3A_465 = arith.muli %sub3A_439, %mul3A_464 : i32
        %add3A_466 = arith.addi %mul3A_2, %mul3A_465 : i32
        %min3A_467 = arith.constant 49976 : i32
        %min3A_468 = arith.minsi %add3A_466, %min3A_467 : i32
        %multiple_of3A_469 = tpu.assume_multiple %min3A_468, 8 : i32
        %sub3A_470 = arith.subi %multiple_of3A_469, %min3A_3 : i32
        %mul3A_471 = arith.constant 10 : i32
        %mul3A_472 = arith.muli %sub3A_470, %mul3A_471 : i32
        %add3A_473 = arith.constant 120 : i32
        %add3A_474 = arith.addi %mul3A_472, %add3A_473 : i32
        %multiple_of3A_475 = tpu.assume_multiple %add3A_474, 8 : i32
        %dma_start3A_476 = arith.constant 0 : i32
        %dma_start3A_477 = arith.constant 0 : i32
        %dma_start3A_478 = arith.constant 0 : i32
        %dma_start3A_479 = tpu.memref_slice %arg6[%dma_start3A_476, %dma_start3A_477, %dma_start3A_478] : memref<3x240x64xi32, #tpu.memory_space<vmem>> -> memref<1x240x64xi32, #tpu.memory_space<vmem>>
        %dma_start3A_480 = tpu.memref_squeeze %dma_start3A_479 : memref<1x240x64xi32, #tpu.memory_space<vmem>> -> memref<240x64xi32, #tpu.memory_space<vmem>>
        %dma_start3A_481 = arith.constant 120 : i32
        %dma_start3A_482 = arith.constant 0 : i32
        %dma_start3A_483 = tpu.memref_slice %dma_start3A_480[%dma_start3A_481, %dma_start3A_482] : memref<240x64xi32, #tpu.memory_space<vmem>> -> memref<120x64xi32, #tpu.memory_space<vmem>>
        %dma_start3A_484 = tpu.memref_slice %arg5[%multiple_of3A_475] : memref<15840xi32, #tpu.memory_space<vmem>> -> memref<120xi32, #tpu.memory_space<vmem>>
        %dma_start3A_485 = arith.constant 0 : i32
        %dma_start3A_486 = arith.constant 0 : i32
        %dma_start3A_487 = tpu.memref_slice %arg2[%dma_start3A_485, %dma_start3A_486] : memref<50000x64xi32, #tpu.memory_space<hbm>> -> memref<50000x64xi32, #tpu.memory_space<hbm>>
        tpu.enqueue_indirect_dma source(%dma_start3A_487 : memref<50000x64xi32, #tpu.memory_space<hbm>>) target(%dma_start3A_483 : memref<120x64xi32, #tpu.memory_space<vmem>>) offsets(%dma_start3A_484 : memref<120xi32, #tpu.memory_space<vmem>>) semaphore(%arg8 : memref<!tpu.dma_semaphore, #tpu.memory_space<semaphore_mem>>)
      } else {
      }
      %mul3A_263 = arith.constant 24 : i32
      %mul3A_264 = arith.muli %add3A_253, %mul3A_263 : i32
      %add3A_265 = arith.addi %mul3A_2, %mul3A_264 : i32
      %min3A_266 = arith.constant 49976 : i32
      %min3A_267 = arith.minsi %add3A_265, %min3A_266 : i32
      %multiple_of3A_268 = tpu.assume_multiple %min3A_267, 8 : i32
      %sub3A_269 = arith.subi %multiple_of3A_268, %min3A_3 : i32
      %mul3A_270 = arith.constant 10 : i32
      %mul3A_271 = arith.muli %sub3A_269, %mul3A_270 : i32
      %add3A_272 = arith.constant 0 : i32
      %add3A_273 = arith.addi %mul3A_271, %add3A_272 : i32
      %multiple_of3A_274 = tpu.assume_multiple %add3A_273, 8 : i32
      %dma_wait3A_275 = arith.constant 1 : i32
      %dma_wait3A_276 = arith.constant 0 : i32
      %dma_wait3A_277 = arith.constant 0 : i32
      %dma_wait3A_278 = tpu.memref_slice %arg6[%dma_wait3A_275, %dma_wait3A_276, %dma_wait3A_277] : memref<3x240x64xi32, #tpu.memory_space<vmem>> -> memref<1x240x64xi32, #tpu.memory_space<vmem>>
      %dma_wait3A_279 = tpu.memref_squeeze %dma_wait3A_278 : memref<1x240x64xi32, #tpu.memory_space<vmem>> -> memref<240x64xi32, #tpu.memory_space<vmem>>
      %dma_wait3A_280 = arith.constant 0 : i32
      %dma_wait3A_281 = arith.constant 0 : i32
      %dma_wait3A_282 = tpu.memref_slice %dma_wait3A_279[%dma_wait3A_280, %dma_wait3A_281] : memref<240x64xi32, #tpu.memory_space<vmem>> -> memref<120x64xi32, #tpu.memory_space<vmem>>
      %dma_wait3A_283 = tpu.memref_slice %arg5[%multiple_of3A_274] : memref<15840xi32, #tpu.memory_space<vmem>> -> memref<120xi32, #tpu.memory_space<vmem>>
      %dma_wait3A_284 = arith.constant 0 : i32
      %dma_wait3A_285 = arith.constant 0 : i32
      %dma_wait3A_286 = tpu.memref_slice %arg2[%dma_wait3A_284, %dma_wait3A_285] : memref<50000x64xi32, #tpu.memory_space<hbm>> -> memref<50000x64xi32, #tpu.memory_space<hbm>>
      tpu.wait_indirect_dma semaphore(%arg9 : memref<!tpu.dma_semaphore, #tpu.memory_space<semaphore_mem>>) src(%dma_wait3A_286 : memref<50000x64xi32, #tpu.memory_space<hbm>>) dst(%dma_wait3A_282 : memref<120x64xi32, #tpu.memory_space<vmem>>)
      %mul3A_287 = arith.constant 24 : i32
      %mul3A_288 = arith.muli %add3A_253, %mul3A_287 : i32
      %add3A_289 = arith.addi %mul3A_2, %mul3A_288 : i32
      %min3A_290 = arith.constant 49976 : i32
      %min3A_291 = arith.minsi %add3A_289, %min3A_290 : i32
      %multiple_of3A_292 = tpu.assume_multiple %min3A_291, 8 : i32
      %sub3A_293 = arith.subi %multiple_of3A_292, %min3A_3 : i32
      %mul3A_294 = arith.constant 10 : i32
      %mul3A_295 = arith.muli %sub3A_293, %mul3A_294 : i32
      %add3A_296 = arith.constant 120 : i32
      %add3A_297 = arith.addi %mul3A_295, %add3A_296 : i32
      %multiple_of3A_298 = tpu.assume_multiple %add3A_297, 8 : i32
      %dma_wait3A_299 = arith.constant 1 : i32
      %dma_wait3A_300 = arith.constant 0 : i32
      %dma_wait3A_301 = arith.constant 0 : i32
      %dma_wait3A_302 = tpu.memref_slice %arg6[%dma_wait3A_299, %dma_wait3A_300, %dma_wait3A_301] : memref<3x240x64xi32, #tpu.memory_space<vmem>> -> memref<1x240x64xi32, #tpu.memory_space<vmem>>
      %dma_wait3A_303 = tpu.memref_squeeze %dma_wait3A_302 : memref<1x240x64xi32, #tpu.memory_space<vmem>> -> memref<240x64xi32, #tpu.memory_space<vmem>>
      %dma_wait3A_304 = arith.constant 120 : i32
      %dma_wait3A_305 = arith.constant 0 : i32
      %dma_wait3A_306 = tpu.memref_slice %dma_wait3A_303[%dma_wait3A_304, %dma_wait3A_305] : memref<240x64xi32, #tpu.memory_space<vmem>> -> memref<120x64xi32, #tpu.memory_space<vmem>>
      %dma_wait3A_307 = tpu.memref_slice %arg5[%multiple_of3A_298] : memref<15840xi32, #tpu.memory_space<vmem>> -> memref<120xi32, #tpu.memory_space<vmem>>
      %dma_wait3A_308 = arith.constant 0 : i32
      %dma_wait3A_309 = arith.constant 0 : i32
      %dma_wait3A_310 = tpu.memref_slice %arg2[%dma_wait3A_308, %dma_wait3A_309] : memref<50000x64xi32, #tpu.memory_space<hbm>> -> memref<50000x64xi32, #tpu.memory_space<hbm>>
      tpu.wait_indirect_dma semaphore(%arg9 : memref<!tpu.dma_semaphore, #tpu.memory_space<semaphore_mem>>) src(%dma_wait3A_310 : memref<50000x64xi32, #tpu.memory_space<hbm>>) dst(%dma_wait3A_306 : memref<120x64xi32, #tpu.memory_space<vmem>>)
      %ge3A_311 = arith.constant 3 : i32
      %ge3A_312 = arith.cmpi sge, %add3A_253, %ge3A_311 : i32
      %convert_element_type3A_313 = arith.extui %ge3A_312 : i1 to i32
      %cond3A_314 = arith.constant 0 : i32
      %cond3A_315 = arith.cmpi ne, %convert_element_type3A_313, %cond3A_314 : i32
      scf.if %cond3A_315 {
        %sub3A_436 = arith.constant 3 : i32
        %sub3A_437 = arith.subi %add3A_253, %sub3A_436 : i32
        %mul3A_438 = arith.constant 24 : i32
        %mul3A_439 = arith.muli %sub3A_437, %mul3A_438 : i32
        %add3A_440 = arith.addi %mul3A_2, %mul3A_439 : i32
        %min3A_441 = arith.constant 49976 : i32
        %min3A_442 = arith.minsi %add3A_440, %min3A_441 : i32
        %multiple_of3A_443 = tpu.assume_multiple %min3A_442, 8 : i32
        %dma_wait3A_444 = arith.constant 1 : i32
        %dma_wait3A_445 = arith.constant 0 : i32
        %dma_wait3A_446 = arith.constant 0 : i32
        %dma_wait3A_447 = tpu.memref_slice %arg7[%dma_wait3A_444, %dma_wait3A_445, %dma_wait3A_446] : memref<3x24x128xf32, #tpu.memory_space<vmem>> -> memref<1x24x128xf32, #tpu.memory_space<vmem>>
        %dma_wait3A_448 = tpu.memref_squeeze %dma_wait3A_447 : memref<1x24x128xf32, #tpu.memory_space<vmem>> -> memref<24x128xf32, #tpu.memory_space<vmem>>
        %dma_wait3A_449 = arith.constant 0 : i32
        %dma_wait3A_450 = tpu.memref_slice %arg4[%multiple_of3A_443, %dma_wait3A_449] : memref<50000x128xf32, #tpu.memory_space<hbm>> -> memref<24x128xf32, #tpu.memory_space<hbm>>
        %dma_wait3A_451 = arith.constant 0 : i32
        %dma_wait3A_452 = tpu.memref_slice %arg4[%multiple_of3A_443, %dma_wait3A_451] : memref<50000x128xf32, #tpu.memory_space<hbm>> -> memref<24x128xf32, #tpu.memory_space<hbm>>
        %dma_wait3A_453 = arith.constant 0 : i32
        %dma_wait3A_454 = arith.constant 0 : i32
        %dma_wait3A_455 = tpu.memref_slice %arg7[%dma_wait3A_444, %dma_wait3A_453, %dma_wait3A_454] : memref<3x24x128xf32, #tpu.memory_space<vmem>> -> memref<1x24x128xf32, #tpu.memory_space<vmem>>
        %dma_wait3A_456 = tpu.memref_squeeze %dma_wait3A_455 : memref<1x24x128xf32, #tpu.memory_space<vmem>> -> memref<24x128xf32, #tpu.memory_space<vmem>>
        tpu.wait_dma2 semaphore(%arg12 : memref<!tpu.dma_semaphore, #tpu.memory_space<semaphore_mem>>) src(%dma_wait3A_456 : memref<24x128xf32, #tpu.memory_space<vmem>>) dst(%dma_wait3A_452 : memref<24x128xf32, #tpu.memory_space<hbm>>)
      } else {
      }
      %scan3A_316 = arith.constant 0 : i32
      %scan3A_317 = arith.constant 1 : i32
      %scan3A_318 = arith.constant 1 : i32
      %scan3A_319 = arith.constant 0 : i32
      %scan3A_320 = arith.constant 12 : i32
      %scan3A_321 = arith.addi %scan3A_319, %scan3A_320 : i32
      %scan3A_322 = arith.constant 1 : i32
      scf.for %scan3A_436 = %scan3A_319 to %scan3A_321 step %scan3A_322  : i32 {
        %mul3A_437 = arith.constant 2 : i32
        %mul3A_438 = arith.muli %scan3A_436, %mul3A_437 : i32
        %mul3A_439 = arith.constant 10 : i32
        %mul3A_440 = arith.muli %mul3A_438, %mul3A_439 : i32
        %add3A_441 = arith.constant 10 : i32
        %add3A_442 = arith.addi %mul3A_440, %add3A_441 : i32
        %get3A = arith.constant 0 : i32
        %get3A_443 = arith.constant 0 : i32
        %get3A_444 = tpu.memref_slice %arg6[%scan3A_317, %get3A, %get3A_443] : memref<3x240x64xi32, #tpu.memory_space<vmem>> -> memref<1x240x64xi32, #tpu.memory_space<vmem>>
        %get3A_445 = tpu.memref_squeeze %get3A_444 : memref<1x240x64xi32, #tpu.memory_space<vmem>> -> memref<240x64xi32, #tpu.memory_space<vmem>>
        %get3A_446 = arith.index_cast %mul3A_440 : i32 to index
        %get3A_447 = arith.constant 0 : index
        %get3A_448 = tpu.vector_load %get3A_445[%get3A_446, %get3A_447] {strides = array<i32>} : memref<240x64xi32, #tpu.memory_space<vmem>>, vector<16xi32>,
        %get3A_449 = arith.constant 0 : i32
        %get3A_450 = arith.constant 0 : i32
        %get3A_451 = tpu.memref_slice %arg6[%scan3A_317, %get3A_449, %get3A_450] : memref<3x240x64xi32, #tpu.memory_space<vmem>> -> memref<1x240x64xi32, #tpu.memory_space<vmem>>
        %get3A_452 = tpu.memref_squeeze %get3A_451 : memref<1x240x64xi32, #tpu.memory_space<vmem>> -> memref<240x64xi32, #tpu.memory_space<vmem>>
        %get3A_453 = arith.index_cast %add3A_442 : i32 to index
        %get3A_454 = arith.constant 0 : index
        %get3A_455 = tpu.vector_load %get3A_452[%get3A_453, %get3A_454] {strides = array<i32>} : memref<240x64xi32, #tpu.memory_space<vmem>>, vector<16xi32>,
        %shift_left3A = arith.constant 16 : i32
        %shift_left3A_456 = vector.broadcast %shift_left3A : i32 to vector<16xi32>
        %shift_left3A_457 = arith.shli %get3A_448, %shift_left3A_456 : vector<16xi32>
        %shift_left3A_458 = arith.constant 16 : i32
        %shift_left3A_459 = vector.broadcast %shift_left3A_458 : i32 to vector<16xi32>
        %shift_left3A_460 = arith.shli %get3A_455, %shift_left3A_459 : vector<16xi32>
        %add3A_461 = arith.constant 1 : i32
        %add3A_462 = arith.addi %mul3A_440, %add3A_461 : i32
        %get3A_463 = arith.constant 0 : i32
        %get3A_464 = arith.constant 0 : i32
        %get3A_465 = tpu.memref_slice %arg6[%scan3A_317, %get3A_463, %get3A_464] : memref<3x240x64xi32, #tpu.memory_space<vmem>> -> memref<1x240x64xi32, #tpu.memory_space<vmem>>
        %get3A_466 = tpu.memref_squeeze %get3A_465 : memref<1x240x64xi32, #tpu.memory_space<vmem>> -> memref<240x64xi32, #tpu.memory_space<vmem>>
        %get3A_467 = arith.index_cast %add3A_462 : i32 to index
        %get3A_468 = arith.constant 0 : index
        %get3A_469 = tpu.vector_load %get3A_466[%get3A_467, %get3A_468] {strides = array<i32>} : memref<240x64xi32, #tpu.memory_space<vmem>>, vector<16xi32>,
        %add3A_470 = arith.constant 1 : i32
        %add3A_471 = arith.addi %add3A_442, %add3A_470 : i32
        %get3A_472 = arith.constant 0 : i32
        %get3A_473 = arith.constant 0 : i32
        %get3A_474 = tpu.memref_slice %arg6[%scan3A_317, %get3A_472, %get3A_473] : memref<3x240x64xi32, #tpu.memory_space<vmem>> -> memref<1x240x64xi32, #tpu.memory_space<vmem>>
        %get3A_475 = tpu.memref_squeeze %get3A_474 : memref<1x240x64xi32, #tpu.memory_space<vmem>> -> memref<240x64xi32, #tpu.memory_space<vmem>>
        %get3A_476 = arith.index_cast %add3A_471 : i32 to index
        %get3A_477 = arith.constant 0 : index
        %get3A_478 = tpu.vector_load %get3A_475[%get3A_476, %get3A_477] {strides = array<i32>} : memref<240x64xi32, #tpu.memory_space<vmem>>, vector<16xi32>,
        %max3A = arith.maxsi %get3A_448, %get3A_469 : vector<16xi32>
        %max3A_479 = arith.maxsi %get3A_455, %get3A_478 : vector<16xi32>
        %shift_left3A_480 = arith.constant 16 : i32
        %shift_left3A_481 = vector.broadcast %shift_left3A_480 : i32 to vector<16xi32>
        %shift_left3A_482 = arith.shli %get3A_469, %shift_left3A_481 : vector<16xi32>
        %max3A_483 = arith.maxsi %shift_left3A_457, %shift_left3A_482 : vector<16xi32>
        %shift_left3A_484 = arith.constant 16 : i32
        %shift_left3A_485 = vector.broadcast %shift_left3A_484 : i32 to vector<16xi32>
        %shift_left3A_486 = arith.shli %get3A_478, %shift_left3A_485 : vector<16xi32>
        %max3A_487 = arith.maxsi %shift_left3A_460, %shift_left3A_486 : vector<16xi32>
        %add3A_488 = arith.constant 2 : i32
        %add3A_489 = arith.addi %mul3A_440, %add3A_488 : i32
        %get3A_490 = arith.constant 0 : i32
        %get3A_491 = arith.constant 0 : i32
        %get3A_492 = tpu.memref_slice %arg6[%scan3A_317, %get3A_490, %get3A_491] : memref<3x240x64xi32, #tpu.memory_space<vmem>> -> memref<1x240x64xi32, #tpu.memory_space<vmem>>
        %get3A_493 = tpu.memref_squeeze %get3A_492 : memref<1x240x64xi32, #tpu.memory_space<vmem>> -> memref<240x64xi32, #tpu.memory_space<vmem>>
        %get3A_494 = arith.index_cast %add3A_489 : i32 to index
        %get3A_495 = arith.constant 0 : index
        %get3A_496 = tpu.vector_load %get3A_493[%get3A_494, %get3A_495] {strides = array<i32>} : memref<240x64xi32, #tpu.memory_space<vmem>>, vector<16xi32>,
        %add3A_497 = arith.constant 2 : i32
        %add3A_498 = arith.addi %add3A_442, %add3A_497 : i32
        %get3A_499 = arith.constant 0 : i32
        %get3A_500 = arith.constant 0 : i32
        %get3A_501 = tpu.memref_slice %arg6[%scan3A_317, %get3A_499, %get3A_500] : memref<3x240x64xi32, #tpu.memory_space<vmem>> -> memref<1x240x64xi32, #tpu.memory_space<vmem>>
        %get3A_502 = tpu.memref_squeeze %get3A_501 : memref<1x240x64xi32, #tpu.memory_space<vmem>> -> memref<240x64xi32, #tpu.memory_space<vmem>>
        %get3A_503 = arith.index_cast %add3A_498 : i32 to index
        %get3A_504 = arith.constant 0 : index
        %get3A_505 = tpu.vector_load %get3A_502[%get3A_503, %get3A_504] {strides = array<i32>} : memref<240x64xi32, #tpu.memory_space<vmem>>, vector<16xi32>,
        %max3A_506 = arith.maxsi %max3A, %get3A_496 : vector<16xi32>
        %max3A_507 = arith.maxsi %max3A_479, %get3A_505 : vector<16xi32>
        %shift_left3A_508 = arith.constant 16 : i32
        %shift_left3A_509 = vector.broadcast %shift_left3A_508 : i32 to vector<16xi32>
        %shift_left3A_510 = arith.shli %get3A_496, %shift_left3A_509 : vector<16xi32>
        %max3A_511 = arith.maxsi %max3A_483, %shift_left3A_510 : vector<16xi32>
        %shift_left3A_512 = arith.constant 16 : i32
        %shift_left3A_513 = vector.broadcast %shift_left3A_512 : i32 to vector<16xi32>
        %shift_left3A_514 = arith.shli %get3A_505, %shift_left3A_513 : vector<16xi32>
        %max3A_515 = arith.maxsi %max3A_487, %shift_left3A_514 : vector<16xi32>
        %add3A_516 = arith.constant 3 : i32
        %add3A_517 = arith.addi %mul3A_440, %add3A_516 : i32
        %get3A_518 = arith.constant 0 : i32
        %get3A_519 = arith.constant 0 : i32
        %get3A_520 = tpu.memref_slice %arg6[%scan3A_317, %get3A_518, %get3A_519] : memref<3x240x64xi32, #tpu.memory_space<vmem>> -> memref<1x240x64xi32, #tpu.memory_space<vmem>>
        %get3A_521 = tpu.memref_squeeze %get3A_520 : memref<1x240x64xi32, #tpu.memory_space<vmem>> -> memref<240x64xi32, #tpu.memory_space<vmem>>
        %get3A_522 = arith.index_cast %add3A_517 : i32 to index
        %get3A_523 = arith.constant 0 : index
        %get3A_524 = tpu.vector_load %get3A_521[%get3A_522, %get3A_523] {strides = array<i32>} : memref<240x64xi32, #tpu.memory_space<vmem>>, vector<16xi32>,
        %add3A_525 = arith.constant 3 : i32
        %add3A_526 = arith.addi %add3A_442, %add3A_525 : i32
        %get3A_527 = arith.constant 0 : i32
        %get3A_528 = arith.constant 0 : i32
        %get3A_529 = tpu.memref_slice %arg6[%scan3A_317, %get3A_527, %get3A_528] : memref<3x240x64xi32, #tpu.memory_space<vmem>> -> memref<1x240x64xi32, #tpu.memory_space<vmem>>
        %get3A_530 = tpu.memref_squeeze %get3A_529 : memref<1x240x64xi32, #tpu.memory_space<vmem>> -> memref<240x64xi32, #tpu.memory_space<vmem>>
        %get3A_531 = arith.index_cast %add3A_526 : i32 to index
        %get3A_532 = arith.constant 0 : index
        %get3A_533 = tpu.vector_load %get3A_530[%get3A_531, %get3A_532] {strides = array<i32>} : memref<240x64xi32, #tpu.memory_space<vmem>>, vector<16xi32>,
        %max3A_534 = arith.maxsi %max3A_506, %get3A_524 : vector<16xi32>
        %max3A_535 = arith.maxsi %max3A_507, %get3A_533 : vector<16xi32>
        %shift_left3A_536 = arith.constant 16 : i32
        %shift_left3A_537 = vector.broadcast %shift_left3A_536 : i32 to vector<16xi32>
        %shift_left3A_538 = arith.shli %get3A_524, %shift_left3A_537 : vector<16xi32>
        %max3A_539 = arith.maxsi %max3A_511, %shift_left3A_538 : vector<16xi32>
        %shift_left3A_540 = arith.constant 16 : i32
        %shift_left3A_541 = vector.broadcast %shift_left3A_540 : i32 to vector<16xi32>
        %shift_left3A_542 = arith.shli %get3A_533, %shift_left3A_541 : vector<16xi32>
        %max3A_543 = arith.maxsi %max3A_515, %shift_left3A_542 : vector<16xi32>
        %add3A_544 = arith.constant 4 : i32
        %add3A_545 = arith.addi %mul3A_440, %add3A_544 : i32
        %get3A_546 = arith.constant 0 : i32
        %get3A_547 = arith.constant 0 : i32
        %get3A_548 = tpu.memref_slice %arg6[%scan3A_317, %get3A_546, %get3A_547] : memref<3x240x64xi32, #tpu.memory_space<vmem>> -> memref<1x240x64xi32, #tpu.memory_space<vmem>>
        %get3A_549 = tpu.memref_squeeze %get3A_548 : memref<1x240x64xi32, #tpu.memory_space<vmem>> -> memref<240x64xi32, #tpu.memory_space<vmem>>
        %get3A_550 = arith.index_cast %add3A_545 : i32 to index
        %get3A_551 = arith.constant 0 : index
        %get3A_552 = tpu.vector_load %get3A_549[%get3A_550, %get3A_551] {strides = array<i32>} : memref<240x64xi32, #tpu.memory_space<vmem>>, vector<16xi32>,
        %add3A_553 = arith.constant 4 : i32
        %add3A_554 = arith.addi %add3A_442, %add3A_553 : i32
        %get3A_555 = arith.constant 0 : i32
        %get3A_556 = arith.constant 0 : i32
        %get3A_557 = tpu.memref_slice %arg6[%scan3A_317, %get3A_555, %get3A_556] : memref<3x240x64xi32, #tpu.memory_space<vmem>> -> memref<1x240x64xi32, #tpu.memory_space<vmem>>
        %get3A_558 = tpu.memref_squeeze %get3A_557 : memref<1x240x64xi32, #tpu.memory_space<vmem>> -> memref<240x64xi32, #tpu.memory_space<vmem>>
        %get3A_559 = arith.index_cast %add3A_554 : i32 to index
        %get3A_560 = arith.constant 0 : index
        %get3A_561 = tpu.vector_load %get3A_558[%get3A_559, %get3A_560] {strides = array<i32>} : memref<240x64xi32, #tpu.memory_space<vmem>>, vector<16xi32>,
        %max3A_562 = arith.maxsi %max3A_534, %get3A_552 : vector<16xi32>
        %max3A_563 = arith.maxsi %max3A_535, %get3A_561 : vector<16xi32>
        %shift_left3A_564 = arith.constant 16 : i32
        %shift_left3A_565 = vector.broadcast %shift_left3A_564 : i32 to vector<16xi32>
        %shift_left3A_566 = arith.shli %get3A_552, %shift_left3A_565 : vector<16xi32>
        %max3A_567 = arith.maxsi %max3A_539, %shift_left3A_566 : vector<16xi32>
        %shift_left3A_568 = arith.constant 16 : i32
        %shift_left3A_569 = vector.broadcast %shift_left3A_568 : i32 to vector<16xi32>
        %shift_left3A_570 = arith.shli %get3A_561, %shift_left3A_569 : vector<16xi32>
        %max3A_571 = arith.maxsi %max3A_543, %shift_left3A_570 : vector<16xi32>
        %add3A_572 = arith.constant 5 : i32
        %add3A_573 = arith.addi %mul3A_440, %add3A_572 : i32
        %get3A_574 = arith.constant 0 : i32
        %get3A_575 = arith.constant 0 : i32
        %get3A_576 = tpu.memref_slice %arg6[%scan3A_317, %get3A_574, %get3A_575] : memref<3x240x64xi32, #tpu.memory_space<vmem>> -> memref<1x240x64xi32, #tpu.memory_space<vmem>>
        %get3A_577 = tpu.memref_squeeze %get3A_576 : memref<1x240x64xi32, #tpu.memory_space<vmem>> -> memref<240x64xi32, #tpu.memory_space<vmem>>
        %get3A_578 = arith.index_cast %add3A_573 : i32 to index
        %get3A_579 = arith.constant 0 : index
        %get3A_580 = tpu.vector_load %get3A_577[%get3A_578, %get3A_579] {strides = array<i32>} : memref<240x64xi32, #tpu.memory_space<vmem>>, vector<16xi32>,
        %add3A_581 = arith.constant 5 : i32
        %add3A_582 = arith.addi %add3A_442, %add3A_581 : i32
        %get3A_583 = arith.constant 0 : i32
        %get3A_584 = arith.constant 0 : i32
        %get3A_585 = tpu.memref_slice %arg6[%scan3A_317, %get3A_583, %get3A_584] : memref<3x240x64xi32, #tpu.memory_space<vmem>> -> memref<1x240x64xi32, #tpu.memory_space<vmem>>
        %get3A_586 = tpu.memref_squeeze %get3A_585 : memref<1x240x64xi32, #tpu.memory_space<vmem>> -> memref<240x64xi32, #tpu.memory_space<vmem>>
        %get3A_587 = arith.index_cast %add3A_582 : i32 to index
        %get3A_588 = arith.constant 0 : index
        %get3A_589 = tpu.vector_load %get3A_586[%get3A_587, %get3A_588] {strides = array<i32>} : memref<240x64xi32, #tpu.memory_space<vmem>>, vector<16xi32>,
        %max3A_590 = arith.maxsi %max3A_562, %get3A_580 : vector<16xi32>
        %max3A_591 = arith.maxsi %max3A_563, %get3A_589 : vector<16xi32>
        %shift_left3A_592 = arith.constant 16 : i32
        %shift_left3A_593 = vector.broadcast %shift_left3A_592 : i32 to vector<16xi32>
        %shift_left3A_594 = arith.shli %get3A_580, %shift_left3A_593 : vector<16xi32>
        %max3A_595 = arith.maxsi %max3A_567, %shift_left3A_594 : vector<16xi32>
        %shift_left3A_596 = arith.constant 16 : i32
        %shift_left3A_597 = vector.broadcast %shift_left3A_596 : i32 to vector<16xi32>
        %shift_left3A_598 = arith.shli %get3A_589, %shift_left3A_597 : vector<16xi32>
        %max3A_599 = arith.maxsi %max3A_571, %shift_left3A_598 : vector<16xi32>
        %add3A_600 = arith.constant 6 : i32
        %add3A_601 = arith.addi %mul3A_440, %add3A_600 : i32
        %get3A_602 = arith.constant 0 : i32
        %get3A_603 = arith.constant 0 : i32
        %get3A_604 = tpu.memref_slice %arg6[%scan3A_317, %get3A_602, %get3A_603] : memref<3x240x64xi32, #tpu.memory_space<vmem>> -> memref<1x240x64xi32, #tpu.memory_space<vmem>>
        %get3A_605 = tpu.memref_squeeze %get3A_604 : memref<1x240x64xi32, #tpu.memory_space<vmem>> -> memref<240x64xi32, #tpu.memory_space<vmem>>
        %get3A_606 = arith.index_cast %add3A_601 : i32 to index
        %get3A_607 = arith.constant 0 : index
        %get3A_608 = tpu.vector_load %get3A_605[%get3A_606, %get3A_607] {strides = array<i32>} : memref<240x64xi32, #tpu.memory_space<vmem>>, vector<16xi32>,
        %add3A_609 = arith.constant 6 : i32
        %add3A_610 = arith.addi %add3A_442, %add3A_609 : i32
        %get3A_611 = arith.constant 0 : i32
        %get3A_612 = arith.constant 0 : i32
        %get3A_613 = tpu.memref_slice %arg6[%scan3A_317, %get3A_611, %get3A_612] : memref<3x240x64xi32, #tpu.memory_space<vmem>> -> memref<1x240x64xi32, #tpu.memory_space<vmem>>
        %get3A_614 = tpu.memref_squeeze %get3A_613 : memref<1x240x64xi32, #tpu.memory_space<vmem>> -> memref<240x64xi32, #tpu.memory_space<vmem>>
        %get3A_615 = arith.index_cast %add3A_610 : i32 to index
        %get3A_616 = arith.constant 0 : index
        %get3A_617 = tpu.vector_load %get3A_614[%get3A_615, %get3A_616] {strides = array<i32>} : memref<240x64xi32, #tpu.memory_space<vmem>>, vector<16xi32>,
        %max3A_618 = arith.maxsi %max3A_590, %get3A_608 : vector<16xi32>
        %max3A_619 = arith.maxsi %max3A_591, %get3A_617 : vector<16xi32>
        %shift_left3A_620 = arith.constant 16 : i32
        %shift_left3A_621 = vector.broadcast %shift_left3A_620 : i32 to vector<16xi32>
        %shift_left3A_622 = arith.shli %get3A_608, %shift_left3A_621 : vector<16xi32>
        %max3A_623 = arith.maxsi %max3A_595, %shift_left3A_622 : vector<16xi32>
        %shift_left3A_624 = arith.constant 16 : i32
        %shift_left3A_625 = vector.broadcast %shift_left3A_624 : i32 to vector<16xi32>
        %shift_left3A_626 = arith.shli %get3A_617, %shift_left3A_625 : vector<16xi32>
        %max3A_627 = arith.maxsi %max3A_599, %shift_left3A_626 : vector<16xi32>
        %add3A_628 = arith.constant 7 : i32
        %add3A_629 = arith.addi %mul3A_440, %add3A_628 : i32
        %get3A_630 = arith.constant 0 : i32
        %get3A_631 = arith.constant 0 : i32
        %get3A_632 = tpu.memref_slice %arg6[%scan3A_317, %get3A_630, %get3A_631] : memref<3x240x64xi32, #tpu.memory_space<vmem>> -> memref<1x240x64xi32, #tpu.memory_space<vmem>>
        %get3A_633 = tpu.memref_squeeze %get3A_632 : memref<1x240x64xi32, #tpu.memory_space<vmem>> -> memref<240x64xi32, #tpu.memory_space<vmem>>
        %get3A_634 = arith.index_cast %add3A_629 : i32 to index
        %get3A_635 = arith.constant 0 : index
        %get3A_636 = tpu.vector_load %get3A_633[%get3A_634, %get3A_635] {strides = array<i32>} : memref<240x64xi32, #tpu.memory_space<vmem>>, vector<16xi32>,
        %add3A_637 = arith.constant 7 : i32
        %add3A_638 = arith.addi %add3A_442, %add3A_637 : i32
        %get3A_639 = arith.constant 0 : i32
        %get3A_640 = arith.constant 0 : i32
        %get3A_641 = tpu.memref_slice %arg6[%scan3A_317, %get3A_639, %get3A_640] : memref<3x240x64xi32, #tpu.memory_space<vmem>> -> memref<1x240x64xi32, #tpu.memory_space<vmem>>
        %get3A_642 = tpu.memref_squeeze %get3A_641 : memref<1x240x64xi32, #tpu.memory_space<vmem>> -> memref<240x64xi32, #tpu.memory_space<vmem>>
        %get3A_643 = arith.index_cast %add3A_638 : i32 to index
        %get3A_644 = arith.constant 0 : index
        %get3A_645 = tpu.vector_load %get3A_642[%get3A_643, %get3A_644] {strides = array<i32>} : memref<240x64xi32, #tpu.memory_space<vmem>>, vector<16xi32>,
        %max3A_646 = arith.maxsi %max3A_618, %get3A_636 : vector<16xi32>
        %max3A_647 = arith.maxsi %max3A_619, %get3A_645 : vector<16xi32>
        %shift_left3A_648 = arith.constant 16 : i32
        %shift_left3A_649 = vector.broadcast %shift_left3A_648 : i32 to vector<16xi32>
        %shift_left3A_650 = arith.shli %get3A_636, %shift_left3A_649 : vector<16xi32>
        %max3A_651 = arith.maxsi %max3A_623, %shift_left3A_650 : vector<16xi32>
        %shift_left3A_652 = arith.constant 16 : i32
        %shift_left3A_653 = vector.broadcast %shift_left3A_652 : i32 to vector<16xi32>
        %shift_left3A_654 = arith.shli %get3A_645, %shift_left3A_653 : vector<16xi32>
        %max3A_655 = arith.maxsi %max3A_627, %shift_left3A_654 : vector<16xi32>
        %add3A_656 = arith.constant 8 : i32
        %add3A_657 = arith.addi %mul3A_440, %add3A_656 : i32
        %get3A_658 = arith.constant 0 : i32
        %get3A_659 = arith.constant 0 : i32
        %get3A_660 = tpu.memref_slice %arg6[%scan3A_317, %get3A_658, %get3A_659] : memref<3x240x64xi32, #tpu.memory_space<vmem>> -> memref<1x240x64xi32, #tpu.memory_space<vmem>>
        %get3A_661 = tpu.memref_squeeze %get3A_660 : memref<1x240x64xi32, #tpu.memory_space<vmem>> -> memref<240x64xi32, #tpu.memory_space<vmem>>
        %get3A_662 = arith.index_cast %add3A_657 : i32 to index
        %get3A_663 = arith.constant 0 : index
        %get3A_664 = tpu.vector_load %get3A_661[%get3A_662, %get3A_663] {strides = array<i32>} : memref<240x64xi32, #tpu.memory_space<vmem>>, vector<16xi32>,
        %add3A_665 = arith.constant 8 : i32
        %add3A_666 = arith.addi %add3A_442, %add3A_665 : i32
        %get3A_667 = arith.constant 0 : i32
        %get3A_668 = arith.constant 0 : i32
        %get3A_669 = tpu.memref_slice %arg6[%scan3A_317, %get3A_667, %get3A_668] : memref<3x240x64xi32, #tpu.memory_space<vmem>> -> memref<1x240x64xi32, #tpu.memory_space<vmem>>
        %get3A_670 = tpu.memref_squeeze %get3A_669 : memref<1x240x64xi32, #tpu.memory_space<vmem>> -> memref<240x64xi32, #tpu.memory_space<vmem>>
        %get3A_671 = arith.index_cast %add3A_666 : i32 to index
        %get3A_672 = arith.constant 0 : index
        %get3A_673 = tpu.vector_load %get3A_670[%get3A_671, %get3A_672] {strides = array<i32>} : memref<240x64xi32, #tpu.memory_space<vmem>>, vector<16xi32>,
        %max3A_674 = arith.maxsi %max3A_646, %get3A_664 : vector<16xi32>
        %max3A_675 = arith.maxsi %max3A_647, %get3A_673 : vector<16xi32>
        %shift_left3A_676 = arith.constant 16 : i32
        %shift_left3A_677 = vector.broadcast %shift_left3A_676 : i32 to vector<16xi32>
        %shift_left3A_678 = arith.shli %get3A_664, %shift_left3A_677 : vector<16xi32>
        %max3A_679 = arith.maxsi %max3A_651, %shift_left3A_678 : vector<16xi32>
        %shift_left3A_680 = arith.constant 16 : i32
        %shift_left3A_681 = vector.broadcast %shift_left3A_680 : i32 to vector<16xi32>
        %shift_left3A_682 = arith.shli %get3A_673, %shift_left3A_681 : vector<16xi32>
        %max3A_683 = arith.maxsi %max3A_655, %shift_left3A_682 : vector<16xi32>
        %add3A_684 = arith.constant 9 : i32
        %add3A_685 = arith.addi %mul3A_440, %add3A_684 : i32
        %get3A_686 = arith.constant 0 : i32
        %get3A_687 = arith.constant 0 : i32
        %get3A_688 = tpu.memref_slice %arg6[%scan3A_317, %get3A_686, %get3A_687] : memref<3x240x64xi32, #tpu.memory_space<vmem>> -> memref<1x240x64xi32, #tpu.memory_space<vmem>>
        %get3A_689 = tpu.memref_squeeze %get3A_688 : memref<1x240x64xi32, #tpu.memory_space<vmem>> -> memref<240x64xi32, #tpu.memory_space<vmem>>
        %get3A_690 = arith.index_cast %add3A_685 : i32 to index
        %get3A_691 = arith.constant 0 : index
        %get3A_692 = tpu.vector_load %get3A_689[%get3A_690, %get3A_691] {strides = array<i32>} : memref<240x64xi32, #tpu.memory_space<vmem>>, vector<16xi32>,
        %add3A_693 = arith.constant 9 : i32
        %add3A_694 = arith.addi %add3A_442, %add3A_693 : i32
        %get3A_695 = arith.constant 0 : i32
        %get3A_696 = arith.constant 0 : i32
        %get3A_697 = tpu.memref_slice %arg6[%scan3A_317, %get3A_695, %get3A_696] : memref<3x240x64xi32, #tpu.memory_space<vmem>> -> memref<1x240x64xi32, #tpu.memory_space<vmem>>
        %get3A_698 = tpu.memref_squeeze %get3A_697 : memref<1x240x64xi32, #tpu.memory_space<vmem>> -> memref<240x64xi32, #tpu.memory_space<vmem>>
        %get3A_699 = arith.index_cast %add3A_694 : i32 to index
        %get3A_700 = arith.constant 0 : index
        %get3A_701 = tpu.vector_load %get3A_698[%get3A_699, %get3A_700] {strides = array<i32>} : memref<240x64xi32, #tpu.memory_space<vmem>>, vector<16xi32>,
        %max3A_702 = arith.maxsi %max3A_674, %get3A_692 : vector<16xi32>
        %max3A_703 = arith.maxsi %max3A_675, %get3A_701 : vector<16xi32>
        %shift_left3A_704 = arith.constant 16 : i32
        %shift_left3A_705 = vector.broadcast %shift_left3A_704 : i32 to vector<16xi32>
        %shift_left3A_706 = arith.shli %get3A_692, %shift_left3A_705 : vector<16xi32>
        %max3A_707 = arith.maxsi %max3A_679, %shift_left3A_706 : vector<16xi32>
        %shift_left3A_708 = arith.constant 16 : i32
        %shift_left3A_709 = vector.broadcast %shift_left3A_708 : i32 to vector<16xi32>
        %shift_left3A_710 = arith.shli %get3A_701, %shift_left3A_709 : vector<16xi32>
        %max3A_711 = arith.maxsi %max3A_683, %shift_left3A_710 : vector<16xi32>
        %bitcast3A = vector.bitcast %max3A_707 : vector<16xi32> to vector<16xf32>
        %mul3A_712 = arith.constant 2 : i32
        %mul3A_713 = arith.muli %mul3A_712, %scan3A_436 : i32
        %swap3A = arith.constant 0 : i32
        %swap3A_714 = arith.constant 0 : i32
        %swap3A_715 = tpu.memref_slice %arg7[%scan3A_318, %swap3A, %swap3A_714] : memref<3x24x128xf32, #tpu.memory_space<vmem>> -> memref<1x24x128xf32, #tpu.memory_space<vmem>>
        %swap3A_716 = tpu.memref_squeeze %swap3A_715 : memref<1x24x128xf32, #tpu.memory_space<vmem>> -> memref<24x128xf32, #tpu.memory_space<vmem>>
        %swap3A_717 = arith.index_cast %mul3A_713 : i32 to index
        %swap3A_718 = arith.constant 0 : index
        %swap3A_719 = tpu.vector_load %swap3A_716[%swap3A_717, %swap3A_718] {strides = array<i32>} : memref<24x128xf32, #tpu.memory_space<vmem>>, vector<16xf32>,
        tpu.vector_store %swap3A_716[%swap3A_717, %swap3A_718], %bitcast3A {strides = array<i32>} : memref<24x128xf32, #tpu.memory_space<vmem>>, vector<16xf32>,
        %bitcast3A_720 = vector.bitcast %max3A_711 : vector<16xi32> to vector<16xf32>
        %mul3A_721 = arith.constant 2 : i32
        %mul3A_722 = arith.muli %mul3A_721, %scan3A_436 : i32
        %add3A_723 = arith.constant 1 : i32
        %add3A_724 = arith.addi %mul3A_722, %add3A_723 : i32
        %swap3A_725 = arith.constant 0 : i32
        %swap3A_726 = arith.constant 0 : i32
        %swap3A_727 = tpu.memref_slice %arg7[%scan3A_318, %swap3A_725, %swap3A_726] : memref<3x24x128xf32, #tpu.memory_space<vmem>> -> memref<1x24x128xf32, #tpu.memory_space<vmem>>
        %swap3A_728 = tpu.memref_squeeze %swap3A_727 : memref<1x24x128xf32, #tpu.memory_space<vmem>> -> memref<24x128xf32, #tpu.memory_space<vmem>>
        %swap3A_729 = arith.index_cast %add3A_724 : i32 to index
        %swap3A_730 = arith.constant 0 : index
        %swap3A_731 = tpu.vector_load %swap3A_728[%swap3A_729, %swap3A_730] {strides = array<i32>} : memref<24x128xf32, #tpu.memory_space<vmem>>, vector<16xf32>,
        tpu.vector_store %swap3A_728[%swap3A_729, %swap3A_730], %bitcast3A_720 {strides = array<i32>} : memref<24x128xf32, #tpu.memory_space<vmem>>, vector<16xf32>,
        %and3A = arith.constant -65536 : i32
        %and3A_732 = vector.broadcast %and3A : i32 to vector<16xi32>
        %and3A_733 = arith.andi %max3A_702, %and3A_732 : vector<16xi32>
        %bitcast3A_734 = vector.bitcast %and3A_733 : vector<16xi32> to vector<16xf32>
        %mul3A_735 = arith.constant 2 : i32
        %mul3A_736 = arith.muli %mul3A_735, %scan3A_436 : i32
        %swap3A_737 = arith.constant 0 : i32
        %swap3A_738 = arith.constant 0 : i32
        %swap3A_739 = tpu.memref_slice %arg7[%scan3A_318, %swap3A_737, %swap3A_738] : memref<3x24x128xf32, #tpu.memory_space<vmem>> -> memref<1x24x128xf32, #tpu.memory_space<vmem>>
        %swap3A_740 = tpu.memref_squeeze %swap3A_739 : memref<1x24x128xf32, #tpu.memory_space<vmem>> -> memref<24x128xf32, #tpu.memory_space<vmem>>
        %swap3A_741 = arith.index_cast %mul3A_736 : i32 to index
        %swap3A_742 = arith.constant 64 : index
        %swap3A_743 = tpu.vector_load %swap3A_740[%swap3A_741, %swap3A_742] {strides = array<i32>} : memref<24x128xf32, #tpu.memory_space<vmem>>, vector<16xf32>,
        tpu.vector_store %swap3A_740[%swap3A_741, %swap3A_742], %bitcast3A_734 {strides = array<i32>} : memref<24x128xf32, #tpu.memory_space<vmem>>, vector<16xf32>,
        %and3A_744 = arith.constant -65536 : i32
        %and3A_745 = vector.broadcast %and3A_744 : i32 to vector<16xi32>
        %and3A_746 = arith.andi %max3A_703, %and3A_745 : vector<16xi32>
        %bitcast3A_747 = vector.bitcast %and3A_746 : vector<16xi32> to vector<16xf32>
        %mul3A_748 = arith.constant 2 : i32
        %mul3A_749 = arith.muli %mul3A_748, %scan3A_436 : i32
        %add3A_750 = arith.constant 1 : i32
        %add3A_751 = arith.addi %mul3A_749, %add3A_750 : i32
        %swap3A_752 = arith.constant 0 : i32
        %swap3A_753 = arith.constant 0 : i32
        %swap3A_754 = tpu.memref_slice %arg7[%scan3A_318, %swap3A_752, %swap3A_753] : memref<3x24x128xf32, #tpu.memory_space<vmem>> -> memref<1x24x128xf32, #tpu.memory_space<vmem>>
        %swap3A_755 = tpu.memref_squeeze %swap3A_754 : memref<1x24x128xf32, #tpu.memory_space<vmem>> -> memref<24x128xf32, #tpu.memory_space<vmem>>
        %swap3A_756 = arith.index_cast %add3A_751 : i32 to index
        %swap3A_757 = arith.constant 64 : index
        %swap3A_758 = tpu.vector_load %swap3A_755[%swap3A_756, %swap3A_757] {strides = array<i32>} : memref<24x128xf32, #tpu.memory_space<vmem>>, vector<16xf32>,
        tpu.vector_store %swap3A_755[%swap3A_756, %swap3A_757], %bitcast3A_747 {strides = array<i32>} : memref<24x128xf32, #tpu.memory_space<vmem>>, vector<16xf32>,
        %get3A_759 = arith.constant 0 : i32
        %get3A_760 = arith.constant 0 : i32
        %get3A_761 = tpu.memref_slice %arg6[%scan3A_317, %get3A_759, %get3A_760] : memref<3x240x64xi32, #tpu.memory_space<vmem>> -> memref<1x240x64xi32, #tpu.memory_space<vmem>>
        %get3A_762 = tpu.memref_squeeze %get3A_761 : memref<1x240x64xi32, #tpu.memory_space<vmem>> -> memref<240x64xi32, #tpu.memory_space<vmem>>
        %get3A_763 = arith.index_cast %mul3A_440 : i32 to index
        %get3A_764 = arith.constant 16 : index
        %get3A_765 = tpu.vector_load %get3A_762[%get3A_763, %get3A_764] {strides = array<i32>} : memref<240x64xi32, #tpu.memory_space<vmem>>, vector<16xi32>,
        %get3A_766 = arith.constant 0 : i32
        %get3A_767 = arith.constant 0 : i32
        %get3A_768 = tpu.memref_slice %arg6[%scan3A_317, %get3A_766, %get3A_767] : memref<3x240x64xi32, #tpu.memory_space<vmem>> -> memref<1x240x64xi32, #tpu.memory_space<vmem>>
        %get3A_769 = tpu.memref_squeeze %get3A_768 : memref<1x240x64xi32, #tpu.memory_space<vmem>> -> memref<240x64xi32, #tpu.memory_space<vmem>>
        %get3A_770 = arith.index_cast %add3A_442 : i32 to index
        %get3A_771 = arith.constant 16 : index
        %get3A_772 = tpu.vector_load %get3A_769[%get3A_770, %get3A_771] {strides = array<i32>} : memref<240x64xi32, #tpu.memory_space<vmem>>, vector<16xi32>,
        %shift_left3A_773 = arith.constant 16 : i32
        %shift_left3A_774 = vector.broadcast %shift_left3A_773 : i32 to vector<16xi32>
        %shift_left3A_775 = arith.shli %get3A_765, %shift_left3A_774 : vector<16xi32>
        %shift_left3A_776 = arith.constant 16 : i32
        %shift_left3A_777 = vector.broadcast %shift_left3A_776 : i32 to vector<16xi32>
        %shift_left3A_778 = arith.shli %get3A_772, %shift_left3A_777 : vector<16xi32>
        %add3A_779 = arith.constant 1 : i32
        %add3A_780 = arith.addi %mul3A_440, %add3A_779 : i32
        %get3A_781 = arith.constant 0 : i32
        %get3A_782 = arith.constant 0 : i32
        %get3A_783 = tpu.memref_slice %arg6[%scan3A_317, %get3A_781, %get3A_782] : memref<3x240x64xi32, #tpu.memory_space<vmem>> -> memref<1x240x64xi32, #tpu.memory_space<vmem>>
        %get3A_784 = tpu.memref_squeeze %get3A_783 : memref<1x240x64xi32, #tpu.memory_space<vmem>> -> memref<240x64xi32, #tpu.memory_space<vmem>>
        %get3A_785 = arith.index_cast %add3A_780 : i32 to index
        %get3A_786 = arith.constant 16 : index
        %get3A_787 = tpu.vector_load %get3A_784[%get3A_785, %get3A_786] {strides = array<i32>} : memref<240x64xi32, #tpu.memory_space<vmem>>, vector<16xi32>,
        %add3A_788 = arith.constant 1 : i32
        %add3A_789 = arith.addi %add3A_442, %add3A_788 : i32
        %get3A_790 = arith.constant 0 : i32
        %get3A_791 = arith.constant 0 : i32
        %get3A_792 = tpu.memref_slice %arg6[%scan3A_317, %get3A_790, %get3A_791] : memref<3x240x64xi32, #tpu.memory_space<vmem>> -> memref<1x240x64xi32, #tpu.memory_space<vmem>>
        %get3A_793 = tpu.memref_squeeze %get3A_792 : memref<1x240x64xi32, #tpu.memory_space<vmem>> -> memref<240x64xi32, #tpu.memory_space<vmem>>
        %get3A_794 = arith.index_cast %add3A_789 : i32 to index
        %get3A_795 = arith.constant 16 : index
        %get3A_796 = tpu.vector_load %get3A_793[%get3A_794, %get3A_795] {strides = array<i32>} : memref<240x64xi32, #tpu.memory_space<vmem>>, vector<16xi32>,
        %max3A_797 = arith.maxsi %get3A_765, %get3A_787 : vector<16xi32>
        %max3A_798 = arith.maxsi %get3A_772, %get3A_796 : vector<16xi32>
        %shift_left3A_799 = arith.constant 16 : i32
        %shift_left3A_800 = vector.broadcast %shift_left3A_799 : i32 to vector<16xi32>
        %shift_left3A_801 = arith.shli %get3A_787, %shift_left3A_800 : vector<16xi32>
        %max3A_802 = arith.maxsi %shift_left3A_775, %shift_left3A_801 : vector<16xi32>
        %shift_left3A_803 = arith.constant 16 : i32
        %shift_left3A_804 = vector.broadcast %shift_left3A_803 : i32 to vector<16xi32>
        %shift_left3A_805 = arith.shli %get3A_796, %shift_left3A_804 : vector<16xi32>
        %max3A_806 = arith.maxsi %shift_left3A_778, %shift_left3A_805 : vector<16xi32>
        %add3A_807 = arith.constant 2 : i32
        %add3A_808 = arith.addi %mul3A_440, %add3A_807 : i32
        %get3A_809 = arith.constant 0 : i32
        %get3A_810 = arith.constant 0 : i32
        %get3A_811 = tpu.memref_slice %arg6[%scan3A_317, %get3A_809, %get3A_810] : memref<3x240x64xi32, #tpu.memory_space<vmem>> -> memref<1x240x64xi32, #tpu.memory_space<vmem>>
        %get3A_812 = tpu.memref_squeeze %get3A_811 : memref<1x240x64xi32, #tpu.memory_space<vmem>> -> memref<240x64xi32, #tpu.memory_space<vmem>>
        %get3A_813 = arith.index_cast %add3A_808 : i32 to index
        %get3A_814 = arith.constant 16 : index
        %get3A_815 = tpu.vector_load %get3A_812[%get3A_813, %get3A_814] {strides = array<i32>} : memref<240x64xi32, #tpu.memory_space<vmem>>, vector<16xi32>,
        %add3A_816 = arith.constant 2 : i32
        %add3A_817 = arith.addi %add3A_442, %add3A_816 : i32
        %get3A_818 = arith.constant 0 : i32
        %get3A_819 = arith.constant 0 : i32
        %get3A_820 = tpu.memref_slice %arg6[%scan3A_317, %get3A_818, %get3A_819] : memref<3x240x64xi32, #tpu.memory_space<vmem>> -> memref<1x240x64xi32, #tpu.memory_space<vmem>>
        %get3A_821 = tpu.memref_squeeze %get3A_820 : memref<1x240x64xi32, #tpu.memory_space<vmem>> -> memref<240x64xi32, #tpu.memory_space<vmem>>
        %get3A_822 = arith.index_cast %add3A_817 : i32 to index
        %get3A_823 = arith.constant 16 : index
        %get3A_824 = tpu.vector_load %get3A_821[%get3A_822, %get3A_823] {strides = array<i32>} : memref<240x64xi32, #tpu.memory_space<vmem>>, vector<16xi32>,
        %max3A_825 = arith.maxsi %max3A_797, %get3A_815 : vector<16xi32>
        %max3A_826 = arith.maxsi %max3A_798, %get3A_824 : vector<16xi32>
        %shift_left3A_827 = arith.constant 16 : i32
        %shift_left3A_828 = vector.broadcast %shift_left3A_827 : i32 to vector<16xi32>
        %shift_left3A_829 = arith.shli %get3A_815, %shift_left3A_828 : vector<16xi32>
        %max3A_830 = arith.maxsi %max3A_802, %shift_left3A_829 : vector<16xi32>
        %shift_left3A_831 = arith.constant 16 : i32
        %shift_left3A_832 = vector.broadcast %shift_left3A_831 : i32 to vector<16xi32>
        %shift_left3A_833 = arith.shli %get3A_824, %shift_left3A_832 : vector<16xi32>
        %max3A_834 = arith.maxsi %max3A_806, %shift_left3A_833 : vector<16xi32>
        %add3A_835 = arith.constant 3 : i32
        %add3A_836 = arith.addi %mul3A_440, %add3A_835 : i32
        %get3A_837 = arith.constant 0 : i32
        %get3A_838 = arith.constant 0 : i32
        %get3A_839 = tpu.memref_slice %arg6[%scan3A_317, %get3A_837, %get3A_838] : memref<3x240x64xi32, #tpu.memory_space<vmem>> -> memref<1x240x64xi32, #tpu.memory_space<vmem>>
        %get3A_840 = tpu.memref_squeeze %get3A_839 : memref<1x240x64xi32, #tpu.memory_space<vmem>> -> memref<240x64xi32, #tpu.memory_space<vmem>>
        %get3A_841 = arith.index_cast %add3A_836 : i32 to index
        %get3A_842 = arith.constant 16 : index
        %get3A_843 = tpu.vector_load %get3A_840[%get3A_841, %get3A_842] {strides = array<i32>} : memref<240x64xi32, #tpu.memory_space<vmem>>, vector<16xi32>,
        %add3A_844 = arith.constant 3 : i32
        %add3A_845 = arith.addi %add3A_442, %add3A_844 : i32
        %get3A_846 = arith.constant 0 : i32
        %get3A_847 = arith.constant 0 : i32
        %get3A_848 = tpu.memref_slice %arg6[%scan3A_317, %get3A_846, %get3A_847] : memref<3x240x64xi32, #tpu.memory_space<vmem>> -> memref<1x240x64xi32, #tpu.memory_space<vmem>>
        %get3A_849 = tpu.memref_squeeze %get3A_848 : memref<1x240x64xi32, #tpu.memory_space<vmem>> -> memref<240x64xi32, #tpu.memory_space<vmem>>
        %get3A_850 = arith.index_cast %add3A_845 : i32 to index
        %get3A_851 = arith.constant 16 : index
        %get3A_852 = tpu.vector_load %get3A_849[%get3A_850, %get3A_851] {strides = array<i32>} : memref<240x64xi32, #tpu.memory_space<vmem>>, vector<16xi32>,
        %max3A_853 = arith.maxsi %max3A_825, %get3A_843 : vector<16xi32>
        %max3A_854 = arith.maxsi %max3A_826, %get3A_852 : vector<16xi32>
        %shift_left3A_855 = arith.constant 16 : i32
        %shift_left3A_856 = vector.broadcast %shift_left3A_855 : i32 to vector<16xi32>
        %shift_left3A_857 = arith.shli %get3A_843, %shift_left3A_856 : vector<16xi32>
        %max3A_858 = arith.maxsi %max3A_830, %shift_left3A_857 : vector<16xi32>
        %shift_left3A_859 = arith.constant 16 : i32
        %shift_left3A_860 = vector.broadcast %shift_left3A_859 : i32 to vector<16xi32>
        %shift_left3A_861 = arith.shli %get3A_852, %shift_left3A_860 : vector<16xi32>
        %max3A_862 = arith.maxsi %max3A_834, %shift_left3A_861 : vector<16xi32>
        %add3A_863 = arith.constant 4 : i32
        %add3A_864 = arith.addi %mul3A_440, %add3A_863 : i32
        %get3A_865 = arith.constant 0 : i32
        %get3A_866 = arith.constant 0 : i32
        %get3A_867 = tpu.memref_slice %arg6[%scan3A_317, %get3A_865, %get3A_866] : memref<3x240x64xi32, #tpu.memory_space<vmem>> -> memref<1x240x64xi32, #tpu.memory_space<vmem>>
        %get3A_868 = tpu.memref_squeeze %get3A_867 : memref<1x240x64xi32, #tpu.memory_space<vmem>> -> memref<240x64xi32, #tpu.memory_space<vmem>>
        %get3A_869 = arith.index_cast %add3A_864 : i32 to index
        %get3A_870 = arith.constant 16 : index
        %get3A_871 = tpu.vector_load %get3A_868[%get3A_869, %get3A_870] {strides = array<i32>} : memref<240x64xi32, #tpu.memory_space<vmem>>, vector<16xi32>,
        %add3A_872 = arith.constant 4 : i32
        %add3A_873 = arith.addi %add3A_442, %add3A_872 : i32
        %get3A_874 = arith.constant 0 : i32
        %get3A_875 = arith.constant 0 : i32
        %get3A_876 = tpu.memref_slice %arg6[%scan3A_317, %get3A_874, %get3A_875] : memref<3x240x64xi32, #tpu.memory_space<vmem>> -> memref<1x240x64xi32, #tpu.memory_space<vmem>>
        %get3A_877 = tpu.memref_squeeze %get3A_876 : memref<1x240x64xi32, #tpu.memory_space<vmem>> -> memref<240x64xi32, #tpu.memory_space<vmem>>
        %get3A_878 = arith.index_cast %add3A_873 : i32 to index
        %get3A_879 = arith.constant 16 : index
        %get3A_880 = tpu.vector_load %get3A_877[%get3A_878, %get3A_879] {strides = array<i32>} : memref<240x64xi32, #tpu.memory_space<vmem>>, vector<16xi32>,
        %max3A_881 = arith.maxsi %max3A_853, %get3A_871 : vector<16xi32>
        %max3A_882 = arith.maxsi %max3A_854, %get3A_880 : vector<16xi32>
        %shift_left3A_883 = arith.constant 16 : i32
        %shift_left3A_884 = vector.broadcast %shift_left3A_883 : i32 to vector<16xi32>
        %shift_left3A_885 = arith.shli %get3A_871, %shift_left3A_884 : vector<16xi32>
        %max3A_886 = arith.maxsi %max3A_858, %shift_left3A_885 : vector<16xi32>
        %shift_left3A_887 = arith.constant 16 : i32
        %shift_left3A_888 = vector.broadcast %shift_left3A_887 : i32 to vector<16xi32>
        %shift_left3A_889 = arith.shli %get3A_880, %shift_left3A_888 : vector<16xi32>
        %max3A_890 = arith.maxsi %max3A_862, %shift_left3A_889 : vector<16xi32>
        %add3A_891 = arith.constant 5 : i32
        %add3A_892 = arith.addi %mul3A_440, %add3A_891 : i32
        %get3A_893 = arith.constant 0 : i32
        %get3A_894 = arith.constant 0 : i32
        %get3A_895 = tpu.memref_slice %arg6[%scan3A_317, %get3A_893, %get3A_894] : memref<3x240x64xi32, #tpu.memory_space<vmem>> -> memref<1x240x64xi32, #tpu.memory_space<vmem>>
        %get3A_896 = tpu.memref_squeeze %get3A_895 : memref<1x240x64xi32, #tpu.memory_space<vmem>> -> memref<240x64xi32, #tpu.memory_space<vmem>>
        %get3A_897 = arith.index_cast %add3A_892 : i32 to index
        %get3A_898 = arith.constant 16 : index
        %get3A_899 = tpu.vector_load %get3A_896[%get3A_897, %get3A_898] {strides = array<i32>} : memref<240x64xi32, #tpu.memory_space<vmem>>, vector<16xi32>,
        %add3A_900 = arith.constant 5 : i32
        %add3A_901 = arith.addi %add3A_442, %add3A_900 : i32
        %get3A_902 = arith.constant 0 : i32
        %get3A_903 = arith.constant 0 : i32
        %get3A_904 = tpu.memref_slice %arg6[%scan3A_317, %get3A_902, %get3A_903] : memref<3x240x64xi32, #tpu.memory_space<vmem>> -> memref<1x240x64xi32, #tpu.memory_space<vmem>>
        %get3A_905 = tpu.memref_squeeze %get3A_904 : memref<1x240x64xi32, #tpu.memory_space<vmem>> -> memref<240x64xi32, #tpu.memory_space<vmem>>
        %get3A_906 = arith.index_cast %add3A_901 : i32 to index
        %get3A_907 = arith.constant 16 : index
        %get3A_908 = tpu.vector_load %get3A_905[%get3A_906, %get3A_907] {strides = array<i32>} : memref<240x64xi32, #tpu.memory_space<vmem>>, vector<16xi32>,
        %max3A_909 = arith.maxsi %max3A_881, %get3A_899 : vector<16xi32>
        %max3A_910 = arith.maxsi %max3A_882, %get3A_908 : vector<16xi32>
        %shift_left3A_911 = arith.constant 16 : i32
        %shift_left3A_912 = vector.broadcast %shift_left3A_911 : i32 to vector<16xi32>
        %shift_left3A_913 = arith.shli %get3A_899, %shift_left3A_912 : vector<16xi32>
        %max3A_914 = arith.maxsi %max3A_886, %shift_left3A_913 : vector<16xi32>
        %shift_left3A_915 = arith.constant 16 : i32
        %shift_left3A_916 = vector.broadcast %shift_left3A_915 : i32 to vector<16xi32>
        %shift_left3A_917 = arith.shli %get3A_908, %shift_left3A_916 : vector<16xi32>
        %max3A_918 = arith.maxsi %max3A_890, %shift_left3A_917 : vector<16xi32>
        %add3A_919 = arith.constant 6 : i32
        %add3A_920 = arith.addi %mul3A_440, %add3A_919 : i32
        %get3A_921 = arith.constant 0 : i32
        %get3A_922 = arith.constant 0 : i32
        %get3A_923 = tpu.memref_slice %arg6[%scan3A_317, %get3A_921, %get3A_922] : memref<3x240x64xi32, #tpu.memory_space<vmem>> -> memref<1x240x64xi32, #tpu.memory_space<vmem>>
        %get3A_924 = tpu.memref_squeeze %get3A_923 : memref<1x240x64xi32, #tpu.memory_space<vmem>> -> memref<240x64xi32, #tpu.memory_space<vmem>>
        %get3A_925 = arith.index_cast %add3A_920 : i32 to index
        %get3A_926 = arith.constant 16 : index
        %get3A_927 = tpu.vector_load %get3A_924[%get3A_925, %get3A_926] {strides = array<i32>} : memref<240x64xi32, #tpu.memory_space<vmem>>, vector<16xi32>,
        %add3A_928 = arith.constant 6 : i32
        %add3A_929 = arith.addi %add3A_442, %add3A_928 : i32
        %get3A_930 = arith.constant 0 : i32
        %get3A_931 = arith.constant 0 : i32
        %get3A_932 = tpu.memref_slice %arg6[%scan3A_317, %get3A_930, %get3A_931] : memref<3x240x64xi32, #tpu.memory_space<vmem>> -> memref<1x240x64xi32, #tpu.memory_space<vmem>>
        %get3A_933 = tpu.memref_squeeze %get3A_932 : memref<1x240x64xi32, #tpu.memory_space<vmem>> -> memref<240x64xi32, #tpu.memory_space<vmem>>
        %get3A_934 = arith.index_cast %add3A_929 : i32 to index
        %get3A_935 = arith.constant 16 : index
        %get3A_936 = tpu.vector_load %get3A_933[%get3A_934, %get3A_935] {strides = array<i32>} : memref<240x64xi32, #tpu.memory_space<vmem>>, vector<16xi32>,
        %max3A_937 = arith.maxsi %max3A_909, %get3A_927 : vector<16xi32>
        %max3A_938 = arith.maxsi %max3A_910, %get3A_936 : vector<16xi32>
        %shift_left3A_939 = arith.constant 16 : i32
        %shift_left3A_940 = vector.broadcast %shift_left3A_939 : i32 to vector<16xi32>
        %shift_left3A_941 = arith.shli %get3A_927, %shift_left3A_940 : vector<16xi32>
        %max3A_942 = arith.maxsi %max3A_914, %shift_left3A_941 : vector<16xi32>
        %shift_left3A_943 = arith.constant 16 : i32
        %shift_left3A_944 = vector.broadcast %shift_left3A_943 : i32 to vector<16xi32>
        %shift_left3A_945 = arith.shli %get3A_936, %shift_left3A_944 : vector<16xi32>
        %max3A_946 = arith.maxsi %max3A_918, %shift_left3A_945 : vector<16xi32>
        %add3A_947 = arith.constant 7 : i32
        %add3A_948 = arith.addi %mul3A_440, %add3A_947 : i32
        %get3A_949 = arith.constant 0 : i32
        %get3A_950 = arith.constant 0 : i32
        %get3A_951 = tpu.memref_slice %arg6[%scan3A_317, %get3A_949, %get3A_950] : memref<3x240x64xi32, #tpu.memory_space<vmem>> -> memref<1x240x64xi32, #tpu.memory_space<vmem>>
        %get3A_952 = tpu.memref_squeeze %get3A_951 : memref<1x240x64xi32, #tpu.memory_space<vmem>> -> memref<240x64xi32, #tpu.memory_space<vmem>>
        %get3A_953 = arith.index_cast %add3A_948 : i32 to index
        %get3A_954 = arith.constant 16 : index
        %get3A_955 = tpu.vector_load %get3A_952[%get3A_953, %get3A_954] {strides = array<i32>} : memref<240x64xi32, #tpu.memory_space<vmem>>, vector<16xi32>,
        %add3A_956 = arith.constant 7 : i32
        %add3A_957 = arith.addi %add3A_442, %add3A_956 : i32
        %get3A_958 = arith.constant 0 : i32
        %get3A_959 = arith.constant 0 : i32
        %get3A_960 = tpu.memref_slice %arg6[%scan3A_317, %get3A_958, %get3A_959] : memref<3x240x64xi32, #tpu.memory_space<vmem>> -> memref<1x240x64xi32, #tpu.memory_space<vmem>>
        %get3A_961 = tpu.memref_squeeze %get3A_960 : memref<1x240x64xi32, #tpu.memory_space<vmem>> -> memref<240x64xi32, #tpu.memory_space<vmem>>
        %get3A_962 = arith.index_cast %add3A_957 : i32 to index
        %get3A_963 = arith.constant 16 : index
        %get3A_964 = tpu.vector_load %get3A_961[%get3A_962, %get3A_963] {strides = array<i32>} : memref<240x64xi32, #tpu.memory_space<vmem>>, vector<16xi32>,
        %max3A_965 = arith.maxsi %max3A_937, %get3A_955 : vector<16xi32>
        %max3A_966 = arith.maxsi %max3A_938, %get3A_964 : vector<16xi32>
        %shift_left3A_967 = arith.constant 16 : i32
        %shift_left3A_968 = vector.broadcast %shift_left3A_967 : i32 to vector<16xi32>
        %shift_left3A_969 = arith.shli %get3A_955, %shift_left3A_968 : vector<16xi32>
        %max3A_970 = arith.maxsi %max3A_942, %shift_left3A_969 : vector<16xi32>
        %shift_left3A_971 = arith.constant 16 : i32
        %shift_left3A_972 = vector.broadcast %shift_left3A_971 : i32 to vector<16xi32>
        %shift_left3A_973 = arith.shli %get3A_964, %shift_left3A_972 : vector<16xi32>
        %max3A_974 = arith.maxsi %max3A_946, %shift_left3A_973 : vector<16xi32>
        %add3A_975 = arith.constant 8 : i32
        %add3A_976 = arith.addi %mul3A_440, %add3A_975 : i32
        %get3A_977 = arith.constant 0 : i32
        %get3A_978 = arith.constant 0 : i32
        %get3A_979 = tpu.memref_slice %arg6[%scan3A_317, %get3A_977, %get3A_978] : memref<3x240x64xi32, #tpu.memory_space<vmem>> -> memref<1x240x64xi32, #tpu.memory_space<vmem>>
        %get3A_980 = tpu.memref_squeeze %get3A_979 : memref<1x240x64xi32, #tpu.memory_space<vmem>> -> memref<240x64xi32, #tpu.memory_space<vmem>>
        %get3A_981 = arith.index_cast %add3A_976 : i32 to index
        %get3A_982 = arith.constant 16 : index
        %get3A_983 = tpu.vector_load %get3A_980[%get3A_981, %get3A_982] {strides = array<i32>} : memref<240x64xi32, #tpu.memory_space<vmem>>, vector<16xi32>,
        %add3A_984 = arith.constant 8 : i32
        %add3A_985 = arith.addi %add3A_442, %add3A_984 : i32
        %get3A_986 = arith.constant 0 : i32
        %get3A_987 = arith.constant 0 : i32
        %get3A_988 = tpu.memref_slice %arg6[%scan3A_317, %get3A_986, %get3A_987] : memref<3x240x64xi32, #tpu.memory_space<vmem>> -> memref<1x240x64xi32, #tpu.memory_space<vmem>>
        %get3A_989 = tpu.memref_squeeze %get3A_988 : memref<1x240x64xi32, #tpu.memory_space<vmem>> -> memref<240x64xi32, #tpu.memory_space<vmem>>
        %get3A_990 = arith.index_cast %add3A_985 : i32 to index
        %get3A_991 = arith.constant 16 : index
        %get3A_992 = tpu.vector_load %get3A_989[%get3A_990, %get3A_991] {strides = array<i32>} : memref<240x64xi32, #tpu.memory_space<vmem>>, vector<16xi32>,
        %max3A_993 = arith.maxsi %max3A_965, %get3A_983 : vector<16xi32>
        %max3A_994 = arith.maxsi %max3A_966, %get3A_992 : vector<16xi32>
        %shift_left3A_995 = arith.constant 16 : i32
        %shift_left3A_996 = vector.broadcast %shift_left3A_995 : i32 to vector<16xi32>
        %shift_left3A_997 = arith.shli %get3A_983, %shift_left3A_996 : vector<16xi32>
        %max3A_998 = arith.maxsi %max3A_970, %shift_left3A_997 : vector<16xi32>
        %shift_left3A_999 = arith.constant 16 : i32
        %shift_left3A_1000 = vector.broadcast %shift_left3A_999 : i32 to vector<16xi32>
        %shift_left3A_1001 = arith.shli %get3A_992, %shift_left3A_1000 : vector<16xi32>
        %max3A_1002 = arith.maxsi %max3A_974, %shift_left3A_1001 : vector<16xi32>
        %add3A_1003 = arith.constant 9 : i32
        %add3A_1004 = arith.addi %mul3A_440, %add3A_1003 : i32
        %get3A_1005 = arith.constant 0 : i32
        %get3A_1006 = arith.constant 0 : i32
        %get3A_1007 = tpu.memref_slice %arg6[%scan3A_317, %get3A_1005, %get3A_1006] : memref<3x240x64xi32, #tpu.memory_space<vmem>> -> memref<1x240x64xi32, #tpu.memory_space<vmem>>
        %get3A_1008 = tpu.memref_squeeze %get3A_1007 : memref<1x240x64xi32, #tpu.memory_space<vmem>> -> memref<240x64xi32, #tpu.memory_space<vmem>>
        %get3A_1009 = arith.index_cast %add3A_1004 : i32 to index
        %get3A_1010 = arith.constant 16 : index
        %get3A_1011 = tpu.vector_load %get3A_1008[%get3A_1009, %get3A_1010] {strides = array<i32>} : memref<240x64xi32, #tpu.memory_space<vmem>>, vector<16xi32>,
        %add3A_1012 = arith.constant 9 : i32
        %add3A_1013 = arith.addi %add3A_442, %add3A_1012 : i32
        %get3A_1014 = arith.constant 0 : i32
        %get3A_1015 = arith.constant 0 : i32
        %get3A_1016 = tpu.memref_slice %arg6[%scan3A_317, %get3A_1014, %get3A_1015] : memref<3x240x64xi32, #tpu.memory_space<vmem>> -> memref<1x240x64xi32, #tpu.memory_space<vmem>>
        %get3A_1017 = tpu.memref_squeeze %get3A_1016 : memref<1x240x64xi32, #tpu.memory_space<vmem>> -> memref<240x64xi32, #tpu.memory_space<vmem>>
        %get3A_1018 = arith.index_cast %add3A_1013 : i32 to index
        %get3A_1019 = arith.constant 16 : index
        %get3A_1020 = tpu.vector_load %get3A_1017[%get3A_1018, %get3A_1019] {strides = array<i32>} : memref<240x64xi32, #tpu.memory_space<vmem>>, vector<16xi32>,
        %max3A_1021 = arith.maxsi %max3A_993, %get3A_1011 : vector<16xi32>
        %max3A_1022 = arith.maxsi %max3A_994, %get3A_1020 : vector<16xi32>
        %shift_left3A_1023 = arith.constant 16 : i32
        %shift_left3A_1024 = vector.broadcast %shift_left3A_1023 : i32 to vector<16xi32>
        %shift_left3A_1025 = arith.shli %get3A_1011, %shift_left3A_1024 : vector<16xi32>
        %max3A_1026 = arith.maxsi %max3A_998, %shift_left3A_1025 : vector<16xi32>
        %shift_left3A_1027 = arith.constant 16 : i32
        %shift_left3A_1028 = vector.broadcast %shift_left3A_1027 : i32 to vector<16xi32>
        %shift_left3A_1029 = arith.shli %get3A_1020, %shift_left3A_1028 : vector<16xi32>
        %max3A_1030 = arith.maxsi %max3A_1002, %shift_left3A_1029 : vector<16xi32>
        %bitcast3A_1031 = vector.bitcast %max3A_1026 : vector<16xi32> to vector<16xf32>
        %mul3A_1032 = arith.constant 2 : i32
        %mul3A_1033 = arith.muli %mul3A_1032, %scan3A_436 : i32
        %swap3A_1034 = arith.constant 0 : i32
        %swap3A_1035 = arith.constant 0 : i32
        %swap3A_1036 = tpu.memref_slice %arg7[%scan3A_318, %swap3A_1034, %swap3A_1035] : memref<3x24x128xf32, #tpu.memory_space<vmem>> -> memref<1x24x128xf32, #tpu.memory_space<vmem>>
        %swap3A_1037 = tpu.memref_squeeze %swap3A_1036 : memref<1x24x128xf32, #tpu.memory_space<vmem>> -> memref<24x128xf32, #tpu.memory_space<vmem>>
        %swap3A_1038 = arith.index_cast %mul3A_1033 : i32 to index
        %swap3A_1039 = arith.constant 16 : index
        %swap3A_1040 = tpu.vector_load %swap3A_1037[%swap3A_1038, %swap3A_1039] {strides = array<i32>} : memref<24x128xf32, #tpu.memory_space<vmem>>, vector<16xf32>,
        tpu.vector_store %swap3A_1037[%swap3A_1038, %swap3A_1039], %bitcast3A_1031 {strides = array<i32>} : memref<24x128xf32, #tpu.memory_space<vmem>>, vector<16xf32>,
        %bitcast3A_1041 = vector.bitcast %max3A_1030 : vector<16xi32> to vector<16xf32>
        %mul3A_1042 = arith.constant 2 : i32
        %mul3A_1043 = arith.muli %mul3A_1042, %scan3A_436 : i32
        %add3A_1044 = arith.constant 1 : i32
        %add3A_1045 = arith.addi %mul3A_1043, %add3A_1044 : i32
        %swap3A_1046 = arith.constant 0 : i32
        %swap3A_1047 = arith.constant 0 : i32
        %swap3A_1048 = tpu.memref_slice %arg7[%scan3A_318, %swap3A_1046, %swap3A_1047] : memref<3x24x128xf32, #tpu.memory_space<vmem>> -> memref<1x24x128xf32, #tpu.memory_space<vmem>>
        %swap3A_1049 = tpu.memref_squeeze %swap3A_1048 : memref<1x24x128xf32, #tpu.memory_space<vmem>> -> memref<24x128xf32, #tpu.memory_space<vmem>>
        %swap3A_1050 = arith.index_cast %add3A_1045 : i32 to index
        %swap3A_1051 = arith.constant 16 : index
        %swap3A_1052 = tpu.vector_load %swap3A_1049[%swap3A_1050, %swap3A_1051] {strides = array<i32>} : memref<24x128xf32, #tpu.memory_space<vmem>>, vector<16xf32>,
        tpu.vector_store %swap3A_1049[%swap3A_1050, %swap3A_1051], %bitcast3A_1041 {strides = array<i32>} : memref<24x128xf32, #tpu.memory_space<vmem>>, vector<16xf32>,
        %and3A_1053 = arith.constant -65536 : i32
        %and3A_1054 = vector.broadcast %and3A_1053 : i32 to vector<16xi32>
        %and3A_1055 = arith.andi %max3A_1021, %and3A_1054 : vector<16xi32>
        %bitcast3A_1056 = vector.bitcast %and3A_1055 : vector<16xi32> to vector<16xf32>
        %mul3A_1057 = arith.constant 2 : i32
        %mul3A_1058 = arith.muli %mul3A_1057, %scan3A_436 : i32
        %swap3A_1059 = arith.constant 0 : i32
        %swap3A_1060 = arith.constant 0 : i32
        %swap3A_1061 = tpu.memref_slice %arg7[%scan3A_318, %swap3A_1059, %swap3A_1060] : memref<3x24x128xf32, #tpu.memory_space<vmem>> -> memref<1x24x128xf32, #tpu.memory_space<vmem>>
        %swap3A_1062 = tpu.memref_squeeze %swap3A_1061 : memref<1x24x128xf32, #tpu.memory_space<vmem>> -> memref<24x128xf32, #tpu.memory_space<vmem>>
        %swap3A_1063 = arith.index_cast %mul3A_1058 : i32 to index
        %swap3A_1064 = arith.constant 80 : index
        %swap3A_1065 = tpu.vector_load %swap3A_1062[%swap3A_1063, %swap3A_1064] {strides = array<i32>} : memref<24x128xf32, #tpu.memory_space<vmem>>, vector<16xf32>,
        tpu.vector_store %swap3A_1062[%swap3A_1063, %swap3A_1064], %bitcast3A_1056 {strides = array<i32>} : memref<24x128xf32, #tpu.memory_space<vmem>>, vector<16xf32>,
        %and3A_1066 = arith.constant -65536 : i32
        %and3A_1067 = vector.broadcast %and3A_1066 : i32 to vector<16xi32>
        %and3A_1068 = arith.andi %max3A_1022, %and3A_1067 : vector<16xi32>
        %bitcast3A_1069 = vector.bitcast %and3A_1068 : vector<16xi32> to vector<16xf32>
        %mul3A_1070 = arith.constant 2 : i32
        %mul3A_1071 = arith.muli %mul3A_1070, %scan3A_436 : i32
        %add3A_1072 = arith.constant 1 : i32
        %add3A_1073 = arith.addi %mul3A_1071, %add3A_1072 : i32
        %swap3A_1074 = arith.constant 0 : i32
        %swap3A_1075 = arith.constant 0 : i32
        %swap3A_1076 = tpu.memref_slice %arg7[%scan3A_318, %swap3A_1074, %swap3A_1075] : memref<3x24x128xf32, #tpu.memory_space<vmem>> -> memref<1x24x128xf32, #tpu.memory_space<vmem>>
        %swap3A_1077 = tpu.memref_squeeze %swap3A_1076 : memref<1x24x128xf32, #tpu.memory_space<vmem>> -> memref<24x128xf32, #tpu.memory_space<vmem>>
        %swap3A_1078 = arith.index_cast %add3A_1073 : i32 to index
        %swap3A_1079 = arith.constant 80 : index
        %swap3A_1080 = tpu.vector_load %swap3A_1077[%swap3A_1078, %swap3A_1079] {strides = array<i32>} : memref<24x128xf32, #tpu.memory_space<vmem>>, vector<16xf32>,
        tpu.vector_store %swap3A_1077[%swap3A_1078, %swap3A_1079], %bitcast3A_1069 {strides = array<i32>} : memref<24x128xf32, #tpu.memory_space<vmem>>, vector<16xf32>,
        %get3A_1081 = arith.constant 0 : i32
        %get3A_1082 = arith.constant 0 : i32
        %get3A_1083 = tpu.memref_slice %arg6[%scan3A_317, %get3A_1081, %get3A_1082] : memref<3x240x64xi32, #tpu.memory_space<vmem>> -> memref<1x240x64xi32, #tpu.memory_space<vmem>>
        %get3A_1084 = tpu.memref_squeeze %get3A_1083 : memref<1x240x64xi32, #tpu.memory_space<vmem>> -> memref<240x64xi32, #tpu.memory_space<vmem>>
        %get3A_1085 = arith.index_cast %mul3A_440 : i32 to index
        %get3A_1086 = arith.constant 32 : index
        %get3A_1087 = tpu.vector_load %get3A_1084[%get3A_1085, %get3A_1086] {strides = array<i32>} : memref<240x64xi32, #tpu.memory_space<vmem>>, vector<16xi32>,
        %get3A_1088 = arith.constant 0 : i32
        %get3A_1089 = arith.constant 0 : i32
        %get3A_1090 = tpu.memref_slice %arg6[%scan3A_317, %get3A_1088, %get3A_1089] : memref<3x240x64xi32, #tpu.memory_space<vmem>> -> memref<1x240x64xi32, #tpu.memory_space<vmem>>
        %get3A_1091 = tpu.memref_squeeze %get3A_1090 : memref<1x240x64xi32, #tpu.memory_space<vmem>> -> memref<240x64xi32, #tpu.memory_space<vmem>>
        %get3A_1092 = arith.index_cast %add3A_442 : i32 to index
        %get3A_1093 = arith.constant 32 : index
        %get3A_1094 = tpu.vector_load %get3A_1091[%get3A_1092, %get3A_1093] {strides = array<i32>} : memref<240x64xi32, #tpu.memory_space<vmem>>, vector<16xi32>,
        %shift_left3A_1095 = arith.constant 16 : i32
        %shift_left3A_1096 = vector.broadcast %shift_left3A_1095 : i32 to vector<16xi32>
        %shift_left3A_1097 = arith.shli %get3A_1087, %shift_left3A_1096 : vector<16xi32>
        %shift_left3A_1098 = arith.constant 16 : i32
        %shift_left3A_1099 = vector.broadcast %shift_left3A_1098 : i32 to vector<16xi32>
        %shift_left3A_1100 = arith.shli %get3A_1094, %shift_left3A_1099 : vector<16xi32>
        %add3A_1101 = arith.constant 1 : i32
        %add3A_1102 = arith.addi %mul3A_440, %add3A_1101 : i32
        %get3A_1103 = arith.constant 0 : i32
        %get3A_1104 = arith.constant 0 : i32
        %get3A_1105 = tpu.memref_slice %arg6[%scan3A_317, %get3A_1103, %get3A_1104] : memref<3x240x64xi32, #tpu.memory_space<vmem>> -> memref<1x240x64xi32, #tpu.memory_space<vmem>>
        %get3A_1106 = tpu.memref_squeeze %get3A_1105 : memref<1x240x64xi32, #tpu.memory_space<vmem>> -> memref<240x64xi32, #tpu.memory_space<vmem>>
        %get3A_1107 = arith.index_cast %add3A_1102 : i32 to index
        %get3A_1108 = arith.constant 32 : index
        %get3A_1109 = tpu.vector_load %get3A_1106[%get3A_1107, %get3A_1108] {strides = array<i32>} : memref<240x64xi32, #tpu.memory_space<vmem>>, vector<16xi32>,
        %add3A_1110 = arith.constant 1 : i32
        %add3A_1111 = arith.addi %add3A_442, %add3A_1110 : i32
        %get3A_1112 = arith.constant 0 : i32
        %get3A_1113 = arith.constant 0 : i32
        %get3A_1114 = tpu.memref_slice %arg6[%scan3A_317, %get3A_1112, %get3A_1113] : memref<3x240x64xi32, #tpu.memory_space<vmem>> -> memref<1x240x64xi32, #tpu.memory_space<vmem>>
        %get3A_1115 = tpu.memref_squeeze %get3A_1114 : memref<1x240x64xi32, #tpu.memory_space<vmem>> -> memref<240x64xi32, #tpu.memory_space<vmem>>
        %get3A_1116 = arith.index_cast %add3A_1111 : i32 to index
        %get3A_1117 = arith.constant 32 : index
        %get3A_1118 = tpu.vector_load %get3A_1115[%get3A_1116, %get3A_1117] {strides = array<i32>} : memref<240x64xi32, #tpu.memory_space<vmem>>, vector<16xi32>,
        %max3A_1119 = arith.maxsi %get3A_1087, %get3A_1109 : vector<16xi32>
        %max3A_1120 = arith.maxsi %get3A_1094, %get3A_1118 : vector<16xi32>
        %shift_left3A_1121 = arith.constant 16 : i32
        %shift_left3A_1122 = vector.broadcast %shift_left3A_1121 : i32 to vector<16xi32>
        %shift_left3A_1123 = arith.shli %get3A_1109, %shift_left3A_1122 : vector<16xi32>
        %max3A_1124 = arith.maxsi %shift_left3A_1097, %shift_left3A_1123 : vector<16xi32>
        %shift_left3A_1125 = arith.constant 16 : i32
        %shift_left3A_1126 = vector.broadcast %shift_left3A_1125 : i32 to vector<16xi32>
        %shift_left3A_1127 = arith.shli %get3A_1118, %shift_left3A_1126 : vector<16xi32>
        %max3A_1128 = arith.maxsi %shift_left3A_1100, %shift_left3A_1127 : vector<16xi32>
        %add3A_1129 = arith.constant 2 : i32
        %add3A_1130 = arith.addi %mul3A_440, %add3A_1129 : i32
        %get3A_1131 = arith.constant 0 : i32
        %get3A_1132 = arith.constant 0 : i32
        %get3A_1133 = tpu.memref_slice %arg6[%scan3A_317, %get3A_1131, %get3A_1132] : memref<3x240x64xi32, #tpu.memory_space<vmem>> -> memref<1x240x64xi32, #tpu.memory_space<vmem>>
        %get3A_1134 = tpu.memref_squeeze %get3A_1133 : memref<1x240x64xi32, #tpu.memory_space<vmem>> -> memref<240x64xi32, #tpu.memory_space<vmem>>
        %get3A_1135 = arith.index_cast %add3A_1130 : i32 to index
        %get3A_1136 = arith.constant 32 : index
        %get3A_1137 = tpu.vector_load %get3A_1134[%get3A_1135, %get3A_1136] {strides = array<i32>} : memref<240x64xi32, #tpu.memory_space<vmem>>, vector<16xi32>,
        %add3A_1138 = arith.constant 2 : i32
        %add3A_1139 = arith.addi %add3A_442, %add3A_1138 : i32
        %get3A_1140 = arith.constant 0 : i32
        %get3A_1141 = arith.constant 0 : i32
        %get3A_1142 = tpu.memref_slice %arg6[%scan3A_317, %get3A_1140, %get3A_1141] : memref<3x240x64xi32, #tpu.memory_space<vmem>> -> memref<1x240x64xi32, #tpu.memory_space<vmem>>
        %get3A_1143 = tpu.memref_squeeze %get3A_1142 : memref<1x240x64xi32, #tpu.memory_space<vmem>> -> memref<240x64xi32, #tpu.memory_space<vmem>>
        %get3A_1144 = arith.index_cast %add3A_1139 : i32 to index
        %get3A_1145 = arith.constant 32 : index
        %get3A_1146 = tpu.vector_load %get3A_1143[%get3A_1144, %get3A_1145] {strides = array<i32>} : memref<240x64xi32, #tpu.memory_space<vmem>>, vector<16xi32>,
        %max3A_1147 = arith.maxsi %max3A_1119, %get3A_1137 : vector<16xi32>
        %max3A_1148 = arith.maxsi %max3A_1120, %get3A_1146 : vector<16xi32>
        %shift_left3A_1149 = arith.constant 16 : i32
        %shift_left3A_1150 = vector.broadcast %shift_left3A_1149 : i32 to vector<16xi32>
        %shift_left3A_1151 = arith.shli %get3A_1137, %shift_left3A_1150 : vector<16xi32>
        %max3A_1152 = arith.maxsi %max3A_1124, %shift_left3A_1151 : vector<16xi32>
        %shift_left3A_1153 = arith.constant 16 : i32
        %shift_left3A_1154 = vector.broadcast %shift_left3A_1153 : i32 to vector<16xi32>
        %shift_left3A_1155 = arith.shli %get3A_1146, %shift_left3A_1154 : vector<16xi32>
        %max3A_1156 = arith.maxsi %max3A_1128, %shift_left3A_1155 : vector<16xi32>
        %add3A_1157 = arith.constant 3 : i32
        %add3A_1158 = arith.addi %mul3A_440, %add3A_1157 : i32
        %get3A_1159 = arith.constant 0 : i32
        %get3A_1160 = arith.constant 0 : i32
        %get3A_1161 = tpu.memref_slice %arg6[%scan3A_317, %get3A_1159, %get3A_1160] : memref<3x240x64xi32, #tpu.memory_space<vmem>> -> memref<1x240x64xi32, #tpu.memory_space<vmem>>
        %get3A_1162 = tpu.memref_squeeze %get3A_1161 : memref<1x240x64xi32, #tpu.memory_space<vmem>> -> memref<240x64xi32, #tpu.memory_space<vmem>>
        %get3A_1163 = arith.index_cast %add3A_1158 : i32 to index
        %get3A_1164 = arith.constant 32 : index
        %get3A_1165 = tpu.vector_load %get3A_1162[%get3A_1163, %get3A_1164] {strides = array<i32>} : memref<240x64xi32, #tpu.memory_space<vmem>>, vector<16xi32>,
        %add3A_1166 = arith.constant 3 : i32
        %add3A_1167 = arith.addi %add3A_442, %add3A_1166 : i32
        %get3A_1168 = arith.constant 0 : i32
        %get3A_1169 = arith.constant 0 : i32
        %get3A_1170 = tpu.memref_slice %arg6[%scan3A_317, %get3A_1168, %get3A_1169] : memref<3x240x64xi32, #tpu.memory_space<vmem>> -> memref<1x240x64xi32, #tpu.memory_space<vmem>>
        %get3A_1171 = tpu.memref_squeeze %get3A_1170 : memref<1x240x64xi32, #tpu.memory_space<vmem>> -> memref<240x64xi32, #tpu.memory_space<vmem>>
        %get3A_1172 = arith.index_cast %add3A_1167 : i32 to index
        %get3A_1173 = arith.constant 32 : index
        %get3A_1174 = tpu.vector_load %get3A_1171[%get3A_1172, %get3A_1173] {strides = array<i32>} : memref<240x64xi32, #tpu.memory_space<vmem>>, vector<16xi32>,
        %max3A_1175 = arith.maxsi %max3A_1147, %get3A_1165 : vector<16xi32>
        %max3A_1176 = arith.maxsi %max3A_1148, %get3A_1174 : vector<16xi32>
        %shift_left3A_1177 = arith.constant 16 : i32
        %shift_left3A_1178 = vector.broadcast %shift_left3A_1177 : i32 to vector<16xi32>
        %shift_left3A_1179 = arith.shli %get3A_1165, %shift_left3A_1178 : vector<16xi32>
        %max3A_1180 = arith.maxsi %max3A_1152, %shift_left3A_1179 : vector<16xi32>
        %shift_left3A_1181 = arith.constant 16 : i32
        %shift_left3A_1182 = vector.broadcast %shift_left3A_1181 : i32 to vector<16xi32>
        %shift_left3A_1183 = arith.shli %get3A_1174, %shift_left3A_1182 : vector<16xi32>
        %max3A_1184 = arith.maxsi %max3A_1156, %shift_left3A_1183 : vector<16xi32>
        %add3A_1185 = arith.constant 4 : i32
        %add3A_1186 = arith.addi %mul3A_440, %add3A_1185 : i32
        %get3A_1187 = arith.constant 0 : i32
        %get3A_1188 = arith.constant 0 : i32
        %get3A_1189 = tpu.memref_slice %arg6[%scan3A_317, %get3A_1187, %get3A_1188] : memref<3x240x64xi32, #tpu.memory_space<vmem>> -> memref<1x240x64xi32, #tpu.memory_space<vmem>>
        %get3A_1190 = tpu.memref_squeeze %get3A_1189 : memref<1x240x64xi32, #tpu.memory_space<vmem>> -> memref<240x64xi32, #tpu.memory_space<vmem>>
        %get3A_1191 = arith.index_cast %add3A_1186 : i32 to index
        %get3A_1192 = arith.constant 32 : index
        %get3A_1193 = tpu.vector_load %get3A_1190[%get3A_1191, %get3A_1192] {strides = array<i32>} : memref<240x64xi32, #tpu.memory_space<vmem>>, vector<16xi32>,
        %add3A_1194 = arith.constant 4 : i32
        %add3A_1195 = arith.addi %add3A_442, %add3A_1194 : i32
        %get3A_1196 = arith.constant 0 : i32
        %get3A_1197 = arith.constant 0 : i32
        %get3A_1198 = tpu.memref_slice %arg6[%scan3A_317, %get3A_1196, %get3A_1197] : memref<3x240x64xi32, #tpu.memory_space<vmem>> -> memref<1x240x64xi32, #tpu.memory_space<vmem>>
        %get3A_1199 = tpu.memref_squeeze %get3A_1198 : memref<1x240x64xi32, #tpu.memory_space<vmem>> -> memref<240x64xi32, #tpu.memory_space<vmem>>
        %get3A_1200 = arith.index_cast %add3A_1195 : i32 to index
        %get3A_1201 = arith.constant 32 : index
        %get3A_1202 = tpu.vector_load %get3A_1199[%get3A_1200, %get3A_1201] {strides = array<i32>} : memref<240x64xi32, #tpu.memory_space<vmem>>, vector<16xi32>,
        %max3A_1203 = arith.maxsi %max3A_1175, %get3A_1193 : vector<16xi32>
        %max3A_1204 = arith.maxsi %max3A_1176, %get3A_1202 : vector<16xi32>
        %shift_left3A_1205 = arith.constant 16 : i32
        %shift_left3A_1206 = vector.broadcast %shift_left3A_1205 : i32 to vector<16xi32>
        %shift_left3A_1207 = arith.shli %get3A_1193, %shift_left3A_1206 : vector<16xi32>
        %max3A_1208 = arith.maxsi %max3A_1180, %shift_left3A_1207 : vector<16xi32>
        %shift_left3A_1209 = arith.constant 16 : i32
        %shift_left3A_1210 = vector.broadcast %shift_left3A_1209 : i32 to vector<16xi32>
        %shift_left3A_1211 = arith.shli %get3A_1202, %shift_left3A_1210 : vector<16xi32>
        %max3A_1212 = arith.maxsi %max3A_1184, %shift_left3A_1211 : vector<16xi32>
        %add3A_1213 = arith.constant 5 : i32
        %add3A_1214 = arith.addi %mul3A_440, %add3A_1213 : i32
        %get3A_1215 = arith.constant 0 : i32
        %get3A_1216 = arith.constant 0 : i32
        %get3A_1217 = tpu.memref_slice %arg6[%scan3A_317, %get3A_1215, %get3A_1216] : memref<3x240x64xi32, #tpu.memory_space<vmem>> -> memref<1x240x64xi32, #tpu.memory_space<vmem>>
        %get3A_1218 = tpu.memref_squeeze %get3A_1217 : memref<1x240x64xi32, #tpu.memory_space<vmem>> -> memref<240x64xi32, #tpu.memory_space<vmem>>
        %get3A_1219 = arith.index_cast %add3A_1214 : i32 to index
        %get3A_1220 = arith.constant 32 : index
        %get3A_1221 = tpu.vector_load %get3A_1218[%get3A_1219, %get3A_1220] {strides = array<i32>} : memref<240x64xi32, #tpu.memory_space<vmem>>, vector<16xi32>,
        %add3A_1222 = arith.constant 5 : i32
        %add3A_1223 = arith.addi %add3A_442, %add3A_1222 : i32
        %get3A_1224 = arith.constant 0 : i32
        %get3A_1225 = arith.constant 0 : i32
        %get3A_1226 = tpu.memref_slice %arg6[%scan3A_317, %get3A_1224, %get3A_1225] : memref<3x240x64xi32, #tpu.memory_space<vmem>> -> memref<1x240x64xi32, #tpu.memory_space<vmem>>
        %get3A_1227 = tpu.memref_squeeze %get3A_1226 : memref<1x240x64xi32, #tpu.memory_space<vmem>> -> memref<240x64xi32, #tpu.memory_space<vmem>>
        %get3A_1228 = arith.index_cast %add3A_1223 : i32 to index
        %get3A_1229 = arith.constant 32 : index
        %get3A_1230 = tpu.vector_load %get3A_1227[%get3A_1228, %get3A_1229] {strides = array<i32>} : memref<240x64xi32, #tpu.memory_space<vmem>>, vector<16xi32>,
        %max3A_1231 = arith.maxsi %max3A_1203, %get3A_1221 : vector<16xi32>
        %max3A_1232 = arith.maxsi %max3A_1204, %get3A_1230 : vector<16xi32>
        %shift_left3A_1233 = arith.constant 16 : i32
        %shift_left3A_1234 = vector.broadcast %shift_left3A_1233 : i32 to vector<16xi32>
        %shift_left3A_1235 = arith.shli %get3A_1221, %shift_left3A_1234 : vector<16xi32>
        %max3A_1236 = arith.maxsi %max3A_1208, %shift_left3A_1235 : vector<16xi32>
        %shift_left3A_1237 = arith.constant 16 : i32
        %shift_left3A_1238 = vector.broadcast %shift_left3A_1237 : i32 to vector<16xi32>
        %shift_left3A_1239 = arith.shli %get3A_1230, %shift_left3A_1238 : vector<16xi32>
        %max3A_1240 = arith.maxsi %max3A_1212, %shift_left3A_1239 : vector<16xi32>
        %add3A_1241 = arith.constant 6 : i32
        %add3A_1242 = arith.addi %mul3A_440, %add3A_1241 : i32
        %get3A_1243 = arith.constant 0 : i32
        %get3A_1244 = arith.constant 0 : i32
        %get3A_1245 = tpu.memref_slice %arg6[%scan3A_317, %get3A_1243, %get3A_1244] : memref<3x240x64xi32, #tpu.memory_space<vmem>> -> memref<1x240x64xi32, #tpu.memory_space<vmem>>
        %get3A_1246 = tpu.memref_squeeze %get3A_1245 : memref<1x240x64xi32, #tpu.memory_space<vmem>> -> memref<240x64xi32, #tpu.memory_space<vmem>>
        %get3A_1247 = arith.index_cast %add3A_1242 : i32 to index
        %get3A_1248 = arith.constant 32 : index
        %get3A_1249 = tpu.vector_load %get3A_1246[%get3A_1247, %get3A_1248] {strides = array<i32>} : memref<240x64xi32, #tpu.memory_space<vmem>>, vector<16xi32>,
        %add3A_1250 = arith.constant 6 : i32
        %add3A_1251 = arith.addi %add3A_442, %add3A_1250 : i32
        %get3A_1252 = arith.constant 0 : i32
        %get3A_1253 = arith.constant 0 : i32
        %get3A_1254 = tpu.memref_slice %arg6[%scan3A_317, %get3A_1252, %get3A_1253] : memref<3x240x64xi32, #tpu.memory_space<vmem>> -> memref<1x240x64xi32, #tpu.memory_space<vmem>>
        %get3A_1255 = tpu.memref_squeeze %get3A_1254 : memref<1x240x64xi32, #tpu.memory_space<vmem>> -> memref<240x64xi32, #tpu.memory_space<vmem>>
        %get3A_1256 = arith.index_cast %add3A_1251 : i32 to index
        %get3A_1257 = arith.constant 32 : index
        %get3A_1258 = tpu.vector_load %get3A_1255[%get3A_1256, %get3A_1257] {strides = array<i32>} : memref<240x64xi32, #tpu.memory_space<vmem>>, vector<16xi32>,
        %max3A_1259 = arith.maxsi %max3A_1231, %get3A_1249 : vector<16xi32>
        %max3A_1260 = arith.maxsi %max3A_1232, %get3A_1258 : vector<16xi32>
        %shift_left3A_1261 = arith.constant 16 : i32
        %shift_left3A_1262 = vector.broadcast %shift_left3A_1261 : i32 to vector<16xi32>
        %shift_left3A_1263 = arith.shli %get3A_1249, %shift_left3A_1262 : vector<16xi32>
        %max3A_1264 = arith.maxsi %max3A_1236, %shift_left3A_1263 : vector<16xi32>
        %shift_left3A_1265 = arith.constant 16 : i32
        %shift_left3A_1266 = vector.broadcast %shift_left3A_1265 : i32 to vector<16xi32>
        %shift_left3A_1267 = arith.shli %get3A_1258, %shift_left3A_1266 : vector<16xi32>
        %max3A_1268 = arith.maxsi %max3A_1240, %shift_left3A_1267 : vector<16xi32>
        %add3A_1269 = arith.constant 7 : i32
        %add3A_1270 = arith.addi %mul3A_440, %add3A_1269 : i32
        %get3A_1271 = arith.constant 0 : i32
        %get3A_1272 = arith.constant 0 : i32
        %get3A_1273 = tpu.memref_slice %arg6[%scan3A_317, %get3A_1271, %get3A_1272] : memref<3x240x64xi32, #tpu.memory_space<vmem>> -> memref<1x240x64xi32, #tpu.memory_space<vmem>>
        %get3A_1274 = tpu.memref_squeeze %get3A_1273 : memref<1x240x64xi32, #tpu.memory_space<vmem>> -> memref<240x64xi32, #tpu.memory_space<vmem>>
        %get3A_1275 = arith.index_cast %add3A_1270 : i32 to index
        %get3A_1276 = arith.constant 32 : index
        %get3A_1277 = tpu.vector_load %get3A_1274[%get3A_1275, %get3A_1276] {strides = array<i32>} : memref<240x64xi32, #tpu.memory_space<vmem>>, vector<16xi32>,
        %add3A_1278 = arith.constant 7 : i32
        %add3A_1279 = arith.addi %add3A_442, %add3A_1278 : i32
        %get3A_1280 = arith.constant 0 : i32
        %get3A_1281 = arith.constant 0 : i32
        %get3A_1282 = tpu.memref_slice %arg6[%scan3A_317, %get3A_1280, %get3A_1281] : memref<3x240x64xi32, #tpu.memory_space<vmem>> -> memref<1x240x64xi32, #tpu.memory_space<vmem>>
        %get3A_1283 = tpu.memref_squeeze %get3A_1282 : memref<1x240x64xi32, #tpu.memory_space<vmem>> -> memref<240x64xi32, #tpu.memory_space<vmem>>
        %get3A_1284 = arith.index_cast %add3A_1279 : i32 to index
        %get3A_1285 = arith.constant 32 : index
        %get3A_1286 = tpu.vector_load %get3A_1283[%get3A_1284, %get3A_1285] {strides = array<i32>} : memref<240x64xi32, #tpu.memory_space<vmem>>, vector<16xi32>,
        %max3A_1287 = arith.maxsi %max3A_1259, %get3A_1277 : vector<16xi32>
        %max3A_1288 = arith.maxsi %max3A_1260, %get3A_1286 : vector<16xi32>
        %shift_left3A_1289 = arith.constant 16 : i32
        %shift_left3A_1290 = vector.broadcast %shift_left3A_1289 : i32 to vector<16xi32>
        %shift_left3A_1291 = arith.shli %get3A_1277, %shift_left3A_1290 : vector<16xi32>
        %max3A_1292 = arith.maxsi %max3A_1264, %shift_left3A_1291 : vector<16xi32>
        %shift_left3A_1293 = arith.constant 16 : i32
        %shift_left3A_1294 = vector.broadcast %shift_left3A_1293 : i32 to vector<16xi32>
        %shift_left3A_1295 = arith.shli %get3A_1286, %shift_left3A_1294 : vector<16xi32>
        %max3A_1296 = arith.maxsi %max3A_1268, %shift_left3A_1295 : vector<16xi32>
        %add3A_1297 = arith.constant 8 : i32
        %add3A_1298 = arith.addi %mul3A_440, %add3A_1297 : i32
        %get3A_1299 = arith.constant 0 : i32
        %get3A_1300 = arith.constant 0 : i32
        %get3A_1301 = tpu.memref_slice %arg6[%scan3A_317, %get3A_1299, %get3A_1300] : memref<3x240x64xi32, #tpu.memory_space<vmem>> -> memref<1x240x64xi32, #tpu.memory_space<vmem>>
        %get3A_1302 = tpu.memref_squeeze %get3A_1301 : memref<1x240x64xi32, #tpu.memory_space<vmem>> -> memref<240x64xi32, #tpu.memory_space<vmem>>
        %get3A_1303 = arith.index_cast %add3A_1298 : i32 to index
        %get3A_1304 = arith.constant 32 : index
        %get3A_1305 = tpu.vector_load %get3A_1302[%get3A_1303, %get3A_1304] {strides = array<i32>} : memref<240x64xi32, #tpu.memory_space<vmem>>, vector<16xi32>,
        %add3A_1306 = arith.constant 8 : i32
        %add3A_1307 = arith.addi %add3A_442, %add3A_1306 : i32
        %get3A_1308 = arith.constant 0 : i32
        %get3A_1309 = arith.constant 0 : i32
        %get3A_1310 = tpu.memref_slice %arg6[%scan3A_317, %get3A_1308, %get3A_1309] : memref<3x240x64xi32, #tpu.memory_space<vmem>> -> memref<1x240x64xi32, #tpu.memory_space<vmem>>
        %get3A_1311 = tpu.memref_squeeze %get3A_1310 : memref<1x240x64xi32, #tpu.memory_space<vmem>> -> memref<240x64xi32, #tpu.memory_space<vmem>>
        %get3A_1312 = arith.index_cast %add3A_1307 : i32 to index
        %get3A_1313 = arith.constant 32 : index
        %get3A_1314 = tpu.vector_load %get3A_1311[%get3A_1312, %get3A_1313] {strides = array<i32>} : memref<240x64xi32, #tpu.memory_space<vmem>>, vector<16xi32>,
        %max3A_1315 = arith.maxsi %max3A_1287, %get3A_1305 : vector<16xi32>
        %max3A_1316 = arith.maxsi %max3A_1288, %get3A_1314 : vector<16xi32>
        %shift_left3A_1317 = arith.constant 16 : i32
        %shift_left3A_1318 = vector.broadcast %shift_left3A_1317 : i32 to vector<16xi32>
        %shift_left3A_1319 = arith.shli %get3A_1305, %shift_left3A_1318 : vector<16xi32>
        %max3A_1320 = arith.maxsi %max3A_1292, %shift_left3A_1319 : vector<16xi32>
        %shift_left3A_1321 = arith.constant 16 : i32
        %shift_left3A_1322 = vector.broadcast %shift_left3A_1321 : i32 to vector<16xi32>
        %shift_left3A_1323 = arith.shli %get3A_1314, %shift_left3A_1322 : vector<16xi32>
        %max3A_1324 = arith.maxsi %max3A_1296, %shift_left3A_1323 : vector<16xi32>
        %add3A_1325 = arith.constant 9 : i32
        %add3A_1326 = arith.addi %mul3A_440, %add3A_1325 : i32
        %get3A_1327 = arith.constant 0 : i32
        %get3A_1328 = arith.constant 0 : i32
        %get3A_1329 = tpu.memref_slice %arg6[%scan3A_317, %get3A_1327, %get3A_1328] : memref<3x240x64xi32, #tpu.memory_space<vmem>> -> memref<1x240x64xi32, #tpu.memory_space<vmem>>
        %get3A_1330 = tpu.memref_squeeze %get3A_1329 : memref<1x240x64xi32, #tpu.memory_space<vmem>> -> memref<240x64xi32, #tpu.memory_space<vmem>>
        %get3A_1331 = arith.index_cast %add3A_1326 : i32 to index
        %get3A_1332 = arith.constant 32 : index
        %get3A_1333 = tpu.vector_load %get3A_1330[%get3A_1331, %get3A_1332] {strides = array<i32>} : memref<240x64xi32, #tpu.memory_space<vmem>>, vector<16xi32>,
        %add3A_1334 = arith.constant 9 : i32
        %add3A_1335 = arith.addi %add3A_442, %add3A_1334 : i32
        %get3A_1336 = arith.constant 0 : i32
        %get3A_1337 = arith.constant 0 : i32
        %get3A_1338 = tpu.memref_slice %arg6[%scan3A_317, %get3A_1336, %get3A_1337] : memref<3x240x64xi32, #tpu.memory_space<vmem>> -> memref<1x240x64xi32, #tpu.memory_space<vmem>>
        %get3A_1339 = tpu.memref_squeeze %get3A_1338 : memref<1x240x64xi32, #tpu.memory_space<vmem>> -> memref<240x64xi32, #tpu.memory_space<vmem>>
        %get3A_1340 = arith.index_cast %add3A_1335 : i32 to index
        %get3A_1341 = arith.constant 32 : index
        %get3A_1342 = tpu.vector_load %get3A_1339[%get3A_1340, %get3A_1341] {strides = array<i32>} : memref<240x64xi32, #tpu.memory_space<vmem>>, vector<16xi32>,
        %max3A_1343 = arith.maxsi %max3A_1315, %get3A_1333 : vector<16xi32>
        %max3A_1344 = arith.maxsi %max3A_1316, %get3A_1342 : vector<16xi32>
        %shift_left3A_1345 = arith.constant 16 : i32
        %shift_left3A_1346 = vector.broadcast %shift_left3A_1345 : i32 to vector<16xi32>
        %shift_left3A_1347 = arith.shli %get3A_1333, %shift_left3A_1346 : vector<16xi32>
        %max3A_1348 = arith.maxsi %max3A_1320, %shift_left3A_1347 : vector<16xi32>
        %shift_left3A_1349 = arith.constant 16 : i32
        %shift_left3A_1350 = vector.broadcast %shift_left3A_1349 : i32 to vector<16xi32>
        %shift_left3A_1351 = arith.shli %get3A_1342, %shift_left3A_1350 : vector<16xi32>
        %max3A_1352 = arith.maxsi %max3A_1324, %shift_left3A_1351 : vector<16xi32>
        %bitcast3A_1353 = vector.bitcast %max3A_1348 : vector<16xi32> to vector<16xf32>
        %mul3A_1354 = arith.constant 2 : i32
        %mul3A_1355 = arith.muli %mul3A_1354, %scan3A_436 : i32
        %swap3A_1356 = arith.constant 0 : i32
        %swap3A_1357 = arith.constant 0 : i32
        %swap3A_1358 = tpu.memref_slice %arg7[%scan3A_318, %swap3A_1356, %swap3A_1357] : memref<3x24x128xf32, #tpu.memory_space<vmem>> -> memref<1x24x128xf32, #tpu.memory_space<vmem>>
        %swap3A_1359 = tpu.memref_squeeze %swap3A_1358 : memref<1x24x128xf32, #tpu.memory_space<vmem>> -> memref<24x128xf32, #tpu.memory_space<vmem>>
        %swap3A_1360 = arith.index_cast %mul3A_1355 : i32 to index
        %swap3A_1361 = arith.constant 32 : index
        %swap3A_1362 = tpu.vector_load %swap3A_1359[%swap3A_1360, %swap3A_1361] {strides = array<i32>} : memref<24x128xf32, #tpu.memory_space<vmem>>, vector<16xf32>,
        tpu.vector_store %swap3A_1359[%swap3A_1360, %swap3A_1361], %bitcast3A_1353 {strides = array<i32>} : memref<24x128xf32, #tpu.memory_space<vmem>>, vector<16xf32>,
        %bitcast3A_1363 = vector.bitcast %max3A_1352 : vector<16xi32> to vector<16xf32>
        %mul3A_1364 = arith.constant 2 : i32
        %mul3A_1365 = arith.muli %mul3A_1364, %scan3A_436 : i32
        %add3A_1366 = arith.constant 1 : i32
        %add3A_1367 = arith.addi %mul3A_1365, %add3A_1366 : i32
        %swap3A_1368 = arith.constant 0 : i32
        %swap3A_1369 = arith.constant 0 : i32
        %swap3A_1370 = tpu.memref_slice %arg7[%scan3A_318, %swap3A_1368, %swap3A_1369] : memref<3x24x128xf32, #tpu.memory_space<vmem>> -> memref<1x24x128xf32, #tpu.memory_space<vmem>>
        %swap3A_1371 = tpu.memref_squeeze %swap3A_1370 : memref<1x24x128xf32, #tpu.memory_space<vmem>> -> memref<24x128xf32, #tpu.memory_space<vmem>>
        %swap3A_1372 = arith.index_cast %add3A_1367 : i32 to index
        %swap3A_1373 = arith.constant 32 : index
        %swap3A_1374 = tpu.vector_load %swap3A_1371[%swap3A_1372, %swap3A_1373] {strides = array<i32>} : memref<24x128xf32, #tpu.memory_space<vmem>>, vector<16xf32>,
        tpu.vector_store %swap3A_1371[%swap3A_1372, %swap3A_1373], %bitcast3A_1363 {strides = array<i32>} : memref<24x128xf32, #tpu.memory_space<vmem>>, vector<16xf32>,
        %and3A_1375 = arith.constant -65536 : i32
        %and3A_1376 = vector.broadcast %and3A_1375 : i32 to vector<16xi32>
        %and3A_1377 = arith.andi %max3A_1343, %and3A_1376 : vector<16xi32>
        %bitcast3A_1378 = vector.bitcast %and3A_1377 : vector<16xi32> to vector<16xf32>
        %mul3A_1379 = arith.constant 2 : i32
        %mul3A_1380 = arith.muli %mul3A_1379, %scan3A_436 : i32
        %swap3A_1381 = arith.constant 0 : i32
        %swap3A_1382 = arith.constant 0 : i32
        %swap3A_1383 = tpu.memref_slice %arg7[%scan3A_318, %swap3A_1381, %swap3A_1382] : memref<3x24x128xf32, #tpu.memory_space<vmem>> -> memref<1x24x128xf32, #tpu.memory_space<vmem>>
        %swap3A_1384 = tpu.memref_squeeze %swap3A_1383 : memref<1x24x128xf32, #tpu.memory_space<vmem>> -> memref<24x128xf32, #tpu.memory_space<vmem>>
        %swap3A_1385 = arith.index_cast %mul3A_1380 : i32 to index
        %swap3A_1386 = arith.constant 96 : index
        %swap3A_1387 = tpu.vector_load %swap3A_1384[%swap3A_1385, %swap3A_1386] {strides = array<i32>} : memref<24x128xf32, #tpu.memory_space<vmem>>, vector<16xf32>,
        tpu.vector_store %swap3A_1384[%swap3A_1385, %swap3A_1386], %bitcast3A_1378 {strides = array<i32>} : memref<24x128xf32, #tpu.memory_space<vmem>>, vector<16xf32>,
        %and3A_1388 = arith.constant -65536 : i32
        %and3A_1389 = vector.broadcast %and3A_1388 : i32 to vector<16xi32>
        %and3A_1390 = arith.andi %max3A_1344, %and3A_1389 : vector<16xi32>
        %bitcast3A_1391 = vector.bitcast %and3A_1390 : vector<16xi32> to vector<16xf32>
        %mul3A_1392 = arith.constant 2 : i32
        %mul3A_1393 = arith.muli %mul3A_1392, %scan3A_436 : i32
        %add3A_1394 = arith.constant 1 : i32
        %add3A_1395 = arith.addi %mul3A_1393, %add3A_1394 : i32
        %swap3A_1396 = arith.constant 0 : i32
        %swap3A_1397 = arith.constant 0 : i32
        %swap3A_1398 = tpu.memref_slice %arg7[%scan3A_318, %swap3A_1396, %swap3A_1397] : memref<3x24x128xf32, #tpu.memory_space<vmem>> -> memref<1x24x128xf32, #tpu.memory_space<vmem>>
        %swap3A_1399 = tpu.memref_squeeze %swap3A_1398 : memref<1x24x128xf32, #tpu.memory_space<vmem>> -> memref<24x128xf32, #tpu.memory_space<vmem>>
        %swap3A_1400 = arith.index_cast %add3A_1395 : i32 to index
        %swap3A_1401 = arith.constant 96 : index
        %swap3A_1402 = tpu.vector_load %swap3A_1399[%swap3A_1400, %swap3A_1401] {strides = array<i32>} : memref<24x128xf32, #tpu.memory_space<vmem>>, vector<16xf32>,
        tpu.vector_store %swap3A_1399[%swap3A_1400, %swap3A_1401], %bitcast3A_1391 {strides = array<i32>} : memref<24x128xf32, #tpu.memory_space<vmem>>, vector<16xf32>,
        %get3A_1403 = arith.constant 0 : i32
        %get3A_1404 = arith.constant 0 : i32
        %get3A_1405 = tpu.memref_slice %arg6[%scan3A_317, %get3A_1403, %get3A_1404] : memref<3x240x64xi32, #tpu.memory_space<vmem>> -> memref<1x240x64xi32, #tpu.memory_space<vmem>>
        %get3A_1406 = tpu.memref_squeeze %get3A_1405 : memref<1x240x64xi32, #tpu.memory_space<vmem>> -> memref<240x64xi32, #tpu.memory_space<vmem>>
        %get3A_1407 = arith.index_cast %mul3A_440 : i32 to index
        %get3A_1408 = arith.constant 48 : index
        %get3A_1409 = tpu.vector_load %get3A_1406[%get3A_1407, %get3A_1408] {strides = array<i32>} : memref<240x64xi32, #tpu.memory_space<vmem>>, vector<16xi32>,
        %get3A_1410 = arith.constant 0 : i32
        %get3A_1411 = arith.constant 0 : i32
        %get3A_1412 = tpu.memref_slice %arg6[%scan3A_317, %get3A_1410, %get3A_1411] : memref<3x240x64xi32, #tpu.memory_space<vmem>> -> memref<1x240x64xi32, #tpu.memory_space<vmem>>
        %get3A_1413 = tpu.memref_squeeze %get3A_1412 : memref<1x240x64xi32, #tpu.memory_space<vmem>> -> memref<240x64xi32, #tpu.memory_space<vmem>>
        %get3A_1414 = arith.index_cast %add3A_442 : i32 to index
        %get3A_1415 = arith.constant 48 : index
        %get3A_1416 = tpu.vector_load %get3A_1413[%get3A_1414, %get3A_1415] {strides = array<i32>} : memref<240x64xi32, #tpu.memory_space<vmem>>, vector<16xi32>,
        %shift_left3A_1417 = arith.constant 16 : i32
        %shift_left3A_1418 = vector.broadcast %shift_left3A_1417 : i32 to vector<16xi32>
        %shift_left3A_1419 = arith.shli %get3A_1409, %shift_left3A_1418 : vector<16xi32>
        %shift_left3A_1420 = arith.constant 16 : i32
        %shift_left3A_1421 = vector.broadcast %shift_left3A_1420 : i32 to vector<16xi32>
        %shift_left3A_1422 = arith.shli %get3A_1416, %shift_left3A_1421 : vector<16xi32>
        %add3A_1423 = arith.constant 1 : i32
        %add3A_1424 = arith.addi %mul3A_440, %add3A_1423 : i32
        %get3A_1425 = arith.constant 0 : i32
        %get3A_1426 = arith.constant 0 : i32
        %get3A_1427 = tpu.memref_slice %arg6[%scan3A_317, %get3A_1425, %get3A_1426] : memref<3x240x64xi32, #tpu.memory_space<vmem>> -> memref<1x240x64xi32, #tpu.memory_space<vmem>>
        %get3A_1428 = tpu.memref_squeeze %get3A_1427 : memref<1x240x64xi32, #tpu.memory_space<vmem>> -> memref<240x64xi32, #tpu.memory_space<vmem>>
        %get3A_1429 = arith.index_cast %add3A_1424 : i32 to index
        %get3A_1430 = arith.constant 48 : index
        %get3A_1431 = tpu.vector_load %get3A_1428[%get3A_1429, %get3A_1430] {strides = array<i32>} : memref<240x64xi32, #tpu.memory_space<vmem>>, vector<16xi32>,
        %add3A_1432 = arith.constant 1 : i32
        %add3A_1433 = arith.addi %add3A_442, %add3A_1432 : i32
        %get3A_1434 = arith.constant 0 : i32
        %get3A_1435 = arith.constant 0 : i32
        %get3A_1436 = tpu.memref_slice %arg6[%scan3A_317, %get3A_1434, %get3A_1435] : memref<3x240x64xi32, #tpu.memory_space<vmem>> -> memref<1x240x64xi32, #tpu.memory_space<vmem>>
        %get3A_1437 = tpu.memref_squeeze %get3A_1436 : memref<1x240x64xi32, #tpu.memory_space<vmem>> -> memref<240x64xi32, #tpu.memory_space<vmem>>
        %get3A_1438 = arith.index_cast %add3A_1433 : i32 to index
        %get3A_1439 = arith.constant 48 : index
        %get3A_1440 = tpu.vector_load %get3A_1437[%get3A_1438, %get3A_1439] {strides = array<i32>} : memref<240x64xi32, #tpu.memory_space<vmem>>, vector<16xi32>,
        %max3A_1441 = arith.maxsi %get3A_1409, %get3A_1431 : vector<16xi32>
        %max3A_1442 = arith.maxsi %get3A_1416, %get3A_1440 : vector<16xi32>
        %shift_left3A_1443 = arith.constant 16 : i32
        %shift_left3A_1444 = vector.broadcast %shift_left3A_1443 : i32 to vector<16xi32>
        %shift_left3A_1445 = arith.shli %get3A_1431, %shift_left3A_1444 : vector<16xi32>
        %max3A_1446 = arith.maxsi %shift_left3A_1419, %shift_left3A_1445 : vector<16xi32>
        %shift_left3A_1447 = arith.constant 16 : i32
        %shift_left3A_1448 = vector.broadcast %shift_left3A_1447 : i32 to vector<16xi32>
        %shift_left3A_1449 = arith.shli %get3A_1440, %shift_left3A_1448 : vector<16xi32>
        %max3A_1450 = arith.maxsi %shift_left3A_1422, %shift_left3A_1449 : vector<16xi32>
        %add3A_1451 = arith.constant 2 : i32
        %add3A_1452 = arith.addi %mul3A_440, %add3A_1451 : i32
        %get3A_1453 = arith.constant 0 : i32
        %get3A_1454 = arith.constant 0 : i32
        %get3A_1455 = tpu.memref_slice %arg6[%scan3A_317, %get3A_1453, %get3A_1454] : memref<3x240x64xi32, #tpu.memory_space<vmem>> -> memref<1x240x64xi32, #tpu.memory_space<vmem>>
        %get3A_1456 = tpu.memref_squeeze %get3A_1455 : memref<1x240x64xi32, #tpu.memory_space<vmem>> -> memref<240x64xi32, #tpu.memory_space<vmem>>
        %get3A_1457 = arith.index_cast %add3A_1452 : i32 to index
        %get3A_1458 = arith.constant 48 : index
        %get3A_1459 = tpu.vector_load %get3A_1456[%get3A_1457, %get3A_1458] {strides = array<i32>} : memref<240x64xi32, #tpu.memory_space<vmem>>, vector<16xi32>,
        %add3A_1460 = arith.constant 2 : i32
        %add3A_1461 = arith.addi %add3A_442, %add3A_1460 : i32
        %get3A_1462 = arith.constant 0 : i32
        %get3A_1463 = arith.constant 0 : i32
        %get3A_1464 = tpu.memref_slice %arg6[%scan3A_317, %get3A_1462, %get3A_1463] : memref<3x240x64xi32, #tpu.memory_space<vmem>> -> memref<1x240x64xi32, #tpu.memory_space<vmem>>
        %get3A_1465 = tpu.memref_squeeze %get3A_1464 : memref<1x240x64xi32, #tpu.memory_space<vmem>> -> memref<240x64xi32, #tpu.memory_space<vmem>>
        %get3A_1466 = arith.index_cast %add3A_1461 : i32 to index
        %get3A_1467 = arith.constant 48 : index
        %get3A_1468 = tpu.vector_load %get3A_1465[%get3A_1466, %get3A_1467] {strides = array<i32>} : memref<240x64xi32, #tpu.memory_space<vmem>>, vector<16xi32>,
        %max3A_1469 = arith.maxsi %max3A_1441, %get3A_1459 : vector<16xi32>
        %max3A_1470 = arith.maxsi %max3A_1442, %get3A_1468 : vector<16xi32>
        %shift_left3A_1471 = arith.constant 16 : i32
        %shift_left3A_1472 = vector.broadcast %shift_left3A_1471 : i32 to vector<16xi32>
        %shift_left3A_1473 = arith.shli %get3A_1459, %shift_left3A_1472 : vector<16xi32>
        %max3A_1474 = arith.maxsi %max3A_1446, %shift_left3A_1473 : vector<16xi32>
        %shift_left3A_1475 = arith.constant 16 : i32
        %shift_left3A_1476 = vector.broadcast %shift_left3A_1475 : i32 to vector<16xi32>
        %shift_left3A_1477 = arith.shli %get3A_1468, %shift_left3A_1476 : vector<16xi32>
        %max3A_1478 = arith.maxsi %max3A_1450, %shift_left3A_1477 : vector<16xi32>
        %add3A_1479 = arith.constant 3 : i32
        %add3A_1480 = arith.addi %mul3A_440, %add3A_1479 : i32
        %get3A_1481 = arith.constant 0 : i32
        %get3A_1482 = arith.constant 0 : i32
        %get3A_1483 = tpu.memref_slice %arg6[%scan3A_317, %get3A_1481, %get3A_1482] : memref<3x240x64xi32, #tpu.memory_space<vmem>> -> memref<1x240x64xi32, #tpu.memory_space<vmem>>
        %get3A_1484 = tpu.memref_squeeze %get3A_1483 : memref<1x240x64xi32, #tpu.memory_space<vmem>> -> memref<240x64xi32, #tpu.memory_space<vmem>>
        %get3A_1485 = arith.index_cast %add3A_1480 : i32 to index
        %get3A_1486 = arith.constant 48 : index
        %get3A_1487 = tpu.vector_load %get3A_1484[%get3A_1485, %get3A_1486] {strides = array<i32>} : memref<240x64xi32, #tpu.memory_space<vmem>>, vector<16xi32>,
        %add3A_1488 = arith.constant 3 : i32
        %add3A_1489 = arith.addi %add3A_442, %add3A_1488 : i32
        %get3A_1490 = arith.constant 0 : i32
        %get3A_1491 = arith.constant 0 : i32
        %get3A_1492 = tpu.memref_slice %arg6[%scan3A_317, %get3A_1490, %get3A_1491] : memref<3x240x64xi32, #tpu.memory_space<vmem>> -> memref<1x240x64xi32, #tpu.memory_space<vmem>>
        %get3A_1493 = tpu.memref_squeeze %get3A_1492 : memref<1x240x64xi32, #tpu.memory_space<vmem>> -> memref<240x64xi32, #tpu.memory_space<vmem>>
        %get3A_1494 = arith.index_cast %add3A_1489 : i32 to index
        %get3A_1495 = arith.constant 48 : index
        %get3A_1496 = tpu.vector_load %get3A_1493[%get3A_1494, %get3A_1495] {strides = array<i32>} : memref<240x64xi32, #tpu.memory_space<vmem>>, vector<16xi32>,
        %max3A_1497 = arith.maxsi %max3A_1469, %get3A_1487 : vector<16xi32>
        %max3A_1498 = arith.maxsi %max3A_1470, %get3A_1496 : vector<16xi32>
        %shift_left3A_1499 = arith.constant 16 : i32
        %shift_left3A_1500 = vector.broadcast %shift_left3A_1499 : i32 to vector<16xi32>
        %shift_left3A_1501 = arith.shli %get3A_1487, %shift_left3A_1500 : vector<16xi32>
        %max3A_1502 = arith.maxsi %max3A_1474, %shift_left3A_1501 : vector<16xi32>
        %shift_left3A_1503 = arith.constant 16 : i32
        %shift_left3A_1504 = vector.broadcast %shift_left3A_1503 : i32 to vector<16xi32>
        %shift_left3A_1505 = arith.shli %get3A_1496, %shift_left3A_1504 : vector<16xi32>
        %max3A_1506 = arith.maxsi %max3A_1478, %shift_left3A_1505 : vector<16xi32>
        %add3A_1507 = arith.constant 4 : i32
        %add3A_1508 = arith.addi %mul3A_440, %add3A_1507 : i32
        %get3A_1509 = arith.constant 0 : i32
        %get3A_1510 = arith.constant 0 : i32
        %get3A_1511 = tpu.memref_slice %arg6[%scan3A_317, %get3A_1509, %get3A_1510] : memref<3x240x64xi32, #tpu.memory_space<vmem>> -> memref<1x240x64xi32, #tpu.memory_space<vmem>>
        %get3A_1512 = tpu.memref_squeeze %get3A_1511 : memref<1x240x64xi32, #tpu.memory_space<vmem>> -> memref<240x64xi32, #tpu.memory_space<vmem>>
        %get3A_1513 = arith.index_cast %add3A_1508 : i32 to index
        %get3A_1514 = arith.constant 48 : index
        %get3A_1515 = tpu.vector_load %get3A_1512[%get3A_1513, %get3A_1514] {strides = array<i32>} : memref<240x64xi32, #tpu.memory_space<vmem>>, vector<16xi32>,
        %add3A_1516 = arith.constant 4 : i32
        %add3A_1517 = arith.addi %add3A_442, %add3A_1516 : i32
        %get3A_1518 = arith.constant 0 : i32
        %get3A_1519 = arith.constant 0 : i32
        %get3A_1520 = tpu.memref_slice %arg6[%scan3A_317, %get3A_1518, %get3A_1519] : memref<3x240x64xi32, #tpu.memory_space<vmem>> -> memref<1x240x64xi32, #tpu.memory_space<vmem>>
        %get3A_1521 = tpu.memref_squeeze %get3A_1520 : memref<1x240x64xi32, #tpu.memory_space<vmem>> -> memref<240x64xi32, #tpu.memory_space<vmem>>
        %get3A_1522 = arith.index_cast %add3A_1517 : i32 to index
        %get3A_1523 = arith.constant 48 : index
        %get3A_1524 = tpu.vector_load %get3A_1521[%get3A_1522, %get3A_1523] {strides = array<i32>} : memref<240x64xi32, #tpu.memory_space<vmem>>, vector<16xi32>,
        %max3A_1525 = arith.maxsi %max3A_1497, %get3A_1515 : vector<16xi32>
        %max3A_1526 = arith.maxsi %max3A_1498, %get3A_1524 : vector<16xi32>
        %shift_left3A_1527 = arith.constant 16 : i32
        %shift_left3A_1528 = vector.broadcast %shift_left3A_1527 : i32 to vector<16xi32>
        %shift_left3A_1529 = arith.shli %get3A_1515, %shift_left3A_1528 : vector<16xi32>
        %max3A_1530 = arith.maxsi %max3A_1502, %shift_left3A_1529 : vector<16xi32>
        %shift_left3A_1531 = arith.constant 16 : i32
        %shift_left3A_1532 = vector.broadcast %shift_left3A_1531 : i32 to vector<16xi32>
        %shift_left3A_1533 = arith.shli %get3A_1524, %shift_left3A_1532 : vector<16xi32>
        %max3A_1534 = arith.maxsi %max3A_1506, %shift_left3A_1533 : vector<16xi32>
        %add3A_1535 = arith.constant 5 : i32
        %add3A_1536 = arith.addi %mul3A_440, %add3A_1535 : i32
        %get3A_1537 = arith.constant 0 : i32
        %get3A_1538 = arith.constant 0 : i32
        %get3A_1539 = tpu.memref_slice %arg6[%scan3A_317, %get3A_1537, %get3A_1538] : memref<3x240x64xi32, #tpu.memory_space<vmem>> -> memref<1x240x64xi32, #tpu.memory_space<vmem>>
        %get3A_1540 = tpu.memref_squeeze %get3A_1539 : memref<1x240x64xi32, #tpu.memory_space<vmem>> -> memref<240x64xi32, #tpu.memory_space<vmem>>
        %get3A_1541 = arith.index_cast %add3A_1536 : i32 to index
        %get3A_1542 = arith.constant 48 : index
        %get3A_1543 = tpu.vector_load %get3A_1540[%get3A_1541, %get3A_1542] {strides = array<i32>} : memref<240x64xi32, #tpu.memory_space<vmem>>, vector<16xi32>,
        %add3A_1544 = arith.constant 5 : i32
        %add3A_1545 = arith.addi %add3A_442, %add3A_1544 : i32
        %get3A_1546 = arith.constant 0 : i32
        %get3A_1547 = arith.constant 0 : i32
        %get3A_1548 = tpu.memref_slice %arg6[%scan3A_317, %get3A_1546, %get3A_1547] : memref<3x240x64xi32, #tpu.memory_space<vmem>> -> memref<1x240x64xi32, #tpu.memory_space<vmem>>
        %get3A_1549 = tpu.memref_squeeze %get3A_1548 : memref<1x240x64xi32, #tpu.memory_space<vmem>> -> memref<240x64xi32, #tpu.memory_space<vmem>>
        %get3A_1550 = arith.index_cast %add3A_1545 : i32 to index
        %get3A_1551 = arith.constant 48 : index
        %get3A_1552 = tpu.vector_load %get3A_1549[%get3A_1550, %get3A_1551] {strides = array<i32>} : memref<240x64xi32, #tpu.memory_space<vmem>>, vector<16xi32>,
        %max3A_1553 = arith.maxsi %max3A_1525, %get3A_1543 : vector<16xi32>
        %max3A_1554 = arith.maxsi %max3A_1526, %get3A_1552 : vector<16xi32>
        %shift_left3A_1555 = arith.constant 16 : i32
        %shift_left3A_1556 = vector.broadcast %shift_left3A_1555 : i32 to vector<16xi32>
        %shift_left3A_1557 = arith.shli %get3A_1543, %shift_left3A_1556 : vector<16xi32>
        %max3A_1558 = arith.maxsi %max3A_1530, %shift_left3A_1557 : vector<16xi32>
        %shift_left3A_1559 = arith.constant 16 : i32
        %shift_left3A_1560 = vector.broadcast %shift_left3A_1559 : i32 to vector<16xi32>
        %shift_left3A_1561 = arith.shli %get3A_1552, %shift_left3A_1560 : vector<16xi32>
        %max3A_1562 = arith.maxsi %max3A_1534, %shift_left3A_1561 : vector<16xi32>
        %add3A_1563 = arith.constant 6 : i32
        %add3A_1564 = arith.addi %mul3A_440, %add3A_1563 : i32
        %get3A_1565 = arith.constant 0 : i32
        %get3A_1566 = arith.constant 0 : i32
        %get3A_1567 = tpu.memref_slice %arg6[%scan3A_317, %get3A_1565, %get3A_1566] : memref<3x240x64xi32, #tpu.memory_space<vmem>> -> memref<1x240x64xi32, #tpu.memory_space<vmem>>
        %get3A_1568 = tpu.memref_squeeze %get3A_1567 : memref<1x240x64xi32, #tpu.memory_space<vmem>> -> memref<240x64xi32, #tpu.memory_space<vmem>>
        %get3A_1569 = arith.index_cast %add3A_1564 : i32 to index
        %get3A_1570 = arith.constant 48 : index
        %get3A_1571 = tpu.vector_load %get3A_1568[%get3A_1569, %get3A_1570] {strides = array<i32>} : memref<240x64xi32, #tpu.memory_space<vmem>>, vector<16xi32>,
        %add3A_1572 = arith.constant 6 : i32
        %add3A_1573 = arith.addi %add3A_442, %add3A_1572 : i32
        %get3A_1574 = arith.constant 0 : i32
        %get3A_1575 = arith.constant 0 : i32
        %get3A_1576 = tpu.memref_slice %arg6[%scan3A_317, %get3A_1574, %get3A_1575] : memref<3x240x64xi32, #tpu.memory_space<vmem>> -> memref<1x240x64xi32, #tpu.memory_space<vmem>>
        %get3A_1577 = tpu.memref_squeeze %get3A_1576 : memref<1x240x64xi32, #tpu.memory_space<vmem>> -> memref<240x64xi32, #tpu.memory_space<vmem>>
        %get3A_1578 = arith.index_cast %add3A_1573 : i32 to index
        %get3A_1579 = arith.constant 48 : index
        %get3A_1580 = tpu.vector_load %get3A_1577[%get3A_1578, %get3A_1579] {strides = array<i32>} : memref<240x64xi32, #tpu.memory_space<vmem>>, vector<16xi32>,
        %max3A_1581 = arith.maxsi %max3A_1553, %get3A_1571 : vector<16xi32>
        %max3A_1582 = arith.maxsi %max3A_1554, %get3A_1580 : vector<16xi32>
        %shift_left3A_1583 = arith.constant 16 : i32
        %shift_left3A_1584 = vector.broadcast %shift_left3A_1583 : i32 to vector<16xi32>
        %shift_left3A_1585 = arith.shli %get3A_1571, %shift_left3A_1584 : vector<16xi32>
        %max3A_1586 = arith.maxsi %max3A_1558, %shift_left3A_1585 : vector<16xi32>
        %shift_left3A_1587 = arith.constant 16 : i32
        %shift_left3A_1588 = vector.broadcast %shift_left3A_1587 : i32 to vector<16xi32>
        %shift_left3A_1589 = arith.shli %get3A_1580, %shift_left3A_1588 : vector<16xi32>
        %max3A_1590 = arith.maxsi %max3A_1562, %shift_left3A_1589 : vector<16xi32>
        %add3A_1591 = arith.constant 7 : i32
        %add3A_1592 = arith.addi %mul3A_440, %add3A_1591 : i32
        %get3A_1593 = arith.constant 0 : i32
        %get3A_1594 = arith.constant 0 : i32
        %get3A_1595 = tpu.memref_slice %arg6[%scan3A_317, %get3A_1593, %get3A_1594] : memref<3x240x64xi32, #tpu.memory_space<vmem>> -> memref<1x240x64xi32, #tpu.memory_space<vmem>>
        %get3A_1596 = tpu.memref_squeeze %get3A_1595 : memref<1x240x64xi32, #tpu.memory_space<vmem>> -> memref<240x64xi32, #tpu.memory_space<vmem>>
        %get3A_1597 = arith.index_cast %add3A_1592 : i32 to index
        %get3A_1598 = arith.constant 48 : index
        %get3A_1599 = tpu.vector_load %get3A_1596[%get3A_1597, %get3A_1598] {strides = array<i32>} : memref<240x64xi32, #tpu.memory_space<vmem>>, vector<16xi32>,
        %add3A_1600 = arith.constant 7 : i32
        %add3A_1601 = arith.addi %add3A_442, %add3A_1600 : i32
        %get3A_1602 = arith.constant 0 : i32
        %get3A_1603 = arith.constant 0 : i32
        %get3A_1604 = tpu.memref_slice %arg6[%scan3A_317, %get3A_1602, %get3A_1603] : memref<3x240x64xi32, #tpu.memory_space<vmem>> -> memref<1x240x64xi32, #tpu.memory_space<vmem>>
        %get3A_1605 = tpu.memref_squeeze %get3A_1604 : memref<1x240x64xi32, #tpu.memory_space<vmem>> -> memref<240x64xi32, #tpu.memory_space<vmem>>
        %get3A_1606 = arith.index_cast %add3A_1601 : i32 to index
        %get3A_1607 = arith.constant 48 : index
        %get3A_1608 = tpu.vector_load %get3A_1605[%get3A_1606, %get3A_1607] {strides = array<i32>} : memref<240x64xi32, #tpu.memory_space<vmem>>, vector<16xi32>,
        %max3A_1609 = arith.maxsi %max3A_1581, %get3A_1599 : vector<16xi32>
        %max3A_1610 = arith.maxsi %max3A_1582, %get3A_1608 : vector<16xi32>
        %shift_left3A_1611 = arith.constant 16 : i32
        %shift_left3A_1612 = vector.broadcast %shift_left3A_1611 : i32 to vector<16xi32>
        %shift_left3A_1613 = arith.shli %get3A_1599, %shift_left3A_1612 : vector<16xi32>
        %max3A_1614 = arith.maxsi %max3A_1586, %shift_left3A_1613 : vector<16xi32>
        %shift_left3A_1615 = arith.constant 16 : i32
        %shift_left3A_1616 = vector.broadcast %shift_left3A_1615 : i32 to vector<16xi32>
        %shift_left3A_1617 = arith.shli %get3A_1608, %shift_left3A_1616 : vector<16xi32>
        %max3A_1618 = arith.maxsi %max3A_1590, %shift_left3A_1617 : vector<16xi32>
        %add3A_1619 = arith.constant 8 : i32
        %add3A_1620 = arith.addi %mul3A_440, %add3A_1619 : i32
        %get3A_1621 = arith.constant 0 : i32
        %get3A_1622 = arith.constant 0 : i32
        %get3A_1623 = tpu.memref_slice %arg6[%scan3A_317, %get3A_1621, %get3A_1622] : memref<3x240x64xi32, #tpu.memory_space<vmem>> -> memref<1x240x64xi32, #tpu.memory_space<vmem>>
        %get3A_1624 = tpu.memref_squeeze %get3A_1623 : memref<1x240x64xi32, #tpu.memory_space<vmem>> -> memref<240x64xi32, #tpu.memory_space<vmem>>
        %get3A_1625 = arith.index_cast %add3A_1620 : i32 to index
        %get3A_1626 = arith.constant 48 : index
        %get3A_1627 = tpu.vector_load %get3A_1624[%get3A_1625, %get3A_1626] {strides = array<i32>} : memref<240x64xi32, #tpu.memory_space<vmem>>, vector<16xi32>,
        %add3A_1628 = arith.constant 8 : i32
        %add3A_1629 = arith.addi %add3A_442, %add3A_1628 : i32
        %get3A_1630 = arith.constant 0 : i32
        %get3A_1631 = arith.constant 0 : i32
        %get3A_1632 = tpu.memref_slice %arg6[%scan3A_317, %get3A_1630, %get3A_1631] : memref<3x240x64xi32, #tpu.memory_space<vmem>> -> memref<1x240x64xi32, #tpu.memory_space<vmem>>
        %get3A_1633 = tpu.memref_squeeze %get3A_1632 : memref<1x240x64xi32, #tpu.memory_space<vmem>> -> memref<240x64xi32, #tpu.memory_space<vmem>>
        %get3A_1634 = arith.index_cast %add3A_1629 : i32 to index
        %get3A_1635 = arith.constant 48 : index
        %get3A_1636 = tpu.vector_load %get3A_1633[%get3A_1634, %get3A_1635] {strides = array<i32>} : memref<240x64xi32, #tpu.memory_space<vmem>>, vector<16xi32>,
        %max3A_1637 = arith.maxsi %max3A_1609, %get3A_1627 : vector<16xi32>
        %max3A_1638 = arith.maxsi %max3A_1610, %get3A_1636 : vector<16xi32>
        %shift_left3A_1639 = arith.constant 16 : i32
        %shift_left3A_1640 = vector.broadcast %shift_left3A_1639 : i32 to vector<16xi32>
        %shift_left3A_1641 = arith.shli %get3A_1627, %shift_left3A_1640 : vector<16xi32>
        %max3A_1642 = arith.maxsi %max3A_1614, %shift_left3A_1641 : vector<16xi32>
        %shift_left3A_1643 = arith.constant 16 : i32
        %shift_left3A_1644 = vector.broadcast %shift_left3A_1643 : i32 to vector<16xi32>
        %shift_left3A_1645 = arith.shli %get3A_1636, %shift_left3A_1644 : vector<16xi32>
        %max3A_1646 = arith.maxsi %max3A_1618, %shift_left3A_1645 : vector<16xi32>
        %add3A_1647 = arith.constant 9 : i32
        %add3A_1648 = arith.addi %mul3A_440, %add3A_1647 : i32
        %get3A_1649 = arith.constant 0 : i32
        %get3A_1650 = arith.constant 0 : i32
        %get3A_1651 = tpu.memref_slice %arg6[%scan3A_317, %get3A_1649, %get3A_1650] : memref<3x240x64xi32, #tpu.memory_space<vmem>> -> memref<1x240x64xi32, #tpu.memory_space<vmem>>
        %get3A_1652 = tpu.memref_squeeze %get3A_1651 : memref<1x240x64xi32, #tpu.memory_space<vmem>> -> memref<240x64xi32, #tpu.memory_space<vmem>>
        %get3A_1653 = arith.index_cast %add3A_1648 : i32 to index
        %get3A_1654 = arith.constant 48 : index
        %get3A_1655 = tpu.vector_load %get3A_1652[%get3A_1653, %get3A_1654] {strides = array<i32>} : memref<240x64xi32, #tpu.memory_space<vmem>>, vector<16xi32>,
        %add3A_1656 = arith.constant 9 : i32
        %add3A_1657 = arith.addi %add3A_442, %add3A_1656 : i32
        %get3A_1658 = arith.constant 0 : i32
        %get3A_1659 = arith.constant 0 : i32
        %get3A_1660 = tpu.memref_slice %arg6[%scan3A_317, %get3A_1658, %get3A_1659] : memref<3x240x64xi32, #tpu.memory_space<vmem>> -> memref<1x240x64xi32, #tpu.memory_space<vmem>>
        %get3A_1661 = tpu.memref_squeeze %get3A_1660 : memref<1x240x64xi32, #tpu.memory_space<vmem>> -> memref<240x64xi32, #tpu.memory_space<vmem>>
        %get3A_1662 = arith.index_cast %add3A_1657 : i32 to index
        %get3A_1663 = arith.constant 48 : index
        %get3A_1664 = tpu.vector_load %get3A_1661[%get3A_1662, %get3A_1663] {strides = array<i32>} : memref<240x64xi32, #tpu.memory_space<vmem>>, vector<16xi32>,
        %max3A_1665 = arith.maxsi %max3A_1637, %get3A_1655 : vector<16xi32>
        %max3A_1666 = arith.maxsi %max3A_1638, %get3A_1664 : vector<16xi32>
        %shift_left3A_1667 = arith.constant 16 : i32
        %shift_left3A_1668 = vector.broadcast %shift_left3A_1667 : i32 to vector<16xi32>
        %shift_left3A_1669 = arith.shli %get3A_1655, %shift_left3A_1668 : vector<16xi32>
        %max3A_1670 = arith.maxsi %max3A_1642, %shift_left3A_1669 : vector<16xi32>
        %shift_left3A_1671 = arith.constant 16 : i32
        %shift_left3A_1672 = vector.broadcast %shift_left3A_1671 : i32 to vector<16xi32>
        %shift_left3A_1673 = arith.shli %get3A_1664, %shift_left3A_1672 : vector<16xi32>
        %max3A_1674 = arith.maxsi %max3A_1646, %shift_left3A_1673 : vector<16xi32>
        %bitcast3A_1675 = vector.bitcast %max3A_1670 : vector<16xi32> to vector<16xf32>
        %mul3A_1676 = arith.constant 2 : i32
        %mul3A_1677 = arith.muli %mul3A_1676, %scan3A_436 : i32
        %swap3A_1678 = arith.constant 0 : i32
        %swap3A_1679 = arith.constant 0 : i32
        %swap3A_1680 = tpu.memref_slice %arg7[%scan3A_318, %swap3A_1678, %swap3A_1679] : memref<3x24x128xf32, #tpu.memory_space<vmem>> -> memref<1x24x128xf32, #tpu.memory_space<vmem>>
        %swap3A_1681 = tpu.memref_squeeze %swap3A_1680 : memref<1x24x128xf32, #tpu.memory_space<vmem>> -> memref<24x128xf32, #tpu.memory_space<vmem>>
        %swap3A_1682 = arith.index_cast %mul3A_1677 : i32 to index
        %swap3A_1683 = arith.constant 48 : index
        %swap3A_1684 = tpu.vector_load %swap3A_1681[%swap3A_1682, %swap3A_1683] {strides = array<i32>} : memref<24x128xf32, #tpu.memory_space<vmem>>, vector<16xf32>,
        tpu.vector_store %swap3A_1681[%swap3A_1682, %swap3A_1683], %bitcast3A_1675 {strides = array<i32>} : memref<24x128xf32, #tpu.memory_space<vmem>>, vector<16xf32>,
        %bitcast3A_1685 = vector.bitcast %max3A_1674 : vector<16xi32> to vector<16xf32>
        %mul3A_1686 = arith.constant 2 : i32
        %mul3A_1687 = arith.muli %mul3A_1686, %scan3A_436 : i32
        %add3A_1688 = arith.constant 1 : i32
        %add3A_1689 = arith.addi %mul3A_1687, %add3A_1688 : i32
        %swap3A_1690 = arith.constant 0 : i32
        %swap3A_1691 = arith.constant 0 : i32
        %swap3A_1692 = tpu.memref_slice %arg7[%scan3A_318, %swap3A_1690, %swap3A_1691] : memref<3x24x128xf32, #tpu.memory_space<vmem>> -> memref<1x24x128xf32, #tpu.memory_space<vmem>>
        %swap3A_1693 = tpu.memref_squeeze %swap3A_1692 : memref<1x24x128xf32, #tpu.memory_space<vmem>> -> memref<24x128xf32, #tpu.memory_space<vmem>>
        %swap3A_1694 = arith.index_cast %add3A_1689 : i32 to index
        %swap3A_1695 = arith.constant 48 : index
        %swap3A_1696 = tpu.vector_load %swap3A_1693[%swap3A_1694, %swap3A_1695] {strides = array<i32>} : memref<24x128xf32, #tpu.memory_space<vmem>>, vector<16xf32>,
        tpu.vector_store %swap3A_1693[%swap3A_1694, %swap3A_1695], %bitcast3A_1685 {strides = array<i32>} : memref<24x128xf32, #tpu.memory_space<vmem>>, vector<16xf32>,
        %and3A_1697 = arith.constant -65536 : i32
        %and3A_1698 = vector.broadcast %and3A_1697 : i32 to vector<16xi32>
        %and3A_1699 = arith.andi %max3A_1665, %and3A_1698 : vector<16xi32>
        %bitcast3A_1700 = vector.bitcast %and3A_1699 : vector<16xi32> to vector<16xf32>
        %mul3A_1701 = arith.constant 2 : i32
        %mul3A_1702 = arith.muli %mul3A_1701, %scan3A_436 : i32
        %swap3A_1703 = arith.constant 0 : i32
        %swap3A_1704 = arith.constant 0 : i32
        %swap3A_1705 = tpu.memref_slice %arg7[%scan3A_318, %swap3A_1703, %swap3A_1704] : memref<3x24x128xf32, #tpu.memory_space<vmem>> -> memref<1x24x128xf32, #tpu.memory_space<vmem>>
        %swap3A_1706 = tpu.memref_squeeze %swap3A_1705 : memref<1x24x128xf32, #tpu.memory_space<vmem>> -> memref<24x128xf32, #tpu.memory_space<vmem>>
        %swap3A_1707 = arith.index_cast %mul3A_1702 : i32 to index
        %swap3A_1708 = arith.constant 112 : index
        %swap3A_1709 = tpu.vector_load %swap3A_1706[%swap3A_1707, %swap3A_1708] {strides = array<i32>} : memref<24x128xf32, #tpu.memory_space<vmem>>, vector<16xf32>,
        tpu.vector_store %swap3A_1706[%swap3A_1707, %swap3A_1708], %bitcast3A_1700 {strides = array<i32>} : memref<24x128xf32, #tpu.memory_space<vmem>>, vector<16xf32>,
        %and3A_1710 = arith.constant -65536 : i32
        %and3A_1711 = vector.broadcast %and3A_1710 : i32 to vector<16xi32>
        %and3A_1712 = arith.andi %max3A_1666, %and3A_1711 : vector<16xi32>
        %bitcast3A_1713 = vector.bitcast %and3A_1712 : vector<16xi32> to vector<16xf32>
        %mul3A_1714 = arith.constant 2 : i32
        %mul3A_1715 = arith.muli %mul3A_1714, %scan3A_436 : i32
        %add3A_1716 = arith.constant 1 : i32
        %add3A_1717 = arith.addi %mul3A_1715, %add3A_1716 : i32
        %swap3A_1718 = arith.constant 0 : i32
        %swap3A_1719 = arith.constant 0 : i32
        %swap3A_1720 = tpu.memref_slice %arg7[%scan3A_318, %swap3A_1718, %swap3A_1719] : memref<3x24x128xf32, #tpu.memory_space<vmem>> -> memref<1x24x128xf32, #tpu.memory_space<vmem>>
        %swap3A_1721 = tpu.memref_squeeze %swap3A_1720 : memref<1x24x128xf32, #tpu.memory_space<vmem>> -> memref<24x128xf32, #tpu.memory_space<vmem>>
        %swap3A_1722 = arith.index_cast %add3A_1717 : i32 to index
        %swap3A_1723 = arith.constant 112 : index
        %swap3A_1724 = tpu.vector_load %swap3A_1721[%swap3A_1722, %swap3A_1723] {strides = array<i32>} : memref<24x128xf32, #tpu.memory_space<vmem>>, vector<16xf32>,
        tpu.vector_store %swap3A_1721[%swap3A_1722, %swap3A_1723], %bitcast3A_1713 {strides = array<i32>} : memref<24x128xf32, #tpu.memory_space<vmem>>, vector<16xf32>,
      }
      %scan3A_323 = arith.constant 12 : i32
      %mul3A_324 = arith.constant 24 : i32
      %mul3A_325 = arith.muli %add3A_253, %mul3A_324 : i32
      %add3A_326 = arith.addi %mul3A_2, %mul3A_325 : i32
      %min3A_327 = arith.constant 49976 : i32
      %min3A_328 = arith.minsi %add3A_326, %min3A_327 : i32
      %multiple_of3A_329 = tpu.assume_multiple %min3A_328, 8 : i32
      %dma_start3A_330 = arith.constant 1 : i32
      %dma_start3A_331 = arith.constant 0 : i32
      %dma_start3A_332 = arith.constant 0 : i32
      %dma_start3A_333 = tpu.memref_slice %arg7[%dma_start3A_330, %dma_start3A_331, %dma_start3A_332] : memref<3x24x128xf32, #tpu.memory_space<vmem>> -> memref<1x24x128xf32, #tpu.memory_space<vmem>>
      %dma_start3A_334 = tpu.memref_squeeze %dma_start3A_333 : memref<1x24x128xf32, #tpu.memory_space<vmem>> -> memref<24x128xf32, #tpu.memory_space<vmem>>
      %dma_start3A_335 = arith.constant 0 : i32
      %dma_start3A_336 = tpu.memref_slice %arg4[%multiple_of3A_329, %dma_start3A_335] : memref<50000x128xf32, #tpu.memory_space<hbm>> -> memref<24x128xf32, #tpu.memory_space<hbm>>
      %dma_start3A_337 = arith.constant 0 : i32
      %dma_start3A_338 = tpu.memref_slice %arg4[%multiple_of3A_329, %dma_start3A_337] : memref<50000x128xf32, #tpu.memory_space<hbm>> -> memref<24x128xf32, #tpu.memory_space<hbm>>
      %dma_start3A_339 = arith.constant 0 : i32
      %dma_start3A_340 = arith.constant 0 : i32
      %dma_start3A_341 = tpu.memref_slice %arg7[%dma_start3A_330, %dma_start3A_339, %dma_start3A_340] : memref<3x24x128xf32, #tpu.memory_space<vmem>> -> memref<1x24x128xf32, #tpu.memory_space<vmem>>
      %dma_start3A_342 = tpu.memref_squeeze %dma_start3A_341 : memref<1x24x128xf32, #tpu.memory_space<vmem>> -> memref<24x128xf32, #tpu.memory_space<vmem>>
      tpu.enqueue_dma source(%dma_start3A_342 : memref<24x128xf32, #tpu.memory_space<vmem>>) target(%dma_start3A_338 : memref<24x128xf32, #tpu.memory_space<hbm>>) target_semaphore(%arg12 : memref<!tpu.dma_semaphore, #tpu.memory_space<semaphore_mem>>)
      %mul3A_343 = arith.constant 3 : i32
      %mul3A_344 = arith.muli %mul3A_343, %scan3A_160 : i32
      %add3A_345 = arith.constant 2 : i32
      %add3A_346 = arith.addi %mul3A_344, %add3A_345 : i32
      %add3A_347 = arith.constant 3 : i32
      %add3A_348 = arith.addi %add3A_346, %add3A_347 : i32
      %sub3A_349 = arith.constant 1 : i32
      %sub3A_350 = arith.subi %add3A_348, %sub3A_349 : i32
      %lt3A_351 = arith.constant 66 : i32
      %lt3A_352 = arith.cmpi slt, %sub3A_350, %lt3A_351 : i32
      %convert_element_type3A_353 = arith.extui %lt3A_352 : i1 to i32
      %cond3A_354 = arith.constant 0 : i32
      %cond3A_355 = arith.cmpi ne, %convert_element_type3A_353, %cond3A_354 : i32
      scf.if %cond3A_355 {
        %add3A_436 = arith.constant 3 : i32
        %add3A_437 = arith.addi %add3A_346, %add3A_436 : i32
        %sub3A_438 = arith.constant 1 : i32
        %sub3A_439 = arith.subi %add3A_437, %sub3A_438 : i32
        %mul3A_440 = arith.constant 24 : i32
        %mul3A_441 = arith.muli %sub3A_439, %mul3A_440 : i32
        %add3A_442 = arith.addi %mul3A_2, %mul3A_441 : i32
        %min3A_443 = arith.constant 49976 : i32
        %min3A_444 = arith.minsi %add3A_442, %min3A_443 : i32
        %multiple_of3A_445 = tpu.assume_multiple %min3A_444, 8 : i32
        %sub3A_446 = arith.subi %multiple_of3A_445, %min3A_3 : i32
        %mul3A_447 = arith.constant 10 : i32
        %mul3A_448 = arith.muli %sub3A_446, %mul3A_447 : i32
        %add3A_449 = arith.constant 0 : i32
        %add3A_450 = arith.addi %mul3A_448, %add3A_449 : i32
        %multiple_of3A_451 = tpu.assume_multiple %add3A_450, 8 : i32
        %dma_start3A_452 = arith.constant 1 : i32
        %dma_start3A_453 = arith.constant 0 : i32
        %dma_start3A_454 = arith.constant 0 : i32
        %dma_start3A_455 = tpu.memref_slice %arg6[%dma_start3A_452, %dma_start3A_453, %dma_start3A_454] : memref<3x240x64xi32, #tpu.memory_space<vmem>> -> memref<1x240x64xi32, #tpu.memory_space<vmem>>
        %dma_start3A_456 = tpu.memref_squeeze %dma_start3A_455 : memref<1x240x64xi32, #tpu.memory_space<vmem>> -> memref<240x64xi32, #tpu.memory_space<vmem>>
        %dma_start3A_457 = arith.constant 0 : i32
        %dma_start3A_458 = arith.constant 0 : i32
        %dma_start3A_459 = tpu.memref_slice %dma_start3A_456[%dma_start3A_457, %dma_start3A_458] : memref<240x64xi32, #tpu.memory_space<vmem>> -> memref<120x64xi32, #tpu.memory_space<vmem>>
        %dma_start3A_460 = tpu.memref_slice %arg5[%multiple_of3A_451] : memref<15840xi32, #tpu.memory_space<vmem>> -> memref<120xi32, #tpu.memory_space<vmem>>
        %dma_start3A_461 = arith.constant 0 : i32
        %dma_start3A_462 = arith.constant 0 : i32
        %dma_start3A_463 = tpu.memref_slice %arg2[%dma_start3A_461, %dma_start3A_462] : memref<50000x64xi32, #tpu.memory_space<hbm>> -> memref<50000x64xi32, #tpu.memory_space<hbm>>
        tpu.enqueue_indirect_dma source(%dma_start3A_463 : memref<50000x64xi32, #tpu.memory_space<hbm>>) target(%dma_start3A_459 : memref<120x64xi32, #tpu.memory_space<vmem>>) offsets(%dma_start3A_460 : memref<120xi32, #tpu.memory_space<vmem>>) semaphore(%arg9 : memref<!tpu.dma_semaphore, #tpu.memory_space<semaphore_mem>>)
        %mul3A_464 = arith.constant 24 : i32
        %mul3A_465 = arith.muli %sub3A_439, %mul3A_464 : i32
        %add3A_466 = arith.addi %mul3A_2, %mul3A_465 : i32
        %min3A_467 = arith.constant 49976 : i32
        %min3A_468 = arith.minsi %add3A_466, %min3A_467 : i32
        %multiple_of3A_469 = tpu.assume_multiple %min3A_468, 8 : i32
        %sub3A_470 = arith.subi %multiple_of3A_469, %min3A_3 : i32
        %mul3A_471 = arith.constant 10 : i32
        %mul3A_472 = arith.muli %sub3A_470, %mul3A_471 : i32
        %add3A_473 = arith.constant 120 : i32
        %add3A_474 = arith.addi %mul3A_472, %add3A_473 : i32
        %multiple_of3A_475 = tpu.assume_multiple %add3A_474, 8 : i32
        %dma_start3A_476 = arith.constant 1 : i32
        %dma_start3A_477 = arith.constant 0 : i32
        %dma_start3A_478 = arith.constant 0 : i32
        %dma_start3A_479 = tpu.memref_slice %arg6[%dma_start3A_476, %dma_start3A_477, %dma_start3A_478] : memref<3x240x64xi32, #tpu.memory_space<vmem>> -> memref<1x240x64xi32, #tpu.memory_space<vmem>>
        %dma_start3A_480 = tpu.memref_squeeze %dma_start3A_479 : memref<1x240x64xi32, #tpu.memory_space<vmem>> -> memref<240x64xi32, #tpu.memory_space<vmem>>
        %dma_start3A_481 = arith.constant 120 : i32
        %dma_start3A_482 = arith.constant 0 : i32
        %dma_start3A_483 = tpu.memref_slice %dma_start3A_480[%dma_start3A_481, %dma_start3A_482] : memref<240x64xi32, #tpu.memory_space<vmem>> -> memref<120x64xi32, #tpu.memory_space<vmem>>
        %dma_start3A_484 = tpu.memref_slice %arg5[%multiple_of3A_475] : memref<15840xi32, #tpu.memory_space<vmem>> -> memref<120xi32, #tpu.memory_space<vmem>>
        %dma_start3A_485 = arith.constant 0 : i32
        %dma_start3A_486 = arith.constant 0 : i32
        %dma_start3A_487 = tpu.memref_slice %arg2[%dma_start3A_485, %dma_start3A_486] : memref<50000x64xi32, #tpu.memory_space<hbm>> -> memref<50000x64xi32, #tpu.memory_space<hbm>>
        tpu.enqueue_indirect_dma source(%dma_start3A_487 : memref<50000x64xi32, #tpu.memory_space<hbm>>) target(%dma_start3A_483 : memref<120x64xi32, #tpu.memory_space<vmem>>) offsets(%dma_start3A_484 : memref<120xi32, #tpu.memory_space<vmem>>) semaphore(%arg9 : memref<!tpu.dma_semaphore, #tpu.memory_space<semaphore_mem>>)
      } else {
      }
      %mul3A_356 = arith.constant 24 : i32
      %mul3A_357 = arith.muli %add3A_346, %mul3A_356 : i32
      %add3A_358 = arith.addi %mul3A_2, %mul3A_357 : i32
      %min3A_359 = arith.constant 49976 : i32
      %min3A_360 = arith.minsi %add3A_358, %min3A_359 : i32
      %multiple_of3A_361 = tpu.assume_multiple %min3A_360, 8 : i32
      %sub3A_362 = arith.subi %multiple_of3A_361, %min3A_3 : i32
      %mul3A_363 = arith.constant 10 : i32
      %mul3A_364 = arith.muli %sub3A_362, %mul3A_363 : i32
      %add3A_365 = arith.constant 0 : i32
      %add3A_366 = arith.addi %mul3A_364, %add3A_365 : i32
      %multiple_of3A_367 = tpu.assume_multiple %add3A_366, 8 : i32
      %dma_wait3A_368 = arith.constant 2 : i32
      %dma_wait3A_369 = arith.constant 0 : i32
      %dma_wait3A_370 = arith.constant 0 : i32
      %dma_wait3A_371 = tpu.memref_slice %arg6[%dma_wait3A_368, %dma_wait3A_369, %dma_wait3A_370] : memref<3x240x64xi32, #tpu.memory_space<vmem>> -> memref<1x240x64xi32, #tpu.memory_space<vmem>>
      %dma_wait3A_372 = tpu.memref_squeeze %dma_wait3A_371 : memref<1x240x64xi32, #tpu.memory_space<vmem>> -> memref<240x64xi32, #tpu.memory_space<vmem>>
      %dma_wait3A_373 = arith.constant 0 : i32
      %dma_wait3A_374 = arith.constant 0 : i32
      %dma_wait3A_375 = tpu.memref_slice %dma_wait3A_372[%dma_wait3A_373, %dma_wait3A_374] : memref<240x64xi32, #tpu.memory_space<vmem>> -> memref<120x64xi32, #tpu.memory_space<vmem>>
      %dma_wait3A_376 = tpu.memref_slice %arg5[%multiple_of3A_367] : memref<15840xi32, #tpu.memory_space<vmem>> -> memref<120xi32, #tpu.memory_space<vmem>>
      %dma_wait3A_377 = arith.constant 0 : i32
      %dma_wait3A_378 = arith.constant 0 : i32
      %dma_wait3A_379 = tpu.memref_slice %arg2[%dma_wait3A_377, %dma_wait3A_378] : memref<50000x64xi32, #tpu.memory_space<hbm>> -> memref<50000x64xi32, #tpu.memory_space<hbm>>
      tpu.wait_indirect_dma semaphore(%arg10 : memref<!tpu.dma_semaphore, #tpu.memory_space<semaphore_mem>>) src(%dma_wait3A_379 : memref<50000x64xi32, #tpu.memory_space<hbm>>) dst(%dma_wait3A_375 : memref<120x64xi32, #tpu.memory_space<vmem>>)
      %mul3A_380 = arith.constant 24 : i32
      %mul3A_381 = arith.muli %add3A_346, %mul3A_380 : i32
      %add3A_382 = arith.addi %mul3A_2, %mul3A_381 : i32
      %min3A_383 = arith.constant 49976 : i32
      %min3A_384 = arith.minsi %add3A_382, %min3A_383 : i32
      %multiple_of3A_385 = tpu.assume_multiple %min3A_384, 8 : i32
      %sub3A_386 = arith.subi %multiple_of3A_385, %min3A_3 : i32
      %mul3A_387 = arith.constant 10 : i32
      %mul3A_388 = arith.muli %sub3A_386, %mul3A_387 : i32
      %add3A_389 = arith.constant 120 : i32
      %add3A_390 = arith.addi %mul3A_388, %add3A_389 : i32
      %multiple_of3A_391 = tpu.assume_multiple %add3A_390, 8 : i32
      %dma_wait3A_392 = arith.constant 2 : i32
      %dma_wait3A_393 = arith.constant 0 : i32
      %dma_wait3A_394 = arith.constant 0 : i32
      %dma_wait3A_395 = tpu.memref_slice %arg6[%dma_wait3A_392, %dma_wait3A_393, %dma_wait3A_394] : memref<3x240x64xi32, #tpu.memory_space<vmem>> -> memref<1x240x64xi32, #tpu.memory_space<vmem>>
      %dma_wait3A_396 = tpu.memref_squeeze %dma_wait3A_395 : memref<1x240x64xi32, #tpu.memory_space<vmem>> -> memref<240x64xi32, #tpu.memory_space<vmem>>
      %dma_wait3A_397 = arith.constant 120 : i32
      %dma_wait3A_398 = arith.constant 0 : i32
      %dma_wait3A_399 = tpu.memref_slice %dma_wait3A_396[%dma_wait3A_397, %dma_wait3A_398] : memref<240x64xi32, #tpu.memory_space<vmem>> -> memref<120x64xi32, #tpu.memory_space<vmem>>
      %dma_wait3A_400 = tpu.memref_slice %arg5[%multiple_of3A_391] : memref<15840xi32, #tpu.memory_space<vmem>> -> memref<120xi32, #tpu.memory_space<vmem>>
      %dma_wait3A_401 = arith.constant 0 : i32
      %dma_wait3A_402 = arith.constant 0 : i32
      %dma_wait3A_403 = tpu.memref_slice %arg2[%dma_wait3A_401, %dma_wait3A_402] : memref<50000x64xi32, #tpu.memory_space<hbm>> -> memref<50000x64xi32, #tpu.memory_space<hbm>>
      tpu.wait_indirect_dma semaphore(%arg10 : memref<!tpu.dma_semaphore, #tpu.memory_space<semaphore_mem>>) src(%dma_wait3A_403 : memref<50000x64xi32, #tpu.memory_space<hbm>>) dst(%dma_wait3A_399 : memref<120x64xi32, #tpu.memory_space<vmem>>)
      %ge3A_404 = arith.constant 3 : i32
      %ge3A_405 = arith.cmpi sge, %add3A_346, %ge3A_404 : i32
      %convert_element_type3A_406 = arith.extui %ge3A_405 : i1 to i32
      %cond3A_407 = arith.constant 0 : i32
      %cond3A_408 = arith.cmpi ne, %convert_element_type3A_406, %cond3A_407 : i32
      scf.if %cond3A_408 {
        %sub3A_436 = arith.constant 3 : i32
        %sub3A_437 = arith.subi %add3A_346, %sub3A_436 : i32
        %mul3A_438 = arith.constant 24 : i32
        %mul3A_439 = arith.muli %sub3A_437, %mul3A_438 : i32
        %add3A_440 = arith.addi %mul3A_2, %mul3A_439 : i32
        %min3A_441 = arith.constant 49976 : i32
        %min3A_442 = arith.minsi %add3A_440, %min3A_441 : i32
        %multiple_of3A_443 = tpu.assume_multiple %min3A_442, 8 : i32
        %dma_wait3A_444 = arith.constant 2 : i32
        %dma_wait3A_445 = arith.constant 0 : i32
        %dma_wait3A_446 = arith.constant 0 : i32
        %dma_wait3A_447 = tpu.memref_slice %arg7[%dma_wait3A_444, %dma_wait3A_445, %dma_wait3A_446] : memref<3x24x128xf32, #tpu.memory_space<vmem>> -> memref<1x24x128xf32, #tpu.memory_space<vmem>>
        %dma_wait3A_448 = tpu.memref_squeeze %dma_wait3A_447 : memref<1x24x128xf32, #tpu.memory_space<vmem>> -> memref<24x128xf32, #tpu.memory_space<vmem>>
        %dma_wait3A_449 = arith.constant 0 : i32
        %dma_wait3A_450 = tpu.memref_slice %arg4[%multiple_of3A_443, %dma_wait3A_449] : memref<50000x128xf32, #tpu.memory_space<hbm>> -> memref<24x128xf32, #tpu.memory_space<hbm>>
        %dma_wait3A_451 = arith.constant 0 : i32
        %dma_wait3A_452 = tpu.memref_slice %arg4[%multiple_of3A_443, %dma_wait3A_451] : memref<50000x128xf32, #tpu.memory_space<hbm>> -> memref<24x128xf32, #tpu.memory_space<hbm>>
        %dma_wait3A_453 = arith.constant 0 : i32
        %dma_wait3A_454 = arith.constant 0 : i32
        %dma_wait3A_455 = tpu.memref_slice %arg7[%dma_wait3A_444, %dma_wait3A_453, %dma_wait3A_454] : memref<3x24x128xf32, #tpu.memory_space<vmem>> -> memref<1x24x128xf32, #tpu.memory_space<vmem>>
        %dma_wait3A_456 = tpu.memref_squeeze %dma_wait3A_455 : memref<1x24x128xf32, #tpu.memory_space<vmem>> -> memref<24x128xf32, #tpu.memory_space<vmem>>
        tpu.wait_dma2 semaphore(%arg13 : memref<!tpu.dma_semaphore, #tpu.memory_space<semaphore_mem>>) src(%dma_wait3A_456 : memref<24x128xf32, #tpu.memory_space<vmem>>) dst(%dma_wait3A_452 : memref<24x128xf32, #tpu.memory_space<hbm>>)
      } else {
      }
      %scan3A_409 = arith.constant 0 : i32
      %scan3A_410 = arith.constant 2 : i32
      %scan3A_411 = arith.constant 2 : i32
      %scan3A_412 = arith.constant 0 : i32
      %scan3A_413 = arith.constant 12 : i32
      %scan3A_414 = arith.addi %scan3A_412, %scan3A_413 : i32
      %scan3A_415 = arith.constant 1 : i32
      scf.for %scan3A_436 = %scan3A_412 to %scan3A_414 step %scan3A_415  : i32 {
        %mul3A_437 = arith.constant 2 : i32
        %mul3A_438 = arith.muli %scan3A_436, %mul3A_437 : i32
        %mul3A_439 = arith.constant 10 : i32
        %mul3A_440 = arith.muli %mul3A_438, %mul3A_439 : i32
        %add3A_441 = arith.constant 10 : i32
        %add3A_442 = arith.addi %mul3A_440, %add3A_441 : i32
        %get3A = arith.constant 0 : i32
        %get3A_443 = arith.constant 0 : i32
        %get3A_444 = tpu.memref_slice %arg6[%scan3A_410, %get3A, %get3A_443] : memref<3x240x64xi32, #tpu.memory_space<vmem>> -> memref<1x240x64xi32, #tpu.memory_space<vmem>>
        %get3A_445 = tpu.memref_squeeze %get3A_444 : memref<1x240x64xi32, #tpu.memory_space<vmem>> -> memref<240x64xi32, #tpu.memory_space<vmem>>
        %get3A_446 = arith.index_cast %mul3A_440 : i32 to index
        %get3A_447 = arith.constant 0 : index
        %get3A_448 = tpu.vector_load %get3A_445[%get3A_446, %get3A_447] {strides = array<i32>} : memref<240x64xi32, #tpu.memory_space<vmem>>, vector<16xi32>,
        %get3A_449 = arith.constant 0 : i32
        %get3A_450 = arith.constant 0 : i32
        %get3A_451 = tpu.memref_slice %arg6[%scan3A_410, %get3A_449, %get3A_450] : memref<3x240x64xi32, #tpu.memory_space<vmem>> -> memref<1x240x64xi32, #tpu.memory_space<vmem>>
        %get3A_452 = tpu.memref_squeeze %get3A_451 : memref<1x240x64xi32, #tpu.memory_space<vmem>> -> memref<240x64xi32, #tpu.memory_space<vmem>>
        %get3A_453 = arith.index_cast %add3A_442 : i32 to index
        %get3A_454 = arith.constant 0 : index
        %get3A_455 = tpu.vector_load %get3A_452[%get3A_453, %get3A_454] {strides = array<i32>} : memref<240x64xi32, #tpu.memory_space<vmem>>, vector<16xi32>,
        %shift_left3A = arith.constant 16 : i32
        %shift_left3A_456 = vector.broadcast %shift_left3A : i32 to vector<16xi32>
        %shift_left3A_457 = arith.shli %get3A_448, %shift_left3A_456 : vector<16xi32>
        %shift_left3A_458 = arith.constant 16 : i32
        %shift_left3A_459 = vector.broadcast %shift_left3A_458 : i32 to vector<16xi32>
        %shift_left3A_460 = arith.shli %get3A_455, %shift_left3A_459 : vector<16xi32>
        %add3A_461 = arith.constant 1 : i32
        %add3A_462 = arith.addi %mul3A_440, %add3A_461 : i32
        %get3A_463 = arith.constant 0 : i32
        %get3A_464 = arith.constant 0 : i32
        %get3A_465 = tpu.memref_slice %arg6[%scan3A_410, %get3A_463, %get3A_464] : memref<3x240x64xi32, #tpu.memory_space<vmem>> -> memref<1x240x64xi32, #tpu.memory_space<vmem>>
        %get3A_466 = tpu.memref_squeeze %get3A_465 : memref<1x240x64xi32, #tpu.memory_space<vmem>> -> memref<240x64xi32, #tpu.memory_space<vmem>>
        %get3A_467 = arith.index_cast %add3A_462 : i32 to index
        %get3A_468 = arith.constant 0 : index
        %get3A_469 = tpu.vector_load %get3A_466[%get3A_467, %get3A_468] {strides = array<i32>} : memref<240x64xi32, #tpu.memory_space<vmem>>, vector<16xi32>,
        %add3A_470 = arith.constant 1 : i32
        %add3A_471 = arith.addi %add3A_442, %add3A_470 : i32
        %get3A_472 = arith.constant 0 : i32
        %get3A_473 = arith.constant 0 : i32
        %get3A_474 = tpu.memref_slice %arg6[%scan3A_410, %get3A_472, %get3A_473] : memref<3x240x64xi32, #tpu.memory_space<vmem>> -> memref<1x240x64xi32, #tpu.memory_space<vmem>>
        %get3A_475 = tpu.memref_squeeze %get3A_474 : memref<1x240x64xi32, #tpu.memory_space<vmem>> -> memref<240x64xi32, #tpu.memory_space<vmem>>
        %get3A_476 = arith.index_cast %add3A_471 : i32 to index
        %get3A_477 = arith.constant 0 : index
        %get3A_478 = tpu.vector_load %get3A_475[%get3A_476, %get3A_477] {strides = array<i32>} : memref<240x64xi32, #tpu.memory_space<vmem>>, vector<16xi32>,
        %max3A = arith.maxsi %get3A_448, %get3A_469 : vector<16xi32>
        %max3A_479 = arith.maxsi %get3A_455, %get3A_478 : vector<16xi32>
        %shift_left3A_480 = arith.constant 16 : i32
        %shift_left3A_481 = vector.broadcast %shift_left3A_480 : i32 to vector<16xi32>
        %shift_left3A_482 = arith.shli %get3A_469, %shift_left3A_481 : vector<16xi32>
        %max3A_483 = arith.maxsi %shift_left3A_457, %shift_left3A_482 : vector<16xi32>
        %shift_left3A_484 = arith.constant 16 : i32
        %shift_left3A_485 = vector.broadcast %shift_left3A_484 : i32 to vector<16xi32>
        %shift_left3A_486 = arith.shli %get3A_478, %shift_left3A_485 : vector<16xi32>
        %max3A_487 = arith.maxsi %shift_left3A_460, %shift_left3A_486 : vector<16xi32>
        %add3A_488 = arith.constant 2 : i32
        %add3A_489 = arith.addi %mul3A_440, %add3A_488 : i32
        %get3A_490 = arith.constant 0 : i32
        %get3A_491 = arith.constant 0 : i32
        %get3A_492 = tpu.memref_slice %arg6[%scan3A_410, %get3A_490, %get3A_491] : memref<3x240x64xi32, #tpu.memory_space<vmem>> -> memref<1x240x64xi32, #tpu.memory_space<vmem>>
        %get3A_493 = tpu.memref_squeeze %get3A_492 : memref<1x240x64xi32, #tpu.memory_space<vmem>> -> memref<240x64xi32, #tpu.memory_space<vmem>>
        %get3A_494 = arith.index_cast %add3A_489 : i32 to index
        %get3A_495 = arith.constant 0 : index
        %get3A_496 = tpu.vector_load %get3A_493[%get3A_494, %get3A_495] {strides = array<i32>} : memref<240x64xi32, #tpu.memory_space<vmem>>, vector<16xi32>,
        %add3A_497 = arith.constant 2 : i32
        %add3A_498 = arith.addi %add3A_442, %add3A_497 : i32
        %get3A_499 = arith.constant 0 : i32
        %get3A_500 = arith.constant 0 : i32
        %get3A_501 = tpu.memref_slice %arg6[%scan3A_410, %get3A_499, %get3A_500] : memref<3x240x64xi32, #tpu.memory_space<vmem>> -> memref<1x240x64xi32, #tpu.memory_space<vmem>>
        %get3A_502 = tpu.memref_squeeze %get3A_501 : memref<1x240x64xi32, #tpu.memory_space<vmem>> -> memref<240x64xi32, #tpu.memory_space<vmem>>
        %get3A_503 = arith.index_cast %add3A_498 : i32 to index
        %get3A_504 = arith.constant 0 : index
        %get3A_505 = tpu.vector_load %get3A_502[%get3A_503, %get3A_504] {strides = array<i32>} : memref<240x64xi32, #tpu.memory_space<vmem>>, vector<16xi32>,
        %max3A_506 = arith.maxsi %max3A, %get3A_496 : vector<16xi32>
        %max3A_507 = arith.maxsi %max3A_479, %get3A_505 : vector<16xi32>
        %shift_left3A_508 = arith.constant 16 : i32
        %shift_left3A_509 = vector.broadcast %shift_left3A_508 : i32 to vector<16xi32>
        %shift_left3A_510 = arith.shli %get3A_496, %shift_left3A_509 : vector<16xi32>
        %max3A_511 = arith.maxsi %max3A_483, %shift_left3A_510 : vector<16xi32>
        %shift_left3A_512 = arith.constant 16 : i32
        %shift_left3A_513 = vector.broadcast %shift_left3A_512 : i32 to vector<16xi32>
        %shift_left3A_514 = arith.shli %get3A_505, %shift_left3A_513 : vector<16xi32>
        %max3A_515 = arith.maxsi %max3A_487, %shift_left3A_514 : vector<16xi32>
        %add3A_516 = arith.constant 3 : i32
        %add3A_517 = arith.addi %mul3A_440, %add3A_516 : i32
        %get3A_518 = arith.constant 0 : i32
        %get3A_519 = arith.constant 0 : i32
        %get3A_520 = tpu.memref_slice %arg6[%scan3A_410, %get3A_518, %get3A_519] : memref<3x240x64xi32, #tpu.memory_space<vmem>> -> memref<1x240x64xi32, #tpu.memory_space<vmem>>
        %get3A_521 = tpu.memref_squeeze %get3A_520 : memref<1x240x64xi32, #tpu.memory_space<vmem>> -> memref<240x64xi32, #tpu.memory_space<vmem>>
        %get3A_522 = arith.index_cast %add3A_517 : i32 to index
        %get3A_523 = arith.constant 0 : index
        %get3A_524 = tpu.vector_load %get3A_521[%get3A_522, %get3A_523] {strides = array<i32>} : memref<240x64xi32, #tpu.memory_space<vmem>>, vector<16xi32>,
        %add3A_525 = arith.constant 3 : i32
        %add3A_526 = arith.addi %add3A_442, %add3A_525 : i32
        %get3A_527 = arith.constant 0 : i32
        %get3A_528 = arith.constant 0 : i32
        %get3A_529 = tpu.memref_slice %arg6[%scan3A_410, %get3A_527, %get3A_528] : memref<3x240x64xi32, #tpu.memory_space<vmem>> -> memref<1x240x64xi32, #tpu.memory_space<vmem>>
        %get3A_530 = tpu.memref_squeeze %get3A_529 : memref<1x240x64xi32, #tpu.memory_space<vmem>> -> memref<240x64xi32, #tpu.memory_space<vmem>>
        %get3A_531 = arith.index_cast %add3A_526 : i32 to index
        %get3A_532 = arith.constant 0 : index
        %get3A_533 = tpu.vector_load %get3A_530[%get3A_531, %get3A_532] {strides = array<i32>} : memref<240x64xi32, #tpu.memory_space<vmem>>, vector<16xi32>,
        %max3A_534 = arith.maxsi %max3A_506, %get3A_524 : vector<16xi32>
        %max3A_535 = arith.maxsi %max3A_507, %get3A_533 : vector<16xi32>
        %shift_left3A_536 = arith.constant 16 : i32
        %shift_left3A_537 = vector.broadcast %shift_left3A_536 : i32 to vector<16xi32>
        %shift_left3A_538 = arith.shli %get3A_524, %shift_left3A_537 : vector<16xi32>
        %max3A_539 = arith.maxsi %max3A_511, %shift_left3A_538 : vector<16xi32>
        %shift_left3A_540 = arith.constant 16 : i32
        %shift_left3A_541 = vector.broadcast %shift_left3A_540 : i32 to vector<16xi32>
        %shift_left3A_542 = arith.shli %get3A_533, %shift_left3A_541 : vector<16xi32>
        %max3A_543 = arith.maxsi %max3A_515, %shift_left3A_542 : vector<16xi32>
        %add3A_544 = arith.constant 4 : i32
        %add3A_545 = arith.addi %mul3A_440, %add3A_544 : i32
        %get3A_546 = arith.constant 0 : i32
        %get3A_547 = arith.constant 0 : i32
        %get3A_548 = tpu.memref_slice %arg6[%scan3A_410, %get3A_546, %get3A_547] : memref<3x240x64xi32, #tpu.memory_space<vmem>> -> memref<1x240x64xi32, #tpu.memory_space<vmem>>
        %get3A_549 = tpu.memref_squeeze %get3A_548 : memref<1x240x64xi32, #tpu.memory_space<vmem>> -> memref<240x64xi32, #tpu.memory_space<vmem>>
        %get3A_550 = arith.index_cast %add3A_545 : i32 to index
        %get3A_551 = arith.constant 0 : index
        %get3A_552 = tpu.vector_load %get3A_549[%get3A_550, %get3A_551] {strides = array<i32>} : memref<240x64xi32, #tpu.memory_space<vmem>>, vector<16xi32>,
        %add3A_553 = arith.constant 4 : i32
        %add3A_554 = arith.addi %add3A_442, %add3A_553 : i32
        %get3A_555 = arith.constant 0 : i32
        %get3A_556 = arith.constant 0 : i32
        %get3A_557 = tpu.memref_slice %arg6[%scan3A_410, %get3A_555, %get3A_556] : memref<3x240x64xi32, #tpu.memory_space<vmem>> -> memref<1x240x64xi32, #tpu.memory_space<vmem>>
        %get3A_558 = tpu.memref_squeeze %get3A_557 : memref<1x240x64xi32, #tpu.memory_space<vmem>> -> memref<240x64xi32, #tpu.memory_space<vmem>>
        %get3A_559 = arith.index_cast %add3A_554 : i32 to index
        %get3A_560 = arith.constant 0 : index
        %get3A_561 = tpu.vector_load %get3A_558[%get3A_559, %get3A_560] {strides = array<i32>} : memref<240x64xi32, #tpu.memory_space<vmem>>, vector<16xi32>,
        %max3A_562 = arith.maxsi %max3A_534, %get3A_552 : vector<16xi32>
        %max3A_563 = arith.maxsi %max3A_535, %get3A_561 : vector<16xi32>
        %shift_left3A_564 = arith.constant 16 : i32
        %shift_left3A_565 = vector.broadcast %shift_left3A_564 : i32 to vector<16xi32>
        %shift_left3A_566 = arith.shli %get3A_552, %shift_left3A_565 : vector<16xi32>
        %max3A_567 = arith.maxsi %max3A_539, %shift_left3A_566 : vector<16xi32>
        %shift_left3A_568 = arith.constant 16 : i32
        %shift_left3A_569 = vector.broadcast %shift_left3A_568 : i32 to vector<16xi32>
        %shift_left3A_570 = arith.shli %get3A_561, %shift_left3A_569 : vector<16xi32>
        %max3A_571 = arith.maxsi %max3A_543, %shift_left3A_570 : vector<16xi32>
        %add3A_572 = arith.constant 5 : i32
        %add3A_573 = arith.addi %mul3A_440, %add3A_572 : i32
        %get3A_574 = arith.constant 0 : i32
        %get3A_575 = arith.constant 0 : i32
        %get3A_576 = tpu.memref_slice %arg6[%scan3A_410, %get3A_574, %get3A_575] : memref<3x240x64xi32, #tpu.memory_space<vmem>> -> memref<1x240x64xi32, #tpu.memory_space<vmem>>
        %get3A_577 = tpu.memref_squeeze %get3A_576 : memref<1x240x64xi32, #tpu.memory_space<vmem>> -> memref<240x64xi32, #tpu.memory_space<vmem>>
        %get3A_578 = arith.index_cast %add3A_573 : i32 to index
        %get3A_579 = arith.constant 0 : index
        %get3A_580 = tpu.vector_load %get3A_577[%get3A_578, %get3A_579] {strides = array<i32>} : memref<240x64xi32, #tpu.memory_space<vmem>>, vector<16xi32>,
        %add3A_581 = arith.constant 5 : i32
        %add3A_582 = arith.addi %add3A_442, %add3A_581 : i32
        %get3A_583 = arith.constant 0 : i32
        %get3A_584 = arith.constant 0 : i32
        %get3A_585 = tpu.memref_slice %arg6[%scan3A_410, %get3A_583, %get3A_584] : memref<3x240x64xi32, #tpu.memory_space<vmem>> -> memref<1x240x64xi32, #tpu.memory_space<vmem>>
        %get3A_586 = tpu.memref_squeeze %get3A_585 : memref<1x240x64xi32, #tpu.memory_space<vmem>> -> memref<240x64xi32, #tpu.memory_space<vmem>>
        %get3A_587 = arith.index_cast %add3A_582 : i32 to index
        %get3A_588 = arith.constant 0 : index
        %get3A_589 = tpu.vector_load %get3A_586[%get3A_587, %get3A_588] {strides = array<i32>} : memref<240x64xi32, #tpu.memory_space<vmem>>, vector<16xi32>,
        %max3A_590 = arith.maxsi %max3A_562, %get3A_580 : vector<16xi32>
        %max3A_591 = arith.maxsi %max3A_563, %get3A_589 : vector<16xi32>
        %shift_left3A_592 = arith.constant 16 : i32
        %shift_left3A_593 = vector.broadcast %shift_left3A_592 : i32 to vector<16xi32>
        %shift_left3A_594 = arith.shli %get3A_580, %shift_left3A_593 : vector<16xi32>
        %max3A_595 = arith.maxsi %max3A_567, %shift_left3A_594 : vector<16xi32>
        %shift_left3A_596 = arith.constant 16 : i32
        %shift_left3A_597 = vector.broadcast %shift_left3A_596 : i32 to vector<16xi32>
        %shift_left3A_598 = arith.shli %get3A_589, %shift_left3A_597 : vector<16xi32>
        %max3A_599 = arith.maxsi %max3A_571, %shift_left3A_598 : vector<16xi32>
        %add3A_600 = arith.constant 6 : i32
        %add3A_601 = arith.addi %mul3A_440, %add3A_600 : i32
        %get3A_602 = arith.constant 0 : i32
        %get3A_603 = arith.constant 0 : i32
        %get3A_604 = tpu.memref_slice %arg6[%scan3A_410, %get3A_602, %get3A_603] : memref<3x240x64xi32, #tpu.memory_space<vmem>> -> memref<1x240x64xi32, #tpu.memory_space<vmem>>
        %get3A_605 = tpu.memref_squeeze %get3A_604 : memref<1x240x64xi32, #tpu.memory_space<vmem>> -> memref<240x64xi32, #tpu.memory_space<vmem>>
        %get3A_606 = arith.index_cast %add3A_601 : i32 to index
        %get3A_607 = arith.constant 0 : index
        %get3A_608 = tpu.vector_load %get3A_605[%get3A_606, %get3A_607] {strides = array<i32>} : memref<240x64xi32, #tpu.memory_space<vmem>>, vector<16xi32>,
        %add3A_609 = arith.constant 6 : i32
        %add3A_610 = arith.addi %add3A_442, %add3A_609 : i32
        %get3A_611 = arith.constant 0 : i32
        %get3A_612 = arith.constant 0 : i32
        %get3A_613 = tpu.memref_slice %arg6[%scan3A_410, %get3A_611, %get3A_612] : memref<3x240x64xi32, #tpu.memory_space<vmem>> -> memref<1x240x64xi32, #tpu.memory_space<vmem>>
        %get3A_614 = tpu.memref_squeeze %get3A_613 : memref<1x240x64xi32, #tpu.memory_space<vmem>> -> memref<240x64xi32, #tpu.memory_space<vmem>>
        %get3A_615 = arith.index_cast %add3A_610 : i32 to index
        %get3A_616 = arith.constant 0 : index
        %get3A_617 = tpu.vector_load %get3A_614[%get3A_615, %get3A_616] {strides = array<i32>} : memref<240x64xi32, #tpu.memory_space<vmem>>, vector<16xi32>,
        %max3A_618 = arith.maxsi %max3A_590, %get3A_608 : vector<16xi32>
        %max3A_619 = arith.maxsi %max3A_591, %get3A_617 : vector<16xi32>
        %shift_left3A_620 = arith.constant 16 : i32
        %shift_left3A_621 = vector.broadcast %shift_left3A_620 : i32 to vector<16xi32>
        %shift_left3A_622 = arith.shli %get3A_608, %shift_left3A_621 : vector<16xi32>
        %max3A_623 = arith.maxsi %max3A_595, %shift_left3A_622 : vector<16xi32>
        %shift_left3A_624 = arith.constant 16 : i32
        %shift_left3A_625 = vector.broadcast %shift_left3A_624 : i32 to vector<16xi32>
        %shift_left3A_626 = arith.shli %get3A_617, %shift_left3A_625 : vector<16xi32>
        %max3A_627 = arith.maxsi %max3A_599, %shift_left3A_626 : vector<16xi32>
        %add3A_628 = arith.constant 7 : i32
        %add3A_629 = arith.addi %mul3A_440, %add3A_628 : i32
        %get3A_630 = arith.constant 0 : i32
        %get3A_631 = arith.constant 0 : i32
        %get3A_632 = tpu.memref_slice %arg6[%scan3A_410, %get3A_630, %get3A_631] : memref<3x240x64xi32, #tpu.memory_space<vmem>> -> memref<1x240x64xi32, #tpu.memory_space<vmem>>
        %get3A_633 = tpu.memref_squeeze %get3A_632 : memref<1x240x64xi32, #tpu.memory_space<vmem>> -> memref<240x64xi32, #tpu.memory_space<vmem>>
        %get3A_634 = arith.index_cast %add3A_629 : i32 to index
        %get3A_635 = arith.constant 0 : index
        %get3A_636 = tpu.vector_load %get3A_633[%get3A_634, %get3A_635] {strides = array<i32>} : memref<240x64xi32, #tpu.memory_space<vmem>>, vector<16xi32>,
        %add3A_637 = arith.constant 7 : i32
        %add3A_638 = arith.addi %add3A_442, %add3A_637 : i32
        %get3A_639 = arith.constant 0 : i32
        %get3A_640 = arith.constant 0 : i32
        %get3A_641 = tpu.memref_slice %arg6[%scan3A_410, %get3A_639, %get3A_640] : memref<3x240x64xi32, #tpu.memory_space<vmem>> -> memref<1x240x64xi32, #tpu.memory_space<vmem>>
        %get3A_642 = tpu.memref_squeeze %get3A_641 : memref<1x240x64xi32, #tpu.memory_space<vmem>> -> memref<240x64xi32, #tpu.memory_space<vmem>>
        %get3A_643 = arith.index_cast %add3A_638 : i32 to index
        %get3A_644 = arith.constant 0 : index
        %get3A_645 = tpu.vector_load %get3A_642[%get3A_643, %get3A_644] {strides = array<i32>} : memref<240x64xi32, #tpu.memory_space<vmem>>, vector<16xi32>,
        %max3A_646 = arith.maxsi %max3A_618, %get3A_636 : vector<16xi32>
        %max3A_647 = arith.maxsi %max3A_619, %get3A_645 : vector<16xi32>
        %shift_left3A_648 = arith.constant 16 : i32
        %shift_left3A_649 = vector.broadcast %shift_left3A_648 : i32 to vector<16xi32>
        %shift_left3A_650 = arith.shli %get3A_636, %shift_left3A_649 : vector<16xi32>
        %max3A_651 = arith.maxsi %max3A_623, %shift_left3A_650 : vector<16xi32>
        %shift_left3A_652 = arith.constant 16 : i32
        %shift_left3A_653 = vector.broadcast %shift_left3A_652 : i32 to vector<16xi32>
        %shift_left3A_654 = arith.shli %get3A_645, %shift_left3A_653 : vector<16xi32>
        %max3A_655 = arith.maxsi %max3A_627, %shift_left3A_654 : vector<16xi32>
        %add3A_656 = arith.constant 8 : i32
        %add3A_657 = arith.addi %mul3A_440, %add3A_656 : i32
        %get3A_658 = arith.constant 0 : i32
        %get3A_659 = arith.constant 0 : i32
        %get3A_660 = tpu.memref_slice %arg6[%scan3A_410, %get3A_658, %get3A_659] : memref<3x240x64xi32, #tpu.memory_space<vmem>> -> memref<1x240x64xi32, #tpu.memory_space<vmem>>
        %get3A_661 = tpu.memref_squeeze %get3A_660 : memref<1x240x64xi32, #tpu.memory_space<vmem>> -> memref<240x64xi32, #tpu.memory_space<vmem>>
        %get3A_662 = arith.index_cast %add3A_657 : i32 to index
        %get3A_663 = arith.constant 0 : index
        %get3A_664 = tpu.vector_load %get3A_661[%get3A_662, %get3A_663] {strides = array<i32>} : memref<240x64xi32, #tpu.memory_space<vmem>>, vector<16xi32>,
        %add3A_665 = arith.constant 8 : i32
        %add3A_666 = arith.addi %add3A_442, %add3A_665 : i32
        %get3A_667 = arith.constant 0 : i32
        %get3A_668 = arith.constant 0 : i32
        %get3A_669 = tpu.memref_slice %arg6[%scan3A_410, %get3A_667, %get3A_668] : memref<3x240x64xi32, #tpu.memory_space<vmem>> -> memref<1x240x64xi32, #tpu.memory_space<vmem>>
        %get3A_670 = tpu.memref_squeeze %get3A_669 : memref<1x240x64xi32, #tpu.memory_space<vmem>> -> memref<240x64xi32, #tpu.memory_space<vmem>>
        %get3A_671 = arith.index_cast %add3A_666 : i32 to index
        %get3A_672 = arith.constant 0 : index
        %get3A_673 = tpu.vector_load %get3A_670[%get3A_671, %get3A_672] {strides = array<i32>} : memref<240x64xi32, #tpu.memory_space<vmem>>, vector<16xi32>,
        %max3A_674 = arith.maxsi %max3A_646, %get3A_664 : vector<16xi32>
        %max3A_675 = arith.maxsi %max3A_647, %get3A_673 : vector<16xi32>
        %shift_left3A_676 = arith.constant 16 : i32
        %shift_left3A_677 = vector.broadcast %shift_left3A_676 : i32 to vector<16xi32>
        %shift_left3A_678 = arith.shli %get3A_664, %shift_left3A_677 : vector<16xi32>
        %max3A_679 = arith.maxsi %max3A_651, %shift_left3A_678 : vector<16xi32>
        %shift_left3A_680 = arith.constant 16 : i32
        %shift_left3A_681 = vector.broadcast %shift_left3A_680 : i32 to vector<16xi32>
        %shift_left3A_682 = arith.shli %get3A_673, %shift_left3A_681 : vector<16xi32>
        %max3A_683 = arith.maxsi %max3A_655, %shift_left3A_682 : vector<16xi32>
        %add3A_684 = arith.constant 9 : i32
        %add3A_685 = arith.addi %mul3A_440, %add3A_684 : i32
        %get3A_686 = arith.constant 0 : i32
        %get3A_687 = arith.constant 0 : i32
        %get3A_688 = tpu.memref_slice %arg6[%scan3A_410, %get3A_686, %get3A_687] : memref<3x240x64xi32, #tpu.memory_space<vmem>> -> memref<1x240x64xi32, #tpu.memory_space<vmem>>
        %get3A_689 = tpu.memref_squeeze %get3A_688 : memref<1x240x64xi32, #tpu.memory_space<vmem>> -> memref<240x64xi32, #tpu.memory_space<vmem>>
        %get3A_690 = arith.index_cast %add3A_685 : i32 to index
        %get3A_691 = arith.constant 0 : index
        %get3A_692 = tpu.vector_load %get3A_689[%get3A_690, %get3A_691] {strides = array<i32>} : memref<240x64xi32, #tpu.memory_space<vmem>>, vector<16xi32>,
        %add3A_693 = arith.constant 9 : i32
        %add3A_694 = arith.addi %add3A_442, %add3A_693 : i32
        %get3A_695 = arith.constant 0 : i32
        %get3A_696 = arith.constant 0 : i32
        %get3A_697 = tpu.memref_slice %arg6[%scan3A_410, %get3A_695, %get3A_696] : memref<3x240x64xi32, #tpu.memory_space<vmem>> -> memref<1x240x64xi32, #tpu.memory_space<vmem>>
        %get3A_698 = tpu.memref_squeeze %get3A_697 : memref<1x240x64xi32, #tpu.memory_space<vmem>> -> memref<240x64xi32, #tpu.memory_space<vmem>>
        %get3A_699 = arith.index_cast %add3A_694 : i32 to index
        %get3A_700 = arith.constant 0 : index
        %get3A_701 = tpu.vector_load %get3A_698[%get3A_699, %get3A_700] {strides = array<i32>} : memref<240x64xi32, #tpu.memory_space<vmem>>, vector<16xi32>,
        %max3A_702 = arith.maxsi %max3A_674, %get3A_692 : vector<16xi32>
        %max3A_703 = arith.maxsi %max3A_675, %get3A_701 : vector<16xi32>
        %shift_left3A_704 = arith.constant 16 : i32
        %shift_left3A_705 = vector.broadcast %shift_left3A_704 : i32 to vector<16xi32>
        %shift_left3A_706 = arith.shli %get3A_692, %shift_left3A_705 : vector<16xi32>
        %max3A_707 = arith.maxsi %max3A_679, %shift_left3A_706 : vector<16xi32>
        %shift_left3A_708 = arith.constant 16 : i32
        %shift_left3A_709 = vector.broadcast %shift_left3A_708 : i32 to vector<16xi32>
        %shift_left3A_710 = arith.shli %get3A_701, %shift_left3A_709 : vector<16xi32>
        %max3A_711 = arith.maxsi %max3A_683, %shift_left3A_710 : vector<16xi32>
        %bitcast3A = vector.bitcast %max3A_707 : vector<16xi32> to vector<16xf32>
        %mul3A_712 = arith.constant 2 : i32
        %mul3A_713 = arith.muli %mul3A_712, %scan3A_436 : i32
        %swap3A = arith.constant 0 : i32
        %swap3A_714 = arith.constant 0 : i32
        %swap3A_715 = tpu.memref_slice %arg7[%scan3A_411, %swap3A, %swap3A_714] : memref<3x24x128xf32, #tpu.memory_space<vmem>> -> memref<1x24x128xf32, #tpu.memory_space<vmem>>
        %swap3A_716 = tpu.memref_squeeze %swap3A_715 : memref<1x24x128xf32, #tpu.memory_space<vmem>> -> memref<24x128xf32, #tpu.memory_space<vmem>>
        %swap3A_717 = arith.index_cast %mul3A_713 : i32 to index
        %swap3A_718 = arith.constant 0 : index
        %swap3A_719 = tpu.vector_load %swap3A_716[%swap3A_717, %swap3A_718] {strides = array<i32>} : memref<24x128xf32, #tpu.memory_space<vmem>>, vector<16xf32>,
        tpu.vector_store %swap3A_716[%swap3A_717, %swap3A_718], %bitcast3A {strides = array<i32>} : memref<24x128xf32, #tpu.memory_space<vmem>>, vector<16xf32>,
        %bitcast3A_720 = vector.bitcast %max3A_711 : vector<16xi32> to vector<16xf32>
        %mul3A_721 = arith.constant 2 : i32
        %mul3A_722 = arith.muli %mul3A_721, %scan3A_436 : i32
        %add3A_723 = arith.constant 1 : i32
        %add3A_724 = arith.addi %mul3A_722, %add3A_723 : i32
        %swap3A_725 = arith.constant 0 : i32
        %swap3A_726 = arith.constant 0 : i32
        %swap3A_727 = tpu.memref_slice %arg7[%scan3A_411, %swap3A_725, %swap3A_726] : memref<3x24x128xf32, #tpu.memory_space<vmem>> -> memref<1x24x128xf32, #tpu.memory_space<vmem>>
        %swap3A_728 = tpu.memref_squeeze %swap3A_727 : memref<1x24x128xf32, #tpu.memory_space<vmem>> -> memref<24x128xf32, #tpu.memory_space<vmem>>
        %swap3A_729 = arith.index_cast %add3A_724 : i32 to index
        %swap3A_730 = arith.constant 0 : index
        %swap3A_731 = tpu.vector_load %swap3A_728[%swap3A_729, %swap3A_730] {strides = array<i32>} : memref<24x128xf32, #tpu.memory_space<vmem>>, vector<16xf32>,
        tpu.vector_store %swap3A_728[%swap3A_729, %swap3A_730], %bitcast3A_720 {strides = array<i32>} : memref<24x128xf32, #tpu.memory_space<vmem>>, vector<16xf32>,
        %and3A = arith.constant -65536 : i32
        %and3A_732 = vector.broadcast %and3A : i32 to vector<16xi32>
        %and3A_733 = arith.andi %max3A_702, %and3A_732 : vector<16xi32>
        %bitcast3A_734 = vector.bitcast %and3A_733 : vector<16xi32> to vector<16xf32>
        %mul3A_735 = arith.constant 2 : i32
        %mul3A_736 = arith.muli %mul3A_735, %scan3A_436 : i32
        %swap3A_737 = arith.constant 0 : i32
        %swap3A_738 = arith.constant 0 : i32
        %swap3A_739 = tpu.memref_slice %arg7[%scan3A_411, %swap3A_737, %swap3A_738] : memref<3x24x128xf32, #tpu.memory_space<vmem>> -> memref<1x24x128xf32, #tpu.memory_space<vmem>>
        %swap3A_740 = tpu.memref_squeeze %swap3A_739 : memref<1x24x128xf32, #tpu.memory_space<vmem>> -> memref<24x128xf32, #tpu.memory_space<vmem>>
        %swap3A_741 = arith.index_cast %mul3A_736 : i32 to index
        %swap3A_742 = arith.constant 64 : index
        %swap3A_743 = tpu.vector_load %swap3A_740[%swap3A_741, %swap3A_742] {strides = array<i32>} : memref<24x128xf32, #tpu.memory_space<vmem>>, vector<16xf32>,
        tpu.vector_store %swap3A_740[%swap3A_741, %swap3A_742], %bitcast3A_734 {strides = array<i32>} : memref<24x128xf32, #tpu.memory_space<vmem>>, vector<16xf32>,
        %and3A_744 = arith.constant -65536 : i32
        %and3A_745 = vector.broadcast %and3A_744 : i32 to vector<16xi32>
        %and3A_746 = arith.andi %max3A_703, %and3A_745 : vector<16xi32>
        %bitcast3A_747 = vector.bitcast %and3A_746 : vector<16xi32> to vector<16xf32>
        %mul3A_748 = arith.constant 2 : i32
        %mul3A_749 = arith.muli %mul3A_748, %scan3A_436 : i32
        %add3A_750 = arith.constant 1 : i32
        %add3A_751 = arith.addi %mul3A_749, %add3A_750 : i32
        %swap3A_752 = arith.constant 0 : i32
        %swap3A_753 = arith.constant 0 : i32
        %swap3A_754 = tpu.memref_slice %arg7[%scan3A_411, %swap3A_752, %swap3A_753] : memref<3x24x128xf32, #tpu.memory_space<vmem>> -> memref<1x24x128xf32, #tpu.memory_space<vmem>>
        %swap3A_755 = tpu.memref_squeeze %swap3A_754 : memref<1x24x128xf32, #tpu.memory_space<vmem>> -> memref<24x128xf32, #tpu.memory_space<vmem>>
        %swap3A_756 = arith.index_cast %add3A_751 : i32 to index
        %swap3A_757 = arith.constant 64 : index
        %swap3A_758 = tpu.vector_load %swap3A_755[%swap3A_756, %swap3A_757] {strides = array<i32>} : memref<24x128xf32, #tpu.memory_space<vmem>>, vector<16xf32>,
        tpu.vector_store %swap3A_755[%swap3A_756, %swap3A_757], %bitcast3A_747 {strides = array<i32>} : memref<24x128xf32, #tpu.memory_space<vmem>>, vector<16xf32>,
        %get3A_759 = arith.constant 0 : i32
        %get3A_760 = arith.constant 0 : i32
        %get3A_761 = tpu.memref_slice %arg6[%scan3A_410, %get3A_759, %get3A_760] : memref<3x240x64xi32, #tpu.memory_space<vmem>> -> memref<1x240x64xi32, #tpu.memory_space<vmem>>
        %get3A_762 = tpu.memref_squeeze %get3A_761 : memref<1x240x64xi32, #tpu.memory_space<vmem>> -> memref<240x64xi32, #tpu.memory_space<vmem>>
        %get3A_763 = arith.index_cast %mul3A_440 : i32 to index
        %get3A_764 = arith.constant 16 : index
        %get3A_765 = tpu.vector_load %get3A_762[%get3A_763, %get3A_764] {strides = array<i32>} : memref<240x64xi32, #tpu.memory_space<vmem>>, vector<16xi32>,
        %get3A_766 = arith.constant 0 : i32
        %get3A_767 = arith.constant 0 : i32
        %get3A_768 = tpu.memref_slice %arg6[%scan3A_410, %get3A_766, %get3A_767] : memref<3x240x64xi32, #tpu.memory_space<vmem>> -> memref<1x240x64xi32, #tpu.memory_space<vmem>>
        %get3A_769 = tpu.memref_squeeze %get3A_768 : memref<1x240x64xi32, #tpu.memory_space<vmem>> -> memref<240x64xi32, #tpu.memory_space<vmem>>
        %get3A_770 = arith.index_cast %add3A_442 : i32 to index
        %get3A_771 = arith.constant 16 : index
        %get3A_772 = tpu.vector_load %get3A_769[%get3A_770, %get3A_771] {strides = array<i32>} : memref<240x64xi32, #tpu.memory_space<vmem>>, vector<16xi32>,
        %shift_left3A_773 = arith.constant 16 : i32
        %shift_left3A_774 = vector.broadcast %shift_left3A_773 : i32 to vector<16xi32>
        %shift_left3A_775 = arith.shli %get3A_765, %shift_left3A_774 : vector<16xi32>
        %shift_left3A_776 = arith.constant 16 : i32
        %shift_left3A_777 = vector.broadcast %shift_left3A_776 : i32 to vector<16xi32>
        %shift_left3A_778 = arith.shli %get3A_772, %shift_left3A_777 : vector<16xi32>
        %add3A_779 = arith.constant 1 : i32
        %add3A_780 = arith.addi %mul3A_440, %add3A_779 : i32
        %get3A_781 = arith.constant 0 : i32
        %get3A_782 = arith.constant 0 : i32
        %get3A_783 = tpu.memref_slice %arg6[%scan3A_410, %get3A_781, %get3A_782] : memref<3x240x64xi32, #tpu.memory_space<vmem>> -> memref<1x240x64xi32, #tpu.memory_space<vmem>>
        %get3A_784 = tpu.memref_squeeze %get3A_783 : memref<1x240x64xi32, #tpu.memory_space<vmem>> -> memref<240x64xi32, #tpu.memory_space<vmem>>
        %get3A_785 = arith.index_cast %add3A_780 : i32 to index
        %get3A_786 = arith.constant 16 : index
        %get3A_787 = tpu.vector_load %get3A_784[%get3A_785, %get3A_786] {strides = array<i32>} : memref<240x64xi32, #tpu.memory_space<vmem>>, vector<16xi32>,
        %add3A_788 = arith.constant 1 : i32
        %add3A_789 = arith.addi %add3A_442, %add3A_788 : i32
        %get3A_790 = arith.constant 0 : i32
        %get3A_791 = arith.constant 0 : i32
        %get3A_792 = tpu.memref_slice %arg6[%scan3A_410, %get3A_790, %get3A_791] : memref<3x240x64xi32, #tpu.memory_space<vmem>> -> memref<1x240x64xi32, #tpu.memory_space<vmem>>
        %get3A_793 = tpu.memref_squeeze %get3A_792 : memref<1x240x64xi32, #tpu.memory_space<vmem>> -> memref<240x64xi32, #tpu.memory_space<vmem>>
        %get3A_794 = arith.index_cast %add3A_789 : i32 to index
        %get3A_795 = arith.constant 16 : index
        %get3A_796 = tpu.vector_load %get3A_793[%get3A_794, %get3A_795] {strides = array<i32>} : memref<240x64xi32, #tpu.memory_space<vmem>>, vector<16xi32>,
        %max3A_797 = arith.maxsi %get3A_765, %get3A_787 : vector<16xi32>
        %max3A_798 = arith.maxsi %get3A_772, %get3A_796 : vector<16xi32>
        %shift_left3A_799 = arith.constant 16 : i32
        %shift_left3A_800 = vector.broadcast %shift_left3A_799 : i32 to vector<16xi32>
        %shift_left3A_801 = arith.shli %get3A_787, %shift_left3A_800 : vector<16xi32>
        %max3A_802 = arith.maxsi %shift_left3A_775, %shift_left3A_801 : vector<16xi32>
        %shift_left3A_803 = arith.constant 16 : i32
        %shift_left3A_804 = vector.broadcast %shift_left3A_803 : i32 to vector<16xi32>
        %shift_left3A_805 = arith.shli %get3A_796, %shift_left3A_804 : vector<16xi32>
        %max3A_806 = arith.maxsi %shift_left3A_778, %shift_left3A_805 : vector<16xi32>
        %add3A_807 = arith.constant 2 : i32
        %add3A_808 = arith.addi %mul3A_440, %add3A_807 : i32
        %get3A_809 = arith.constant 0 : i32
        %get3A_810 = arith.constant 0 : i32
        %get3A_811 = tpu.memref_slice %arg6[%scan3A_410, %get3A_809, %get3A_810] : memref<3x240x64xi32, #tpu.memory_space<vmem>> -> memref<1x240x64xi32, #tpu.memory_space<vmem>>
        %get3A_812 = tpu.memref_squeeze %get3A_811 : memref<1x240x64xi32, #tpu.memory_space<vmem>> -> memref<240x64xi32, #tpu.memory_space<vmem>>
        %get3A_813 = arith.index_cast %add3A_808 : i32 to index
        %get3A_814 = arith.constant 16 : index
        %get3A_815 = tpu.vector_load %get3A_812[%get3A_813, %get3A_814] {strides = array<i32>} : memref<240x64xi32, #tpu.memory_space<vmem>>, vector<16xi32>,
        %add3A_816 = arith.constant 2 : i32
        %add3A_817 = arith.addi %add3A_442, %add3A_816 : i32
        %get3A_818 = arith.constant 0 : i32
        %get3A_819 = arith.constant 0 : i32
        %get3A_820 = tpu.memref_slice %arg6[%scan3A_410, %get3A_818, %get3A_819] : memref<3x240x64xi32, #tpu.memory_space<vmem>> -> memref<1x240x64xi32, #tpu.memory_space<vmem>>
        %get3A_821 = tpu.memref_squeeze %get3A_820 : memref<1x240x64xi32, #tpu.memory_space<vmem>> -> memref<240x64xi32, #tpu.memory_space<vmem>>
        %get3A_822 = arith.index_cast %add3A_817 : i32 to index
        %get3A_823 = arith.constant 16 : index
        %get3A_824 = tpu.vector_load %get3A_821[%get3A_822, %get3A_823] {strides = array<i32>} : memref<240x64xi32, #tpu.memory_space<vmem>>, vector<16xi32>,
        %max3A_825 = arith.maxsi %max3A_797, %get3A_815 : vector<16xi32>
        %max3A_826 = arith.maxsi %max3A_798, %get3A_824 : vector<16xi32>
        %shift_left3A_827 = arith.constant 16 : i32
        %shift_left3A_828 = vector.broadcast %shift_left3A_827 : i32 to vector<16xi32>
        %shift_left3A_829 = arith.shli %get3A_815, %shift_left3A_828 : vector<16xi32>
        %max3A_830 = arith.maxsi %max3A_802, %shift_left3A_829 : vector<16xi32>
        %shift_left3A_831 = arith.constant 16 : i32
        %shift_left3A_832 = vector.broadcast %shift_left3A_831 : i32 to vector<16xi32>
        %shift_left3A_833 = arith.shli %get3A_824, %shift_left3A_832 : vector<16xi32>
        %max3A_834 = arith.maxsi %max3A_806, %shift_left3A_833 : vector<16xi32>
        %add3A_835 = arith.constant 3 : i32
        %add3A_836 = arith.addi %mul3A_440, %add3A_835 : i32
        %get3A_837 = arith.constant 0 : i32
        %get3A_838 = arith.constant 0 : i32
        %get3A_839 = tpu.memref_slice %arg6[%scan3A_410, %get3A_837, %get3A_838] : memref<3x240x64xi32, #tpu.memory_space<vmem>> -> memref<1x240x64xi32, #tpu.memory_space<vmem>>
        %get3A_840 = tpu.memref_squeeze %get3A_839 : memref<1x240x64xi32, #tpu.memory_space<vmem>> -> memref<240x64xi32, #tpu.memory_space<vmem>>
        %get3A_841 = arith.index_cast %add3A_836 : i32 to index
        %get3A_842 = arith.constant 16 : index
        %get3A_843 = tpu.vector_load %get3A_840[%get3A_841, %get3A_842] {strides = array<i32>} : memref<240x64xi32, #tpu.memory_space<vmem>>, vector<16xi32>,
        %add3A_844 = arith.constant 3 : i32
        %add3A_845 = arith.addi %add3A_442, %add3A_844 : i32
        %get3A_846 = arith.constant 0 : i32
        %get3A_847 = arith.constant 0 : i32
        %get3A_848 = tpu.memref_slice %arg6[%scan3A_410, %get3A_846, %get3A_847] : memref<3x240x64xi32, #tpu.memory_space<vmem>> -> memref<1x240x64xi32, #tpu.memory_space<vmem>>
        %get3A_849 = tpu.memref_squeeze %get3A_848 : memref<1x240x64xi32, #tpu.memory_space<vmem>> -> memref<240x64xi32, #tpu.memory_space<vmem>>
        %get3A_850 = arith.index_cast %add3A_845 : i32 to index
        %get3A_851 = arith.constant 16 : index
        %get3A_852 = tpu.vector_load %get3A_849[%get3A_850, %get3A_851] {strides = array<i32>} : memref<240x64xi32, #tpu.memory_space<vmem>>, vector<16xi32>,
        %max3A_853 = arith.maxsi %max3A_825, %get3A_843 : vector<16xi32>
        %max3A_854 = arith.maxsi %max3A_826, %get3A_852 : vector<16xi32>
        %shift_left3A_855 = arith.constant 16 : i32
        %shift_left3A_856 = vector.broadcast %shift_left3A_855 : i32 to vector<16xi32>
        %shift_left3A_857 = arith.shli %get3A_843, %shift_left3A_856 : vector<16xi32>
        %max3A_858 = arith.maxsi %max3A_830, %shift_left3A_857 : vector<16xi32>
        %shift_left3A_859 = arith.constant 16 : i32
        %shift_left3A_860 = vector.broadcast %shift_left3A_859 : i32 to vector<16xi32>
        %shift_left3A_861 = arith.shli %get3A_852, %shift_left3A_860 : vector<16xi32>
        %max3A_862 = arith.maxsi %max3A_834, %shift_left3A_861 : vector<16xi32>
        %add3A_863 = arith.constant 4 : i32
        %add3A_864 = arith.addi %mul3A_440, %add3A_863 : i32
        %get3A_865 = arith.constant 0 : i32
        %get3A_866 = arith.constant 0 : i32
        %get3A_867 = tpu.memref_slice %arg6[%scan3A_410, %get3A_865, %get3A_866] : memref<3x240x64xi32, #tpu.memory_space<vmem>> -> memref<1x240x64xi32, #tpu.memory_space<vmem>>
        %get3A_868 = tpu.memref_squeeze %get3A_867 : memref<1x240x64xi32, #tpu.memory_space<vmem>> -> memref<240x64xi32, #tpu.memory_space<vmem>>
        %get3A_869 = arith.index_cast %add3A_864 : i32 to index
        %get3A_870 = arith.constant 16 : index
        %get3A_871 = tpu.vector_load %get3A_868[%get3A_869, %get3A_870] {strides = array<i32>} : memref<240x64xi32, #tpu.memory_space<vmem>>, vector<16xi32>,
        %add3A_872 = arith.constant 4 : i32
        %add3A_873 = arith.addi %add3A_442, %add3A_872 : i32
        %get3A_874 = arith.constant 0 : i32
        %get3A_875 = arith.constant 0 : i32
        %get3A_876 = tpu.memref_slice %arg6[%scan3A_410, %get3A_874, %get3A_875] : memref<3x240x64xi32, #tpu.memory_space<vmem>> -> memref<1x240x64xi32, #tpu.memory_space<vmem>>
        %get3A_877 = tpu.memref_squeeze %get3A_876 : memref<1x240x64xi32, #tpu.memory_space<vmem>> -> memref<240x64xi32, #tpu.memory_space<vmem>>
        %get3A_878 = arith.index_cast %add3A_873 : i32 to index
        %get3A_879 = arith.constant 16 : index
        %get3A_880 = tpu.vector_load %get3A_877[%get3A_878, %get3A_879] {strides = array<i32>} : memref<240x64xi32, #tpu.memory_space<vmem>>, vector<16xi32>,
        %max3A_881 = arith.maxsi %max3A_853, %get3A_871 : vector<16xi32>
        %max3A_882 = arith.maxsi %max3A_854, %get3A_880 : vector<16xi32>
        %shift_left3A_883 = arith.constant 16 : i32
        %shift_left3A_884 = vector.broadcast %shift_left3A_883 : i32 to vector<16xi32>
        %shift_left3A_885 = arith.shli %get3A_871, %shift_left3A_884 : vector<16xi32>
        %max3A_886 = arith.maxsi %max3A_858, %shift_left3A_885 : vector<16xi32>
        %shift_left3A_887 = arith.constant 16 : i32
        %shift_left3A_888 = vector.broadcast %shift_left3A_887 : i32 to vector<16xi32>
        %shift_left3A_889 = arith.shli %get3A_880, %shift_left3A_888 : vector<16xi32>
        %max3A_890 = arith.maxsi %max3A_862, %shift_left3A_889 : vector<16xi32>
        %add3A_891 = arith.constant 5 : i32
        %add3A_892 = arith.addi %mul3A_440, %add3A_891 : i32
        %get3A_893 = arith.constant 0 : i32
        %get3A_894 = arith.constant 0 : i32
        %get3A_895 = tpu.memref_slice %arg6[%scan3A_410, %get3A_893, %get3A_894] : memref<3x240x64xi32, #tpu.memory_space<vmem>> -> memref<1x240x64xi32, #tpu.memory_space<vmem>>
        %get3A_896 = tpu.memref_squeeze %get3A_895 : memref<1x240x64xi32, #tpu.memory_space<vmem>> -> memref<240x64xi32, #tpu.memory_space<vmem>>
        %get3A_897 = arith.index_cast %add3A_892 : i32 to index
        %get3A_898 = arith.constant 16 : index
        %get3A_899 = tpu.vector_load %get3A_896[%get3A_897, %get3A_898] {strides = array<i32>} : memref<240x64xi32, #tpu.memory_space<vmem>>, vector<16xi32>,
        %add3A_900 = arith.constant 5 : i32
        %add3A_901 = arith.addi %add3A_442, %add3A_900 : i32
        %get3A_902 = arith.constant 0 : i32
        %get3A_903 = arith.constant 0 : i32
        %get3A_904 = tpu.memref_slice %arg6[%scan3A_410, %get3A_902, %get3A_903] : memref<3x240x64xi32, #tpu.memory_space<vmem>> -> memref<1x240x64xi32, #tpu.memory_space<vmem>>
        %get3A_905 = tpu.memref_squeeze %get3A_904 : memref<1x240x64xi32, #tpu.memory_space<vmem>> -> memref<240x64xi32, #tpu.memory_space<vmem>>
        %get3A_906 = arith.index_cast %add3A_901 : i32 to index
        %get3A_907 = arith.constant 16 : index
        %get3A_908 = tpu.vector_load %get3A_905[%get3A_906, %get3A_907] {strides = array<i32>} : memref<240x64xi32, #tpu.memory_space<vmem>>, vector<16xi32>,
        %max3A_909 = arith.maxsi %max3A_881, %get3A_899 : vector<16xi32>
        %max3A_910 = arith.maxsi %max3A_882, %get3A_908 : vector<16xi32>
        %shift_left3A_911 = arith.constant 16 : i32
        %shift_left3A_912 = vector.broadcast %shift_left3A_911 : i32 to vector<16xi32>
        %shift_left3A_913 = arith.shli %get3A_899, %shift_left3A_912 : vector<16xi32>
        %max3A_914 = arith.maxsi %max3A_886, %shift_left3A_913 : vector<16xi32>
        %shift_left3A_915 = arith.constant 16 : i32
        %shift_left3A_916 = vector.broadcast %shift_left3A_915 : i32 to vector<16xi32>
        %shift_left3A_917 = arith.shli %get3A_908, %shift_left3A_916 : vector<16xi32>
        %max3A_918 = arith.maxsi %max3A_890, %shift_left3A_917 : vector<16xi32>
        %add3A_919 = arith.constant 6 : i32
        %add3A_920 = arith.addi %mul3A_440, %add3A_919 : i32
        %get3A_921 = arith.constant 0 : i32
        %get3A_922 = arith.constant 0 : i32
        %get3A_923 = tpu.memref_slice %arg6[%scan3A_410, %get3A_921, %get3A_922] : memref<3x240x64xi32, #tpu.memory_space<vmem>> -> memref<1x240x64xi32, #tpu.memory_space<vmem>>
        %get3A_924 = tpu.memref_squeeze %get3A_923 : memref<1x240x64xi32, #tpu.memory_space<vmem>> -> memref<240x64xi32, #tpu.memory_space<vmem>>
        %get3A_925 = arith.index_cast %add3A_920 : i32 to index
        %get3A_926 = arith.constant 16 : index
        %get3A_927 = tpu.vector_load %get3A_924[%get3A_925, %get3A_926] {strides = array<i32>} : memref<240x64xi32, #tpu.memory_space<vmem>>, vector<16xi32>,
        %add3A_928 = arith.constant 6 : i32
        %add3A_929 = arith.addi %add3A_442, %add3A_928 : i32
        %get3A_930 = arith.constant 0 : i32
        %get3A_931 = arith.constant 0 : i32
        %get3A_932 = tpu.memref_slice %arg6[%scan3A_410, %get3A_930, %get3A_931] : memref<3x240x64xi32, #tpu.memory_space<vmem>> -> memref<1x240x64xi32, #tpu.memory_space<vmem>>
        %get3A_933 = tpu.memref_squeeze %get3A_932 : memref<1x240x64xi32, #tpu.memory_space<vmem>> -> memref<240x64xi32, #tpu.memory_space<vmem>>
        %get3A_934 = arith.index_cast %add3A_929 : i32 to index
        %get3A_935 = arith.constant 16 : index
        %get3A_936 = tpu.vector_load %get3A_933[%get3A_934, %get3A_935] {strides = array<i32>} : memref<240x64xi32, #tpu.memory_space<vmem>>, vector<16xi32>,
        %max3A_937 = arith.maxsi %max3A_909, %get3A_927 : vector<16xi32>
        %max3A_938 = arith.maxsi %max3A_910, %get3A_936 : vector<16xi32>
        %shift_left3A_939 = arith.constant 16 : i32
        %shift_left3A_940 = vector.broadcast %shift_left3A_939 : i32 to vector<16xi32>
        %shift_left3A_941 = arith.shli %get3A_927, %shift_left3A_940 : vector<16xi32>
        %max3A_942 = arith.maxsi %max3A_914, %shift_left3A_941 : vector<16xi32>
        %shift_left3A_943 = arith.constant 16 : i32
        %shift_left3A_944 = vector.broadcast %shift_left3A_943 : i32 to vector<16xi32>
        %shift_left3A_945 = arith.shli %get3A_936, %shift_left3A_944 : vector<16xi32>
        %max3A_946 = arith.maxsi %max3A_918, %shift_left3A_945 : vector<16xi32>
        %add3A_947 = arith.constant 7 : i32
        %add3A_948 = arith.addi %mul3A_440, %add3A_947 : i32
        %get3A_949 = arith.constant 0 : i32
        %get3A_950 = arith.constant 0 : i32
        %get3A_951 = tpu.memref_slice %arg6[%scan3A_410, %get3A_949, %get3A_950] : memref<3x240x64xi32, #tpu.memory_space<vmem>> -> memref<1x240x64xi32, #tpu.memory_space<vmem>>
        %get3A_952 = tpu.memref_squeeze %get3A_951 : memref<1x240x64xi32, #tpu.memory_space<vmem>> -> memref<240x64xi32, #tpu.memory_space<vmem>>
        %get3A_953 = arith.index_cast %add3A_948 : i32 to index
        %get3A_954 = arith.constant 16 : index
        %get3A_955 = tpu.vector_load %get3A_952[%get3A_953, %get3A_954] {strides = array<i32>} : memref<240x64xi32, #tpu.memory_space<vmem>>, vector<16xi32>,
        %add3A_956 = arith.constant 7 : i32
        %add3A_957 = arith.addi %add3A_442, %add3A_956 : i32
        %get3A_958 = arith.constant 0 : i32
        %get3A_959 = arith.constant 0 : i32
        %get3A_960 = tpu.memref_slice %arg6[%scan3A_410, %get3A_958, %get3A_959] : memref<3x240x64xi32, #tpu.memory_space<vmem>> -> memref<1x240x64xi32, #tpu.memory_space<vmem>>
        %get3A_961 = tpu.memref_squeeze %get3A_960 : memref<1x240x64xi32, #tpu.memory_space<vmem>> -> memref<240x64xi32, #tpu.memory_space<vmem>>
        %get3A_962 = arith.index_cast %add3A_957 : i32 to index
        %get3A_963 = arith.constant 16 : index
        %get3A_964 = tpu.vector_load %get3A_961[%get3A_962, %get3A_963] {strides = array<i32>} : memref<240x64xi32, #tpu.memory_space<vmem>>, vector<16xi32>,
        %max3A_965 = arith.maxsi %max3A_937, %get3A_955 : vector<16xi32>
        %max3A_966 = arith.maxsi %max3A_938, %get3A_964 : vector<16xi32>
        %shift_left3A_967 = arith.constant 16 : i32
        %shift_left3A_968 = vector.broadcast %shift_left3A_967 : i32 to vector<16xi32>
        %shift_left3A_969 = arith.shli %get3A_955, %shift_left3A_968 : vector<16xi32>
        %max3A_970 = arith.maxsi %max3A_942, %shift_left3A_969 : vector<16xi32>
        %shift_left3A_971 = arith.constant 16 : i32
        %shift_left3A_972 = vector.broadcast %shift_left3A_971 : i32 to vector<16xi32>
        %shift_left3A_973 = arith.shli %get3A_964, %shift_left3A_972 : vector<16xi32>
        %max3A_974 = arith.maxsi %max3A_946, %shift_left3A_973 : vector<16xi32>
        %add3A_975 = arith.constant 8 : i32
        %add3A_976 = arith.addi %mul3A_440, %add3A_975 : i32
        %get3A_977 = arith.constant 0 : i32
        %get3A_978 = arith.constant 0 : i32
        %get3A_979 = tpu.memref_slice %arg6[%scan3A_410, %get3A_977, %get3A_978] : memref<3x240x64xi32, #tpu.memory_space<vmem>> -> memref<1x240x64xi32, #tpu.memory_space<vmem>>
        %get3A_980 = tpu.memref_squeeze %get3A_979 : memref<1x240x64xi32, #tpu.memory_space<vmem>> -> memref<240x64xi32, #tpu.memory_space<vmem>>
        %get3A_981 = arith.index_cast %add3A_976 : i32 to index
        %get3A_982 = arith.constant 16 : index
        %get3A_983 = tpu.vector_load %get3A_980[%get3A_981, %get3A_982] {strides = array<i32>} : memref<240x64xi32, #tpu.memory_space<vmem>>, vector<16xi32>,
        %add3A_984 = arith.constant 8 : i32
        %add3A_985 = arith.addi %add3A_442, %add3A_984 : i32
        %get3A_986 = arith.constant 0 : i32
        %get3A_987 = arith.constant 0 : i32
        %get3A_988 = tpu.memref_slice %arg6[%scan3A_410, %get3A_986, %get3A_987] : memref<3x240x64xi32, #tpu.memory_space<vmem>> -> memref<1x240x64xi32, #tpu.memory_space<vmem>>
        %get3A_989 = tpu.memref_squeeze %get3A_988 : memref<1x240x64xi32, #tpu.memory_space<vmem>> -> memref<240x64xi32, #tpu.memory_space<vmem>>
        %get3A_990 = arith.index_cast %add3A_985 : i32 to index
        %get3A_991 = arith.constant 16 : index
        %get3A_992 = tpu.vector_load %get3A_989[%get3A_990, %get3A_991] {strides = array<i32>} : memref<240x64xi32, #tpu.memory_space<vmem>>, vector<16xi32>,
        %max3A_993 = arith.maxsi %max3A_965, %get3A_983 : vector<16xi32>
        %max3A_994 = arith.maxsi %max3A_966, %get3A_992 : vector<16xi32>
        %shift_left3A_995 = arith.constant 16 : i32
        %shift_left3A_996 = vector.broadcast %shift_left3A_995 : i32 to vector<16xi32>
        %shift_left3A_997 = arith.shli %get3A_983, %shift_left3A_996 : vector<16xi32>
        %max3A_998 = arith.maxsi %max3A_970, %shift_left3A_997 : vector<16xi32>
        %shift_left3A_999 = arith.constant 16 : i32
        %shift_left3A_1000 = vector.broadcast %shift_left3A_999 : i32 to vector<16xi32>
        %shift_left3A_1001 = arith.shli %get3A_992, %shift_left3A_1000 : vector<16xi32>
        %max3A_1002 = arith.maxsi %max3A_974, %shift_left3A_1001 : vector<16xi32>
        %add3A_1003 = arith.constant 9 : i32
        %add3A_1004 = arith.addi %mul3A_440, %add3A_1003 : i32
        %get3A_1005 = arith.constant 0 : i32
        %get3A_1006 = arith.constant 0 : i32
        %get3A_1007 = tpu.memref_slice %arg6[%scan3A_410, %get3A_1005, %get3A_1006] : memref<3x240x64xi32, #tpu.memory_space<vmem>> -> memref<1x240x64xi32, #tpu.memory_space<vmem>>
        %get3A_1008 = tpu.memref_squeeze %get3A_1007 : memref<1x240x64xi32, #tpu.memory_space<vmem>> -> memref<240x64xi32, #tpu.memory_space<vmem>>
        %get3A_1009 = arith.index_cast %add3A_1004 : i32 to index
        %get3A_1010 = arith.constant 16 : index
        %get3A_1011 = tpu.vector_load %get3A_1008[%get3A_1009, %get3A_1010] {strides = array<i32>} : memref<240x64xi32, #tpu.memory_space<vmem>>, vector<16xi32>,
        %add3A_1012 = arith.constant 9 : i32
        %add3A_1013 = arith.addi %add3A_442, %add3A_1012 : i32
        %get3A_1014 = arith.constant 0 : i32
        %get3A_1015 = arith.constant 0 : i32
        %get3A_1016 = tpu.memref_slice %arg6[%scan3A_410, %get3A_1014, %get3A_1015] : memref<3x240x64xi32, #tpu.memory_space<vmem>> -> memref<1x240x64xi32, #tpu.memory_space<vmem>>
        %get3A_1017 = tpu.memref_squeeze %get3A_1016 : memref<1x240x64xi32, #tpu.memory_space<vmem>> -> memref<240x64xi32, #tpu.memory_space<vmem>>
        %get3A_1018 = arith.index_cast %add3A_1013 : i32 to index
        %get3A_1019 = arith.constant 16 : index
        %get3A_1020 = tpu.vector_load %get3A_1017[%get3A_1018, %get3A_1019] {strides = array<i32>} : memref<240x64xi32, #tpu.memory_space<vmem>>, vector<16xi32>,
        %max3A_1021 = arith.maxsi %max3A_993, %get3A_1011 : vector<16xi32>
        %max3A_1022 = arith.maxsi %max3A_994, %get3A_1020 : vector<16xi32>
        %shift_left3A_1023 = arith.constant 16 : i32
        %shift_left3A_1024 = vector.broadcast %shift_left3A_1023 : i32 to vector<16xi32>
        %shift_left3A_1025 = arith.shli %get3A_1011, %shift_left3A_1024 : vector<16xi32>
        %max3A_1026 = arith.maxsi %max3A_998, %shift_left3A_1025 : vector<16xi32>
        %shift_left3A_1027 = arith.constant 16 : i32
        %shift_left3A_1028 = vector.broadcast %shift_left3A_1027 : i32 to vector<16xi32>
        %shift_left3A_1029 = arith.shli %get3A_1020, %shift_left3A_1028 : vector<16xi32>
        %max3A_1030 = arith.maxsi %max3A_1002, %shift_left3A_1029 : vector<16xi32>
        %bitcast3A_1031 = vector.bitcast %max3A_1026 : vector<16xi32> to vector<16xf32>
        %mul3A_1032 = arith.constant 2 : i32
        %mul3A_1033 = arith.muli %mul3A_1032, %scan3A_436 : i32
        %swap3A_1034 = arith.constant 0 : i32
        %swap3A_1035 = arith.constant 0 : i32
        %swap3A_1036 = tpu.memref_slice %arg7[%scan3A_411, %swap3A_1034, %swap3A_1035] : memref<3x24x128xf32, #tpu.memory_space<vmem>> -> memref<1x24x128xf32, #tpu.memory_space<vmem>>
        %swap3A_1037 = tpu.memref_squeeze %swap3A_1036 : memref<1x24x128xf32, #tpu.memory_space<vmem>> -> memref<24x128xf32, #tpu.memory_space<vmem>>
        %swap3A_1038 = arith.index_cast %mul3A_1033 : i32 to index
        %swap3A_1039 = arith.constant 16 : index
        %swap3A_1040 = tpu.vector_load %swap3A_1037[%swap3A_1038, %swap3A_1039] {strides = array<i32>} : memref<24x128xf32, #tpu.memory_space<vmem>>, vector<16xf32>,
        tpu.vector_store %swap3A_1037[%swap3A_1038, %swap3A_1039], %bitcast3A_1031 {strides = array<i32>} : memref<24x128xf32, #tpu.memory_space<vmem>>, vector<16xf32>,
        %bitcast3A_1041 = vector.bitcast %max3A_1030 : vector<16xi32> to vector<16xf32>
        %mul3A_1042 = arith.constant 2 : i32
        %mul3A_1043 = arith.muli %mul3A_1042, %scan3A_436 : i32
        %add3A_1044 = arith.constant 1 : i32
        %add3A_1045 = arith.addi %mul3A_1043, %add3A_1044 : i32
        %swap3A_1046 = arith.constant 0 : i32
        %swap3A_1047 = arith.constant 0 : i32
        %swap3A_1048 = tpu.memref_slice %arg7[%scan3A_411, %swap3A_1046, %swap3A_1047] : memref<3x24x128xf32, #tpu.memory_space<vmem>> -> memref<1x24x128xf32, #tpu.memory_space<vmem>>
        %swap3A_1049 = tpu.memref_squeeze %swap3A_1048 : memref<1x24x128xf32, #tpu.memory_space<vmem>> -> memref<24x128xf32, #tpu.memory_space<vmem>>
        %swap3A_1050 = arith.index_cast %add3A_1045 : i32 to index
        %swap3A_1051 = arith.constant 16 : index
        %swap3A_1052 = tpu.vector_load %swap3A_1049[%swap3A_1050, %swap3A_1051] {strides = array<i32>} : memref<24x128xf32, #tpu.memory_space<vmem>>, vector<16xf32>,
        tpu.vector_store %swap3A_1049[%swap3A_1050, %swap3A_1051], %bitcast3A_1041 {strides = array<i32>} : memref<24x128xf32, #tpu.memory_space<vmem>>, vector<16xf32>,
        %and3A_1053 = arith.constant -65536 : i32
        %and3A_1054 = vector.broadcast %and3A_1053 : i32 to vector<16xi32>
        %and3A_1055 = arith.andi %max3A_1021, %and3A_1054 : vector<16xi32>
        %bitcast3A_1056 = vector.bitcast %and3A_1055 : vector<16xi32> to vector<16xf32>
        %mul3A_1057 = arith.constant 2 : i32
        %mul3A_1058 = arith.muli %mul3A_1057, %scan3A_436 : i32
        %swap3A_1059 = arith.constant 0 : i32
        %swap3A_1060 = arith.constant 0 : i32
        %swap3A_1061 = tpu.memref_slice %arg7[%scan3A_411, %swap3A_1059, %swap3A_1060] : memref<3x24x128xf32, #tpu.memory_space<vmem>> -> memref<1x24x128xf32, #tpu.memory_space<vmem>>
        %swap3A_1062 = tpu.memref_squeeze %swap3A_1061 : memref<1x24x128xf32, #tpu.memory_space<vmem>> -> memref<24x128xf32, #tpu.memory_space<vmem>>
        %swap3A_1063 = arith.index_cast %mul3A_1058 : i32 to index
        %swap3A_1064 = arith.constant 80 : index
        %swap3A_1065 = tpu.vector_load %swap3A_1062[%swap3A_1063, %swap3A_1064] {strides = array<i32>} : memref<24x128xf32, #tpu.memory_space<vmem>>, vector<16xf32>,
        tpu.vector_store %swap3A_1062[%swap3A_1063, %swap3A_1064], %bitcast3A_1056 {strides = array<i32>} : memref<24x128xf32, #tpu.memory_space<vmem>>, vector<16xf32>,
        %and3A_1066 = arith.constant -65536 : i32
        %and3A_1067 = vector.broadcast %and3A_1066 : i32 to vector<16xi32>
        %and3A_1068 = arith.andi %max3A_1022, %and3A_1067 : vector<16xi32>
        %bitcast3A_1069 = vector.bitcast %and3A_1068 : vector<16xi32> to vector<16xf32>
        %mul3A_1070 = arith.constant 2 : i32
        %mul3A_1071 = arith.muli %mul3A_1070, %scan3A_436 : i32
        %add3A_1072 = arith.constant 1 : i32
        %add3A_1073 = arith.addi %mul3A_1071, %add3A_1072 : i32
        %swap3A_1074 = arith.constant 0 : i32
        %swap3A_1075 = arith.constant 0 : i32
        %swap3A_1076 = tpu.memref_slice %arg7[%scan3A_411, %swap3A_1074, %swap3A_1075] : memref<3x24x128xf32, #tpu.memory_space<vmem>> -> memref<1x24x128xf32, #tpu.memory_space<vmem>>
        %swap3A_1077 = tpu.memref_squeeze %swap3A_1076 : memref<1x24x128xf32, #tpu.memory_space<vmem>> -> memref<24x128xf32, #tpu.memory_space<vmem>>
        %swap3A_1078 = arith.index_cast %add3A_1073 : i32 to index
        %swap3A_1079 = arith.constant 80 : index
        %swap3A_1080 = tpu.vector_load %swap3A_1077[%swap3A_1078, %swap3A_1079] {strides = array<i32>} : memref<24x128xf32, #tpu.memory_space<vmem>>, vector<16xf32>,
        tpu.vector_store %swap3A_1077[%swap3A_1078, %swap3A_1079], %bitcast3A_1069 {strides = array<i32>} : memref<24x128xf32, #tpu.memory_space<vmem>>, vector<16xf32>,
        %get3A_1081 = arith.constant 0 : i32
        %get3A_1082 = arith.constant 0 : i32
        %get3A_1083 = tpu.memref_slice %arg6[%scan3A_410, %get3A_1081, %get3A_1082] : memref<3x240x64xi32, #tpu.memory_space<vmem>> -> memref<1x240x64xi32, #tpu.memory_space<vmem>>
        %get3A_1084 = tpu.memref_squeeze %get3A_1083 : memref<1x240x64xi32, #tpu.memory_space<vmem>> -> memref<240x64xi32, #tpu.memory_space<vmem>>
        %get3A_1085 = arith.index_cast %mul3A_440 : i32 to index
        %get3A_1086 = arith.constant 32 : index
        %get3A_1087 = tpu.vector_load %get3A_1084[%get3A_1085, %get3A_1086] {strides = array<i32>} : memref<240x64xi32, #tpu.memory_space<vmem>>, vector<16xi32>,
        %get3A_1088 = arith.constant 0 : i32
        %get3A_1089 = arith.constant 0 : i32
        %get3A_1090 = tpu.memref_slice %arg6[%scan3A_410, %get3A_1088, %get3A_1089] : memref<3x240x64xi32, #tpu.memory_space<vmem>> -> memref<1x240x64xi32, #tpu.memory_space<vmem>>
        %get3A_1091 = tpu.memref_squeeze %get3A_1090 : memref<1x240x64xi32, #tpu.memory_space<vmem>> -> memref<240x64xi32, #tpu.memory_space<vmem>>
        %get3A_1092 = arith.index_cast %add3A_442 : i32 to index
        %get3A_1093 = arith.constant 32 : index
        %get3A_1094 = tpu.vector_load %get3A_1091[%get3A_1092, %get3A_1093] {strides = array<i32>} : memref<240x64xi32, #tpu.memory_space<vmem>>, vector<16xi32>,
        %shift_left3A_1095 = arith.constant 16 : i32
        %shift_left3A_1096 = vector.broadcast %shift_left3A_1095 : i32 to vector<16xi32>
        %shift_left3A_1097 = arith.shli %get3A_1087, %shift_left3A_1096 : vector<16xi32>
        %shift_left3A_1098 = arith.constant 16 : i32
        %shift_left3A_1099 = vector.broadcast %shift_left3A_1098 : i32 to vector<16xi32>
        %shift_left3A_1100 = arith.shli %get3A_1094, %shift_left3A_1099 : vector<16xi32>
        %add3A_1101 = arith.constant 1 : i32
        %add3A_1102 = arith.addi %mul3A_440, %add3A_1101 : i32
        %get3A_1103 = arith.constant 0 : i32
        %get3A_1104 = arith.constant 0 : i32
        %get3A_1105 = tpu.memref_slice %arg6[%scan3A_410, %get3A_1103, %get3A_1104] : memref<3x240x64xi32, #tpu.memory_space<vmem>> -> memref<1x240x64xi32, #tpu.memory_space<vmem>>
        %get3A_1106 = tpu.memref_squeeze %get3A_1105 : memref<1x240x64xi32, #tpu.memory_space<vmem>> -> memref<240x64xi32, #tpu.memory_space<vmem>>
        %get3A_1107 = arith.index_cast %add3A_1102 : i32 to index
        %get3A_1108 = arith.constant 32 : index
        %get3A_1109 = tpu.vector_load %get3A_1106[%get3A_1107, %get3A_1108] {strides = array<i32>} : memref<240x64xi32, #tpu.memory_space<vmem>>, vector<16xi32>,
        %add3A_1110 = arith.constant 1 : i32
        %add3A_1111 = arith.addi %add3A_442, %add3A_1110 : i32
        %get3A_1112 = arith.constant 0 : i32
        %get3A_1113 = arith.constant 0 : i32
        %get3A_1114 = tpu.memref_slice %arg6[%scan3A_410, %get3A_1112, %get3A_1113] : memref<3x240x64xi32, #tpu.memory_space<vmem>> -> memref<1x240x64xi32, #tpu.memory_space<vmem>>
        %get3A_1115 = tpu.memref_squeeze %get3A_1114 : memref<1x240x64xi32, #tpu.memory_space<vmem>> -> memref<240x64xi32, #tpu.memory_space<vmem>>
        %get3A_1116 = arith.index_cast %add3A_1111 : i32 to index
        %get3A_1117 = arith.constant 32 : index
        %get3A_1118 = tpu.vector_load %get3A_1115[%get3A_1116, %get3A_1117] {strides = array<i32>} : memref<240x64xi32, #tpu.memory_space<vmem>>, vector<16xi32>,
        %max3A_1119 = arith.maxsi %get3A_1087, %get3A_1109 : vector<16xi32>
        %max3A_1120 = arith.maxsi %get3A_1094, %get3A_1118 : vector<16xi32>
        %shift_left3A_1121 = arith.constant 16 : i32
        %shift_left3A_1122 = vector.broadcast %shift_left3A_1121 : i32 to vector<16xi32>
        %shift_left3A_1123 = arith.shli %get3A_1109, %shift_left3A_1122 : vector<16xi32>
        %max3A_1124 = arith.maxsi %shift_left3A_1097, %shift_left3A_1123 : vector<16xi32>
        %shift_left3A_1125 = arith.constant 16 : i32
        %shift_left3A_1126 = vector.broadcast %shift_left3A_1125 : i32 to vector<16xi32>
        %shift_left3A_1127 = arith.shli %get3A_1118, %shift_left3A_1126 : vector<16xi32>
        %max3A_1128 = arith.maxsi %shift_left3A_1100, %shift_left3A_1127 : vector<16xi32>
        %add3A_1129 = arith.constant 2 : i32
        %add3A_1130 = arith.addi %mul3A_440, %add3A_1129 : i32
        %get3A_1131 = arith.constant 0 : i32
        %get3A_1132 = arith.constant 0 : i32
        %get3A_1133 = tpu.memref_slice %arg6[%scan3A_410, %get3A_1131, %get3A_1132] : memref<3x240x64xi32, #tpu.memory_space<vmem>> -> memref<1x240x64xi32, #tpu.memory_space<vmem>>
        %get3A_1134 = tpu.memref_squeeze %get3A_1133 : memref<1x240x64xi32, #tpu.memory_space<vmem>> -> memref<240x64xi32, #tpu.memory_space<vmem>>
        %get3A_1135 = arith.index_cast %add3A_1130 : i32 to index
        %get3A_1136 = arith.constant 32 : index
        %get3A_1137 = tpu.vector_load %get3A_1134[%get3A_1135, %get3A_1136] {strides = array<i32>} : memref<240x64xi32, #tpu.memory_space<vmem>>, vector<16xi32>,
        %add3A_1138 = arith.constant 2 : i32
        %add3A_1139 = arith.addi %add3A_442, %add3A_1138 : i32
        %get3A_1140 = arith.constant 0 : i32
        %get3A_1141 = arith.constant 0 : i32
        %get3A_1142 = tpu.memref_slice %arg6[%scan3A_410, %get3A_1140, %get3A_1141] : memref<3x240x64xi32, #tpu.memory_space<vmem>> -> memref<1x240x64xi32, #tpu.memory_space<vmem>>
        %get3A_1143 = tpu.memref_squeeze %get3A_1142 : memref<1x240x64xi32, #tpu.memory_space<vmem>> -> memref<240x64xi32, #tpu.memory_space<vmem>>
        %get3A_1144 = arith.index_cast %add3A_1139 : i32 to index
        %get3A_1145 = arith.constant 32 : index
        %get3A_1146 = tpu.vector_load %get3A_1143[%get3A_1144, %get3A_1145] {strides = array<i32>} : memref<240x64xi32, #tpu.memory_space<vmem>>, vector<16xi32>,
        %max3A_1147 = arith.maxsi %max3A_1119, %get3A_1137 : vector<16xi32>
        %max3A_1148 = arith.maxsi %max3A_1120, %get3A_1146 : vector<16xi32>
        %shift_left3A_1149 = arith.constant 16 : i32
        %shift_left3A_1150 = vector.broadcast %shift_left3A_1149 : i32 to vector<16xi32>
        %shift_left3A_1151 = arith.shli %get3A_1137, %shift_left3A_1150 : vector<16xi32>
        %max3A_1152 = arith.maxsi %max3A_1124, %shift_left3A_1151 : vector<16xi32>
        %shift_left3A_1153 = arith.constant 16 : i32
        %shift_left3A_1154 = vector.broadcast %shift_left3A_1153 : i32 to vector<16xi32>
        %shift_left3A_1155 = arith.shli %get3A_1146, %shift_left3A_1154 : vector<16xi32>
        %max3A_1156 = arith.maxsi %max3A_1128, %shift_left3A_1155 : vector<16xi32>
        %add3A_1157 = arith.constant 3 : i32
        %add3A_1158 = arith.addi %mul3A_440, %add3A_1157 : i32
        %get3A_1159 = arith.constant 0 : i32
        %get3A_1160 = arith.constant 0 : i32
        %get3A_1161 = tpu.memref_slice %arg6[%scan3A_410, %get3A_1159, %get3A_1160] : memref<3x240x64xi32, #tpu.memory_space<vmem>> -> memref<1x240x64xi32, #tpu.memory_space<vmem>>
        %get3A_1162 = tpu.memref_squeeze %get3A_1161 : memref<1x240x64xi32, #tpu.memory_space<vmem>> -> memref<240x64xi32, #tpu.memory_space<vmem>>
        %get3A_1163 = arith.index_cast %add3A_1158 : i32 to index
        %get3A_1164 = arith.constant 32 : index
        %get3A_1165 = tpu.vector_load %get3A_1162[%get3A_1163, %get3A_1164] {strides = array<i32>} : memref<240x64xi32, #tpu.memory_space<vmem>>, vector<16xi32>,
        %add3A_1166 = arith.constant 3 : i32
        %add3A_1167 = arith.addi %add3A_442, %add3A_1166 : i32
        %get3A_1168 = arith.constant 0 : i32
        %get3A_1169 = arith.constant 0 : i32
        %get3A_1170 = tpu.memref_slice %arg6[%scan3A_410, %get3A_1168, %get3A_1169] : memref<3x240x64xi32, #tpu.memory_space<vmem>> -> memref<1x240x64xi32, #tpu.memory_space<vmem>>
        %get3A_1171 = tpu.memref_squeeze %get3A_1170 : memref<1x240x64xi32, #tpu.memory_space<vmem>> -> memref<240x64xi32, #tpu.memory_space<vmem>>
        %get3A_1172 = arith.index_cast %add3A_1167 : i32 to index
        %get3A_1173 = arith.constant 32 : index
        %get3A_1174 = tpu.vector_load %get3A_1171[%get3A_1172, %get3A_1173] {strides = array<i32>} : memref<240x64xi32, #tpu.memory_space<vmem>>, vector<16xi32>,
        %max3A_1175 = arith.maxsi %max3A_1147, %get3A_1165 : vector<16xi32>
        %max3A_1176 = arith.maxsi %max3A_1148, %get3A_1174 : vector<16xi32>
        %shift_left3A_1177 = arith.constant 16 : i32
        %shift_left3A_1178 = vector.broadcast %shift_left3A_1177 : i32 to vector<16xi32>
        %shift_left3A_1179 = arith.shli %get3A_1165, %shift_left3A_1178 : vector<16xi32>
        %max3A_1180 = arith.maxsi %max3A_1152, %shift_left3A_1179 : vector<16xi32>
        %shift_left3A_1181 = arith.constant 16 : i32
        %shift_left3A_1182 = vector.broadcast %shift_left3A_1181 : i32 to vector<16xi32>
        %shift_left3A_1183 = arith.shli %get3A_1174, %shift_left3A_1182 : vector<16xi32>
        %max3A_1184 = arith.maxsi %max3A_1156, %shift_left3A_1183 : vector<16xi32>
        %add3A_1185 = arith.constant 4 : i32
        %add3A_1186 = arith.addi %mul3A_440, %add3A_1185 : i32
        %get3A_1187 = arith.constant 0 : i32
        %get3A_1188 = arith.constant 0 : i32
        %get3A_1189 = tpu.memref_slice %arg6[%scan3A_410, %get3A_1187, %get3A_1188] : memref<3x240x64xi32, #tpu.memory_space<vmem>> -> memref<1x240x64xi32, #tpu.memory_space<vmem>>
        %get3A_1190 = tpu.memref_squeeze %get3A_1189 : memref<1x240x64xi32, #tpu.memory_space<vmem>> -> memref<240x64xi32, #tpu.memory_space<vmem>>
        %get3A_1191 = arith.index_cast %add3A_1186 : i32 to index
        %get3A_1192 = arith.constant 32 : index
        %get3A_1193 = tpu.vector_load %get3A_1190[%get3A_1191, %get3A_1192] {strides = array<i32>} : memref<240x64xi32, #tpu.memory_space<vmem>>, vector<16xi32>,
        %add3A_1194 = arith.constant 4 : i32
        %add3A_1195 = arith.addi %add3A_442, %add3A_1194 : i32
        %get3A_1196 = arith.constant 0 : i32
        %get3A_1197 = arith.constant 0 : i32
        %get3A_1198 = tpu.memref_slice %arg6[%scan3A_410, %get3A_1196, %get3A_1197] : memref<3x240x64xi32, #tpu.memory_space<vmem>> -> memref<1x240x64xi32, #tpu.memory_space<vmem>>
        %get3A_1199 = tpu.memref_squeeze %get3A_1198 : memref<1x240x64xi32, #tpu.memory_space<vmem>> -> memref<240x64xi32, #tpu.memory_space<vmem>>
        %get3A_1200 = arith.index_cast %add3A_1195 : i32 to index
        %get3A_1201 = arith.constant 32 : index
        %get3A_1202 = tpu.vector_load %get3A_1199[%get3A_1200, %get3A_1201] {strides = array<i32>} : memref<240x64xi32, #tpu.memory_space<vmem>>, vector<16xi32>,
        %max3A_1203 = arith.maxsi %max3A_1175, %get3A_1193 : vector<16xi32>
        %max3A_1204 = arith.maxsi %max3A_1176, %get3A_1202 : vector<16xi32>
        %shift_left3A_1205 = arith.constant 16 : i32
        %shift_left3A_1206 = vector.broadcast %shift_left3A_1205 : i32 to vector<16xi32>
        %shift_left3A_1207 = arith.shli %get3A_1193, %shift_left3A_1206 : vector<16xi32>
        %max3A_1208 = arith.maxsi %max3A_1180, %shift_left3A_1207 : vector<16xi32>
        %shift_left3A_1209 = arith.constant 16 : i32
        %shift_left3A_1210 = vector.broadcast %shift_left3A_1209 : i32 to vector<16xi32>
        %shift_left3A_1211 = arith.shli %get3A_1202, %shift_left3A_1210 : vector<16xi32>
        %max3A_1212 = arith.maxsi %max3A_1184, %shift_left3A_1211 : vector<16xi32>
        %add3A_1213 = arith.constant 5 : i32
        %add3A_1214 = arith.addi %mul3A_440, %add3A_1213 : i32
        %get3A_1215 = arith.constant 0 : i32
        %get3A_1216 = arith.constant 0 : i32
        %get3A_1217 = tpu.memref_slice %arg6[%scan3A_410, %get3A_1215, %get3A_1216] : memref<3x240x64xi32, #tpu.memory_space<vmem>> -> memref<1x240x64xi32, #tpu.memory_space<vmem>>
        %get3A_1218 = tpu.memref_squeeze %get3A_1217 : memref<1x240x64xi32, #tpu.memory_space<vmem>> -> memref<240x64xi32, #tpu.memory_space<vmem>>
        %get3A_1219 = arith.index_cast %add3A_1214 : i32 to index
        %get3A_1220 = arith.constant 32 : index
        %get3A_1221 = tpu.vector_load %get3A_1218[%get3A_1219, %get3A_1220] {strides = array<i32>} : memref<240x64xi32, #tpu.memory_space<vmem>>, vector<16xi32>,
        %add3A_1222 = arith.constant 5 : i32
        %add3A_1223 = arith.addi %add3A_442, %add3A_1222 : i32
        %get3A_1224 = arith.constant 0 : i32
        %get3A_1225 = arith.constant 0 : i32
        %get3A_1226 = tpu.memref_slice %arg6[%scan3A_410, %get3A_1224, %get3A_1225] : memref<3x240x64xi32, #tpu.memory_space<vmem>> -> memref<1x240x64xi32, #tpu.memory_space<vmem>>
        %get3A_1227 = tpu.memref_squeeze %get3A_1226 : memref<1x240x64xi32, #tpu.memory_space<vmem>> -> memref<240x64xi32, #tpu.memory_space<vmem>>
        %get3A_1228 = arith.index_cast %add3A_1223 : i32 to index
        %get3A_1229 = arith.constant 32 : index
        %get3A_1230 = tpu.vector_load %get3A_1227[%get3A_1228, %get3A_1229] {strides = array<i32>} : memref<240x64xi32, #tpu.memory_space<vmem>>, vector<16xi32>,
        %max3A_1231 = arith.maxsi %max3A_1203, %get3A_1221 : vector<16xi32>
        %max3A_1232 = arith.maxsi %max3A_1204, %get3A_1230 : vector<16xi32>
        %shift_left3A_1233 = arith.constant 16 : i32
        %shift_left3A_1234 = vector.broadcast %shift_left3A_1233 : i32 to vector<16xi32>
        %shift_left3A_1235 = arith.shli %get3A_1221, %shift_left3A_1234 : vector<16xi32>
        %max3A_1236 = arith.maxsi %max3A_1208, %shift_left3A_1235 : vector<16xi32>
        %shift_left3A_1237 = arith.constant 16 : i32
        %shift_left3A_1238 = vector.broadcast %shift_left3A_1237 : i32 to vector<16xi32>
        %shift_left3A_1239 = arith.shli %get3A_1230, %shift_left3A_1238 : vector<16xi32>
        %max3A_1240 = arith.maxsi %max3A_1212, %shift_left3A_1239 : vector<16xi32>
        %add3A_1241 = arith.constant 6 : i32
        %add3A_1242 = arith.addi %mul3A_440, %add3A_1241 : i32
        %get3A_1243 = arith.constant 0 : i32
        %get3A_1244 = arith.constant 0 : i32
        %get3A_1245 = tpu.memref_slice %arg6[%scan3A_410, %get3A_1243, %get3A_1244] : memref<3x240x64xi32, #tpu.memory_space<vmem>> -> memref<1x240x64xi32, #tpu.memory_space<vmem>>
        %get3A_1246 = tpu.memref_squeeze %get3A_1245 : memref<1x240x64xi32, #tpu.memory_space<vmem>> -> memref<240x64xi32, #tpu.memory_space<vmem>>
        %get3A_1247 = arith.index_cast %add3A_1242 : i32 to index
        %get3A_1248 = arith.constant 32 : index
        %get3A_1249 = tpu.vector_load %get3A_1246[%get3A_1247, %get3A_1248] {strides = array<i32>} : memref<240x64xi32, #tpu.memory_space<vmem>>, vector<16xi32>,
        %add3A_1250 = arith.constant 6 : i32
        %add3A_1251 = arith.addi %add3A_442, %add3A_1250 : i32
        %get3A_1252 = arith.constant 0 : i32
        %get3A_1253 = arith.constant 0 : i32
        %get3A_1254 = tpu.memref_slice %arg6[%scan3A_410, %get3A_1252, %get3A_1253] : memref<3x240x64xi32, #tpu.memory_space<vmem>> -> memref<1x240x64xi32, #tpu.memory_space<vmem>>
        %get3A_1255 = tpu.memref_squeeze %get3A_1254 : memref<1x240x64xi32, #tpu.memory_space<vmem>> -> memref<240x64xi32, #tpu.memory_space<vmem>>
        %get3A_1256 = arith.index_cast %add3A_1251 : i32 to index
        %get3A_1257 = arith.constant 32 : index
        %get3A_1258 = tpu.vector_load %get3A_1255[%get3A_1256, %get3A_1257] {strides = array<i32>} : memref<240x64xi32, #tpu.memory_space<vmem>>, vector<16xi32>,
        %max3A_1259 = arith.maxsi %max3A_1231, %get3A_1249 : vector<16xi32>
        %max3A_1260 = arith.maxsi %max3A_1232, %get3A_1258 : vector<16xi32>
        %shift_left3A_1261 = arith.constant 16 : i32
        %shift_left3A_1262 = vector.broadcast %shift_left3A_1261 : i32 to vector<16xi32>
        %shift_left3A_1263 = arith.shli %get3A_1249, %shift_left3A_1262 : vector<16xi32>
        %max3A_1264 = arith.maxsi %max3A_1236, %shift_left3A_1263 : vector<16xi32>
        %shift_left3A_1265 = arith.constant 16 : i32
        %shift_left3A_1266 = vector.broadcast %shift_left3A_1265 : i32 to vector<16xi32>
        %shift_left3A_1267 = arith.shli %get3A_1258, %shift_left3A_1266 : vector<16xi32>
        %max3A_1268 = arith.maxsi %max3A_1240, %shift_left3A_1267 : vector<16xi32>
        %add3A_1269 = arith.constant 7 : i32
        %add3A_1270 = arith.addi %mul3A_440, %add3A_1269 : i32
        %get3A_1271 = arith.constant 0 : i32
        %get3A_1272 = arith.constant 0 : i32
        %get3A_1273 = tpu.memref_slice %arg6[%scan3A_410, %get3A_1271, %get3A_1272] : memref<3x240x64xi32, #tpu.memory_space<vmem>> -> memref<1x240x64xi32, #tpu.memory_space<vmem>>
        %get3A_1274 = tpu.memref_squeeze %get3A_1273 : memref<1x240x64xi32, #tpu.memory_space<vmem>> -> memref<240x64xi32, #tpu.memory_space<vmem>>
        %get3A_1275 = arith.index_cast %add3A_1270 : i32 to index
        %get3A_1276 = arith.constant 32 : index
        %get3A_1277 = tpu.vector_load %get3A_1274[%get3A_1275, %get3A_1276] {strides = array<i32>} : memref<240x64xi32, #tpu.memory_space<vmem>>, vector<16xi32>,
        %add3A_1278 = arith.constant 7 : i32
        %add3A_1279 = arith.addi %add3A_442, %add3A_1278 : i32
        %get3A_1280 = arith.constant 0 : i32
        %get3A_1281 = arith.constant 0 : i32
        %get3A_1282 = tpu.memref_slice %arg6[%scan3A_410, %get3A_1280, %get3A_1281] : memref<3x240x64xi32, #tpu.memory_space<vmem>> -> memref<1x240x64xi32, #tpu.memory_space<vmem>>
        %get3A_1283 = tpu.memref_squeeze %get3A_1282 : memref<1x240x64xi32, #tpu.memory_space<vmem>> -> memref<240x64xi32, #tpu.memory_space<vmem>>
        %get3A_1284 = arith.index_cast %add3A_1279 : i32 to index
        %get3A_1285 = arith.constant 32 : index
        %get3A_1286 = tpu.vector_load %get3A_1283[%get3A_1284, %get3A_1285] {strides = array<i32>} : memref<240x64xi32, #tpu.memory_space<vmem>>, vector<16xi32>,
        %max3A_1287 = arith.maxsi %max3A_1259, %get3A_1277 : vector<16xi32>
        %max3A_1288 = arith.maxsi %max3A_1260, %get3A_1286 : vector<16xi32>
        %shift_left3A_1289 = arith.constant 16 : i32
        %shift_left3A_1290 = vector.broadcast %shift_left3A_1289 : i32 to vector<16xi32>
        %shift_left3A_1291 = arith.shli %get3A_1277, %shift_left3A_1290 : vector<16xi32>
        %max3A_1292 = arith.maxsi %max3A_1264, %shift_left3A_1291 : vector<16xi32>
        %shift_left3A_1293 = arith.constant 16 : i32
        %shift_left3A_1294 = vector.broadcast %shift_left3A_1293 : i32 to vector<16xi32>
        %shift_left3A_1295 = arith.shli %get3A_1286, %shift_left3A_1294 : vector<16xi32>
        %max3A_1296 = arith.maxsi %max3A_1268, %shift_left3A_1295 : vector<16xi32>
        %add3A_1297 = arith.constant 8 : i32
        %add3A_1298 = arith.addi %mul3A_440, %add3A_1297 : i32
        %get3A_1299 = arith.constant 0 : i32
        %get3A_1300 = arith.constant 0 : i32
        %get3A_1301 = tpu.memref_slice %arg6[%scan3A_410, %get3A_1299, %get3A_1300] : memref<3x240x64xi32, #tpu.memory_space<vmem>> -> memref<1x240x64xi32, #tpu.memory_space<vmem>>
        %get3A_1302 = tpu.memref_squeeze %get3A_1301 : memref<1x240x64xi32, #tpu.memory_space<vmem>> -> memref<240x64xi32, #tpu.memory_space<vmem>>
        %get3A_1303 = arith.index_cast %add3A_1298 : i32 to index
        %get3A_1304 = arith.constant 32 : index
        %get3A_1305 = tpu.vector_load %get3A_1302[%get3A_1303, %get3A_1304] {strides = array<i32>} : memref<240x64xi32, #tpu.memory_space<vmem>>, vector<16xi32>,
        %add3A_1306 = arith.constant 8 : i32
        %add3A_1307 = arith.addi %add3A_442, %add3A_1306 : i32
        %get3A_1308 = arith.constant 0 : i32
        %get3A_1309 = arith.constant 0 : i32
        %get3A_1310 = tpu.memref_slice %arg6[%scan3A_410, %get3A_1308, %get3A_1309] : memref<3x240x64xi32, #tpu.memory_space<vmem>> -> memref<1x240x64xi32, #tpu.memory_space<vmem>>
        %get3A_1311 = tpu.memref_squeeze %get3A_1310 : memref<1x240x64xi32, #tpu.memory_space<vmem>> -> memref<240x64xi32, #tpu.memory_space<vmem>>
        %get3A_1312 = arith.index_cast %add3A_1307 : i32 to index
        %get3A_1313 = arith.constant 32 : index
        %get3A_1314 = tpu.vector_load %get3A_1311[%get3A_1312, %get3A_1313] {strides = array<i32>} : memref<240x64xi32, #tpu.memory_space<vmem>>, vector<16xi32>,
        %max3A_1315 = arith.maxsi %max3A_1287, %get3A_1305 : vector<16xi32>
        %max3A_1316 = arith.maxsi %max3A_1288, %get3A_1314 : vector<16xi32>
        %shift_left3A_1317 = arith.constant 16 : i32
        %shift_left3A_1318 = vector.broadcast %shift_left3A_1317 : i32 to vector<16xi32>
        %shift_left3A_1319 = arith.shli %get3A_1305, %shift_left3A_1318 : vector<16xi32>
        %max3A_1320 = arith.maxsi %max3A_1292, %shift_left3A_1319 : vector<16xi32>
        %shift_left3A_1321 = arith.constant 16 : i32
        %shift_left3A_1322 = vector.broadcast %shift_left3A_1321 : i32 to vector<16xi32>
        %shift_left3A_1323 = arith.shli %get3A_1314, %shift_left3A_1322 : vector<16xi32>
        %max3A_1324 = arith.maxsi %max3A_1296, %shift_left3A_1323 : vector<16xi32>
        %add3A_1325 = arith.constant 9 : i32
        %add3A_1326 = arith.addi %mul3A_440, %add3A_1325 : i32
        %get3A_1327 = arith.constant 0 : i32
        %get3A_1328 = arith.constant 0 : i32
        %get3A_1329 = tpu.memref_slice %arg6[%scan3A_410, %get3A_1327, %get3A_1328] : memref<3x240x64xi32, #tpu.memory_space<vmem>> -> memref<1x240x64xi32, #tpu.memory_space<vmem>>
        %get3A_1330 = tpu.memref_squeeze %get3A_1329 : memref<1x240x64xi32, #tpu.memory_space<vmem>> -> memref<240x64xi32, #tpu.memory_space<vmem>>
        %get3A_1331 = arith.index_cast %add3A_1326 : i32 to index
        %get3A_1332 = arith.constant 32 : index
        %get3A_1333 = tpu.vector_load %get3A_1330[%get3A_1331, %get3A_1332] {strides = array<i32>} : memref<240x64xi32, #tpu.memory_space<vmem>>, vector<16xi32>,
        %add3A_1334 = arith.constant 9 : i32
        %add3A_1335 = arith.addi %add3A_442, %add3A_1334 : i32
        %get3A_1336 = arith.constant 0 : i32
        %get3A_1337 = arith.constant 0 : i32
        %get3A_1338 = tpu.memref_slice %arg6[%scan3A_410, %get3A_1336, %get3A_1337] : memref<3x240x64xi32, #tpu.memory_space<vmem>> -> memref<1x240x64xi32, #tpu.memory_space<vmem>>
        %get3A_1339 = tpu.memref_squeeze %get3A_1338 : memref<1x240x64xi32, #tpu.memory_space<vmem>> -> memref<240x64xi32, #tpu.memory_space<vmem>>
        %get3A_1340 = arith.index_cast %add3A_1335 : i32 to index
        %get3A_1341 = arith.constant 32 : index
        %get3A_1342 = tpu.vector_load %get3A_1339[%get3A_1340, %get3A_1341] {strides = array<i32>} : memref<240x64xi32, #tpu.memory_space<vmem>>, vector<16xi32>,
        %max3A_1343 = arith.maxsi %max3A_1315, %get3A_1333 : vector<16xi32>
        %max3A_1344 = arith.maxsi %max3A_1316, %get3A_1342 : vector<16xi32>
        %shift_left3A_1345 = arith.constant 16 : i32
        %shift_left3A_1346 = vector.broadcast %shift_left3A_1345 : i32 to vector<16xi32>
        %shift_left3A_1347 = arith.shli %get3A_1333, %shift_left3A_1346 : vector<16xi32>
        %max3A_1348 = arith.maxsi %max3A_1320, %shift_left3A_1347 : vector<16xi32>
        %shift_left3A_1349 = arith.constant 16 : i32
        %shift_left3A_1350 = vector.broadcast %shift_left3A_1349 : i32 to vector<16xi32>
        %shift_left3A_1351 = arith.shli %get3A_1342, %shift_left3A_1350 : vector<16xi32>
        %max3A_1352 = arith.maxsi %max3A_1324, %shift_left3A_1351 : vector<16xi32>
        %bitcast3A_1353 = vector.bitcast %max3A_1348 : vector<16xi32> to vector<16xf32>
        %mul3A_1354 = arith.constant 2 : i32
        %mul3A_1355 = arith.muli %mul3A_1354, %scan3A_436 : i32
        %swap3A_1356 = arith.constant 0 : i32
        %swap3A_1357 = arith.constant 0 : i32
        %swap3A_1358 = tpu.memref_slice %arg7[%scan3A_411, %swap3A_1356, %swap3A_1357] : memref<3x24x128xf32, #tpu.memory_space<vmem>> -> memref<1x24x128xf32, #tpu.memory_space<vmem>>
        %swap3A_1359 = tpu.memref_squeeze %swap3A_1358 : memref<1x24x128xf32, #tpu.memory_space<vmem>> -> memref<24x128xf32, #tpu.memory_space<vmem>>
        %swap3A_1360 = arith.index_cast %mul3A_1355 : i32 to index
        %swap3A_1361 = arith.constant 32 : index
        %swap3A_1362 = tpu.vector_load %swap3A_1359[%swap3A_1360, %swap3A_1361] {strides = array<i32>} : memref<24x128xf32, #tpu.memory_space<vmem>>, vector<16xf32>,
        tpu.vector_store %swap3A_1359[%swap3A_1360, %swap3A_1361], %bitcast3A_1353 {strides = array<i32>} : memref<24x128xf32, #tpu.memory_space<vmem>>, vector<16xf32>,
        %bitcast3A_1363 = vector.bitcast %max3A_1352 : vector<16xi32> to vector<16xf32>
        %mul3A_1364 = arith.constant 2 : i32
        %mul3A_1365 = arith.muli %mul3A_1364, %scan3A_436 : i32
        %add3A_1366 = arith.constant 1 : i32
        %add3A_1367 = arith.addi %mul3A_1365, %add3A_1366 : i32
        %swap3A_1368 = arith.constant 0 : i32
        %swap3A_1369 = arith.constant 0 : i32
        %swap3A_1370 = tpu.memref_slice %arg7[%scan3A_411, %swap3A_1368, %swap3A_1369] : memref<3x24x128xf32, #tpu.memory_space<vmem>> -> memref<1x24x128xf32, #tpu.memory_space<vmem>>
        %swap3A_1371 = tpu.memref_squeeze %swap3A_1370 : memref<1x24x128xf32, #tpu.memory_space<vmem>> -> memref<24x128xf32, #tpu.memory_space<vmem>>
        %swap3A_1372 = arith.index_cast %add3A_1367 : i32 to index
        %swap3A_1373 = arith.constant 32 : index
        %swap3A_1374 = tpu.vector_load %swap3A_1371[%swap3A_1372, %swap3A_1373] {strides = array<i32>} : memref<24x128xf32, #tpu.memory_space<vmem>>, vector<16xf32>,
        tpu.vector_store %swap3A_1371[%swap3A_1372, %swap3A_1373], %bitcast3A_1363 {strides = array<i32>} : memref<24x128xf32, #tpu.memory_space<vmem>>, vector<16xf32>,
        %and3A_1375 = arith.constant -65536 : i32
        %and3A_1376 = vector.broadcast %and3A_1375 : i32 to vector<16xi32>
        %and3A_1377 = arith.andi %max3A_1343, %and3A_1376 : vector<16xi32>
        %bitcast3A_1378 = vector.bitcast %and3A_1377 : vector<16xi32> to vector<16xf32>
        %mul3A_1379 = arith.constant 2 : i32
        %mul3A_1380 = arith.muli %mul3A_1379, %scan3A_436 : i32
        %swap3A_1381 = arith.constant 0 : i32
        %swap3A_1382 = arith.constant 0 : i32
        %swap3A_1383 = tpu.memref_slice %arg7[%scan3A_411, %swap3A_1381, %swap3A_1382] : memref<3x24x128xf32, #tpu.memory_space<vmem>> -> memref<1x24x128xf32, #tpu.memory_space<vmem>>
        %swap3A_1384 = tpu.memref_squeeze %swap3A_1383 : memref<1x24x128xf32, #tpu.memory_space<vmem>> -> memref<24x128xf32, #tpu.memory_space<vmem>>
        %swap3A_1385 = arith.index_cast %mul3A_1380 : i32 to index
        %swap3A_1386 = arith.constant 96 : index
        %swap3A_1387 = tpu.vector_load %swap3A_1384[%swap3A_1385, %swap3A_1386] {strides = array<i32>} : memref<24x128xf32, #tpu.memory_space<vmem>>, vector<16xf32>,
        tpu.vector_store %swap3A_1384[%swap3A_1385, %swap3A_1386], %bitcast3A_1378 {strides = array<i32>} : memref<24x128xf32, #tpu.memory_space<vmem>>, vector<16xf32>,
        %and3A_1388 = arith.constant -65536 : i32
        %and3A_1389 = vector.broadcast %and3A_1388 : i32 to vector<16xi32>
        %and3A_1390 = arith.andi %max3A_1344, %and3A_1389 : vector<16xi32>
        %bitcast3A_1391 = vector.bitcast %and3A_1390 : vector<16xi32> to vector<16xf32>
        %mul3A_1392 = arith.constant 2 : i32
        %mul3A_1393 = arith.muli %mul3A_1392, %scan3A_436 : i32
        %add3A_1394 = arith.constant 1 : i32
        %add3A_1395 = arith.addi %mul3A_1393, %add3A_1394 : i32
        %swap3A_1396 = arith.constant 0 : i32
        %swap3A_1397 = arith.constant 0 : i32
        %swap3A_1398 = tpu.memref_slice %arg7[%scan3A_411, %swap3A_1396, %swap3A_1397] : memref<3x24x128xf32, #tpu.memory_space<vmem>> -> memref<1x24x128xf32, #tpu.memory_space<vmem>>
        %swap3A_1399 = tpu.memref_squeeze %swap3A_1398 : memref<1x24x128xf32, #tpu.memory_space<vmem>> -> memref<24x128xf32, #tpu.memory_space<vmem>>
        %swap3A_1400 = arith.index_cast %add3A_1395 : i32 to index
        %swap3A_1401 = arith.constant 96 : index
        %swap3A_1402 = tpu.vector_load %swap3A_1399[%swap3A_1400, %swap3A_1401] {strides = array<i32>} : memref<24x128xf32, #tpu.memory_space<vmem>>, vector<16xf32>,
        tpu.vector_store %swap3A_1399[%swap3A_1400, %swap3A_1401], %bitcast3A_1391 {strides = array<i32>} : memref<24x128xf32, #tpu.memory_space<vmem>>, vector<16xf32>,
        %get3A_1403 = arith.constant 0 : i32
        %get3A_1404 = arith.constant 0 : i32
        %get3A_1405 = tpu.memref_slice %arg6[%scan3A_410, %get3A_1403, %get3A_1404] : memref<3x240x64xi32, #tpu.memory_space<vmem>> -> memref<1x240x64xi32, #tpu.memory_space<vmem>>
        %get3A_1406 = tpu.memref_squeeze %get3A_1405 : memref<1x240x64xi32, #tpu.memory_space<vmem>> -> memref<240x64xi32, #tpu.memory_space<vmem>>
        %get3A_1407 = arith.index_cast %mul3A_440 : i32 to index
        %get3A_1408 = arith.constant 48 : index
        %get3A_1409 = tpu.vector_load %get3A_1406[%get3A_1407, %get3A_1408] {strides = array<i32>} : memref<240x64xi32, #tpu.memory_space<vmem>>, vector<16xi32>,
        %get3A_1410 = arith.constant 0 : i32
        %get3A_1411 = arith.constant 0 : i32
        %get3A_1412 = tpu.memref_slice %arg6[%scan3A_410, %get3A_1410, %get3A_1411] : memref<3x240x64xi32, #tpu.memory_space<vmem>> -> memref<1x240x64xi32, #tpu.memory_space<vmem>>
        %get3A_1413 = tpu.memref_squeeze %get3A_1412 : memref<1x240x64xi32, #tpu.memory_space<vmem>> -> memref<240x64xi32, #tpu.memory_space<vmem>>
        %get3A_1414 = arith.index_cast %add3A_442 : i32 to index
        %get3A_1415 = arith.constant 48 : index
        %get3A_1416 = tpu.vector_load %get3A_1413[%get3A_1414, %get3A_1415] {strides = array<i32>} : memref<240x64xi32, #tpu.memory_space<vmem>>, vector<16xi32>,
        %shift_left3A_1417 = arith.constant 16 : i32
        %shift_left3A_1418 = vector.broadcast %shift_left3A_1417 : i32 to vector<16xi32>
        %shift_left3A_1419 = arith.shli %get3A_1409, %shift_left3A_1418 : vector<16xi32>
        %shift_left3A_1420 = arith.constant 16 : i32
        %shift_left3A_1421 = vector.broadcast %shift_left3A_1420 : i32 to vector<16xi32>
        %shift_left3A_1422 = arith.shli %get3A_1416, %shift_left3A_1421 : vector<16xi32>
        %add3A_1423 = arith.constant 1 : i32
        %add3A_1424 = arith.addi %mul3A_440, %add3A_1423 : i32
        %get3A_1425 = arith.constant 0 : i32
        %get3A_1426 = arith.constant 0 : i32
        %get3A_1427 = tpu.memref_slice %arg6[%scan3A_410, %get3A_1425, %get3A_1426] : memref<3x240x64xi32, #tpu.memory_space<vmem>> -> memref<1x240x64xi32, #tpu.memory_space<vmem>>
        %get3A_1428 = tpu.memref_squeeze %get3A_1427 : memref<1x240x64xi32, #tpu.memory_space<vmem>> -> memref<240x64xi32, #tpu.memory_space<vmem>>
        %get3A_1429 = arith.index_cast %add3A_1424 : i32 to index
        %get3A_1430 = arith.constant 48 : index
        %get3A_1431 = tpu.vector_load %get3A_1428[%get3A_1429, %get3A_1430] {strides = array<i32>} : memref<240x64xi32, #tpu.memory_space<vmem>>, vector<16xi32>,
        %add3A_1432 = arith.constant 1 : i32
        %add3A_1433 = arith.addi %add3A_442, %add3A_1432 : i32
        %get3A_1434 = arith.constant 0 : i32
        %get3A_1435 = arith.constant 0 : i32
        %get3A_1436 = tpu.memref_slice %arg6[%scan3A_410, %get3A_1434, %get3A_1435] : memref<3x240x64xi32, #tpu.memory_space<vmem>> -> memref<1x240x64xi32, #tpu.memory_space<vmem>>
        %get3A_1437 = tpu.memref_squeeze %get3A_1436 : memref<1x240x64xi32, #tpu.memory_space<vmem>> -> memref<240x64xi32, #tpu.memory_space<vmem>>
        %get3A_1438 = arith.index_cast %add3A_1433 : i32 to index
        %get3A_1439 = arith.constant 48 : index
        %get3A_1440 = tpu.vector_load %get3A_1437[%get3A_1438, %get3A_1439] {strides = array<i32>} : memref<240x64xi32, #tpu.memory_space<vmem>>, vector<16xi32>,
        %max3A_1441 = arith.maxsi %get3A_1409, %get3A_1431 : vector<16xi32>
        %max3A_1442 = arith.maxsi %get3A_1416, %get3A_1440 : vector<16xi32>
        %shift_left3A_1443 = arith.constant 16 : i32
        %shift_left3A_1444 = vector.broadcast %shift_left3A_1443 : i32 to vector<16xi32>
        %shift_left3A_1445 = arith.shli %get3A_1431, %shift_left3A_1444 : vector<16xi32>
        %max3A_1446 = arith.maxsi %shift_left3A_1419, %shift_left3A_1445 : vector<16xi32>
        %shift_left3A_1447 = arith.constant 16 : i32
        %shift_left3A_1448 = vector.broadcast %shift_left3A_1447 : i32 to vector<16xi32>
        %shift_left3A_1449 = arith.shli %get3A_1440, %shift_left3A_1448 : vector<16xi32>
        %max3A_1450 = arith.maxsi %shift_left3A_1422, %shift_left3A_1449 : vector<16xi32>
        %add3A_1451 = arith.constant 2 : i32
        %add3A_1452 = arith.addi %mul3A_440, %add3A_1451 : i32
        %get3A_1453 = arith.constant 0 : i32
        %get3A_1454 = arith.constant 0 : i32
        %get3A_1455 = tpu.memref_slice %arg6[%scan3A_410, %get3A_1453, %get3A_1454] : memref<3x240x64xi32, #tpu.memory_space<vmem>> -> memref<1x240x64xi32, #tpu.memory_space<vmem>>
        %get3A_1456 = tpu.memref_squeeze %get3A_1455 : memref<1x240x64xi32, #tpu.memory_space<vmem>> -> memref<240x64xi32, #tpu.memory_space<vmem>>
        %get3A_1457 = arith.index_cast %add3A_1452 : i32 to index
        %get3A_1458 = arith.constant 48 : index
        %get3A_1459 = tpu.vector_load %get3A_1456[%get3A_1457, %get3A_1458] {strides = array<i32>} : memref<240x64xi32, #tpu.memory_space<vmem>>, vector<16xi32>,
        %add3A_1460 = arith.constant 2 : i32
        %add3A_1461 = arith.addi %add3A_442, %add3A_1460 : i32
        %get3A_1462 = arith.constant 0 : i32
        %get3A_1463 = arith.constant 0 : i32
        %get3A_1464 = tpu.memref_slice %arg6[%scan3A_410, %get3A_1462, %get3A_1463] : memref<3x240x64xi32, #tpu.memory_space<vmem>> -> memref<1x240x64xi32, #tpu.memory_space<vmem>>
        %get3A_1465 = tpu.memref_squeeze %get3A_1464 : memref<1x240x64xi32, #tpu.memory_space<vmem>> -> memref<240x64xi32, #tpu.memory_space<vmem>>
        %get3A_1466 = arith.index_cast %add3A_1461 : i32 to index
        %get3A_1467 = arith.constant 48 : index
        %get3A_1468 = tpu.vector_load %get3A_1465[%get3A_1466, %get3A_1467] {strides = array<i32>} : memref<240x64xi32, #tpu.memory_space<vmem>>, vector<16xi32>,
        %max3A_1469 = arith.maxsi %max3A_1441, %get3A_1459 : vector<16xi32>
        %max3A_1470 = arith.maxsi %max3A_1442, %get3A_1468 : vector<16xi32>
        %shift_left3A_1471 = arith.constant 16 : i32
        %shift_left3A_1472 = vector.broadcast %shift_left3A_1471 : i32 to vector<16xi32>
        %shift_left3A_1473 = arith.shli %get3A_1459, %shift_left3A_1472 : vector<16xi32>
        %max3A_1474 = arith.maxsi %max3A_1446, %shift_left3A_1473 : vector<16xi32>
        %shift_left3A_1475 = arith.constant 16 : i32
        %shift_left3A_1476 = vector.broadcast %shift_left3A_1475 : i32 to vector<16xi32>
        %shift_left3A_1477 = arith.shli %get3A_1468, %shift_left3A_1476 : vector<16xi32>
        %max3A_1478 = arith.maxsi %max3A_1450, %shift_left3A_1477 : vector<16xi32>
        %add3A_1479 = arith.constant 3 : i32
        %add3A_1480 = arith.addi %mul3A_440, %add3A_1479 : i32
        %get3A_1481 = arith.constant 0 : i32
        %get3A_1482 = arith.constant 0 : i32
        %get3A_1483 = tpu.memref_slice %arg6[%scan3A_410, %get3A_1481, %get3A_1482] : memref<3x240x64xi32, #tpu.memory_space<vmem>> -> memref<1x240x64xi32, #tpu.memory_space<vmem>>
        %get3A_1484 = tpu.memref_squeeze %get3A_1483 : memref<1x240x64xi32, #tpu.memory_space<vmem>> -> memref<240x64xi32, #tpu.memory_space<vmem>>
        %get3A_1485 = arith.index_cast %add3A_1480 : i32 to index
        %get3A_1486 = arith.constant 48 : index
        %get3A_1487 = tpu.vector_load %get3A_1484[%get3A_1485, %get3A_1486] {strides = array<i32>} : memref<240x64xi32, #tpu.memory_space<vmem>>, vector<16xi32>,
        %add3A_1488 = arith.constant 3 : i32
        %add3A_1489 = arith.addi %add3A_442, %add3A_1488 : i32
        %get3A_1490 = arith.constant 0 : i32
        %get3A_1491 = arith.constant 0 : i32
        %get3A_1492 = tpu.memref_slice %arg6[%scan3A_410, %get3A_1490, %get3A_1491] : memref<3x240x64xi32, #tpu.memory_space<vmem>> -> memref<1x240x64xi32, #tpu.memory_space<vmem>>
        %get3A_1493 = tpu.memref_squeeze %get3A_1492 : memref<1x240x64xi32, #tpu.memory_space<vmem>> -> memref<240x64xi32, #tpu.memory_space<vmem>>
        %get3A_1494 = arith.index_cast %add3A_1489 : i32 to index
        %get3A_1495 = arith.constant 48 : index
        %get3A_1496 = tpu.vector_load %get3A_1493[%get3A_1494, %get3A_1495] {strides = array<i32>} : memref<240x64xi32, #tpu.memory_space<vmem>>, vector<16xi32>,
        %max3A_1497 = arith.maxsi %max3A_1469, %get3A_1487 : vector<16xi32>
        %max3A_1498 = arith.maxsi %max3A_1470, %get3A_1496 : vector<16xi32>
        %shift_left3A_1499 = arith.constant 16 : i32
        %shift_left3A_1500 = vector.broadcast %shift_left3A_1499 : i32 to vector<16xi32>
        %shift_left3A_1501 = arith.shli %get3A_1487, %shift_left3A_1500 : vector<16xi32>
        %max3A_1502 = arith.maxsi %max3A_1474, %shift_left3A_1501 : vector<16xi32>
        %shift_left3A_1503 = arith.constant 16 : i32
        %shift_left3A_1504 = vector.broadcast %shift_left3A_1503 : i32 to vector<16xi32>
        %shift_left3A_1505 = arith.shli %get3A_1496, %shift_left3A_1504 : vector<16xi32>
        %max3A_1506 = arith.maxsi %max3A_1478, %shift_left3A_1505 : vector<16xi32>
        %add3A_1507 = arith.constant 4 : i32
        %add3A_1508 = arith.addi %mul3A_440, %add3A_1507 : i32
        %get3A_1509 = arith.constant 0 : i32
        %get3A_1510 = arith.constant 0 : i32
        %get3A_1511 = tpu.memref_slice %arg6[%scan3A_410, %get3A_1509, %get3A_1510] : memref<3x240x64xi32, #tpu.memory_space<vmem>> -> memref<1x240x64xi32, #tpu.memory_space<vmem>>
        %get3A_1512 = tpu.memref_squeeze %get3A_1511 : memref<1x240x64xi32, #tpu.memory_space<vmem>> -> memref<240x64xi32, #tpu.memory_space<vmem>>
        %get3A_1513 = arith.index_cast %add3A_1508 : i32 to index
        %get3A_1514 = arith.constant 48 : index
        %get3A_1515 = tpu.vector_load %get3A_1512[%get3A_1513, %get3A_1514] {strides = array<i32>} : memref<240x64xi32, #tpu.memory_space<vmem>>, vector<16xi32>,
        %add3A_1516 = arith.constant 4 : i32
        %add3A_1517 = arith.addi %add3A_442, %add3A_1516 : i32
        %get3A_1518 = arith.constant 0 : i32
        %get3A_1519 = arith.constant 0 : i32
        %get3A_1520 = tpu.memref_slice %arg6[%scan3A_410, %get3A_1518, %get3A_1519] : memref<3x240x64xi32, #tpu.memory_space<vmem>> -> memref<1x240x64xi32, #tpu.memory_space<vmem>>
        %get3A_1521 = tpu.memref_squeeze %get3A_1520 : memref<1x240x64xi32, #tpu.memory_space<vmem>> -> memref<240x64xi32, #tpu.memory_space<vmem>>
        %get3A_1522 = arith.index_cast %add3A_1517 : i32 to index
        %get3A_1523 = arith.constant 48 : index
        %get3A_1524 = tpu.vector_load %get3A_1521[%get3A_1522, %get3A_1523] {strides = array<i32>} : memref<240x64xi32, #tpu.memory_space<vmem>>, vector<16xi32>,
        %max3A_1525 = arith.maxsi %max3A_1497, %get3A_1515 : vector<16xi32>
        %max3A_1526 = arith.maxsi %max3A_1498, %get3A_1524 : vector<16xi32>
        %shift_left3A_1527 = arith.constant 16 : i32
        %shift_left3A_1528 = vector.broadcast %shift_left3A_1527 : i32 to vector<16xi32>
        %shift_left3A_1529 = arith.shli %get3A_1515, %shift_left3A_1528 : vector<16xi32>
        %max3A_1530 = arith.maxsi %max3A_1502, %shift_left3A_1529 : vector<16xi32>
        %shift_left3A_1531 = arith.constant 16 : i32
        %shift_left3A_1532 = vector.broadcast %shift_left3A_1531 : i32 to vector<16xi32>
        %shift_left3A_1533 = arith.shli %get3A_1524, %shift_left3A_1532 : vector<16xi32>
        %max3A_1534 = arith.maxsi %max3A_1506, %shift_left3A_1533 : vector<16xi32>
        %add3A_1535 = arith.constant 5 : i32
        %add3A_1536 = arith.addi %mul3A_440, %add3A_1535 : i32
        %get3A_1537 = arith.constant 0 : i32
        %get3A_1538 = arith.constant 0 : i32
        %get3A_1539 = tpu.memref_slice %arg6[%scan3A_410, %get3A_1537, %get3A_1538] : memref<3x240x64xi32, #tpu.memory_space<vmem>> -> memref<1x240x64xi32, #tpu.memory_space<vmem>>
        %get3A_1540 = tpu.memref_squeeze %get3A_1539 : memref<1x240x64xi32, #tpu.memory_space<vmem>> -> memref<240x64xi32, #tpu.memory_space<vmem>>
        %get3A_1541 = arith.index_cast %add3A_1536 : i32 to index
        %get3A_1542 = arith.constant 48 : index
        %get3A_1543 = tpu.vector_load %get3A_1540[%get3A_1541, %get3A_1542] {strides = array<i32>} : memref<240x64xi32, #tpu.memory_space<vmem>>, vector<16xi32>,
        %add3A_1544 = arith.constant 5 : i32
        %add3A_1545 = arith.addi %add3A_442, %add3A_1544 : i32
        %get3A_1546 = arith.constant 0 : i32
        %get3A_1547 = arith.constant 0 : i32
        %get3A_1548 = tpu.memref_slice %arg6[%scan3A_410, %get3A_1546, %get3A_1547] : memref<3x240x64xi32, #tpu.memory_space<vmem>> -> memref<1x240x64xi32, #tpu.memory_space<vmem>>
        %get3A_1549 = tpu.memref_squeeze %get3A_1548 : memref<1x240x64xi32, #tpu.memory_space<vmem>> -> memref<240x64xi32, #tpu.memory_space<vmem>>
        %get3A_1550 = arith.index_cast %add3A_1545 : i32 to index
        %get3A_1551 = arith.constant 48 : index
        %get3A_1552 = tpu.vector_load %get3A_1549[%get3A_1550, %get3A_1551] {strides = array<i32>} : memref<240x64xi32, #tpu.memory_space<vmem>>, vector<16xi32>,
        %max3A_1553 = arith.maxsi %max3A_1525, %get3A_1543 : vector<16xi32>
        %max3A_1554 = arith.maxsi %max3A_1526, %get3A_1552 : vector<16xi32>
        %shift_left3A_1555 = arith.constant 16 : i32
        %shift_left3A_1556 = vector.broadcast %shift_left3A_1555 : i32 to vector<16xi32>
        %shift_left3A_1557 = arith.shli %get3A_1543, %shift_left3A_1556 : vector<16xi32>
        %max3A_1558 = arith.maxsi %max3A_1530, %shift_left3A_1557 : vector<16xi32>
        %shift_left3A_1559 = arith.constant 16 : i32
        %shift_left3A_1560 = vector.broadcast %shift_left3A_1559 : i32 to vector<16xi32>
        %shift_left3A_1561 = arith.shli %get3A_1552, %shift_left3A_1560 : vector<16xi32>
        %max3A_1562 = arith.maxsi %max3A_1534, %shift_left3A_1561 : vector<16xi32>
        %add3A_1563 = arith.constant 6 : i32
        %add3A_1564 = arith.addi %mul3A_440, %add3A_1563 : i32
        %get3A_1565 = arith.constant 0 : i32
        %get3A_1566 = arith.constant 0 : i32
        %get3A_1567 = tpu.memref_slice %arg6[%scan3A_410, %get3A_1565, %get3A_1566] : memref<3x240x64xi32, #tpu.memory_space<vmem>> -> memref<1x240x64xi32, #tpu.memory_space<vmem>>
        %get3A_1568 = tpu.memref_squeeze %get3A_1567 : memref<1x240x64xi32, #tpu.memory_space<vmem>> -> memref<240x64xi32, #tpu.memory_space<vmem>>
        %get3A_1569 = arith.index_cast %add3A_1564 : i32 to index
        %get3A_1570 = arith.constant 48 : index
        %get3A_1571 = tpu.vector_load %get3A_1568[%get3A_1569, %get3A_1570] {strides = array<i32>} : memref<240x64xi32, #tpu.memory_space<vmem>>, vector<16xi32>,
        %add3A_1572 = arith.constant 6 : i32
        %add3A_1573 = arith.addi %add3A_442, %add3A_1572 : i32
        %get3A_1574 = arith.constant 0 : i32
        %get3A_1575 = arith.constant 0 : i32
        %get3A_1576 = tpu.memref_slice %arg6[%scan3A_410, %get3A_1574, %get3A_1575] : memref<3x240x64xi32, #tpu.memory_space<vmem>> -> memref<1x240x64xi32, #tpu.memory_space<vmem>>
        %get3A_1577 = tpu.memref_squeeze %get3A_1576 : memref<1x240x64xi32, #tpu.memory_space<vmem>> -> memref<240x64xi32, #tpu.memory_space<vmem>>
        %get3A_1578 = arith.index_cast %add3A_1573 : i32 to index
        %get3A_1579 = arith.constant 48 : index
        %get3A_1580 = tpu.vector_load %get3A_1577[%get3A_1578, %get3A_1579] {strides = array<i32>} : memref<240x64xi32, #tpu.memory_space<vmem>>, vector<16xi32>,
        %max3A_1581 = arith.maxsi %max3A_1553, %get3A_1571 : vector<16xi32>
        %max3A_1582 = arith.maxsi %max3A_1554, %get3A_1580 : vector<16xi32>
        %shift_left3A_1583 = arith.constant 16 : i32
        %shift_left3A_1584 = vector.broadcast %shift_left3A_1583 : i32 to vector<16xi32>
        %shift_left3A_1585 = arith.shli %get3A_1571, %shift_left3A_1584 : vector<16xi32>
        %max3A_1586 = arith.maxsi %max3A_1558, %shift_left3A_1585 : vector<16xi32>
        %shift_left3A_1587 = arith.constant 16 : i32
        %shift_left3A_1588 = vector.broadcast %shift_left3A_1587 : i32 to vector<16xi32>
        %shift_left3A_1589 = arith.shli %get3A_1580, %shift_left3A_1588 : vector<16xi32>
        %max3A_1590 = arith.maxsi %max3A_1562, %shift_left3A_1589 : vector<16xi32>
        %add3A_1591 = arith.constant 7 : i32
        %add3A_1592 = arith.addi %mul3A_440, %add3A_1591 : i32
        %get3A_1593 = arith.constant 0 : i32
        %get3A_1594 = arith.constant 0 : i32
        %get3A_1595 = tpu.memref_slice %arg6[%scan3A_410, %get3A_1593, %get3A_1594] : memref<3x240x64xi32, #tpu.memory_space<vmem>> -> memref<1x240x64xi32, #tpu.memory_space<vmem>>
        %get3A_1596 = tpu.memref_squeeze %get3A_1595 : memref<1x240x64xi32, #tpu.memory_space<vmem>> -> memref<240x64xi32, #tpu.memory_space<vmem>>
        %get3A_1597 = arith.index_cast %add3A_1592 : i32 to index
        %get3A_1598 = arith.constant 48 : index
        %get3A_1599 = tpu.vector_load %get3A_1596[%get3A_1597, %get3A_1598] {strides = array<i32>} : memref<240x64xi32, #tpu.memory_space<vmem>>, vector<16xi32>,
        %add3A_1600 = arith.constant 7 : i32
        %add3A_1601 = arith.addi %add3A_442, %add3A_1600 : i32
        %get3A_1602 = arith.constant 0 : i32
        %get3A_1603 = arith.constant 0 : i32
        %get3A_1604 = tpu.memref_slice %arg6[%scan3A_410, %get3A_1602, %get3A_1603] : memref<3x240x64xi32, #tpu.memory_space<vmem>> -> memref<1x240x64xi32, #tpu.memory_space<vmem>>
        %get3A_1605 = tpu.memref_squeeze %get3A_1604 : memref<1x240x64xi32, #tpu.memory_space<vmem>> -> memref<240x64xi32, #tpu.memory_space<vmem>>
        %get3A_1606 = arith.index_cast %add3A_1601 : i32 to index
        %get3A_1607 = arith.constant 48 : index
        %get3A_1608 = tpu.vector_load %get3A_1605[%get3A_1606, %get3A_1607] {strides = array<i32>} : memref<240x64xi32, #tpu.memory_space<vmem>>, vector<16xi32>,
        %max3A_1609 = arith.maxsi %max3A_1581, %get3A_1599 : vector<16xi32>
        %max3A_1610 = arith.maxsi %max3A_1582, %get3A_1608 : vector<16xi32>
        %shift_left3A_1611 = arith.constant 16 : i32
        %shift_left3A_1612 = vector.broadcast %shift_left3A_1611 : i32 to vector<16xi32>
        %shift_left3A_1613 = arith.shli %get3A_1599, %shift_left3A_1612 : vector<16xi32>
        %max3A_1614 = arith.maxsi %max3A_1586, %shift_left3A_1613 : vector<16xi32>
        %shift_left3A_1615 = arith.constant 16 : i32
        %shift_left3A_1616 = vector.broadcast %shift_left3A_1615 : i32 to vector<16xi32>
        %shift_left3A_1617 = arith.shli %get3A_1608, %shift_left3A_1616 : vector<16xi32>
        %max3A_1618 = arith.maxsi %max3A_1590, %shift_left3A_1617 : vector<16xi32>
        %add3A_1619 = arith.constant 8 : i32
        %add3A_1620 = arith.addi %mul3A_440, %add3A_1619 : i32
        %get3A_1621 = arith.constant 0 : i32
        %get3A_1622 = arith.constant 0 : i32
        %get3A_1623 = tpu.memref_slice %arg6[%scan3A_410, %get3A_1621, %get3A_1622] : memref<3x240x64xi32, #tpu.memory_space<vmem>> -> memref<1x240x64xi32, #tpu.memory_space<vmem>>
        %get3A_1624 = tpu.memref_squeeze %get3A_1623 : memref<1x240x64xi32, #tpu.memory_space<vmem>> -> memref<240x64xi32, #tpu.memory_space<vmem>>
        %get3A_1625 = arith.index_cast %add3A_1620 : i32 to index
        %get3A_1626 = arith.constant 48 : index
        %get3A_1627 = tpu.vector_load %get3A_1624[%get3A_1625, %get3A_1626] {strides = array<i32>} : memref<240x64xi32, #tpu.memory_space<vmem>>, vector<16xi32>,
        %add3A_1628 = arith.constant 8 : i32
        %add3A_1629 = arith.addi %add3A_442, %add3A_1628 : i32
        %get3A_1630 = arith.constant 0 : i32
        %get3A_1631 = arith.constant 0 : i32
        %get3A_1632 = tpu.memref_slice %arg6[%scan3A_410, %get3A_1630, %get3A_1631] : memref<3x240x64xi32, #tpu.memory_space<vmem>> -> memref<1x240x64xi32, #tpu.memory_space<vmem>>
        %get3A_1633 = tpu.memref_squeeze %get3A_1632 : memref<1x240x64xi32, #tpu.memory_space<vmem>> -> memref<240x64xi32, #tpu.memory_space<vmem>>
        %get3A_1634 = arith.index_cast %add3A_1629 : i32 to index
        %get3A_1635 = arith.constant 48 : index
        %get3A_1636 = tpu.vector_load %get3A_1633[%get3A_1634, %get3A_1635] {strides = array<i32>} : memref<240x64xi32, #tpu.memory_space<vmem>>, vector<16xi32>,
        %max3A_1637 = arith.maxsi %max3A_1609, %get3A_1627 : vector<16xi32>
        %max3A_1638 = arith.maxsi %max3A_1610, %get3A_1636 : vector<16xi32>
        %shift_left3A_1639 = arith.constant 16 : i32
        %shift_left3A_1640 = vector.broadcast %shift_left3A_1639 : i32 to vector<16xi32>
        %shift_left3A_1641 = arith.shli %get3A_1627, %shift_left3A_1640 : vector<16xi32>
        %max3A_1642 = arith.maxsi %max3A_1614, %shift_left3A_1641 : vector<16xi32>
        %shift_left3A_1643 = arith.constant 16 : i32
        %shift_left3A_1644 = vector.broadcast %shift_left3A_1643 : i32 to vector<16xi32>
        %shift_left3A_1645 = arith.shli %get3A_1636, %shift_left3A_1644 : vector<16xi32>
        %max3A_1646 = arith.maxsi %max3A_1618, %shift_left3A_1645 : vector<16xi32>
        %add3A_1647 = arith.constant 9 : i32
        %add3A_1648 = arith.addi %mul3A_440, %add3A_1647 : i32
        %get3A_1649 = arith.constant 0 : i32
        %get3A_1650 = arith.constant 0 : i32
        %get3A_1651 = tpu.memref_slice %arg6[%scan3A_410, %get3A_1649, %get3A_1650] : memref<3x240x64xi32, #tpu.memory_space<vmem>> -> memref<1x240x64xi32, #tpu.memory_space<vmem>>
        %get3A_1652 = tpu.memref_squeeze %get3A_1651 : memref<1x240x64xi32, #tpu.memory_space<vmem>> -> memref<240x64xi32, #tpu.memory_space<vmem>>
        %get3A_1653 = arith.index_cast %add3A_1648 : i32 to index
        %get3A_1654 = arith.constant 48 : index
        %get3A_1655 = tpu.vector_load %get3A_1652[%get3A_1653, %get3A_1654] {strides = array<i32>} : memref<240x64xi32, #tpu.memory_space<vmem>>, vector<16xi32>,
        %add3A_1656 = arith.constant 9 : i32
        %add3A_1657 = arith.addi %add3A_442, %add3A_1656 : i32
        %get3A_1658 = arith.constant 0 : i32
        %get3A_1659 = arith.constant 0 : i32
        %get3A_1660 = tpu.memref_slice %arg6[%scan3A_410, %get3A_1658, %get3A_1659] : memref<3x240x64xi32, #tpu.memory_space<vmem>> -> memref<1x240x64xi32, #tpu.memory_space<vmem>>
        %get3A_1661 = tpu.memref_squeeze %get3A_1660 : memref<1x240x64xi32, #tpu.memory_space<vmem>> -> memref<240x64xi32, #tpu.memory_space<vmem>>
        %get3A_1662 = arith.index_cast %add3A_1657 : i32 to index
        %get3A_1663 = arith.constant 48 : index
        %get3A_1664 = tpu.vector_load %get3A_1661[%get3A_1662, %get3A_1663] {strides = array<i32>} : memref<240x64xi32, #tpu.memory_space<vmem>>, vector<16xi32>,
        %max3A_1665 = arith.maxsi %max3A_1637, %get3A_1655 : vector<16xi32>
        %max3A_1666 = arith.maxsi %max3A_1638, %get3A_1664 : vector<16xi32>
        %shift_left3A_1667 = arith.constant 16 : i32
        %shift_left3A_1668 = vector.broadcast %shift_left3A_1667 : i32 to vector<16xi32>
        %shift_left3A_1669 = arith.shli %get3A_1655, %shift_left3A_1668 : vector<16xi32>
        %max3A_1670 = arith.maxsi %max3A_1642, %shift_left3A_1669 : vector<16xi32>
        %shift_left3A_1671 = arith.constant 16 : i32
        %shift_left3A_1672 = vector.broadcast %shift_left3A_1671 : i32 to vector<16xi32>
        %shift_left3A_1673 = arith.shli %get3A_1664, %shift_left3A_1672 : vector<16xi32>
        %max3A_1674 = arith.maxsi %max3A_1646, %shift_left3A_1673 : vector<16xi32>
        %bitcast3A_1675 = vector.bitcast %max3A_1670 : vector<16xi32> to vector<16xf32>
        %mul3A_1676 = arith.constant 2 : i32
        %mul3A_1677 = arith.muli %mul3A_1676, %scan3A_436 : i32
        %swap3A_1678 = arith.constant 0 : i32
        %swap3A_1679 = arith.constant 0 : i32
        %swap3A_1680 = tpu.memref_slice %arg7[%scan3A_411, %swap3A_1678, %swap3A_1679] : memref<3x24x128xf32, #tpu.memory_space<vmem>> -> memref<1x24x128xf32, #tpu.memory_space<vmem>>
        %swap3A_1681 = tpu.memref_squeeze %swap3A_1680 : memref<1x24x128xf32, #tpu.memory_space<vmem>> -> memref<24x128xf32, #tpu.memory_space<vmem>>
        %swap3A_1682 = arith.index_cast %mul3A_1677 : i32 to index
        %swap3A_1683 = arith.constant 48 : index
        %swap3A_1684 = tpu.vector_load %swap3A_1681[%swap3A_1682, %swap3A_1683] {strides = array<i32>} : memref<24x128xf32, #tpu.memory_space<vmem>>, vector<16xf32>,
        tpu.vector_store %swap3A_1681[%swap3A_1682, %swap3A_1683], %bitcast3A_1675 {strides = array<i32>} : memref<24x128xf32, #tpu.memory_space<vmem>>, vector<16xf32>,
        %bitcast3A_1685 = vector.bitcast %max3A_1674 : vector<16xi32> to vector<16xf32>
        %mul3A_1686 = arith.constant 2 : i32
        %mul3A_1687 = arith.muli %mul3A_1686, %scan3A_436 : i32
        %add3A_1688 = arith.constant 1 : i32
        %add3A_1689 = arith.addi %mul3A_1687, %add3A_1688 : i32
        %swap3A_1690 = arith.constant 0 : i32
        %swap3A_1691 = arith.constant 0 : i32
        %swap3A_1692 = tpu.memref_slice %arg7[%scan3A_411, %swap3A_1690, %swap3A_1691] : memref<3x24x128xf32, #tpu.memory_space<vmem>> -> memref<1x24x128xf32, #tpu.memory_space<vmem>>
        %swap3A_1693 = tpu.memref_squeeze %swap3A_1692 : memref<1x24x128xf32, #tpu.memory_space<vmem>> -> memref<24x128xf32, #tpu.memory_space<vmem>>
        %swap3A_1694 = arith.index_cast %add3A_1689 : i32 to index
        %swap3A_1695 = arith.constant 48 : index
        %swap3A_1696 = tpu.vector_load %swap3A_1693[%swap3A_1694, %swap3A_1695] {strides = array<i32>} : memref<24x128xf32, #tpu.memory_space<vmem>>, vector<16xf32>,
        tpu.vector_store %swap3A_1693[%swap3A_1694, %swap3A_1695], %bitcast3A_1685 {strides = array<i32>} : memref<24x128xf32, #tpu.memory_space<vmem>>, vector<16xf32>,
        %and3A_1697 = arith.constant -65536 : i32
        %and3A_1698 = vector.broadcast %and3A_1697 : i32 to vector<16xi32>
        %and3A_1699 = arith.andi %max3A_1665, %and3A_1698 : vector<16xi32>
        %bitcast3A_1700 = vector.bitcast %and3A_1699 : vector<16xi32> to vector<16xf32>
        %mul3A_1701 = arith.constant 2 : i32
        %mul3A_1702 = arith.muli %mul3A_1701, %scan3A_436 : i32
        %swap3A_1703 = arith.constant 0 : i32
        %swap3A_1704 = arith.constant 0 : i32
        %swap3A_1705 = tpu.memref_slice %arg7[%scan3A_411, %swap3A_1703, %swap3A_1704] : memref<3x24x128xf32, #tpu.memory_space<vmem>> -> memref<1x24x128xf32, #tpu.memory_space<vmem>>
        %swap3A_1706 = tpu.memref_squeeze %swap3A_1705 : memref<1x24x128xf32, #tpu.memory_space<vmem>> -> memref<24x128xf32, #tpu.memory_space<vmem>>
        %swap3A_1707 = arith.index_cast %mul3A_1702 : i32 to index
        %swap3A_1708 = arith.constant 112 : index
        %swap3A_1709 = tpu.vector_load %swap3A_1706[%swap3A_1707, %swap3A_1708] {strides = array<i32>} : memref<24x128xf32, #tpu.memory_space<vmem>>, vector<16xf32>,
        tpu.vector_store %swap3A_1706[%swap3A_1707, %swap3A_1708], %bitcast3A_1700 {strides = array<i32>} : memref<24x128xf32, #tpu.memory_space<vmem>>, vector<16xf32>,
        %and3A_1710 = arith.constant -65536 : i32
        %and3A_1711 = vector.broadcast %and3A_1710 : i32 to vector<16xi32>
        %and3A_1712 = arith.andi %max3A_1666, %and3A_1711 : vector<16xi32>
        %bitcast3A_1713 = vector.bitcast %and3A_1712 : vector<16xi32> to vector<16xf32>
        %mul3A_1714 = arith.constant 2 : i32
        %mul3A_1715 = arith.muli %mul3A_1714, %scan3A_436 : i32
        %add3A_1716 = arith.constant 1 : i32
        %add3A_1717 = arith.addi %mul3A_1715, %add3A_1716 : i32
        %swap3A_1718 = arith.constant 0 : i32
        %swap3A_1719 = arith.constant 0 : i32
        %swap3A_1720 = tpu.memref_slice %arg7[%scan3A_411, %swap3A_1718, %swap3A_1719] : memref<3x24x128xf32, #tpu.memory_space<vmem>> -> memref<1x24x128xf32, #tpu.memory_space<vmem>>
        %swap3A_1721 = tpu.memref_squeeze %swap3A_1720 : memref<1x24x128xf32, #tpu.memory_space<vmem>> -> memref<24x128xf32, #tpu.memory_space<vmem>>
        %swap3A_1722 = arith.index_cast %add3A_1717 : i32 to index
        %swap3A_1723 = arith.constant 112 : index
        %swap3A_1724 = tpu.vector_load %swap3A_1721[%swap3A_1722, %swap3A_1723] {strides = array<i32>} : memref<24x128xf32, #tpu.memory_space<vmem>>, vector<16xf32>,
        tpu.vector_store %swap3A_1721[%swap3A_1722, %swap3A_1723], %bitcast3A_1713 {strides = array<i32>} : memref<24x128xf32, #tpu.memory_space<vmem>>, vector<16xf32>,
      }
      %scan3A_416 = arith.constant 12 : i32
      %mul3A_417 = arith.constant 24 : i32
      %mul3A_418 = arith.muli %add3A_346, %mul3A_417 : i32
      %add3A_419 = arith.addi %mul3A_2, %mul3A_418 : i32
      %min3A_420 = arith.constant 49976 : i32
      %min3A_421 = arith.minsi %add3A_419, %min3A_420 : i32
      %multiple_of3A_422 = tpu.assume_multiple %min3A_421, 8 : i32
      %dma_start3A_423 = arith.constant 2 : i32
      %dma_start3A_424 = arith.constant 0 : i32
      %dma_start3A_425 = arith.constant 0 : i32
      %dma_start3A_426 = tpu.memref_slice %arg7[%dma_start3A_423, %dma_start3A_424, %dma_start3A_425] : memref<3x24x128xf32, #tpu.memory_space<vmem>> -> memref<1x24x128xf32, #tpu.memory_space<vmem>>
      %dma_start3A_427 = tpu.memref_squeeze %dma_start3A_426 : memref<1x24x128xf32, #tpu.memory_space<vmem>> -> memref<24x128xf32, #tpu.memory_space<vmem>>
      %dma_start3A_428 = arith.constant 0 : i32
      %dma_start3A_429 = tpu.memref_slice %arg4[%multiple_of3A_422, %dma_start3A_428] : memref<50000x128xf32, #tpu.memory_space<hbm>> -> memref<24x128xf32, #tpu.memory_space<hbm>>
      %dma_start3A_430 = arith.constant 0 : i32
      %dma_start3A_431 = tpu.memref_slice %arg4[%multiple_of3A_422, %dma_start3A_430] : memref<50000x128xf32, #tpu.memory_space<hbm>> -> memref<24x128xf32, #tpu.memory_space<hbm>>
      %dma_start3A_432 = arith.constant 0 : i32
      %dma_start3A_433 = arith.constant 0 : i32
      %dma_start3A_434 = tpu.memref_slice %arg7[%dma_start3A_423, %dma_start3A_432, %dma_start3A_433] : memref<3x24x128xf32, #tpu.memory_space<vmem>> -> memref<1x24x128xf32, #tpu.memory_space<vmem>>
      %dma_start3A_435 = tpu.memref_squeeze %dma_start3A_434 : memref<1x24x128xf32, #tpu.memory_space<vmem>> -> memref<24x128xf32, #tpu.memory_space<vmem>>
      tpu.enqueue_dma source(%dma_start3A_435 : memref<24x128xf32, #tpu.memory_space<vmem>>) target(%dma_start3A_431 : memref<24x128xf32, #tpu.memory_space<hbm>>) target_semaphore(%arg13 : memref<!tpu.dma_semaphore, #tpu.memory_space<semaphore_mem>>)
    }
    %scan3A_106 = arith.constant 22 : i32
    %add3A_107 = arith.constant 1512 : i32
    %add3A_108 = arith.addi %mul3A_2, %add3A_107 : i32
    %min3A_109 = arith.constant 49976 : i32
    %min3A_110 = arith.minsi %add3A_108, %min3A_109 : i32
    %multiple_of3A_111 = tpu.assume_multiple %min3A_110, 8 : i32
    %dma_wait3A = arith.constant 0 : i32
    %dma_wait3A_112 = arith.constant 0 : i32
    %dma_wait3A_113 = arith.constant 0 : i32
    %dma_wait3A_114 = tpu.memref_slice %arg7[%dma_wait3A, %dma_wait3A_112, %dma_wait3A_113] : memref<3x24x128xf32, #tpu.memory_space<vmem>> -> memref<1x24x128xf32, #tpu.memory_space<vmem>>
    %dma_wait3A_115 = tpu.memref_squeeze %dma_wait3A_114 : memref<1x24x128xf32, #tpu.memory_space<vmem>> -> memref<24x128xf32, #tpu.memory_space<vmem>>
    %dma_wait3A_116 = arith.constant 0 : i32
    %dma_wait3A_117 = tpu.memref_slice %arg4[%multiple_of3A_111, %dma_wait3A_116] : memref<50000x128xf32, #tpu.memory_space<hbm>> -> memref<24x128xf32, #tpu.memory_space<hbm>>
    %dma_wait3A_118 = arith.constant 0 : i32
    %dma_wait3A_119 = tpu.memref_slice %arg4[%multiple_of3A_111, %dma_wait3A_118] : memref<50000x128xf32, #tpu.memory_space<hbm>> -> memref<24x128xf32, #tpu.memory_space<hbm>>
    %dma_wait3A_120 = arith.constant 0 : i32
    %dma_wait3A_121 = arith.constant 0 : i32
    %dma_wait3A_122 = tpu.memref_slice %arg7[%dma_wait3A, %dma_wait3A_120, %dma_wait3A_121] : memref<3x24x128xf32, #tpu.memory_space<vmem>> -> memref<1x24x128xf32, #tpu.memory_space<vmem>>
    %dma_wait3A_123 = tpu.memref_squeeze %dma_wait3A_122 : memref<1x24x128xf32, #tpu.memory_space<vmem>> -> memref<24x128xf32, #tpu.memory_space<vmem>>
    tpu.wait_dma2 semaphore(%arg11 : memref<!tpu.dma_semaphore, #tpu.memory_space<semaphore_mem>>) src(%dma_wait3A_123 : memref<24x128xf32, #tpu.memory_space<vmem>>) dst(%dma_wait3A_119 : memref<24x128xf32, #tpu.memory_space<hbm>>)
    %add3A_124 = arith.constant 1536 : i32
    %add3A_125 = arith.addi %mul3A_2, %add3A_124 : i32
    %min3A_126 = arith.constant 49976 : i32
    %min3A_127 = arith.minsi %add3A_125, %min3A_126 : i32
    %multiple_of3A_128 = tpu.assume_multiple %min3A_127, 8 : i32
    %dma_wait3A_129 = arith.constant 1 : i32
    %dma_wait3A_130 = arith.constant 0 : i32
    %dma_wait3A_131 = arith.constant 0 : i32
    %dma_wait3A_132 = tpu.memref_slice %arg7[%dma_wait3A_129, %dma_wait3A_130, %dma_wait3A_131] : memref<3x24x128xf32, #tpu.memory_space<vmem>> -> memref<1x24x128xf32, #tpu.memory_space<vmem>>
    %dma_wait3A_133 = tpu.memref_squeeze %dma_wait3A_132 : memref<1x24x128xf32, #tpu.memory_space<vmem>> -> memref<24x128xf32, #tpu.memory_space<vmem>>
    %dma_wait3A_134 = arith.constant 0 : i32
    %dma_wait3A_135 = tpu.memref_slice %arg4[%multiple_of3A_128, %dma_wait3A_134] : memref<50000x128xf32, #tpu.memory_space<hbm>> -> memref<24x128xf32, #tpu.memory_space<hbm>>
    %dma_wait3A_136 = arith.constant 0 : i32
    %dma_wait3A_137 = tpu.memref_slice %arg4[%multiple_of3A_128, %dma_wait3A_136] : memref<50000x128xf32, #tpu.memory_space<hbm>> -> memref<24x128xf32, #tpu.memory_space<hbm>>
    %dma_wait3A_138 = arith.constant 0 : i32
    %dma_wait3A_139 = arith.constant 0 : i32
    %dma_wait3A_140 = tpu.memref_slice %arg7[%dma_wait3A_129, %dma_wait3A_138, %dma_wait3A_139] : memref<3x24x128xf32, #tpu.memory_space<vmem>> -> memref<1x24x128xf32, #tpu.memory_space<vmem>>
    %dma_wait3A_141 = tpu.memref_squeeze %dma_wait3A_140 : memref<1x24x128xf32, #tpu.memory_space<vmem>> -> memref<24x128xf32, #tpu.memory_space<vmem>>
    tpu.wait_dma2 semaphore(%arg12 : memref<!tpu.dma_semaphore, #tpu.memory_space<semaphore_mem>>) src(%dma_wait3A_141 : memref<24x128xf32, #tpu.memory_space<vmem>>) dst(%dma_wait3A_137 : memref<24x128xf32, #tpu.memory_space<hbm>>)
    %add3A_142 = arith.constant 1560 : i32
    %add3A_143 = arith.addi %mul3A_2, %add3A_142 : i32
    %min3A_144 = arith.constant 49976 : i32
    %min3A_145 = arith.minsi %add3A_143, %min3A_144 : i32
    %multiple_of3A_146 = tpu.assume_multiple %min3A_145, 8 : i32
    %dma_wait3A_147 = arith.constant 2 : i32
    %dma_wait3A_148 = arith.constant 0 : i32
    %dma_wait3A_149 = arith.constant 0 : i32
    %dma_wait3A_150 = tpu.memref_slice %arg7[%dma_wait3A_147, %dma_wait3A_148, %dma_wait3A_149] : memref<3x24x128xf32, #tpu.memory_space<vmem>> -> memref<1x24x128xf32, #tpu.memory_space<vmem>>
    %dma_wait3A_151 = tpu.memref_squeeze %dma_wait3A_150 : memref<1x24x128xf32, #tpu.memory_space<vmem>> -> memref<24x128xf32, #tpu.memory_space<vmem>>
    %dma_wait3A_152 = arith.constant 0 : i32
    %dma_wait3A_153 = tpu.memref_slice %arg4[%multiple_of3A_146, %dma_wait3A_152] : memref<50000x128xf32, #tpu.memory_space<hbm>> -> memref<24x128xf32, #tpu.memory_space<hbm>>
    %dma_wait3A_154 = arith.constant 0 : i32
    %dma_wait3A_155 = tpu.memref_slice %arg4[%multiple_of3A_146, %dma_wait3A_154] : memref<50000x128xf32, #tpu.memory_space<hbm>> -> memref<24x128xf32, #tpu.memory_space<hbm>>
    %dma_wait3A_156 = arith.constant 0 : i32
    %dma_wait3A_157 = arith.constant 0 : i32
    %dma_wait3A_158 = tpu.memref_slice %arg7[%dma_wait3A_147, %dma_wait3A_156, %dma_wait3A_157] : memref<3x24x128xf32, #tpu.memory_space<vmem>> -> memref<1x24x128xf32, #tpu.memory_space<vmem>>
    %dma_wait3A_159 = tpu.memref_squeeze %dma_wait3A_158 : memref<1x24x128xf32, #tpu.memory_space<vmem>> -> memref<24x128xf32, #tpu.memory_space<vmem>>
    tpu.wait_dma2 semaphore(%arg13 : memref<!tpu.dma_semaphore, #tpu.memory_space<semaphore_mem>>) src(%dma_wait3A_159 : memref<24x128xf32, #tpu.memory_space<vmem>>) dst(%dma_wait3A_155 : memref<24x128xf32, #tpu.memory_space<hbm>>)
    return
  }
}

</mosaic_0001>

<sc_bundles>
// kernel: _sc_pool.3.cloned.1.call-start
scs
__scs_entry_jumppad:
0x0: {  	(pc) =	sbr.rel $0x88, $3  }
0x1: {  	(tag) =	ssettag $0x0;
	lr =	simm.s32 $0x1  }
0x2: {  	[smem:$0x3F9F] =	sst lr;
	_ =	strace $0xD0000000  }
0x3: {  	_ = 	snop  }
0x4: {  	_ = 	snop  }
0x5: {  	_ = 	snop  }
0x6: {  	_ = 	snop  }
0x7: {  	_ = 	snop  }
__scs_overlays_trampoline_lowered:
0x8: {  	[smem:$0x3FAE] =	sst s0  }
0x9: {  	[smem:$0x3FAF] =	sst s1  }
0xa: {  	[smem:$0x3FB0] =	sst s2  }
0xb: {  	[smem:$0x3FB1] =	sst s3  }
0xc: {  	[smem:$0x3FB2] =	sst s4  }
0xd: {  	[smem:$0x3FB3] =	sst s5  }
0xe: {  	[smem:$0x3FB4] =	sst s6  }
0xf: {  	[smem:$0x3FB5] =	sst s7  }
0x10: {  	[smem:$0x3FB6] =	sst s8  }
0x11: {  	[smem:$0x3FB7] =	sst s9;
	s0 =	simm.s32 @!p0 $0x0  }
0x12: {  	s1 =	sld [smem:$0x3F9D];
	s0 =	simm.s32 @p0 $0x1  }
0x13: {  	[smem:$0x3FB8] =	sst s0;
	s0 =	simm.s32 @!p1 $0x0  }
0x14: {  	s2 =	sld [smem:$0x3F9C];
	s0 =	simm.s32 @p1 $0x1  }
0x15: {  	[smem:$0x3FB9] =	sst s0;
	s0 =	simm.s32 @!p2 $0x0  }
0x16: {  	s3 =	sld [smem:$0x3FDB];
	s0 =	simm.s32 @p2 $0x1  }
0x17: {  	s4 =	simm.s32 $0x1BF5;
	[smem:$0x3FBB] =	sst s0  }
0x18: {  	s0 =	sld [smem:$0x3F9E];
	_ =	swait.ge [sflag:s4], $0x0  }
0x19: {  	s7 =	sld [smem:$0x3F9F]  }
0x1a: {  	s8 =	sadd.s32 $0xFFFFE003, lr  }
0x1b: {  	s9 =	sadd.s32 $0xFFFFFEF7, lr;
	s5 =	simm.s32 $0xFFFFFFFF;
	p2 =	slt.u32 s8, $0xFFFFF086  }
0x1c: {  	p1 =	slt.u32 s9, $0xF7A;
	s5 =	simm.s32 @!p2 $0x0  }
0x1d: {  	s5 =	simm.s32 @p1 $0x1;
	p0 =	seq.s32 s7, s2  }
0x1e: {  	s7 =	smul.u32 @!p0 $0xF7A, s2;
	p2 =	seq.s32 @!p0 s5, $0x0  }
0x1f: {  	s9 =	smul.u32 $0xF7A, s1;
	s8 =	simm.s32 @!p0 $0x1BF5;
	p2 =	por !p2, p0  }
0x20: {  	[sflag:s8] =	ssyncset.s32 @!p0 $0xFFFFF086;
	s6 =	sadd.s32 @!p0 s3, s7;
	s7 =	simm.s32 @!p0 $0x108  }
0x21: {  	s3 =	sadd.s32 s3, s9;
	s6 =	sadd.s32 @!p0 $0x88, s6;
	s7 =	simm.s32 @p2 $0x1082  }
0x22: {  	[simem:s7], [sflag:s8] =	dma.local @!p0 [hbm:s6], $0xF7A  }
0x23: {  	s9 =	sor.u32 $0xD0000000, s2;
	s6 =	simm.s32 $0x108;
	_ =	swait.ge @!p0 [sflag:s8], $0x0  }
0x24: {  	s3 =	sadd.s32 $0x88, s3;
	s6 =	simm.s32 @!p1 $0x1082;
	[sflag:s4] =	ssyncset.s32 $0xFFFFF086  }
0x25: {  	[simem:s6], [sflag:s4] =	dma.local [hbm:s3], $0xF7A  }
0x26: {  	[smem:$0x3F9F] =	sst s1;
	(tag) =	ssettag s2;
	_ =	strace s9  }
0x27: {  	s1 =	sld [smem:$0x3FAF]  }
0x28: {  	s2 =	sld [smem:$0x3FB0]  }
0x29: {  	s4 =	sld [smem:$0x3FB2]  }
0x2a: {  	p0 =	seq.s32 s5, $0x0;
	s5 =	sld [smem:$0x3FB3]  }
0x2b: {  	s6 =	sld [smem:$0x3FB4]  }
0x2c: {  	s7 =	sld [smem:$0x3FB5]  }
0x2d: {  	s3 =	simm.s32 $0x108;
	s8 =	sld [smem:$0x3FB6]  }
0x2e: {  	s3 =	simm.s32 @!p0 $0x1082;
	s9 =	sld [smem:$0x3FB7]  }
0x2f: {  	lr =	sadd.s32 s0, s3;
	s0 =	sld [smem:$0x3FAE]  }
0x30: {  	s3 =	sld [smem:$0x3FB1]  }
0x31: {  	[smem:$0x3FBA] =	sst s10  }
0x32: {  	s10 =	sld [smem:$0x3FB8];
	_ =	sdelay $0x3  }
0x33: {  	p0 =	seq.s32 s10, $0x1;
	s10 =	sld [smem:$0x3FBA];
	_ =	sdelay $0x3  }
0x34: {  	[smem:$0x3FBA] =	sst s10  }
0x35: {  	s10 =	sld [smem:$0x3FB9];
	_ =	sdelay $0x3  }
0x36: {  	p1 =	seq.s32 s10, $0x1;
	s10 =	sld [smem:$0x3FBA];
	_ =	sdelay $0x3  }
0x37: {  	[smem:$0x3FBA] =	sst s10  }
0x38: {  	s10 =	sld [smem:$0x3FBB]  }
0x39: {  	_ = 	snop;
	(pc) =	sbr.ind lr, $3  }
0x3a: {  	_ = 	snop  }
0x3b: {  	_ = 	snop  }
0x3c: {  	p2 =	seq.s32 s10, $0x1;
	s10 =	sld [smem:$0x3FBA]  }
0x3d: {  	_ =	shalt  }
0x3e: {  	_ =	shalt  }
0x3f: {  	_ =	shalt  }
0x40: {  	_ =	shalt  }
0x41: {  	_ =	shalt  }
0x42: {  	_ =	shalt  }
0x43: {  	_ =	shalt  }
0x44: {  	_ =	shalt  }
0x45: {  	_ =	shalt  }
0x46: {  	_ =	shalt  }
0x47: {  	_ =	shalt  }
0x48: {  	_ =	shalt  }
0x49: {  	_ =	shalt  }
0x4a: {  	_ =	shalt  }
0x4b: {  	_ =	shalt  }
0x4c: {  	_ =	shalt  }
0x4d: {  	_ =	shalt  }
0x4e: {  	_ =	shalt  }
0x4f: {  	_ =	shalt  }
0x50: {  	_ =	shalt  }
0x51: {  	_ =	shalt  }
0x52: {  	_ =	shalt  }
0x53: {  	_ =	shalt  }
0x54: {  	_ =	shalt  }
0x55: {  	_ =	shalt  }
0x56: {  	_ =	shalt  }
0x57: {  	_ =	shalt  }
0x58: {  	_ =	shalt  }
0x59: {  	_ =	shalt  }
0x5a: {  	_ =	shalt  }
0x5b: {  	_ =	shalt  }
0x5c: {  	_ =	shalt  }
0x5d: {  	_ =	shalt  }
0x5e: {  	_ =	shalt  }
0x5f: {  	_ =	shalt  }
0x60: {  	_ =	shalt  }
0x61: {  	_ =	shalt  }
0x62: {  	_ =	shalt  }
0x63: {  	_ =	shalt  }
0x64: {  	_ =	shalt  }
0x65: {  	_ =	shalt  }
0x66: {  	_ =	shalt  }
0x67: {  	_ =	shalt  }
0x68: {  	_ =	shalt  }
0x69: {  	_ =	shalt  }
0x6a: {  	_ =	shalt  }
0x6b: {  	_ =	shalt  }
0x6c: {  	_ =	shalt  }
0x6d: {  	_ =	shalt  }
0x6e: {  	_ =	shalt  }
0x6f: {  	_ =	shalt  }
0x70: {  	_ =	shalt  }
0x71: {  	_ =	shalt  }
0x72: {  	_ =	shalt  }
0x73: {  	_ =	shalt  }
0x74: {  	_ =	shalt  }
0x75: {  	_ =	shalt  }
0x76: {  	_ =	shalt  }
0x77: {  	_ =	shalt  }
0x78: {  	_ =	shalt  }
0x79: {  	_ =	shalt  }
0x7a: {  	_ =	shalt  }
0x7b: {  	_ =	shalt  }
0x7c: {  	_ =	shalt  }
0x7d: {  	_ =	shalt  }
0x7e: {  	_ =	shalt  }
0x7f: {  	_ =	shalt  }
0x80: {  	_ =	shalt  }
0x81: {  	_ =	shalt  }
0x82: {  	_ =	shalt  }
0x83: {  	_ =	shalt  }
0x84: {  	_ =	shalt  }
0x85: {  	_ =	shalt  }
0x86: {  	_ =	shalt  }
0x87: {  	_ =	shalt  }
.Lfunc_end0:
.L_simem_size_0:
called_computation_lowered:
.L_overlay_start_0:
0x88: {  	s2 =	sld [smem:$0x3FD9]  }
0x89: {  	s3 =	sld [smem:$0x3FFE];
	_ =	sdelay $0x1  }
0x8a: {  	s1 =	srdreg.scid  }
0x8b: {  	s0 =	sand.u32 $0x1, s1  }
0x8c: {  	s17 =	sshll.u32 s0, $0xA;
	s2 =	sadd.s32 s3, s2  }
0x8d: {  	s2 =	sadd.s32 s2, s17  }
0x8e: {  	[smem:$0x3FC6] =	sst s2  }
0x8f: {  	_ = 	snop  }
0x90: {  	s2 =	sld [smem:$0x3FC8]  }
0x91: {  	s18 =	sld [smem:$0x3FD0];
	(tm) =	ssettm $0x1  }
0x92: {  	s4 =	sld [smem:$0x3FFB];
	_ =	sdelay $0x3  }
0x93: {  	_ =	strace s4  }
0x94: {  	s4 =	sld [smem:$0x3FFC];
	_ =	sdelay $0x3  }
0x95: {  	_ =	strace s4  }
0x96: {  	s4 =	sld [smem:$0x3FFD];
	_ =	sdelay $0x3  }
0x97: {  	_ =	strace s4  }
0x98: {  	_ =	strace $0x8FFFFFFF  }
0x99: {  	s19 =	sld [smem:$0x3FDB];
	_ =	sdelay $0x1  }
0x9a: {  	s5 =	simm.s32 $_scs_section_size  }
0x9b: {  	s6 =	simm.s32 $_size__tile_overlayer_lowered;
	s7 =	simm.s32 $_tile_overlayer_lowered  }
0x9c: {  	s22 =	simm.s32 $0x1BFF;
	s21 =	sshll.u32 s7, $0x1;
	s4 =	sadd.s32 s5, s19  }
0x9d: {  	s8 =	simm.s32 $0x0;
	s20 =	sshll.u32 s6, $0x1;
	s6 =	sadd.s32 s21, s4  }
0x9e: {  	[timem:s8], [sflag:s22] =	dma.local [hbm:s6], s20  }
0x9f: {  	_ =	swait.ge [sflag:s22], s20  }
0xa0: {  	s5 =	ssub.s32 $0x0, s20;
	[sflag:s22] =	ssyncset.done $0x0  }
0xa1: {  	[sflag:s22] =	ssyncadd.s32 s5;
	_ =	sdelay $0x1  }
0xa2: {  	s23 =	simm.s32 $0x1B8B  }
0xa3: {  	_ =	swait.ge [sflag:s23], $0x1  }
0xa4: {  	[sflag:s23] =	ssyncset.done $0x0  }
0xa5: {  	s25 =	simm.s32 $0x1B8E;
	s24 =	sld [smem:$0x3FFE];
	[sflag:s23] =	ssyncadd.s32 $0xFFFFFFFF  }
0xa6: {  	s26 =	simm.s32 $execute0_lowered;
	[smem:$0x3FD2] =	sst s25  }
0xa7: {  	s6 =	sshll.u32 s26, $0x1;
	_ =	strace $0x80000046;
	[dreg:$0x1] =	wrdreg $0xFFFFFFFF  }
0xa8: {  	s28 =	simm.s32 $_size_execute0_lowered;
	s4 =	sadd.s32 s4, s6;
	[dreg:$0x0] =	wrdreg $0x0  }
0xa9: {  	s6 =	sshll.u32 s28, $0x1;
	[dreg:$0x2] =	wrdreg s4  }
0xaa: {  	[dreg:$0x3] =	wrdreg s6  }
0xab: {  	[dreg:$0x4] =	wrdreg $0xC0  }
0xac: {  	_ =	task [dreg:s8], $0x5FFFF  }
0xad: {  	[dreg:$0x1] =	wrdreg $0xFFFFFFFF  }
0xae: {  	[dreg:$0x0] =	wrdreg $0x60  }
0xaf: {  	[dreg:$0x2] =	wrdreg s24  }
0xb0: {  	[dreg:$0x3] =	wrdreg s2  }
0xb1: {  	[dreg:$0x4] =	wrdreg s18  }
0xb2: {  	[dreg:$0x5] =	wrdreg $0x9  }
0xb3: {  	_ =	task.clear_ibuf [dreg:s8], $0x6FFFF;
	_ =	strace $0x90000046  }
0xb4: {  	s29 =	simm.s32 $0x9;
	_ =	strace $0x80000048  }
0xb5: {  	_ =	swait.ge [sflag:s29], $0x1  }
0xb6: {  	[sflag:s29] =	ssyncadd.s32 $0xFFFFFFFF  }
0xb7: {  	_ =	strace $0x90000048  }
0xb8: {  	_ =	sfence  }
0xb9: {  	s30 =	sld [smem:$0x0];
	_ =	sdelay $0x2  }
0xba: {  	s31 =	sshll.u32 s1, $0xD;
	s1 =	sshrl.u32 s1, $0x2  }
0xbb: {  	s3 =	sand.u32 $0x4000, s31;
	s1 =	sadd.s32 s1, s30  }
0xbc: {  	s0 =	sor.u32 s3, s0;
	s1 =	sshll.u32 s1, $0x11  }
0xbd: {  	s0 =	sor.u32 s1, s0  }
0xbe: {  	s0 =	sadd.s32 $0x8F2B, s0  }
0xbf: {  	[sflag:s0] =	ssyncadd.remote.s32 $0x1  }
0xc0: {  	_ =	sfence.sel $0xFFFF  }
0xc1: {  	[dreg:$0x0] =	wrdreg $0xFFFFFFFF;
	(pc) =	sbr.abs _section_cstart, $3  }
0xc2: {  	[dreg:$0x1] =	wrdreg $0xFFFFFFFF  }
0xc3: {  	_ =	task.clear_ibuf [dreg:s8], $0x2FFFF;
	_ =	strace $0x9FFFFFFF  }
0xc4: {  	(tm) =	ssettm $0x7FFFFFFF  }
0xc5: {  	_ =	shalt  }
tec
execute0_lowered:
.L_overlay_start_1:
0x0: {  	(tag) =	ssettag $0x1  }
0x1: {  	s0 =	srdreg.scid  }
0x2: {  	s2 =	stileid.u32;
	s1 =	rddreg [dreg:$0x0]  }
0x3: {  	s8 =	rddreg [dreg:$0x1];
	s4 =	simm.s32 $0x0;
	s17 =	simm.s32 $0x7  }
0x4: {  	s18 =	simm.s32 $0x78;
	s28 =	simm.s32 $0x2;
	s29 =	simm.s32 $0xFDE0  }
0x5: {  	s30 =	simm.s32 $0x3;
	s0 =	sand.u32 $0x1, s0;
	s2 =	sshll.u32 s2, $0x1  }
0x6: {  	s31 =	simm.s32 $0x109E0;
	s19 =	simm.s32 $0x6;
	s3 =	sor.u32 s0, s2  }
0x7: {  	[smem:$0x7FF] =	sst s4;
	s0 =	ssub.s32 $0x2, s0;
	s3 =	smul.u32 $0x630, s3  }
0x8: {  	s20 =	simm.s32 $0x0;
	s2 =	rddreg [dreg:$0x2];
	s11 =	sshrl.u32 s0, $0x1  }
0x9: {  	_ =	strace $0x80000047;
	s0 =	ssub.s32 s0, s11;
	s5 =	smin.u32 s3, $0xBD20  }
0xa: {  	s6 =	sadd.s32 $0x18, s3;
	s13 =	sadd.s32 $0x30, s3;
	s14 =	sadd.s32 $0x48, s3  }
0xb: {  	s15 =	sadd.s32 $0x60, s3;
	s9 =	smul.u32 $0xA, s5;
	s7 =	ssub.s32 s3, s5  }
0xc: {  	s0 =	smax.u32 s0, $0x1;
	s23 =	ssub.s32 s6, s5;
	s10 =	smul.u32 $0x28, s7  }
0xd: {  	[dreg:$0x7] =	wrdreg s0;
	s0 =	simm.s32 $0x5;
	s12 =	smul.u32 $0x28, s23  }
0xe: {  	s7 =	sadd.s32 $0x400, s1;
	s23 =	simm.s32 $0xB5E0;
	s24 =	sshrl.u32 s9, $0x3  }
0xf: {  	s1 =	sadd.s32 s8, s24;
	s9 =	sshra.s32 s10, $0x2;
	s10 =	sshra.s32 s12, $0x2  }
0x10: {  	s24 =	simm.s32 $0xD3E0;
	[dreg:$0x4] =	wrdreg s1;
	s25 =	sadd.s32 $0x78, s9  }
0x11: {  	s26 =	sadd.s32 $0x78, s10;
	s1 =	simm.s32 $0x4;
	[dreg:$0x5] =	wrdreg s25  }
0x12: {  	v0 =	vimm.s32 $0x0;
	[dreg:$0x6] =	wrdreg s26;
	s25 =	simm.s32 $0x1;
	s26 =	simm.s32 $0xF1E0  }
.LBB2_1:
0x13: {  	s8 =	rddreg [dreg:$0x4]  }
0x14: {  	[tilespmem:s4], [sflag:$0x7] =	stream.linear.gather [hbm4b:s8+s4], $0x3DE0, $0x38;
	[tilespmem:$0x115E0] =	vst v63  }
0x15: {  	_ =	swait.ge [sflag:s17], $0x3DE0  }
0x16: {  	[sflag:s17] =	ssyncset.done $0x0  }
0x17: {  	s11 =	simm.s32 $0x40;
	s8 =	simm.s32 $0x0;
	[sflag:s17] =	ssyncadd.s32 $0xFFFFC220  }
.LBB2_2:
0x18: {  	p0 =	sne.s32 s11, $0xF740;
	v1 =	vld [tilespmem:s8+$0x0];
	_ =	sdelay $0x3  }
.Ltmp0:
0x19: {  	(pc) =	sbr.rel @p0 .LBB2_2-.Ltmp0, $4  }
0x1a: {  	vm0 =	vgt.s32 v1, $0x61A7  }
0x1b: {  	v1 =	vshll.u32 v1, $0x1;
	v2 =	vsel vm0, $0xFFFF3CB1, v0  }
0x1c: {  	v1 =	vadd.s32 v1, v2  }
0x1d: {  	[tilespmem:s8+$0x0] =	vst v1;
	s8 =	sshra.s32 s11, $0x2;
	s11 =	sadd.s32 $0x40, s11  }
0x1e: {  	v1 =	vld [tilespmem:s8+$0x0];
	_ =	sdelay $0x4  }
0x1f: {  	vm0 =	vgt.s32 v1, $0x61A7  }
0x20: {  	v1 =	vshll.u32 v1, $0x1;
	v2 =	vsel vm0, $0xFFFF3CB1, v0  }
0x21: {  	v1 =	vadd.s32 v1, v2  }
0x22: {  	s11 =	simm.s32 $0x3DE0;
	[tilespmem:s8+$0x0] =	vst v1  }
0x23: {  	[tilespmem:s11], [sflag:$0x1] =	stream.indirect.gather [hbm4b:s7+s18], $0x40, s9, s18, $0xb8;
	[tilespmem:$0x115E0] =	vst v63  }
0x24: {  	s12 =	rddreg [dreg:$0x5];
	s11 =	simm.s32 $0x5BE0  }
0x25: {  	[tilespmem:s11], [sflag:$0x1] =	stream.indirect.gather [hbm4b:s7+s18], $0x40, s12, s18, $0xb8;
	[tilespmem:$0x115E0] =	vst v63  }
0x26: {  	s16 =	simm.s32 $0x79E0  }
0x27: {  	[tilespmem:s16], [sflag:$0x2] =	stream.indirect.gather [hbm4b:s7+s18], $0x40, s10, s18, $0xb8;
	[tilespmem:$0x115E0] =	vst v63  }
0x28: {  	s21 =	rddreg [dreg:$0x6];
	s22 =	simm.s32 $0x97E0  }
0x29: {  	[tilespmem:s22], [sflag:$0x2] =	stream.indirect.gather [hbm4b:s7+s18], $0x40, s21, s18, $0xb8;
	[tilespmem:$0x115E0] =	vst v63  }
0x2a: {  	s21 =	simm.s32 $0x0  }
.LBB2_4:
0x2b: {  	s8 =	smul.u32 $0x48, s21;
	_ =	sdelay $0x1  }
0x2c: {  	s22 =	sadd.s32 s8, s13  }
0x2d: {  	p0 =	slt.s32 s22, $0xC338  }
0x2e: {  	s22 =	simm.s32 @!p0 $0xC338  }
0x2f: {  	s11 =	ssub.s32 s22, s5  }
0x30: {  	s11 =	smul.u32 $0x28, s11;
	_ =	sdelay $0x1  }
0x31: {  	s11 =	sshra.s32 s11, $0x2  }
0x32: {  	[tilespmem:s23], [sflag:$0x3] =	stream.indirect.gather [hbm4b:s7+s18], $0x40, s11, s18, $0xb8;
	[tilespmem:$0x115E0] =	vst v63  }
0x33: {  	s11 =	sadd.s32 $0x78, s11  }
0x34: {  	[tilespmem:s24], [sflag:$0x3] =	stream.indirect.gather [hbm4b:s7+s18], $0x40, s11, s18, $0xb8;
	[tilespmem:$0x115E0] =	vst v63  }
0x35: {  	_ =	swait.ge [sflag:s25], $0x1E00  }
0x36: {  	[sflag:s25] =	ssyncset.done $0x0  }
0x37: {  	[sflag:s25] =	ssyncadd.s32 $0xFFFFE200  }
0x38: {  	_ =	swait.ge [sflag:s25], $0x1E00  }
0x39: {  	p0 =	seq.s32 s21, $0x0;
	[sflag:s25] =	ssyncset.done $0x0  }
0x3a: {  	s11 =	simm.s32 @!p0 $0x4;
	[sflag:s25] =	ssyncadd.s32 $0xFFFFE200  }
0x3b: {  	_ =	swait.ge @!p0 [sflag:s11], $0xC00  }
0x3c: {  	[sflag:s11] =	ssyncset.done @!p0 $0x0  }
0x3d: {  	s12 =	simm.s32 $0x0;
	[sflag:s11] =	ssyncadd.s32 @!p0 $0xFFFFF400;
	s11 =	simm.s32 $0x4060  }
.LBB2_5:
0x3e: {  	v1 =	vld [tilespmem:s11+$0xFFFFFD80]  }
0x3f: {  	v2 =	vld [tilespmem:s11+$0xFFFFFDC0]  }
0x40: {  	v3 =	vld [tilespmem:s11+$0x0]  }
0x41: {  	v4 =	vld [tilespmem:s11+$0x40]  }
0x42: {  	v10 =	vld [tilespmem:s11+$0xFFFFFE40]  }
0x43: {  	v52 =	vld [tilespmem:s11+$0xFFFFFE80]  }
0x44: {  	v53 =	vld [tilespmem:s11+$0x100]  }
0x45: {  	v55 =	vld [tilespmem:s11+$0xFFFFFEC0]  }
0x46: {  	v56 =	vld [tilespmem:s11+$0x140]  }
0x47: {  	v62 =	vld [tilespmem:s11+$0xFFFFFF40]  }
0x48: {  	v12 =	vld [tilespmem:s11+$0x1C0]  }
0x49: {  	v13 =	vld [tilespmem:s11+$0xFFFFFF80]  }
0x4a: {  	v14 =	vld [tilespmem:s11+$0x200]  }
0x4b: {  	v17 =	vld [tilespmem:s11+$0xFFFFFFC0]  }
0x4c: {  	v18 =	vld [tilespmem:s11+$0x240];
	vm0 =	vgt.s32 v1, v2  }
0x4d: {  	v5 =	vld [tilespmem:s11+$0xFFFFFE00];
	v7 =	vshll.u32 v1, $0x10;
	v8 =	vshll.u32 v3, $0x10;
	vm15 =	vgt.s32 v3, v4  }
0x4e: {  	v50 =	vld [tilespmem:s11+$0xC0];
	v9 =	vshll.u32 v4, $0x10;
	v54 =	vshll.u32 v10, $0x10;
	v57 =	vshll.u32 v52, $0x10  }
0x4f: {  	v6 =	vld [tilespmem:s11+$0x80];
	v58 =	vshll.u32 v53, $0x10;
	v61 =	vshll.u32 v55, $0x10;
	v63 =	vshll.u32 v56, $0x10  }
0x50: {  	v59 =	vld [tilespmem:s11+$0xFFFFFF00];
	v15 =	vshll.u32 v62, $0x10;
	v16 =	vshll.u32 v12, $0x10;
	v19 =	vshll.u32 v13, $0x10  }
0x51: {  	v20 =	vshll.u32 v14, $0x10;
	v21 =	vshll.u32 v17, $0x10;
	v22 =	vshll.u32 v18, $0x10  }
0x52: {  	v1 =	vsel vm0, v1, v2;
	v2 =	vshll.u32 v2, $0x10;
	v3 =	vsel vm15, v3, v4  }
0x53: {  	vm1 =	vgt.s32 v8, v9;
	v4 =	vshll.u32 v50, $0x10;
	vm4 =	vgt.s32 v7, v2  }
0x54: {  	v60 =	vld [tilespmem:s11+$0x180];
	v51 =	vsel vm1, v8, v9;
	vm5 =	vgt.s32 v1, v5;
	vm6 =	vgt.s32 v3, v6  }
0x55: {  	v8 =	vshll.u32 v59, $0x10;
	v2 =	vsel vm4, v7, v2;
	v1 =	vsel vm5, v1, v5  }
0x56: {  	v5 =	vshll.u32 v5, $0x10;
	v3 =	vsel vm6, v3, v6;
	v6 =	vshll.u32 v6, $0x10  }
0x57: {  	vm7 =	vgt.s32 v2, v5;
	vm8 =	vgt.s32 v51, v6;
	vm9 =	vgt.s32 v1, v10  }
0x58: {  	vm10 =	vgt.s32 v3, v50;
	v2 =	vsel vm7, v2, v5;
	v6 =	vsel vm8, v51, v6  }
0x59: {  	v1 =	vsel vm9, v1, v10;
	v3 =	vsel vm10, v3, v50;
	v5 =	vshll.u32 v60, $0x10  }
0x5a: {  	vm11 =	vgt.s32 v2, v54;
	vm12 =	vgt.s32 v6, v4;
	vm2 =	vgt.s32 v1, v52  }
0x5b: {  	vm13 =	vgt.s32 v3, v53;
	v2 =	vsel vm11, v2, v54;
	v4 =	vsel vm12, v6, v4  }
0x5c: {  	v1 =	vsel vm2, v1, v52;
	v3 =	vsel vm13, v3, v53;
	vm14 =	vgt.s32 v2, v57  }
0x5d: {  	vm1 =	vgt.s32 v4, v58;
	vm15 =	vgt.s32 v1, v55;
	vm4 =	vgt.s32 v3, v56  }
0x5e: {  	v2 =	vsel vm14, v2, v57;
	v4 =	vsel vm1, v4, v58;
	v1 =	vsel vm15, v1, v55  }
0x5f: {  	v3 =	vsel vm4, v3, v56;
	vm5 =	vgt.s32 v2, v61;
	vm6 =	vgt.s32 v4, v63  }
0x60: {  	vm7 =	vgt.s32 v1, v59;
	vm8 =	vgt.s32 v3, v60;
	v2 =	vsel vm5, v2, v61  }
0x61: {  	v4 =	vsel vm6, v4, v63;
	v1 =	vsel vm7, v1, v59;
	v3 =	vsel vm8, v3, v60  }
0x62: {  	vm9 =	vgt.s32 v2, v8;
	vm10 =	vgt.s32 v4, v5;
	vm11 =	vgt.s32 v1, v62  }
0x63: {  	vm12 =	vgt.s32 v3, v12;
	v2 =	vsel vm9, v2, v8;
	v4 =	vsel vm10, v4, v5  }
0x64: {  	v1 =	vsel vm11, v1, v62;
	v3 =	vsel vm12, v3, v12;
	vm13 =	vgt.s32 v2, v15  }
0x65: {  	vm1 =	vgt.s32 v4, v16;
	vm14 =	vgt.s32 v1, v13;
	vm15 =	vgt.s32 v3, v14  }
0x66: {  	v2 =	vsel vm13, v2, v15;
	v4 =	vsel vm1, v4, v16;
	v1 =	vsel vm14, v1, v13  }
0x67: {  	v3 =	vsel vm15, v3, v14;
	vm4 =	vgt.s32 v2, v19;
	vm7 =	vgt.s32 v1, v17  }
0x68: {  	vm5 =	vgt.s32 v4, v20;
	v2 =	vsel vm4, v2, v19;
	v1 =	vsel vm7, v1, v17  }
0x69: {  	s16 =	sshra.s32 s12, $0x2;
	v4 =	vsel vm5, v4, v20;
	vm6 =	vgt.s32 v2, v21;
	v1 =	vand.u32 $0xFFFF0000, v1  }
0x6a: {  	vm9 =	vgt.s32 v3, v18;
	vm8 =	vgt.s32 v4, v22;
	v2 =	vsel vm6, v2, v21;
	[tilespmem:s16+$0xF220] =	vst v1  }
0x6b: {  	v4 =	vsel vm8, v4, v22;
	[tilespmem:s16+$0xF1E0] =	vst v2;
	v2 =	vsel vm9, v3, v18  }
0x6c: {  	[tilespmem:s16+$0xF260] =	vst v4;
	v1 =	vand.u32 $0xFFFF0000, v2  }
0x6d: {  	[tilespmem:s16+$0xF2A0] =	vst v1  }
0x6e: {  	v1 =	vld [tilespmem:s11+$0xFFFFFD90]  }
0x6f: {  	v2 =	vld [tilespmem:s11+$0xFFFFFDD0]  }
0x70: {  	v3 =	vld [tilespmem:s11+$0x10]  }
0x71: {  	v4 =	vld [tilespmem:s11+$0x50]  }
0x72: {  	v23 =	vld [tilespmem:s11+$0xFFFFFE10]  }
0x73: {  	v24 =	vld [tilespmem:s11+$0x90]  }
0x74: {  	v28 =	vld [tilespmem:s11+$0xFFFFFE50]  }
0x75: {  	v31 =	vld [tilespmem:s11+$0xFFFFFE90]  }
0x76: {  	v32 =	vld [tilespmem:s11+$0x110]  }
0x77: {  	v34 =	vld [tilespmem:s11+$0xFFFFFED0]  }
0x78: {  	v35 =	vld [tilespmem:s11+$0x150]  }
0x79: {  	v38 =	vld [tilespmem:s11+$0xFFFFFF10]  }
0x7a: {  	v41 =	vld [tilespmem:s11+$0xFFFFFF50]  }
0x7b: {  	v43 =	vld [tilespmem:s11+$0x1D0]  }
0x7c: {  	v44 =	vld [tilespmem:s11+$0xFFFFFF90]  }
0x7d: {  	v45 =	vld [tilespmem:s11+$0x210]  }
0x7e: {  	v48 =	vld [tilespmem:s11+$0xFFFFFFD0];
	vm10 =	vgt.s32 v1, v2  }
0x7f: {  	v49 =	vld [tilespmem:s11+$0x250];
	v25 =	vshll.u32 v1, $0x10;
	v26 =	vshll.u32 v3, $0x10;
	vm11 =	vgt.s32 v3, v4  }
0x80: {  	v27 =	vshll.u32 v4, $0x10;
	v5 =	vshll.u32 v23, $0x10;
	v6 =	vshll.u32 v24, $0x10  }
0x81: {  	v29 =	vld [tilespmem:s11+$0xD0];
	v33 =	vshll.u32 v28, $0x10;
	v36 =	vshll.u32 v31, $0x10;
	v37 =	vshll.u32 v32, $0x10  }
0x82: {  	v40 =	vshll.u32 v34, $0x10;
	v42 =	vshll.u32 v35, $0x10;
	v8 =	vshll.u32 v38, $0x10  }
0x83: {  	v46 =	vshll.u32 v41, $0x10;
	v47 =	vshll.u32 v43, $0x10;
	v50 =	vshll.u32 v44, $0x10  }
0x84: {  	v51 =	vshll.u32 v45, $0x10;
	v52 =	vshll.u32 v48, $0x10;
	v53 =	vshll.u32 v49, $0x10  }
0x85: {  	v1 =	vsel vm10, v1, v2;
	v2 =	vshll.u32 v2, $0x10;
	v3 =	vsel vm11, v3, v4  }
0x86: {  	vm13 =	vgt.s32 v26, v27;
	v4 =	vshll.u32 v29, $0x10;
	vm12 =	vgt.s32 v25, v2  }
0x87: {  	v39 =	vld [tilespmem:s11+$0x190];
	v30 =	vsel vm13, v26, v27;
	vm14 =	vgt.s32 v1, v23;
	vm15 =	vgt.s32 v3, v24  }
0x88: {  	v2 =	vsel vm12, v25, v2;
	v1 =	vsel vm14, v1, v23;
	v3 =	vsel vm15, v3, v24  }
0x89: {  	vm5 =	vgt.s32 v30, v6;
	vm4 =	vgt.s32 v2, v5;
	vm6 =	vgt.s32 v1, v28  }
0x8a: {  	v6 =	vsel vm5, v30, v6;
	vm7 =	vgt.s32 v3, v29;
	v2 =	vsel vm4, v2, v5  }
0x8b: {  	v1 =	vsel vm6, v1, v28;
	v3 =	vsel vm7, v3, v29;
	vm9 =	vgt.s32 v6, v4  }
0x8c: {  	v5 =	vshll.u32 v39, $0x10;
	vm8 =	vgt.s32 v2, v33;
	vm10 =	vgt.s32 v1, v31  }
0x8d: {  	v4 =	vsel vm9, v6, v4;
	vm11 =	vgt.s32 v3, v32;
	v2 =	vsel vm8, v2, v33  }
0x8e: {  	v1 =	vsel vm10, v1, v31;
	v3 =	vsel vm11, v3, v32;
	vm1 =	vgt.s32 v4, v37  }
0x8f: {  	vm12 =	vgt.s32 v2, v36;
	v4 =	vsel vm1, v4, v37;
	vm13 =	vgt.s32 v1, v34  }
0x90: {  	vm14 =	vgt.s32 v3, v35;
	v2 =	vsel vm12, v2, v36;
	v1 =	vsel vm13, v1, v34  }
0x91: {  	v3 =	vsel vm14, v3, v35;
	vm4 =	vgt.s32 v4, v42;
	vm15 =	vgt.s32 v2, v40  }
0x92: {  	vm5 =	vgt.s32 v1, v38;
	v4 =	vsel vm4, v4, v42;
	vm6 =	vgt.s32 v3, v39  }
0x93: {  	v2 =	vsel vm15, v2, v40;
	v1 =	vsel vm5, v1, v38;
	v3 =	vsel vm6, v3, v39  }
0x94: {  	vm8 =	vgt.s32 v4, v5;
	vm7 =	vgt.s32 v2, v8;
	vm9 =	vgt.s32 v1, v41  }
0x95: {  	v4 =	vsel vm8, v4, v5;
	vm10 =	vgt.s32 v3, v43;
	v2 =	vsel vm7, v2, v8  }
0x96: {  	v1 =	vsel vm9, v1, v41;
	v3 =	vsel vm10, v3, v43;
	vm1 =	vgt.s32 v4, v47  }
0x97: {  	vm11 =	vgt.s32 v2, v46;
	v4 =	vsel vm1, v4, v47;
	vm12 =	vgt.s32 v1, v44  }
0x98: {  	vm13 =	vgt.s32 v3, v45;
	v2 =	vsel vm11, v2, v46;
	vm15 =	vgt.s32 v4, v51  }
0x99: {  	v1 =	vsel vm12, v1, v44;
	vm14 =	vgt.s32 v2, v50;
	v4 =	vsel vm15, v4, v51  }
0x9a: {  	v3 =	vsel vm13, v3, v45;
	v2 =	vsel vm14, v2, v50;
	vm6 =	vgt.s32 v4, v53  }
0x9b: {  	vm5 =	vgt.s32 v1, v48;
	vm4 =	vgt.s32 v2, v52;
	v4 =	vsel vm6, v4, v53  }
0x9c: {  	vm7 =	vgt.s32 v3, v49;
	v1 =	vsel vm5, v1, v48;
	v2 =	vsel vm4, v2, v52;
	[tilespmem:s16+$0xF270] =	vst v4  }
0x9d: {  	v1 =	vand.u32 $0xFFFF0000, v1;
	[tilespmem:s16+$0xF1F0] =	vst v2;
	v2 =	vsel vm7, v3, v49  }
0x9e: {  	[tilespmem:s16+$0xF230] =	vst v1;
	v1 =	vand.u32 $0xFFFF0000, v2  }
0x9f: {  	[tilespmem:s16+$0xF2B0] =	vst v1  }
0xa0: {  	v1 =	vld [tilespmem:s11+$0xFFFFFDA0]  }
0xa1: {  	v2 =	vld [tilespmem:s11+$0xFFFFFDE0]  }
0xa2: {  	v3 =	vld [tilespmem:s11+$0x20]  }
0xa3: {  	v4 =	vld [tilespmem:s11+$0x60]  }
0xa4: {  	v54 =	vld [tilespmem:s11+$0xFFFFFE20]  }
0xa5: {  	v55 =	vld [tilespmem:s11+$0xA0]  }
0xa6: {  	v59 =	vld [tilespmem:s11+$0xFFFFFE60]  }
0xa7: {  	v62 =	vld [tilespmem:s11+$0xFFFFFEA0]  }
0xa8: {  	v63 =	vld [tilespmem:s11+$0x120]  }
0xa9: {  	v13 =	vld [tilespmem:s11+$0xFFFFFEE0]  }
0xaa: {  	v14 =	vld [tilespmem:s11+$0x160]  }
0xab: {  	v17 =	vld [tilespmem:s11+$0xFFFFFF20]  }
0xac: {  	v20 =	vld [tilespmem:s11+$0xFFFFFF60]  }
0xad: {  	v22 =	vld [tilespmem:s11+$0x1E0]  }
0xae: {  	v23 =	vld [tilespmem:s11+$0xFFFFFFA0]  }
0xaf: {  	v24 =	vld [tilespmem:s11+$0x220]  }
0xb0: {  	v27 =	vld [tilespmem:s11+$0xFFFFFFE0];
	vm8 =	vgt.s32 v1, v2  }
0xb1: {  	v28 =	vld [tilespmem:s11+$0x260];
	v56 =	vshll.u32 v1, $0x10;
	v57 =	vshll.u32 v3, $0x10;
	vm9 =	vgt.s32 v3, v4  }
0xb2: {  	v58 =	vshll.u32 v4, $0x10;
	v5 =	vshll.u32 v54, $0x10;
	v6 =	vshll.u32 v55, $0x10  }
0xb3: {  	v60 =	vld [tilespmem:s11+$0xE0];
	v12 =	vshll.u32 v59, $0x10;
	v15 =	vshll.u32 v62, $0x10;
	v16 =	vshll.u32 v63, $0x10  }
0xb4: {  	v19 =	vshll.u32 v13, $0x10;
	v21 =	vshll.u32 v14, $0x10;
	v8 =	vshll.u32 v17, $0x10  }
0xb5: {  	v25 =	vshll.u32 v20, $0x10;
	v26 =	vshll.u32 v22, $0x10;
	v29 =	vshll.u32 v23, $0x10  }
0xb6: {  	v30 =	vshll.u32 v24, $0x10;
	v31 =	vshll.u32 v27, $0x10;
	v32 =	vshll.u32 v28, $0x10  }
0xb7: {  	v1 =	vsel vm8, v1, v2;
	v2 =	vshll.u32 v2, $0x10;
	v3 =	vsel vm9, v3, v4  }
0xb8: {  	vm11 =	vgt.s32 v57, v58;
	v4 =	vshll.u32 v60, $0x10;
	vm10 =	vgt.s32 v56, v2  }
0xb9: {  	v18 =	vld [tilespmem:s11+$0x1A0];
	v61 =	vsel vm11, v57, v58;
	vm12 =	vgt.s32 v1, v54;
	vm13 =	vgt.s32 v3, v55  }
0xba: {  	v2 =	vsel vm10, v56, v2;
	v1 =	vsel vm12, v1, v54;
	v3 =	vsel vm13, v3, v55  }
0xbb: {  	vm15 =	vgt.s32 v61, v6;
	vm14 =	vgt.s32 v2, v5;
	vm4 =	vgt.s32 v1, v59  }
0xbc: {  	v6 =	vsel vm15, v61, v6;
	vm5 =	vgt.s32 v3, v60;
	v2 =	vsel vm14, v2, v5  }
0xbd: {  	v1 =	vsel vm4, v1, v59;
	v3 =	vsel vm5, v3, v60;
	vm7 =	vgt.s32 v6, v4  }
0xbe: {  	v5 =	vshll.u32 v18, $0x10;
	vm6 =	vgt.s32 v2, v12;
	vm8 =	vgt.s32 v1, v62  }
0xbf: {  	v4 =	vsel vm7, v6, v4;
	vm9 =	vgt.s32 v3, v63;
	v2 =	vsel vm6, v2, v12  }
0xc0: {  	v1 =	vsel vm8, v1, v62;
	v3 =	vsel vm9, v3, v63;
	vm1 =	vgt.s32 v4, v16  }
0xc1: {  	vm10 =	vgt.s32 v2, v15;
	v4 =	vsel vm1, v4, v16;
	vm11 =	vgt.s32 v1, v13  }
0xc2: {  	vm12 =	vgt.s32 v3, v14;
	v2 =	vsel vm10, v2, v15;
	v1 =	vsel vm11, v1, v13  }
0xc3: {  	v3 =	vsel vm12, v3, v14;
	vm14 =	vgt.s32 v4, v21;
	vm13 =	vgt.s32 v2, v19  }
0xc4: {  	vm15 =	vgt.s32 v1, v17;
	v4 =	vsel vm14, v4, v21;
	vm4 =	vgt.s32 v3, v18  }
0xc5: {  	v2 =	vsel vm13, v2, v19;
	v1 =	vsel vm15, v1, v17;
	v3 =	vsel vm4, v3, v18  }
0xc6: {  	vm6 =	vgt.s32 v4, v5;
	vm5 =	vgt.s32 v2, v8;
	vm7 =	vgt.s32 v1, v20  }
0xc7: {  	v4 =	vsel vm6, v4, v5;
	vm8 =	vgt.s32 v3, v22;
	v2 =	vsel vm5, v2, v8  }
0xc8: {  	v1 =	vsel vm7, v1, v20;
	v3 =	vsel vm8, v3, v22;
	vm1 =	vgt.s32 v4, v26  }
0xc9: {  	vm9 =	vgt.s32 v2, v25;
	v4 =	vsel vm1, v4, v26;
	vm10 =	vgt.s32 v1, v23  }
0xca: {  	vm11 =	vgt.s32 v3, v24;
	v2 =	vsel vm9, v2, v25;
	vm13 =	vgt.s32 v4, v30  }
0xcb: {  	v1 =	vsel vm10, v1, v23;
	vm12 =	vgt.s32 v2, v29;
	v4 =	vsel vm13, v4, v30  }
0xcc: {  	v3 =	vsel vm11, v3, v24;
	v2 =	vsel vm12, v2, v29;
	vm4 =	vgt.s32 v4, v32  }
0xcd: {  	vm15 =	vgt.s32 v1, v27;
	vm14 =	vgt.s32 v2, v31;
	v4 =	vsel vm4, v4, v32  }
0xce: {  	vm5 =	vgt.s32 v3, v28;
	v1 =	vsel vm15, v1, v27;
	v2 =	vsel vm14, v2, v31;
	[tilespmem:s16+$0xF280] =	vst v4  }
0xcf: {  	v1 =	vand.u32 $0xFFFF0000, v1;
	[tilespmem:s16+$0xF200] =	vst v2;
	v2 =	vsel vm5, v3, v28  }
0xd0: {  	[tilespmem:s16+$0xF240] =	vst v1;
	v1 =	vand.u32 $0xFFFF0000, v2  }
0xd1: {  	[tilespmem:s16+$0xF2C0] =	vst v1  }
0xd2: {  	v1 =	vld [tilespmem:s11+$0xFFFFFDB0]  }
0xd3: {  	v2 =	vld [tilespmem:s11+$0xFFFFFDF0]  }
0xd4: {  	v3 =	vld [tilespmem:s11+$0x30]  }
0xd5: {  	v4 =	vld [tilespmem:s11+$0x70]  }
0xd6: {  	v33 =	vld [tilespmem:s11+$0xFFFFFE30]  }
0xd7: {  	v34 =	vld [tilespmem:s11+$0xB0]  }
0xd8: {  	v38 =	vld [tilespmem:s11+$0xFFFFFE70]  }
0xd9: {  	v41 =	vld [tilespmem:s11+$0xFFFFFEB0]  }
0xda: {  	v42 =	vld [tilespmem:s11+$0x130]  }
0xdb: {  	v44 =	vld [tilespmem:s11+$0xFFFFFEF0]  }
0xdc: {  	v45 =	vld [tilespmem:s11+$0x170]  }
0xdd: {  	v48 =	vld [tilespmem:s11+$0xFFFFFF30]  }
0xde: {  	v51 =	vld [tilespmem:s11+$0xFFFFFF70]  }
0xdf: {  	v53 =	vld [tilespmem:s11+$0x1F0]  }
0xe0: {  	v54 =	vld [tilespmem:s11+$0xFFFFFFB0]  }
0xe1: {  	v55 =	vld [tilespmem:s11+$0x230]  }
0xe2: {  	v58 =	vld [tilespmem:s11+$0xFFFFFFF0];
	vm6 =	vgt.s32 v1, v2  }
0xe3: {  	v59 =	vld [tilespmem:s11+$0x270];
	v35 =	vshll.u32 v1, $0x10;
	v36 =	vshll.u32 v3, $0x10;
	vm7 =	vgt.s32 v3, v4  }
0xe4: {  	v37 =	vshll.u32 v4, $0x10;
	v5 =	vshll.u32 v33, $0x10;
	v6 =	vshll.u32 v34, $0x10  }
0xe5: {  	v39 =	vld [tilespmem:s11+$0xF0];
	v43 =	vshll.u32 v38, $0x10;
	v46 =	vshll.u32 v41, $0x10;
	v47 =	vshll.u32 v42, $0x10  }
0xe6: {  	v50 =	vshll.u32 v44, $0x10;
	v52 =	vshll.u32 v45, $0x10;
	v8 =	vshll.u32 v48, $0x10  }
0xe7: {  	v56 =	vshll.u32 v51, $0x10;
	v57 =	vshll.u32 v53, $0x10;
	v60 =	vshll.u32 v54, $0x10  }
0xe8: {  	v61 =	vshll.u32 v55, $0x10;
	v62 =	vshll.u32 v58, $0x10;
	v63 =	vshll.u32 v59, $0x10  }
0xe9: {  	v1 =	vsel vm6, v1, v2;
	v2 =	vshll.u32 v2, $0x10;
	v3 =	vsel vm7, v3, v4  }
0xea: {  	vm9 =	vgt.s32 v36, v37;
	v4 =	vshll.u32 v39, $0x10;
	vm8 =	vgt.s32 v35, v2  }
0xeb: {  	v49 =	vld [tilespmem:s11+$0x1B0];
	v40 =	vsel vm9, v36, v37;
	vm10 =	vgt.s32 v1, v33;
	vm11 =	vgt.s32 v3, v34  }
0xec: {  	v2 =	vsel vm8, v35, v2;
	v1 =	vsel vm10, v1, v33;
	v3 =	vsel vm11, v3, v34  }
0xed: {  	vm13 =	vgt.s32 v40, v6;
	vm12 =	vgt.s32 v2, v5;
	vm14 =	vgt.s32 v1, v38  }
0xee: {  	v6 =	vsel vm13, v40, v6;
	vm15 =	vgt.s32 v3, v39;
	v2 =	vsel vm12, v2, v5  }
0xef: {  	v1 =	vsel vm14, v1, v38;
	v3 =	vsel vm15, v3, v39;
	vm5 =	vgt.s32 v6, v4  }
0xf0: {  	v5 =	vshll.u32 v49, $0x10;
	vm4 =	vgt.s32 v2, v43;
	vm6 =	vgt.s32 v1, v41  }
0xf1: {  	v4 =	vsel vm5, v6, v4;
	vm7 =	vgt.s32 v3, v42;
	v2 =	vsel vm4, v2, v43  }
0xf2: {  	v1 =	vsel vm6, v1, v41;
	v3 =	vsel vm7, v3, v42;
	vm1 =	vgt.s32 v4, v47  }
0xf3: {  	vm8 =	vgt.s32 v2, v46;
	v4 =	vsel vm1, v4, v47;
	vm9 =	vgt.s32 v1, v44  }
0xf4: {  	vm10 =	vgt.s32 v3, v45;
	v2 =	vsel vm8, v2, v46;
	v1 =	vsel vm9, v1, v44  }
0xf5: {  	v3 =	vsel vm10, v3, v45;
	vm12 =	vgt.s32 v4, v52;
	vm11 =	vgt.s32 v2, v50  }
0xf6: {  	vm13 =	vgt.s32 v1, v48;
	v4 =	vsel vm12, v4, v52;
	vm14 =	vgt.s32 v3, v49  }
0xf7: {  	v2 =	vsel vm11, v2, v50;
	v1 =	vsel vm13, v1, v48;
	v3 =	vsel vm14, v3, v49  }
0xf8: {  	vm4 =	vgt.s32 v4, v5;
	vm15 =	vgt.s32 v2, v8;
	vm5 =	vgt.s32 v1, v51  }
0xf9: {  	v4 =	vsel vm4, v4, v5;
	vm6 =	vgt.s32 v3, v53;
	v2 =	vsel vm15, v2, v8  }
0xfa: {  	v1 =	vsel vm5, v1, v51;
	v3 =	vsel vm6, v3, v53;
	vm1 =	vgt.s32 v4, v57  }
0xfb: {  	vm7 =	vgt.s32 v2, v56;
	v4 =	vsel vm1, v4, v57;
	vm8 =	vgt.s32 v1, v54  }
0xfc: {  	vm9 =	vgt.s32 v3, v55;
	v2 =	vsel vm7, v2, v56;
	vm11 =	vgt.s32 v4, v61  }
0xfd: {  	v1 =	vsel vm8, v1, v54;
	vm10 =	vgt.s32 v2, v60;
	v4 =	vsel vm11, v4, v61  }
0xfe: {  	p1 =	sne.s32 s12, $0x2C00;
	v3 =	vsel vm9, v3, v55;
	v2 =	vsel vm10, v2, v60;
	vm14 =	vgt.s32 v4, v63  }
.Ltmp1:
0xff: {  	vm13 =	vgt.s32 v1, v58;
	vm12 =	vgt.s32 v2, v62;
	v4 =	vsel vm14, v4, v63;
	(pc) =	sbr.rel @p1 .LBB2_5-.Ltmp1, $4  }
0x100: {  	vm15 =	vgt.s32 v3, v59;
	v1 =	vsel vm13, v1, v58;
	v2 =	vsel vm12, v2, v62;
	[tilespmem:s16+$0xF290] =	vst v4  }
0x101: {  	v1 =	vand.u32 $0xFFFF0000, v1;
	[tilespmem:s16+$0xF210] =	vst v2;
	v2 =	vsel vm15, v3, v59  }
0x102: {  	[tilespmem:s16+$0xF250] =	vst v1;
	v1 =	vand.u32 $0xFFFF0000, v2  }
0x103: {  	s12 =	sadd.s32 $0x400, s12;
	s11 =	sadd.s32 $0x500, s11;
	[tilespmem:s16+$0xF2D0] =	vst v1  }
0x104: {  	p1 =	seq.s32 s21, $0x15  }
0x105: {  	s11 =	sadd.s32 @!p1 s8, s14  }
0x106: {  	s12 =	sadd.s32 s3, s8;
	p2 =	slt.s32 @!p1 s11, $0xC338  }
0x107: {  	p3 =	slt.s32 s12, $0xC338;
	p2 =	por !p2, p1  }
0x108: {  	s12 =	simm.s32 @!p3 $0xC338;
	s11 =	simm.s32 @p2 $0xC338  }
0x109: {  	s12 =	sshll.u32 s12, $0x4;
	s11 =	ssub.s32 @!p1 s11, s5  }
0x10a: {  	s12 =	sadd.s32 s2, s12;
	s11 =	smul.u32 @!p1 $0x28, s11  }
0x10b: {  	[hbm4b:s12+s4] =	stream.linear.scatter [tilespmem:s26], [sflag:$0x4], $0xC00, $0x38;
	[tilespmem:$0x115E0] =	vst v63  }
0x10c: {  	s16 =	simm.s32 @!p1 $0x3DE0;
	s12 =	simm.s32 @!p1 $0x78;
	s11 =	sshra.s32 @!p1 s11, $0x2  }
0x10d: {  	[tilespmem:s16], [sflag:$0x1] =	stream.indirect.gather @!p1 [hbm4b:s7+s12], $0x40, s11, s12, $0xb8;
	[tilespmem:$0x115E0] =	vst v63  }
0x10e: {  	s11 =	sadd.s32 @!p1 $0x78, s11;
	s16 =	simm.s32 @!p1 $0x5BE0  }
0x10f: {  	[tilespmem:s16], [sflag:$0x1] =	stream.indirect.gather @!p1 [hbm4b:s7+s12], $0x40, s11, s12, $0xb8;
	[tilespmem:$0x115E0] =	vst v63  }
0x110: {  	_ =	swait.ge [sflag:s28], $0x1E00  }
0x111: {  	[sflag:s28] =	ssyncset.done $0x0  }
0x112: {  	[sflag:s28] =	ssyncadd.s32 $0xFFFFE200  }
0x113: {  	_ =	swait.ge [sflag:s28], $0x1E00  }
0x114: {  	[sflag:s28] =	ssyncset.done $0x0  }
0x115: {  	s11 =	simm.s32 @!p0 $0x5;
	[sflag:s28] =	ssyncadd.s32 $0xFFFFE200  }
0x116: {  	_ =	swait.ge @!p0 [sflag:s11], $0xC00  }
0x117: {  	[sflag:s11] =	ssyncset.done @!p0 $0x0  }
0x118: {  	s12 =	simm.s32 $0xFED0;
	[sflag:s11] =	ssyncadd.s32 @!p0 $0xFFFFF400;
	s11 =	simm.s32 $0x0  }
.LBB2_7:
0x119: {  	s16 =	sshra.s32 s11, $0x2  }
0x11a: {  	v1 =	vld [tilespmem:s16+$0x79E0]  }
0x11b: {  	v2 =	vld [tilespmem:s16+$0x7A20]  }
0x11c: {  	v3 =	vld [tilespmem:s16+$0x7C60]  }
0x11d: {  	v4 =	vld [tilespmem:s16+$0x7CA0]  }
0x11e: {  	v10 =	vld [tilespmem:s16+$0x7AA0]  }
0x11f: {  	v52 =	vld [tilespmem:s16+$0x7AE0]  }
0x120: {  	v53 =	vld [tilespmem:s16+$0x7D60]  }
0x121: {  	v55 =	vld [tilespmem:s16+$0x7B20]  }
0x122: {  	v56 =	vld [tilespmem:s16+$0x7DA0]  }
0x123: {  	v62 =	vld [tilespmem:s16+$0x7BA0]  }
0x124: {  	v12 =	vld [tilespmem:s16+$0x7E20]  }
0x125: {  	v13 =	vld [tilespmem:s16+$0x7BE0]  }
0x126: {  	v14 =	vld [tilespmem:s16+$0x7E60]  }
0x127: {  	v17 =	vld [tilespmem:s16+$0x7C20]  }
0x128: {  	v18 =	vld [tilespmem:s16+$0x7EA0];
	vm0 =	vgt.s32 v1, v2  }
0x129: {  	v5 =	vld [tilespmem:s16+$0x7A60];
	v7 =	vshll.u32 v1, $0x10;
	v8 =	vshll.u32 v3, $0x10;
	vm15 =	vgt.s32 v3, v4  }
0x12a: {  	v50 =	vld [tilespmem:s16+$0x7D20];
	v9 =	vshll.u32 v4, $0x10;
	v54 =	vshll.u32 v10, $0x10;
	v57 =	vshll.u32 v52, $0x10  }
0x12b: {  	v6 =	vld [tilespmem:s16+$0x7CE0];
	v58 =	vshll.u32 v53, $0x10;
	v61 =	vshll.u32 v55, $0x10;
	v63 =	vshll.u32 v56, $0x10  }
0x12c: {  	v59 =	vld [tilespmem:s16+$0x7B60];
	v15 =	vshll.u32 v62, $0x10;
	v16 =	vshll.u32 v12, $0x10;
	v19 =	vshll.u32 v13, $0x10  }
0x12d: {  	v20 =	vshll.u32 v14, $0x10;
	v21 =	vshll.u32 v17, $0x10;
	v22 =	vshll.u32 v18, $0x10  }
0x12e: {  	v1 =	vsel vm0, v1, v2;
	v2 =	vshll.u32 v2, $0x10;
	v3 =	vsel vm15, v3, v4  }
0x12f: {  	vm1 =	vgt.s32 v8, v9;
	v4 =	vshll.u32 v50, $0x10;
	vm4 =	vgt.s32 v7, v2  }
0x130: {  	v60 =	vld [tilespmem:s16+$0x7DE0];
	v51 =	vsel vm1, v8, v9;
	vm5 =	vgt.s32 v1, v5;
	vm6 =	vgt.s32 v3, v6  }
0x131: {  	v8 =	vshll.u32 v59, $0x10;
	v2 =	vsel vm4, v7, v2;
	v1 =	vsel vm5, v1, v5  }
0x132: {  	v5 =	vshll.u32 v5, $0x10;
	v3 =	vsel vm6, v3, v6;
	v6 =	vshll.u32 v6, $0x10  }
0x133: {  	vm7 =	vgt.s32 v2, v5;
	vm8 =	vgt.s32 v51, v6;
	vm9 =	vgt.s32 v1, v10  }
0x134: {  	vm10 =	vgt.s32 v3, v50;
	v2 =	vsel vm7, v2, v5;
	v6 =	vsel vm8, v51, v6  }
0x135: {  	v1 =	vsel vm9, v1, v10;
	v3 =	vsel vm10, v3, v50;
	v5 =	vshll.u32 v60, $0x10  }
0x136: {  	vm11 =	vgt.s32 v2, v54;
	vm12 =	vgt.s32 v6, v4;
	vm2 =	vgt.s32 v1, v52  }
0x137: {  	vm13 =	vgt.s32 v3, v53;
	v2 =	vsel vm11, v2, v54;
	v4 =	vsel vm12, v6, v4  }
0x138: {  	v1 =	vsel vm2, v1, v52;
	v3 =	vsel vm13, v3, v53;
	vm14 =	vgt.s32 v2, v57  }
0x139: {  	vm1 =	vgt.s32 v4, v58;
	vm15 =	vgt.s32 v1, v55;
	vm4 =	vgt.s32 v3, v56  }
0x13a: {  	v2 =	vsel vm14, v2, v57;
	v4 =	vsel vm1, v4, v58;
	v1 =	vsel vm15, v1, v55  }
0x13b: {  	v3 =	vsel vm4, v3, v56;
	vm5 =	vgt.s32 v2, v61;
	vm6 =	vgt.s32 v4, v63  }
0x13c: {  	vm7 =	vgt.s32 v1, v59;
	vm8 =	vgt.s32 v3, v60;
	v2 =	vsel vm5, v2, v61  }
0x13d: {  	v4 =	vsel vm6, v4, v63;
	v1 =	vsel vm7, v1, v59;
	v3 =	vsel vm8, v3, v60  }
0x13e: {  	vm9 =	vgt.s32 v2, v8;
	vm10 =	vgt.s32 v4, v5;
	vm11 =	vgt.s32 v1, v62  }
0x13f: {  	vm12 =	vgt.s32 v3, v12;
	v2 =	vsel vm9, v2, v8;
	v4 =	vsel vm10, v4, v5  }
0x140: {  	v1 =	vsel vm11, v1, v62;
	v3 =	vsel vm12, v3, v12;
	vm13 =	vgt.s32 v2, v15  }
0x141: {  	vm1 =	vgt.s32 v4, v16;
	vm14 =	vgt.s32 v1, v13;
	vm15 =	vgt.s32 v3, v14  }
0x142: {  	v2 =	vsel vm13, v2, v15;
	v4 =	vsel vm1, v4, v16;
	v1 =	vsel vm14, v1, v13  }
0x143: {  	v3 =	vsel vm15, v3, v14;
	vm4 =	vgt.s32 v2, v19;
	vm7 =	vgt.s32 v1, v17  }
0x144: {  	vm5 =	vgt.s32 v4, v20;
	v2 =	vsel vm4, v2, v19;
	v1 =	vsel vm7, v1, v17  }
0x145: {  	v4 =	vsel vm5, v4, v20;
	vm6 =	vgt.s32 v2, v21;
	v1 =	vand.u32 $0xFFFF0000, v1  }
0x146: {  	vm9 =	vgt.s32 v3, v18;
	vm8 =	vgt.s32 v4, v22;
	v2 =	vsel vm6, v2, v21;
	[tilespmem:s12+$0xFFFFFF50] =	vst v1  }
0x147: {  	v4 =	vsel vm8, v4, v22;
	[tilespmem:s12+$0xFFFFFF10] =	vst v2;
	v2 =	vsel vm9, v3, v18  }
0x148: {  	[tilespmem:s12+$0xFFFFFF90] =	vst v4;
	v1 =	vand.u32 $0xFFFF0000, v2  }
0x149: {  	[tilespmem:s12+$0xFFFFFFD0] =	vst v1  }
0x14a: {  	v1 =	vld [tilespmem:s16+$0x79F0]  }
0x14b: {  	v2 =	vld [tilespmem:s16+$0x7A30]  }
0x14c: {  	v3 =	vld [tilespmem:s16+$0x7C70]  }
0x14d: {  	v4 =	vld [tilespmem:s16+$0x7CB0]  }
0x14e: {  	v23 =	vld [tilespmem:s16+$0x7A70]  }
0x14f: {  	v24 =	vld [tilespmem:s16+$0x7CF0]  }
0x150: {  	v28 =	vld [tilespmem:s16+$0x7AB0]  }
0x151: {  	v31 =	vld [tilespmem:s16+$0x7AF0]  }
0x152: {  	v32 =	vld [tilespmem:s16+$0x7D70]  }
0x153: {  	v34 =	vld [tilespmem:s16+$0x7B30]  }
0x154: {  	v35 =	vld [tilespmem:s16+$0x7DB0]  }
0x155: {  	v38 =	vld [tilespmem:s16+$0x7B70]  }
0x156: {  	v41 =	vld [tilespmem:s16+$0x7BB0]  }
0x157: {  	v43 =	vld [tilespmem:s16+$0x7E30]  }
0x158: {  	v44 =	vld [tilespmem:s16+$0x7BF0]  }
0x159: {  	v45 =	vld [tilespmem:s16+$0x7E70]  }
0x15a: {  	v48 =	vld [tilespmem:s16+$0x7C30];
	vm10 =	vgt.s32 v1, v2  }
0x15b: {  	v49 =	vld [tilespmem:s16+$0x7EB0];
	v25 =	vshll.u32 v1, $0x10;
	v26 =	vshll.u32 v3, $0x10;
	vm11 =	vgt.s32 v3, v4  }
0x15c: {  	v27 =	vshll.u32 v4, $0x10;
	v5 =	vshll.u32 v23, $0x10;
	v6 =	vshll.u32 v24, $0x10  }
0x15d: {  	v29 =	vld [tilespmem:s16+$0x7D30];
	v33 =	vshll.u32 v28, $0x10;
	v36 =	vshll.u32 v31, $0x10;
	v37 =	vshll.u32 v32, $0x10  }
0x15e: {  	v40 =	vshll.u32 v34, $0x10;
	v42 =	vshll.u32 v35, $0x10;
	v8 =	vshll.u32 v38, $0x10  }
0x15f: {  	v46 =	vshll.u32 v41, $0x10;
	v47 =	vshll.u32 v43, $0x10;
	v50 =	vshll.u32 v44, $0x10  }
0x160: {  	v51 =	vshll.u32 v45, $0x10;
	v52 =	vshll.u32 v48, $0x10;
	v53 =	vshll.u32 v49, $0x10  }
0x161: {  	v1 =	vsel vm10, v1, v2;
	v2 =	vshll.u32 v2, $0x10;
	v3 =	vsel vm11, v3, v4  }
0x162: {  	vm13 =	vgt.s32 v26, v27;
	v4 =	vshll.u32 v29, $0x10;
	vm12 =	vgt.s32 v25, v2  }
0x163: {  	v39 =	vld [tilespmem:s16+$0x7DF0];
	v30 =	vsel vm13, v26, v27;
	vm14 =	vgt.s32 v1, v23;
	vm15 =	vgt.s32 v3, v24  }
0x164: {  	v2 =	vsel vm12, v25, v2;
	v1 =	vsel vm14, v1, v23;
	v3 =	vsel vm15, v3, v24  }
0x165: {  	vm5 =	vgt.s32 v30, v6;
	vm4 =	vgt.s32 v2, v5;
	vm6 =	vgt.s32 v1, v28  }
0x166: {  	v6 =	vsel vm5, v30, v6;
	vm7 =	vgt.s32 v3, v29;
	v2 =	vsel vm4, v2, v5  }
0x167: {  	v1 =	vsel vm6, v1, v28;
	v3 =	vsel vm7, v3, v29;
	vm9 =	vgt.s32 v6, v4  }
0x168: {  	v5 =	vshll.u32 v39, $0x10;
	vm8 =	vgt.s32 v2, v33;
	vm10 =	vgt.s32 v1, v31  }
0x169: {  	v4 =	vsel vm9, v6, v4;
	vm11 =	vgt.s32 v3, v32;
	v2 =	vsel vm8, v2, v33  }
0x16a: {  	v1 =	vsel vm10, v1, v31;
	v3 =	vsel vm11, v3, v32;
	vm1 =	vgt.s32 v4, v37  }
0x16b: {  	vm12 =	vgt.s32 v2, v36;
	v4 =	vsel vm1, v4, v37;
	vm13 =	vgt.s32 v1, v34  }
0x16c: {  	vm14 =	vgt.s32 v3, v35;
	v2 =	vsel vm12, v2, v36;
	v1 =	vsel vm13, v1, v34  }
0x16d: {  	v3 =	vsel vm14, v3, v35;
	vm4 =	vgt.s32 v4, v42;
	vm15 =	vgt.s32 v2, v40  }
0x16e: {  	vm5 =	vgt.s32 v1, v38;
	v4 =	vsel vm4, v4, v42;
	vm6 =	vgt.s32 v3, v39  }
0x16f: {  	v2 =	vsel vm15, v2, v40;
	v1 =	vsel vm5, v1, v38;
	v3 =	vsel vm6, v3, v39  }
0x170: {  	vm8 =	vgt.s32 v4, v5;
	vm7 =	vgt.s32 v2, v8;
	vm9 =	vgt.s32 v1, v41  }
0x171: {  	v4 =	vsel vm8, v4, v5;
	vm10 =	vgt.s32 v3, v43;
	v2 =	vsel vm7, v2, v8  }
0x172: {  	v1 =	vsel vm9, v1, v41;
	v3 =	vsel vm10, v3, v43;
	vm1 =	vgt.s32 v4, v47  }
0x173: {  	vm11 =	vgt.s32 v2, v46;
	v4 =	vsel vm1, v4, v47;
	vm12 =	vgt.s32 v1, v44  }
0x174: {  	vm13 =	vgt.s32 v3, v45;
	v2 =	vsel vm11, v2, v46;
	vm15 =	vgt.s32 v4, v51  }
0x175: {  	v1 =	vsel vm12, v1, v44;
	vm14 =	vgt.s32 v2, v50;
	v4 =	vsel vm15, v4, v51  }
0x176: {  	v3 =	vsel vm13, v3, v45;
	v2 =	vsel vm14, v2, v50;
	vm6 =	vgt.s32 v4, v53  }
0x177: {  	vm5 =	vgt.s32 v1, v48;
	vm4 =	vgt.s32 v2, v52;
	v4 =	vsel vm6, v4, v53  }
0x178: {  	vm7 =	vgt.s32 v3, v49;
	v1 =	vsel vm5, v1, v48;
	v2 =	vsel vm4, v2, v52;
	[tilespmem:s12+$0xFFFFFFA0] =	vst v4  }
0x179: {  	v1 =	vand.u32 $0xFFFF0000, v1;
	[tilespmem:s12+$0xFFFFFF20] =	vst v2;
	v2 =	vsel vm7, v3, v49  }
0x17a: {  	[tilespmem:s12+$0xFFFFFF60] =	vst v1;
	v1 =	vand.u32 $0xFFFF0000, v2  }
0x17b: {  	[tilespmem:s12+$0xFFFFFFE0] =	vst v1  }
0x17c: {  	v1 =	vld [tilespmem:s16+$0x7A00]  }
0x17d: {  	v2 =	vld [tilespmem:s16+$0x7A40]  }
0x17e: {  	v3 =	vld [tilespmem:s16+$0x7C80]  }
0x17f: {  	v4 =	vld [tilespmem:s16+$0x7CC0]  }
0x180: {  	v54 =	vld [tilespmem:s16+$0x7A80]  }
0x181: {  	v55 =	vld [tilespmem:s16+$0x7D00]  }
0x182: {  	v59 =	vld [tilespmem:s16+$0x7AC0]  }
0x183: {  	v62 =	vld [tilespmem:s16+$0x7B00]  }
0x184: {  	v63 =	vld [tilespmem:s16+$0x7D80]  }
0x185: {  	v13 =	vld [tilespmem:s16+$0x7B40]  }
0x186: {  	v14 =	vld [tilespmem:s16+$0x7DC0]  }
0x187: {  	v17 =	vld [tilespmem:s16+$0x7B80]  }
0x188: {  	v20 =	vld [tilespmem:s16+$0x7BC0]  }
0x189: {  	v22 =	vld [tilespmem:s16+$0x7E40]  }
0x18a: {  	v23 =	vld [tilespmem:s16+$0x7C00]  }
0x18b: {  	v24 =	vld [tilespmem:s16+$0x7E80]  }
0x18c: {  	v27 =	vld [tilespmem:s16+$0x7C40];
	vm8 =	vgt.s32 v1, v2  }
0x18d: {  	v28 =	vld [tilespmem:s16+$0x7EC0];
	v56 =	vshll.u32 v1, $0x10;
	v57 =	vshll.u32 v3, $0x10;
	vm9 =	vgt.s32 v3, v4  }
0x18e: {  	v58 =	vshll.u32 v4, $0x10;
	v5 =	vshll.u32 v54, $0x10;
	v6 =	vshll.u32 v55, $0x10  }
0x18f: {  	v60 =	vld [tilespmem:s16+$0x7D40];
	v12 =	vshll.u32 v59, $0x10;
	v15 =	vshll.u32 v62, $0x10;
	v16 =	vshll.u32 v63, $0x10  }
0x190: {  	v19 =	vshll.u32 v13, $0x10;
	v21 =	vshll.u32 v14, $0x10;
	v8 =	vshll.u32 v17, $0x10  }
0x191: {  	v25 =	vshll.u32 v20, $0x10;
	v26 =	vshll.u32 v22, $0x10;
	v29 =	vshll.u32 v23, $0x10  }
0x192: {  	v30 =	vshll.u32 v24, $0x10;
	v31 =	vshll.u32 v27, $0x10;
	v32 =	vshll.u32 v28, $0x10  }
0x193: {  	v1 =	vsel vm8, v1, v2;
	v2 =	vshll.u32 v2, $0x10;
	v3 =	vsel vm9, v3, v4  }
0x194: {  	vm11 =	vgt.s32 v57, v58;
	v4 =	vshll.u32 v60, $0x10;
	vm10 =	vgt.s32 v56, v2  }
0x195: {  	v18 =	vld [tilespmem:s16+$0x7E00];
	v61 =	vsel vm11, v57, v58;
	vm12 =	vgt.s32 v1, v54;
	vm13 =	vgt.s32 v3, v55  }
0x196: {  	v2 =	vsel vm10, v56, v2;
	v1 =	vsel vm12, v1, v54;
	v3 =	vsel vm13, v3, v55  }
0x197: {  	vm15 =	vgt.s32 v61, v6;
	vm14 =	vgt.s32 v2, v5;
	vm4 =	vgt.s32 v1, v59  }
0x198: {  	v6 =	vsel vm15, v61, v6;
	vm5 =	vgt.s32 v3, v60;
	v2 =	vsel vm14, v2, v5  }
0x199: {  	v1 =	vsel vm4, v1, v59;
	v3 =	vsel vm5, v3, v60;
	vm7 =	vgt.s32 v6, v4  }
0x19a: {  	v5 =	vshll.u32 v18, $0x10;
	vm6 =	vgt.s32 v2, v12;
	vm8 =	vgt.s32 v1, v62  }
0x19b: {  	v4 =	vsel vm7, v6, v4;
	vm9 =	vgt.s32 v3, v63;
	v2 =	vsel vm6, v2, v12  }
0x19c: {  	v1 =	vsel vm8, v1, v62;
	v3 =	vsel vm9, v3, v63;
	vm1 =	vgt.s32 v4, v16  }
0x19d: {  	vm10 =	vgt.s32 v2, v15;
	v4 =	vsel vm1, v4, v16;
	vm11 =	vgt.s32 v1, v13  }
0x19e: {  	vm12 =	vgt.s32 v3, v14;
	v2 =	vsel vm10, v2, v15;
	v1 =	vsel vm11, v1, v13  }
0x19f: {  	v3 =	vsel vm12, v3, v14;
	vm14 =	vgt.s32 v4, v21;
	vm13 =	vgt.s32 v2, v19  }
0x1a0: {  	vm15 =	vgt.s32 v1, v17;
	v4 =	vsel vm14, v4, v21;
	vm4 =	vgt.s32 v3, v18  }
0x1a1: {  	v2 =	vsel vm13, v2, v19;
	v1 =	vsel vm15, v1, v17;
	v3 =	vsel vm4, v3, v18  }
0x1a2: {  	vm6 =	vgt.s32 v4, v5;
	vm5 =	vgt.s32 v2, v8;
	vm7 =	vgt.s32 v1, v20  }
0x1a3: {  	v4 =	vsel vm6, v4, v5;
	vm8 =	vgt.s32 v3, v22;
	v2 =	vsel vm5, v2, v8  }
0x1a4: {  	v1 =	vsel vm7, v1, v20;
	v3 =	vsel vm8, v3, v22;
	vm1 =	vgt.s32 v4, v26  }
0x1a5: {  	vm9 =	vgt.s32 v2, v25;
	v4 =	vsel vm1, v4, v26;
	vm10 =	vgt.s32 v1, v23  }
0x1a6: {  	vm11 =	vgt.s32 v3, v24;
	v2 =	vsel vm9, v2, v25;
	vm13 =	vgt.s32 v4, v30  }
0x1a7: {  	v1 =	vsel vm10, v1, v23;
	vm12 =	vgt.s32 v2, v29;
	v4 =	vsel vm13, v4, v30  }
0x1a8: {  	v3 =	vsel vm11, v3, v24;
	v2 =	vsel vm12, v2, v29;
	vm4 =	vgt.s32 v4, v32  }
0x1a9: {  	vm15 =	vgt.s32 v1, v27;
	vm14 =	vgt.s32 v2, v31;
	v4 =	vsel vm4, v4, v32  }
0x1aa: {  	vm5 =	vgt.s32 v3, v28;
	v1 =	vsel vm15, v1, v27;
	v2 =	vsel vm14, v2, v31;
	[tilespmem:s12+$0xFFFFFFB0] =	vst v4  }
0x1ab: {  	v1 =	vand.u32 $0xFFFF0000, v1;
	[tilespmem:s12+$0xFFFFFF30] =	vst v2;
	v2 =	vsel vm5, v3, v28  }
0x1ac: {  	[tilespmem:s12+$0xFFFFFF70] =	vst v1;
	v1 =	vand.u32 $0xFFFF0000, v2  }
0x1ad: {  	[tilespmem:s12+$0xFFFFFFF0] =	vst v1  }
0x1ae: {  	v1 =	vld [tilespmem:s16+$0x7A10]  }
0x1af: {  	v2 =	vld [tilespmem:s16+$0x7A50]  }
0x1b0: {  	v3 =	vld [tilespmem:s16+$0x7C90]  }
0x1b1: {  	v4 =	vld [tilespmem:s16+$0x7CD0]  }
0x1b2: {  	v33 =	vld [tilespmem:s16+$0x7A90]  }
0x1b3: {  	v34 =	vld [tilespmem:s16+$0x7D10]  }
0x1b4: {  	v38 =	vld [tilespmem:s16+$0x7AD0]  }
0x1b5: {  	v41 =	vld [tilespmem:s16+$0x7B10]  }
0x1b6: {  	v42 =	vld [tilespmem:s16+$0x7D90]  }
0x1b7: {  	v44 =	vld [tilespmem:s16+$0x7B50]  }
0x1b8: {  	v45 =	vld [tilespmem:s16+$0x7DD0]  }
0x1b9: {  	v48 =	vld [tilespmem:s16+$0x7B90]  }
0x1ba: {  	v51 =	vld [tilespmem:s16+$0x7BD0]  }
0x1bb: {  	v53 =	vld [tilespmem:s16+$0x7E50]  }
0x1bc: {  	v54 =	vld [tilespmem:s16+$0x7C10]  }
0x1bd: {  	v55 =	vld [tilespmem:s16+$0x7E90]  }
0x1be: {  	v58 =	vld [tilespmem:s16+$0x7C50];
	vm6 =	vgt.s32 v1, v2  }
0x1bf: {  	v59 =	vld [tilespmem:s16+$0x7ED0];
	v35 =	vshll.u32 v1, $0x10;
	v36 =	vshll.u32 v3, $0x10;
	vm7 =	vgt.s32 v3, v4  }
0x1c0: {  	v37 =	vshll.u32 v4, $0x10;
	v5 =	vshll.u32 v33, $0x10;
	v6 =	vshll.u32 v34, $0x10  }
0x1c1: {  	v39 =	vld [tilespmem:s16+$0x7D50];
	v43 =	vshll.u32 v38, $0x10;
	v46 =	vshll.u32 v41, $0x10;
	v47 =	vshll.u32 v42, $0x10  }
0x1c2: {  	v50 =	vshll.u32 v44, $0x10;
	v52 =	vshll.u32 v45, $0x10;
	v8 =	vshll.u32 v48, $0x10  }
0x1c3: {  	v56 =	vshll.u32 v51, $0x10;
	v57 =	vshll.u32 v53, $0x10;
	v60 =	vshll.u32 v54, $0x10  }
0x1c4: {  	v61 =	vshll.u32 v55, $0x10;
	v62 =	vshll.u32 v58, $0x10;
	v63 =	vshll.u32 v59, $0x10  }
0x1c5: {  	v1 =	vsel vm6, v1, v2;
	v2 =	vshll.u32 v2, $0x10;
	v3 =	vsel vm7, v3, v4  }
0x1c6: {  	vm9 =	vgt.s32 v36, v37;
	v4 =	vshll.u32 v39, $0x10;
	vm8 =	vgt.s32 v35, v2  }
0x1c7: {  	v49 =	vld [tilespmem:s16+$0x7E10];
	v40 =	vsel vm9, v36, v37;
	vm10 =	vgt.s32 v1, v33;
	vm11 =	vgt.s32 v3, v34  }
0x1c8: {  	v2 =	vsel vm8, v35, v2;
	v1 =	vsel vm10, v1, v33;
	v3 =	vsel vm11, v3, v34  }
0x1c9: {  	vm13 =	vgt.s32 v40, v6;
	vm12 =	vgt.s32 v2, v5;
	vm14 =	vgt.s32 v1, v38  }
0x1ca: {  	v6 =	vsel vm13, v40, v6;
	vm15 =	vgt.s32 v3, v39;
	v2 =	vsel vm12, v2, v5  }
0x1cb: {  	v1 =	vsel vm14, v1, v38;
	v3 =	vsel vm15, v3, v39;
	vm5 =	vgt.s32 v6, v4  }
0x1cc: {  	v5 =	vshll.u32 v49, $0x10;
	vm4 =	vgt.s32 v2, v43;
	vm6 =	vgt.s32 v1, v41  }
0x1cd: {  	v4 =	vsel vm5, v6, v4;
	vm7 =	vgt.s32 v3, v42;
	v2 =	vsel vm4, v2, v43  }
0x1ce: {  	v1 =	vsel vm6, v1, v41;
	v3 =	vsel vm7, v3, v42;
	vm1 =	vgt.s32 v4, v47  }
0x1cf: {  	vm8 =	vgt.s32 v2, v46;
	v4 =	vsel vm1, v4, v47;
	vm9 =	vgt.s32 v1, v44  }
0x1d0: {  	vm10 =	vgt.s32 v3, v45;
	v2 =	vsel vm8, v2, v46;
	v1 =	vsel vm9, v1, v44  }
0x1d1: {  	v3 =	vsel vm10, v3, v45;
	vm12 =	vgt.s32 v4, v52;
	vm11 =	vgt.s32 v2, v50  }
0x1d2: {  	vm13 =	vgt.s32 v1, v48;
	v4 =	vsel vm12, v4, v52;
	vm14 =	vgt.s32 v3, v49  }
0x1d3: {  	v2 =	vsel vm11, v2, v50;
	v1 =	vsel vm13, v1, v48;
	v3 =	vsel vm14, v3, v49  }
0x1d4: {  	vm4 =	vgt.s32 v4, v5;
	vm15 =	vgt.s32 v2, v8;
	vm5 =	vgt.s32 v1, v51  }
0x1d5: {  	v4 =	vsel vm4, v4, v5;
	vm6 =	vgt.s32 v3, v53;
	v2 =	vsel vm15, v2, v8  }
0x1d6: {  	v1 =	vsel vm5, v1, v51;
	v3 =	vsel vm6, v3, v53;
	vm1 =	vgt.s32 v4, v57  }
0x1d7: {  	vm7 =	vgt.s32 v2, v56;
	v4 =	vsel vm1, v4, v57;
	vm8 =	vgt.s32 v1, v54  }
0x1d8: {  	vm9 =	vgt.s32 v3, v55;
	v2 =	vsel vm7, v2, v56;
	vm11 =	vgt.s32 v4, v61  }
0x1d9: {  	v1 =	vsel vm8, v1, v54;
	vm10 =	vgt.s32 v2, v60;
	v4 =	vsel vm11, v4, v61  }
0x1da: {  	p2 =	sne.s32 s11, $0xDC00;
	v3 =	vsel vm9, v3, v55;
	v2 =	vsel vm10, v2, v60;
	vm14 =	vgt.s32 v4, v63  }
.Ltmp2:
0x1db: {  	vm13 =	vgt.s32 v1, v58;
	vm12 =	vgt.s32 v2, v62;
	v4 =	vsel vm14, v4, v63;
	(pc) =	sbr.rel @p2 .LBB2_7-.Ltmp2, $4  }
0x1dc: {  	vm15 =	vgt.s32 v3, v59;
	v1 =	vsel vm13, v1, v58;
	v2 =	vsel vm12, v2, v62;
	[tilespmem:s12+$0xFFFFFFC0] =	vst v4  }
0x1dd: {  	v1 =	vand.u32 $0xFFFF0000, v1;
	[tilespmem:s12+$0xFFFFFF40] =	vst v2;
	v2 =	vsel vm15, v3, v59  }
0x1de: {  	[tilespmem:s12+$0xFFFFFF80] =	vst v1;
	v1 =	vand.u32 $0xFFFF0000, v2  }
0x1df: {  	s11 =	sadd.s32 $0x1400, s11;
	[tilespmem:s12+$0x0] =	vst v1;
	s12 =	sadd.s32 $0x100, s12  }
0x1e0: {  	s11 =	sadd.s32 @!p1 s8, s15  }
0x1e1: {  	s8 =	sadd.s32 s8, s6;
	p2 =	slt.s32 @!p1 s11, $0xC338  }
0x1e2: {  	p3 =	slt.s32 s8, $0xC338;
	p2 =	por !p2, p1  }
0x1e3: {  	s8 =	simm.s32 @!p3 $0xC338;
	s11 =	simm.s32 @p2 $0xC338  }
0x1e4: {  	s8 =	sshll.u32 s8, $0x4;
	s11 =	ssub.s32 @!p1 s11, s5  }
0x1e5: {  	s8 =	sadd.s32 s2, s8;
	s11 =	smul.u32 @!p1 $0x28, s11  }
0x1e6: {  	[hbm4b:s8+s4] =	stream.linear.scatter [tilespmem:s29], [sflag:$0x5], $0xC00, $0x38;
	[tilespmem:$0x115E0] =	vst v63  }
0x1e7: {  	s12 =	simm.s32 @!p1 $0x79E0;
	s8 =	sshra.s32 @!p1 s11, $0x2;
	s11 =	simm.s32 @!p1 $0x78  }
0x1e8: {  	[tilespmem:s12], [sflag:$0x2] =	stream.indirect.gather @!p1 [hbm4b:s7+s11], $0x40, s8, s11, $0xb8;
	[tilespmem:$0x115E0] =	vst v63  }
0x1e9: {  	s8 =	sadd.s32 @!p1 $0x78, s8;
	s12 =	simm.s32 @!p1 $0x97E0  }
0x1ea: {  	[tilespmem:s12], [sflag:$0x2] =	stream.indirect.gather @!p1 [hbm4b:s7+s11], $0x40, s8, s11, $0xb8;
	[tilespmem:$0x115E0] =	vst v63  }
0x1eb: {  	_ =	swait.ge [sflag:s30], $0x1E00  }
0x1ec: {  	[sflag:s30] =	ssyncset.done $0x0  }
0x1ed: {  	[sflag:s30] =	ssyncadd.s32 $0xFFFFE200  }
0x1ee: {  	_ =	swait.ge [sflag:s30], $0x1E00  }
0x1ef: {  	[sflag:s30] =	ssyncset.done $0x0  }
0x1f0: {  	s8 =	simm.s32 @!p0 $0x6;
	[sflag:s30] =	ssyncadd.s32 $0xFFFFE200  }
0x1f1: {  	_ =	swait.ge @!p0 [sflag:s8], $0xC00  }
0x1f2: {  	[sflag:s8] =	ssyncset.done @!p0 $0x0  }
0x1f3: {  	s11 =	simm.s32 $0x10AD0;
	[sflag:s8] =	ssyncadd.s32 @!p0 $0xFFFFF400;
	s8 =	simm.s32 $0x0  }
.LBB2_9:
0x1f4: {  	s12 =	sshra.s32 s8, $0x2  }
0x1f5: {  	v1 =	vld [tilespmem:s12+$0xB5E0]  }
0x1f6: {  	v2 =	vld [tilespmem:s12+$0xB620]  }
0x1f7: {  	v3 =	vld [tilespmem:s12+$0xB860]  }
0x1f8: {  	v4 =	vld [tilespmem:s12+$0xB8A0]  }
0x1f9: {  	v10 =	vld [tilespmem:s12+$0xB6A0]  }
0x1fa: {  	v52 =	vld [tilespmem:s12+$0xB6E0]  }
0x1fb: {  	v53 =	vld [tilespmem:s12+$0xB960]  }
0x1fc: {  	v55 =	vld [tilespmem:s12+$0xB720]  }
0x1fd: {  	v56 =	vld [tilespmem:s12+$0xB9A0]  }
0x1fe: {  	v62 =	vld [tilespmem:s12+$0xB7A0]  }
0x1ff: {  	v12 =	vld [tilespmem:s12+$0xBA20]  }
0x200: {  	v13 =	vld [tilespmem:s12+$0xB7E0]  }
0x201: {  	v14 =	vld [tilespmem:s12+$0xBA60]  }
0x202: {  	v17 =	vld [tilespmem:s12+$0xB820]  }
0x203: {  	v18 =	vld [tilespmem:s12+$0xBAA0];
	vm0 =	vgt.s32 v1, v2  }
0x204: {  	v5 =	vld [tilespmem:s12+$0xB660];
	v7 =	vshll.u32 v1, $0x10;
	v8 =	vshll.u32 v3, $0x10;
	vm15 =	vgt.s32 v3, v4  }
0x205: {  	v50 =	vld [tilespmem:s12+$0xB920];
	v9 =	vshll.u32 v4, $0x10;
	v54 =	vshll.u32 v10, $0x10;
	v57 =	vshll.u32 v52, $0x10  }
0x206: {  	v6 =	vld [tilespmem:s12+$0xB8E0];
	v58 =	vshll.u32 v53, $0x10;
	v61 =	vshll.u32 v55, $0x10;
	v63 =	vshll.u32 v56, $0x10  }
0x207: {  	v59 =	vld [tilespmem:s12+$0xB760];
	v15 =	vshll.u32 v62, $0x10;
	v16 =	vshll.u32 v12, $0x10;
	v19 =	vshll.u32 v13, $0x10  }
0x208: {  	v20 =	vshll.u32 v14, $0x10;
	v21 =	vshll.u32 v17, $0x10;
	v22 =	vshll.u32 v18, $0x10  }
0x209: {  	v1 =	vsel vm0, v1, v2;
	v2 =	vshll.u32 v2, $0x10;
	v3 =	vsel vm15, v3, v4  }
0x20a: {  	vm1 =	vgt.s32 v8, v9;
	v4 =	vshll.u32 v50, $0x10;
	vm4 =	vgt.s32 v7, v2  }
0x20b: {  	v60 =	vld [tilespmem:s12+$0xB9E0];
	v51 =	vsel vm1, v8, v9;
	vm5 =	vgt.s32 v1, v5;
	vm6 =	vgt.s32 v3, v6  }
0x20c: {  	v8 =	vshll.u32 v59, $0x10;
	v2 =	vsel vm4, v7, v2;
	v1 =	vsel vm5, v1, v5  }
0x20d: {  	v5 =	vshll.u32 v5, $0x10;
	v3 =	vsel vm6, v3, v6;
	v6 =	vshll.u32 v6, $0x10  }
0x20e: {  	vm7 =	vgt.s32 v2, v5;
	vm8 =	vgt.s32 v51, v6;
	vm9 =	vgt.s32 v1, v10  }
0x20f: {  	vm10 =	vgt.s32 v3, v50;
	v2 =	vsel vm7, v2, v5;
	v6 =	vsel vm8, v51, v6  }
0x210: {  	v1 =	vsel vm9, v1, v10;
	v3 =	vsel vm10, v3, v50;
	v5 =	vshll.u32 v60, $0x10  }
0x211: {  	vm11 =	vgt.s32 v2, v54;
	vm12 =	vgt.s32 v6, v4;
	vm2 =	vgt.s32 v1, v52  }
0x212: {  	vm13 =	vgt.s32 v3, v53;
	v2 =	vsel vm11, v2, v54;
	v4 =	vsel vm12, v6, v4  }
0x213: {  	v1 =	vsel vm2, v1, v52;
	v3 =	vsel vm13, v3, v53;
	vm14 =	vgt.s32 v2, v57  }
0x214: {  	vm1 =	vgt.s32 v4, v58;
	vm15 =	vgt.s32 v1, v55;
	vm4 =	vgt.s32 v3, v56  }
0x215: {  	v2 =	vsel vm14, v2, v57;
	v4 =	vsel vm1, v4, v58;
	v1 =	vsel vm15, v1, v55  }
0x216: {  	v3 =	vsel vm4, v3, v56;
	vm5 =	vgt.s32 v2, v61;
	vm6 =	vgt.s32 v4, v63  }
0x217: {  	vm7 =	vgt.s32 v1, v59;
	vm8 =	vgt.s32 v3, v60;
	v2 =	vsel vm5, v2, v61  }
0x218: {  	v4 =	vsel vm6, v4, v63;
	v1 =	vsel vm7, v1, v59;
	v3 =	vsel vm8, v3, v60  }
0x219: {  	vm9 =	vgt.s32 v2, v8;
	vm10 =	vgt.s32 v4, v5;
	vm11 =	vgt.s32 v1, v62  }
0x21a: {  	vm12 =	vgt.s32 v3, v12;
	v2 =	vsel vm9, v2, v8;
	v4 =	vsel vm10, v4, v5  }
0x21b: {  	v1 =	vsel vm11, v1, v62;
	v3 =	vsel vm12, v3, v12;
	vm13 =	vgt.s32 v2, v15  }
0x21c: {  	vm1 =	vgt.s32 v4, v16;
	vm14 =	vgt.s32 v1, v13;
	vm15 =	vgt.s32 v3, v14  }
0x21d: {  	v2 =	vsel vm13, v2, v15;
	v4 =	vsel vm1, v4, v16;
	v1 =	vsel vm14, v1, v13  }
0x21e: {  	v3 =	vsel vm15, v3, v14;
	vm4 =	vgt.s32 v2, v19;
	vm7 =	vgt.s32 v1, v17  }
0x21f: {  	vm5 =	vgt.s32 v4, v20;
	v2 =	vsel vm4, v2, v19;
	v1 =	vsel vm7, v1, v17  }
0x220: {  	v4 =	vsel vm5, v4, v20;
	vm6 =	vgt.s32 v2, v21;
	v1 =	vand.u32 $0xFFFF0000, v1  }
0x221: {  	vm9 =	vgt.s32 v3, v18;
	vm8 =	vgt.s32 v4, v22;
	v2 =	vsel vm6, v2, v21;
	[tilespmem:s11+$0xFFFFFF50] =	vst v1  }
0x222: {  	v4 =	vsel vm8, v4, v22;
	[tilespmem:s11+$0xFFFFFF10] =	vst v2;
	v2 =	vsel vm9, v3, v18  }
0x223: {  	[tilespmem:s11+$0xFFFFFF90] =	vst v4;
	v1 =	vand.u32 $0xFFFF0000, v2  }
0x224: {  	[tilespmem:s11+$0xFFFFFFD0] =	vst v1  }
0x225: {  	v1 =	vld [tilespmem:s12+$0xB5F0]  }
0x226: {  	v2 =	vld [tilespmem:s12+$0xB630]  }
0x227: {  	v3 =	vld [tilespmem:s12+$0xB870]  }
0x228: {  	v4 =	vld [tilespmem:s12+$0xB8B0]  }
0x229: {  	v23 =	vld [tilespmem:s12+$0xB670]  }
0x22a: {  	v24 =	vld [tilespmem:s12+$0xB8F0]  }
0x22b: {  	v28 =	vld [tilespmem:s12+$0xB6B0]  }
0x22c: {  	v31 =	vld [tilespmem:s12+$0xB6F0]  }
0x22d: {  	v32 =	vld [tilespmem:s12+$0xB970]  }
0x22e: {  	v34 =	vld [tilespmem:s12+$0xB730]  }
0x22f: {  	v35 =	vld [tilespmem:s12+$0xB9B0]  }
0x230: {  	v38 =	vld [tilespmem:s12+$0xB770]  }
0x231: {  	v41 =	vld [tilespmem:s12+$0xB7B0]  }
0x232: {  	v43 =	vld [tilespmem:s12+$0xBA30]  }
0x233: {  	v44 =	vld [tilespmem:s12+$0xB7F0]  }
0x234: {  	v45 =	vld [tilespmem:s12+$0xBA70]  }
0x235: {  	v48 =	vld [tilespmem:s12+$0xB830];
	vm10 =	vgt.s32 v1, v2  }
0x236: {  	v49 =	vld [tilespmem:s12+$0xBAB0];
	v25 =	vshll.u32 v1, $0x10;
	v26 =	vshll.u32 v3, $0x10;
	vm11 =	vgt.s32 v3, v4  }
0x237: {  	v27 =	vshll.u32 v4, $0x10;
	v5 =	vshll.u32 v23, $0x10;
	v6 =	vshll.u32 v24, $0x10  }
0x238: {  	v29 =	vld [tilespmem:s12+$0xB930];
	v33 =	vshll.u32 v28, $0x10;
	v36 =	vshll.u32 v31, $0x10;
	v37 =	vshll.u32 v32, $0x10  }
0x239: {  	v40 =	vshll.u32 v34, $0x10;
	v42 =	vshll.u32 v35, $0x10;
	v8 =	vshll.u32 v38, $0x10  }
0x23a: {  	v46 =	vshll.u32 v41, $0x10;
	v47 =	vshll.u32 v43, $0x10;
	v50 =	vshll.u32 v44, $0x10  }
0x23b: {  	v51 =	vshll.u32 v45, $0x10;
	v52 =	vshll.u32 v48, $0x10;
	v53 =	vshll.u32 v49, $0x10  }
0x23c: {  	v1 =	vsel vm10, v1, v2;
	v2 =	vshll.u32 v2, $0x10;
	v3 =	vsel vm11, v3, v4  }
0x23d: {  	vm13 =	vgt.s32 v26, v27;
	v4 =	vshll.u32 v29, $0x10;
	vm12 =	vgt.s32 v25, v2  }
0x23e: {  	v39 =	vld [tilespmem:s12+$0xB9F0];
	v30 =	vsel vm13, v26, v27;
	vm14 =	vgt.s32 v1, v23;
	vm15 =	vgt.s32 v3, v24  }
0x23f: {  	v2 =	vsel vm12, v25, v2;
	v1 =	vsel vm14, v1, v23;
	v3 =	vsel vm15, v3, v24  }
0x240: {  	vm5 =	vgt.s32 v30, v6;
	vm4 =	vgt.s32 v2, v5;
	vm6 =	vgt.s32 v1, v28  }
0x241: {  	v6 =	vsel vm5, v30, v6;
	vm7 =	vgt.s32 v3, v29;
	v2 =	vsel vm4, v2, v5  }
0x242: {  	v1 =	vsel vm6, v1, v28;
	v3 =	vsel vm7, v3, v29;
	vm9 =	vgt.s32 v6, v4  }
0x243: {  	v5 =	vshll.u32 v39, $0x10;
	vm8 =	vgt.s32 v2, v33;
	vm10 =	vgt.s32 v1, v31  }
0x244: {  	v4 =	vsel vm9, v6, v4;
	vm11 =	vgt.s32 v3, v32;
	v2 =	vsel vm8, v2, v33  }
0x245: {  	v1 =	vsel vm10, v1, v31;
	v3 =	vsel vm11, v3, v32;
	vm1 =	vgt.s32 v4, v37  }
0x246: {  	vm12 =	vgt.s32 v2, v36;
	v4 =	vsel vm1, v4, v37;
	vm13 =	vgt.s32 v1, v34  }
0x247: {  	vm14 =	vgt.s32 v3, v35;
	v2 =	vsel vm12, v2, v36;
	v1 =	vsel vm13, v1, v34  }
0x248: {  	v3 =	vsel vm14, v3, v35;
	vm4 =	vgt.s32 v4, v42;
	vm15 =	vgt.s32 v2, v40  }
0x249: {  	vm5 =	vgt.s32 v1, v38;
	v4 =	vsel vm4, v4, v42;
	vm6 =	vgt.s32 v3, v39  }
0x24a: {  	v2 =	vsel vm15, v2, v40;
	v1 =	vsel vm5, v1, v38;
	v3 =	vsel vm6, v3, v39  }
0x24b: {  	vm8 =	vgt.s32 v4, v5;
	vm7 =	vgt.s32 v2, v8;
	vm9 =	vgt.s32 v1, v41  }
0x24c: {  	v4 =	vsel vm8, v4, v5;
	vm10 =	vgt.s32 v3, v43;
	v2 =	vsel vm7, v2, v8  }
0x24d: {  	v1 =	vsel vm9, v1, v41;
	v3 =	vsel vm10, v3, v43;
	vm1 =	vgt.s32 v4, v47  }
0x24e: {  	vm11 =	vgt.s32 v2, v46;
	v4 =	vsel vm1, v4, v47;
	vm12 =	vgt.s32 v1, v44  }
0x24f: {  	vm13 =	vgt.s32 v3, v45;
	v2 =	vsel vm11, v2, v46;
	vm15 =	vgt.s32 v4, v51  }
0x250: {  	v1 =	vsel vm12, v1, v44;
	vm14 =	vgt.s32 v2, v50;
	v4 =	vsel vm15, v4, v51  }
0x251: {  	v3 =	vsel vm13, v3, v45;
	v2 =	vsel vm14, v2, v50;
	vm6 =	vgt.s32 v4, v53  }
0x252: {  	vm5 =	vgt.s32 v1, v48;
	vm4 =	vgt.s32 v2, v52;
	v4 =	vsel vm6, v4, v53  }
0x253: {  	vm7 =	vgt.s32 v3, v49;
	v1 =	vsel vm5, v1, v48;
	v2 =	vsel vm4, v2, v52;
	[tilespmem:s11+$0xFFFFFFA0] =	vst v4  }
0x254: {  	v1 =	vand.u32 $0xFFFF0000, v1;
	[tilespmem:s11+$0xFFFFFF20] =	vst v2;
	v2 =	vsel vm7, v3, v49  }
0x255: {  	[tilespmem:s11+$0xFFFFFF60] =	vst v1;
	v1 =	vand.u32 $0xFFFF0000, v2  }
0x256: {  	[tilespmem:s11+$0xFFFFFFE0] =	vst v1  }
0x257: {  	v1 =	vld [tilespmem:s12+$0xB600]  }
0x258: {  	v2 =	vld [tilespmem:s12+$0xB640]  }
0x259: {  	v3 =	vld [tilespmem:s12+$0xB880]  }
0x25a: {  	v4 =	vld [tilespmem:s12+$0xB8C0]  }
0x25b: {  	v54 =	vld [tilespmem:s12+$0xB680]  }
0x25c: {  	v55 =	vld [tilespmem:s12+$0xB900]  }
0x25d: {  	v59 =	vld [tilespmem:s12+$0xB6C0]  }
0x25e: {  	v62 =	vld [tilespmem:s12+$0xB700]  }
0x25f: {  	v63 =	vld [tilespmem:s12+$0xB980]  }
0x260: {  	v13 =	vld [tilespmem:s12+$0xB740]  }
0x261: {  	v14 =	vld [tilespmem:s12+$0xB9C0]  }
0x262: {  	v17 =	vld [tilespmem:s12+$0xB780]  }
0x263: {  	v20 =	vld [tilespmem:s12+$0xB7C0]  }
0x264: {  	v22 =	vld [tilespmem:s12+$0xBA40]  }
0x265: {  	v23 =	vld [tilespmem:s12+$0xB800]  }
0x266: {  	v24 =	vld [tilespmem:s12+$0xBA80]  }
0x267: {  	v27 =	vld [tilespmem:s12+$0xB840];
	vm8 =	vgt.s32 v1, v2  }
0x268: {  	v28 =	vld [tilespmem:s12+$0xBAC0];
	v56 =	vshll.u32 v1, $0x10;
	v57 =	vshll.u32 v3, $0x10;
	vm9 =	vgt.s32 v3, v4  }
0x269: {  	v58 =	vshll.u32 v4, $0x10;
	v5 =	vshll.u32 v54, $0x10;
	v6 =	vshll.u32 v55, $0x10  }
0x26a: {  	v60 =	vld [tilespmem:s12+$0xB940];
	v12 =	vshll.u32 v59, $0x10;
	v15 =	vshll.u32 v62, $0x10;
	v16 =	vshll.u32 v63, $0x10  }
0x26b: {  	v19 =	vshll.u32 v13, $0x10;
	v21 =	vshll.u32 v14, $0x10;
	v8 =	vshll.u32 v17, $0x10  }
0x26c: {  	v25 =	vshll.u32 v20, $0x10;
	v26 =	vshll.u32 v22, $0x10;
	v29 =	vshll.u32 v23, $0x10  }
0x26d: {  	v30 =	vshll.u32 v24, $0x10;
	v31 =	vshll.u32 v27, $0x10;
	v32 =	vshll.u32 v28, $0x10  }
0x26e: {  	v1 =	vsel vm8, v1, v2;
	v2 =	vshll.u32 v2, $0x10;
	v3 =	vsel vm9, v3, v4  }
0x26f: {  	vm11 =	vgt.s32 v57, v58;
	v4 =	vshll.u32 v60, $0x10;
	vm10 =	vgt.s32 v56, v2  }
0x270: {  	v18 =	vld [tilespmem:s12+$0xBA00];
	v61 =	vsel vm11, v57, v58;
	vm12 =	vgt.s32 v1, v54;
	vm13 =	vgt.s32 v3, v55  }
0x271: {  	v2 =	vsel vm10, v56, v2;
	v1 =	vsel vm12, v1, v54;
	v3 =	vsel vm13, v3, v55  }
0x272: {  	vm15 =	vgt.s32 v61, v6;
	vm14 =	vgt.s32 v2, v5;
	vm4 =	vgt.s32 v1, v59  }
0x273: {  	v6 =	vsel vm15, v61, v6;
	vm5 =	vgt.s32 v3, v60;
	v2 =	vsel vm14, v2, v5  }
0x274: {  	v1 =	vsel vm4, v1, v59;
	v3 =	vsel vm5, v3, v60;
	vm7 =	vgt.s32 v6, v4  }
0x275: {  	v5 =	vshll.u32 v18, $0x10;
	vm6 =	vgt.s32 v2, v12;
	vm8 =	vgt.s32 v1, v62  }
0x276: {  	v4 =	vsel vm7, v6, v4;
	vm9 =	vgt.s32 v3, v63;
	v2 =	vsel vm6, v2, v12  }
0x277: {  	v1 =	vsel vm8, v1, v62;
	v3 =	vsel vm9, v3, v63;
	vm1 =	vgt.s32 v4, v16  }
0x278: {  	vm10 =	vgt.s32 v2, v15;
	v4 =	vsel vm1, v4, v16;
	vm11 =	vgt.s32 v1, v13  }
0x279: {  	vm12 =	vgt.s32 v3, v14;
	v2 =	vsel vm10, v2, v15;
	v1 =	vsel vm11, v1, v13  }
0x27a: {  	v3 =	vsel vm12, v3, v14;
	vm14 =	vgt.s32 v4, v21;
	vm13 =	vgt.s32 v2, v19  }
0x27b: {  	vm15 =	vgt.s32 v1, v17;
	v4 =	vsel vm14, v4, v21;
	vm4 =	vgt.s32 v3, v18  }
0x27c: {  	v2 =	vsel vm13, v2, v19;
	v1 =	vsel vm15, v1, v17;
	v3 =	vsel vm4, v3, v18  }
0x27d: {  	vm6 =	vgt.s32 v4, v5;
	vm5 =	vgt.s32 v2, v8;
	vm7 =	vgt.s32 v1, v20  }
0x27e: {  	v4 =	vsel vm6, v4, v5;
	vm8 =	vgt.s32 v3, v22;
	v2 =	vsel vm5, v2, v8  }
0x27f: {  	v1 =	vsel vm7, v1, v20;
	v3 =	vsel vm8, v3, v22;
	vm1 =	vgt.s32 v4, v26  }
0x280: {  	vm9 =	vgt.s32 v2, v25;
	v4 =	vsel vm1, v4, v26;
	vm10 =	vgt.s32 v1, v23  }
0x281: {  	vm11 =	vgt.s32 v3, v24;
	v2 =	vsel vm9, v2, v25;
	vm13 =	vgt.s32 v4, v30  }
0x282: {  	v1 =	vsel vm10, v1, v23;
	vm12 =	vgt.s32 v2, v29;
	v4 =	vsel vm13, v4, v30  }
0x283: {  	v3 =	vsel vm11, v3, v24;
	v2 =	vsel vm12, v2, v29;
	vm4 =	vgt.s32 v4, v32  }
0x284: {  	vm15 =	vgt.s32 v1, v27;
	vm14 =	vgt.s32 v2, v31;
	v4 =	vsel vm4, v4, v32  }
0x285: {  	vm5 =	vgt.s32 v3, v28;
	v1 =	vsel vm15, v1, v27;
	v2 =	vsel vm14, v2, v31;
	[tilespmem:s11+$0xFFFFFFB0] =	vst v4  }
0x286: {  	v1 =	vand.u32 $0xFFFF0000, v1;
	[tilespmem:s11+$0xFFFFFF30] =	vst v2;
	v2 =	vsel vm5, v3, v28  }
0x287: {  	[tilespmem:s11+$0xFFFFFF70] =	vst v1;
	v1 =	vand.u32 $0xFFFF0000, v2  }
0x288: {  	[tilespmem:s11+$0xFFFFFFF0] =	vst v1  }
0x289: {  	v1 =	vld [tilespmem:s12+$0xB610]  }
0x28a: {  	v2 =	vld [tilespmem:s12+$0xB650]  }
0x28b: {  	v3 =	vld [tilespmem:s12+$0xB890]  }
0x28c: {  	v4 =	vld [tilespmem:s12+$0xB8D0]  }
0x28d: {  	v33 =	vld [tilespmem:s12+$0xB690]  }
0x28e: {  	v34 =	vld [tilespmem:s12+$0xB910]  }
0x28f: {  	v38 =	vld [tilespmem:s12+$0xB6D0]  }
0x290: {  	v41 =	vld [tilespmem:s12+$0xB710]  }
0x291: {  	v42 =	vld [tilespmem:s12+$0xB990]  }
0x292: {  	v44 =	vld [tilespmem:s12+$0xB750]  }
0x293: {  	v45 =	vld [tilespmem:s12+$0xB9D0]  }
0x294: {  	v48 =	vld [tilespmem:s12+$0xB790]  }
0x295: {  	v51 =	vld [tilespmem:s12+$0xB7D0]  }
0x296: {  	v53 =	vld [tilespmem:s12+$0xBA50]  }
0x297: {  	v54 =	vld [tilespmem:s12+$0xB810]  }
0x298: {  	v55 =	vld [tilespmem:s12+$0xBA90]  }
0x299: {  	v58 =	vld [tilespmem:s12+$0xB850];
	vm6 =	vgt.s32 v1, v2  }
0x29a: {  	v59 =	vld [tilespmem:s12+$0xBAD0];
	v35 =	vshll.u32 v1, $0x10;
	v36 =	vshll.u32 v3, $0x10;
	vm7 =	vgt.s32 v3, v4  }
0x29b: {  	v37 =	vshll.u32 v4, $0x10;
	v5 =	vshll.u32 v33, $0x10;
	v6 =	vshll.u32 v34, $0x10  }
0x29c: {  	v39 =	vld [tilespmem:s12+$0xB950];
	v43 =	vshll.u32 v38, $0x10;
	v46 =	vshll.u32 v41, $0x10;
	v47 =	vshll.u32 v42, $0x10  }
0x29d: {  	v50 =	vshll.u32 v44, $0x10;
	v52 =	vshll.u32 v45, $0x10;
	v8 =	vshll.u32 v48, $0x10  }
0x29e: {  	v56 =	vshll.u32 v51, $0x10;
	v57 =	vshll.u32 v53, $0x10;
	v60 =	vshll.u32 v54, $0x10  }
0x29f: {  	v61 =	vshll.u32 v55, $0x10;
	v62 =	vshll.u32 v58, $0x10;
	v63 =	vshll.u32 v59, $0x10  }
0x2a0: {  	v1 =	vsel vm6, v1, v2;
	v2 =	vshll.u32 v2, $0x10;
	v3 =	vsel vm7, v3, v4  }
0x2a1: {  	vm9 =	vgt.s32 v36, v37;
	v4 =	vshll.u32 v39, $0x10;
	vm8 =	vgt.s32 v35, v2  }
0x2a2: {  	v49 =	vld [tilespmem:s12+$0xBA10];
	v40 =	vsel vm9, v36, v37;
	vm10 =	vgt.s32 v1, v33;
	vm11 =	vgt.s32 v3, v34  }
0x2a3: {  	v2 =	vsel vm8, v35, v2;
	v1 =	vsel vm10, v1, v33;
	v3 =	vsel vm11, v3, v34  }
0x2a4: {  	vm13 =	vgt.s32 v40, v6;
	vm12 =	vgt.s32 v2, v5;
	vm14 =	vgt.s32 v1, v38  }
0x2a5: {  	v6 =	vsel vm13, v40, v6;
	vm15 =	vgt.s32 v3, v39;
	v2 =	vsel vm12, v2, v5  }
0x2a6: {  	v1 =	vsel vm14, v1, v38;
	v3 =	vsel vm15, v3, v39;
	vm5 =	vgt.s32 v6, v4  }
0x2a7: {  	v5 =	vshll.u32 v49, $0x10;
	vm4 =	vgt.s32 v2, v43;
	vm6 =	vgt.s32 v1, v41  }
0x2a8: {  	v4 =	vsel vm5, v6, v4;
	vm7 =	vgt.s32 v3, v42;
	v2 =	vsel vm4, v2, v43  }
0x2a9: {  	v1 =	vsel vm6, v1, v41;
	v3 =	vsel vm7, v3, v42;
	vm1 =	vgt.s32 v4, v47  }
0x2aa: {  	vm8 =	vgt.s32 v2, v46;
	v4 =	vsel vm1, v4, v47;
	vm9 =	vgt.s32 v1, v44  }
0x2ab: {  	vm10 =	vgt.s32 v3, v45;
	v2 =	vsel vm8, v2, v46;
	v1 =	vsel vm9, v1, v44  }
0x2ac: {  	v3 =	vsel vm10, v3, v45;
	vm12 =	vgt.s32 v4, v52;
	vm11 =	vgt.s32 v2, v50  }
0x2ad: {  	vm13 =	vgt.s32 v1, v48;
	v4 =	vsel vm12, v4, v52;
	vm14 =	vgt.s32 v3, v49  }
0x2ae: {  	v2 =	vsel vm11, v2, v50;
	v1 =	vsel vm13, v1, v48;
	v3 =	vsel vm14, v3, v49  }
0x2af: {  	vm4 =	vgt.s32 v4, v5;
	vm15 =	vgt.s32 v2, v8;
	vm5 =	vgt.s32 v1, v51  }
0x2b0: {  	v4 =	vsel vm4, v4, v5;
	vm6 =	vgt.s32 v3, v53;
	v2 =	vsel vm15, v2, v8  }
0x2b1: {  	v1 =	vsel vm5, v1, v51;
	v3 =	vsel vm6, v3, v53;
	vm1 =	vgt.s32 v4, v57  }
0x2b2: {  	vm7 =	vgt.s32 v2, v56;
	v4 =	vsel vm1, v4, v57;
	vm8 =	vgt.s32 v1, v54  }
0x2b3: {  	vm9 =	vgt.s32 v3, v55;
	v2 =	vsel vm7, v2, v56;
	vm11 =	vgt.s32 v4, v61  }
0x2b4: {  	v1 =	vsel vm8, v1, v54;
	vm10 =	vgt.s32 v2, v60;
	v4 =	vsel vm11, v4, v61  }
0x2b5: {  	p0 =	sne.s32 s8, $0xDC00;
	v3 =	vsel vm9, v3, v55;
	v2 =	vsel vm10, v2, v60;
	vm14 =	vgt.s32 v4, v63  }
.Ltmp3:
0x2b6: {  	vm13 =	vgt.s32 v1, v58;
	vm12 =	vgt.s32 v2, v62;
	v4 =	vsel vm14, v4, v63;
	(pc) =	sbr.rel @p0 .LBB2_9-.Ltmp3, $4  }
0x2b7: {  	vm15 =	vgt.s32 v3, v59;
	v1 =	vsel vm13, v1, v58;
	v2 =	vsel vm12, v2, v62;
	[tilespmem:s11+$0xFFFFFFC0] =	vst v4  }
0x2b8: {  	v1 =	vand.u32 $0xFFFF0000, v1;
	[tilespmem:s11+$0xFFFFFF40] =	vst v2;
	v2 =	vsel vm15, v3, v59  }
0x2b9: {  	[tilespmem:s11+$0xFFFFFF80] =	vst v1;
	v1 =	vand.u32 $0xFFFF0000, v2  }
0x2ba: {  	s8 =	sadd.s32 $0x1400, s8;
	[tilespmem:s11+$0x0] =	vst v1;
	s11 =	sadd.s32 $0x100, s11  }
0x2bb: {  	s21 =	sadd.s32 $0x1, s21  }
0x2bc: {  	p0 =	sne.s32 s21, $0x16  }
.Ltmp4:
0x2bd: {  	_ = 	snop;
	(pc) =	sbr.rel @p0 .LBB2_4-.Ltmp4, $4  }
0x2be: {  	_ = 	snop  }
0x2bf: {  	s8 =	sshll.u32 s22, $0x4  }
0x2c0: {  	s8 =	sadd.s32 s2, s8  }
0x2c1: {  	[hbm4b:s8+s4] =	stream.linear.scatter [tilespmem:s31], [sflag:$0x6], $0xC00, $0x38;
	[tilespmem:$0x115E0] =	vst v63  }
0x2c2: {  	_ =	swait.ge [sflag:s1], $0xC00  }
0x2c3: {  	[sflag:s1] =	ssyncset.done $0x0  }
0x2c4: {  	[sflag:s1] =	ssyncadd.s32 $0xFFFFF400  }
0x2c5: {  	_ =	swait.ge [sflag:s0], $0xC00  }
0x2c6: {  	[sflag:s0] =	ssyncset.done $0x0  }
0x2c7: {  	[sflag:s0] =	ssyncadd.s32 $0xFFFFF400  }
0x2c8: {  	_ =	swait.ge [sflag:s19], $0xC00  }
0x2c9: {  	s20 =	sadd.s32 $0x1, s20;
	s8 =	rddreg [dreg:$0x7]  }
0x2ca: {  	p0 =	sne.s32 s20, s8  }
.Ltmp5:
0x2cb: {  	_ = 	snop;
	(pc) =	sbr.rel @p0 .LBB2_1-.Ltmp5, $3  }
0x2cc: {  	_ =	sdelay $0x1  }
0x2cd: {  	[sflag:s19] =	ssyncset.done $0x0  }
0x2ce: {  	[sflag:s19] =	ssyncadd.s32 $0xFFFFF400  }
0x2cf: {  	_ =	sfence.sel $0x180000  }
0x2d0: {  	[bflag:$0x0] =	sbarrier.arrive $0xFFFF  }
0x2d1: {  	_ =	strace $0x90000047  }
0x2d2: {  	s0 =	stileid.u32;
	[bflag:$0x2] =	sbarrier.arrive $0xFFFF  }
0x2d3: {  	p0 =	sne.s32 s0, $0x0;
	s0 =	rddreg [dreg:$0x3]  }
0x2d4: {  	s0 =	sadd.s32 @!p0 $0x100000, s0  }
0x2d5: {  	[sflag:s0] =	ssyncadd.tile.s32 @!p0 $0x1;
	_ =	shalt  }
.Lfunc_end2:
_tile_overlayer_lowered:
.L_overlay_start_2:
0x2d6: {  	(tag) =	ssettag $0x2  }
0x2d7: {  	s0 =	rddreg [dreg:$0x0];
	s2 =	stileid.u32  }
0x2d8: {  	s1 =	rddreg [dreg:$0x1];
	p0 =	sne.s32 s2, $0x0  }
0x2d9: {  	s3 =	rddreg [dreg:$0x2];
	[bflag:$0x3] =	sbarrier.arrive $0xFFFF;
	s2 =	simm.s32 @!p0 $0x1C07  }
0x2da: {  	[timem:s3], [sflag:s2] =	dma.local @!p0 [hbm:s0], s1  }
0x2db: {  	s0 =	simm.s32 @!p0 $0x7  }
0x2dc: {  	_ =	swait.ge @!p0 [sflag:s0], s1  }
0x2dd: {  	s1 =	ssub.s32 @!p0 $0x0, s1;
	[sflag:s0] =	ssyncset.done @!p0 $0x0  }
0x2de: {  	[sflag:s0] =	ssyncadd.s32 @!p0 s1  }
0x2df: {  	[bflag:$0x3] =	sbarrier.arrive $0xFFFF  }
0x2e0: {  	_ =	shalt  }

</sc_bundles>
